<compile_context>
chip_gen: v7x
topology: tpu7x:2x2x1
jax: 0.10.2.dev20260603
libtpu: 0.0.44.dev20260713+nightly
codegen_flags: <defaults>
</compile_context>

<pallas_src>
import functools

import jax
import jax.numpy as jnp
from jax import lax
from jax.experimental import pallas as pl
from jax.experimental.pallas import tpu as pltpu
from jax.experimental.pallas import tpu_sc as plsc

D = 64
C = 128
NW = 32
NBUF = 2


def _make_kernel(n):
    per_w = n // NW
    n_chunks = per_w // C
    mesh = plsc.VectorSubcoreMesh(core_axis_name="c", subcore_axis_name="s")

    @functools.partial(
        pl.kernel,
        mesh=mesh,
        out_type=jax.ShapeDtypeStruct((n, D), jnp.float32),
        compiler_params=pltpu.CompilerParams(use_tc_tiling_on_sc=False),
        scratch_types=[
            pltpu.VMEM((n_chunks, C), jnp.int32),
            pltpu.VMEM((n_chunks, C), jnp.int32),
            pltpu.VMEM((n_chunks, C), jnp.int32),
            [pltpu.VMEM((C, D), jnp.float32)] * NBUF,
            [pltpu.VMEM((C, D), jnp.float32)] * NBUF,
            [pltpu.VMEM((C, D), jnp.float32)] * NBUF,
            [pltpu.VMEM((C, D), jnp.float32)] * NBUF,
            [pltpu.SemaphoreType.DMA] * NBUF,
            [pltpu.SemaphoreType.DMA] * NBUF,
        ],
    )
    def k(h_idx_hbm, r_idx_hbm, t_idx_hbm, ent_hbm, rel_hbm, out_hbm,
          hi_v, ri_v, ti_v, h_bufs, r_bufs, t_bufs, o_bufs, g_sems, o_sems):
        wid = lax.axis_index("s") * 2 + lax.axis_index("c")
        base_w = wid * per_w

        pltpu.sync_copy(h_idx_hbm.at[wid], hi_v)
        pltpu.sync_copy(r_idx_hbm.at[wid], ri_v)
        pltpu.sync_copy(t_idx_hbm.at[wid], ti_v)

        def issue_gathers(c, b):
            pltpu.async_copy(ent_hbm.at[hi_v.at[c]], h_bufs[b], g_sems[b])
            pltpu.async_copy(rel_hbm.at[ri_v.at[c]], r_bufs[b], g_sems[b])
            pltpu.async_copy(ent_hbm.at[ti_v.at[c]], t_bufs[b], g_sems[b])

        def wait_gathers(b):
            pltpu.make_async_copy(ent_hbm.at[pl.ds(0, C)], h_bufs[b], g_sems[b]).wait()
            pltpu.make_async_copy(ent_hbm.at[pl.ds(0, C)], r_bufs[b], g_sems[b]).wait()
            pltpu.make_async_copy(ent_hbm.at[pl.ds(0, C)], t_bufs[b], g_sems[b]).wait()

        def wait_out(b):
            pltpu.make_async_copy(
                o_bufs[b], out_hbm.at[pl.ds(base_w, C)], o_sems[b]).wait()

        for b in range(NBUF):
            issue_gathers(b, b)

        def step(c, b):
            wait_gathers(b)

            @pl.when(c >= NBUF)
            def _():
                wait_out(b)

            h_v, r_v, t_v, o_v = h_bufs[b], r_bufs[b], t_bufs[b], o_bufs[b]

            def mul_row(i, carry):
                for kk in range(D // 16):
                    sl = pl.ds(kk * 16, 16)
                    o_v[i, sl] = h_v[i, sl] * r_v[i, sl] * t_v[i, sl]
                return carry

            lax.fori_loop(0, C, mul_row, 0, unroll=8)

            @pl.when(c + NBUF < n_chunks)
            def _():
                issue_gathers(c + NBUF, b)

            pltpu.async_copy(o_v, out_hbm.at[pl.ds(base_w + c * C, C)], o_sems[b])

        def outer(i, carry):
            for b in range(NBUF):
                step(i * NBUF + b, b)
            return carry

        lax.fori_loop(0, n_chunks // NBUF, outer, 0)

        for b in range(NBUF):
            wait_out(b)

    return k


def _run_slab(preds, subjs, objs, ent_tbl, rel_emb):
    b, f = preds.shape
    n = b * f
    n_chunks = n // NW // C
    h_flat = subjs.reshape(NW, n_chunks, C)
    r_flat = preds.reshape(NW, n_chunks, C)
    t_flat = objs.reshape(NW, n_chunks, C)
    out = _make_kernel(n)(h_flat, r_flat, t_flat, ent_tbl, rel_emb)
    return out.reshape(b, f, D)


def kernel(preds, subjs, objs, ent_emb, rel_emb):
    f_half = preds.shape[1] // 2
    slabs = []
    for sl in (slice(0, f_half), slice(f_half, None)):
        slabs.append(_run_slab(preds[:, sl], subjs[:, sl], objs[:, sl],
                               ent_emb, rel_emb))
    return jnp.concatenate(slabs, axis=1)

# --- scband reference (transcript-rebuilt; emitter-appended) ---
"""Pipeline reference for scband-kgeembed-atom-89137751261379 (READ-ONLY COPY).

The authoritative reference and input builder live on the scoring server;
editing this copy changes nothing except your own understanding.
"""

import jax, jax.numpy as jnp
import numpy as np

NUM_ENTITIES = 1000000
NUM_RELATIONS = 1000
EMBED_DIM = 64
B, F = 16384, 26


def setup_inputs(seed: int = 0) -> dict:
    key = jax.random.key(seed)
    k1, k2, k3, k4, k5 = jax.random.split(key, 5)
    preds = jax.random.randint(k1, (B, F), 0, NUM_RELATIONS, dtype=jnp.int64 if jax.config.jax_enable_x64 else jnp.int32).astype(jnp.int32)
    subjs = jax.random.randint(k2, (B, F), 0, NUM_ENTITIES).astype(jnp.int32)
    objs = jax.random.randint(k3, (B, F), 0, NUM_ENTITIES).astype(jnp.int32)
    ent_emb = jax.random.normal(k4, (NUM_ENTITIES, EMBED_DIM), dtype=jnp.float32)
    rel_emb = jax.random.normal(k5, (NUM_RELATIONS, EMBED_DIM), dtype=jnp.float32)
    return {"preds": preds, "subjs": subjs, "objs": objs, "ent_emb": ent_emb, "rel_emb": rel_emb}


def _compose(ent_emb, rel_emb, h_idx, r_idx, t_idx):
    # DistMult-style fused compose: elementwise product of head, relation, tail embeddings
    h = jnp.take(ent_emb, h_idx, axis=0)
    r = jnp.take(rel_emb, r_idx, axis=0)
    t = jnp.take(ent_emb, t_idx, axis=0)
    return h * r * t


def reference(preds, subjs, objs, ent_emb, rel_emb):
    if preds.shape != subjs.shape or preds.shape != objs.shape:
        raise ValueError("AtomRepr expects matching index shapes")
    leading = preds.shape
    r_flat = preds.reshape(-1)
    h_flat = subjs.reshape(-1)
    t_flat = objs.reshape(-1)
    emb = _compose(ent_emb, rel_emb, h_flat, r_flat, t_flat)
    return emb.reshape(*leading, emb.shape[-1])

if __name__ == "__main__":
    import jax
    _d = setup_inputs()
    print(jax.jit(kernel)(*tuple(_d.values())))

</pallas_src>

<mosaic_0001>
#map = affine_map<(d0, d1) -> (0, 0, 0)>
#map1 = affine_map<(d0, d1) -> (0, 0)>
module attributes {stable_mosaic.version = 14 : i64} {
  func.func @k(%arg0: i32, %arg1: i32, %arg2: memref<32x52x128xi32, #tpu.memory_space<hbm>>, %arg3: memref<32x52x128xi32, #tpu.memory_space<hbm>>, %arg4: memref<32x52x128xi32, #tpu.memory_space<hbm>>, %arg5: memref<1000000x64xf32, #tpu.memory_space<hbm>>, %arg6: memref<1000x64xf32, #tpu.memory_space<hbm>>, %arg7: memref<212992x64xf32, #tpu.memory_space<hbm>>, %arg8: memref<52x128xi32, #tpu.memory_space<vmem>>, %arg9: memref<52x128xi32, #tpu.memory_space<vmem>>, %arg10: memref<52x128xi32, #tpu.memory_space<vmem>>, %arg11: memref<128x64xf32, #tpu.memory_space<vmem>>, %arg12: memref<128x64xf32, #tpu.memory_space<vmem>>, %arg13: memref<128x64xf32, #tpu.memory_space<vmem>>, %arg14: memref<128x64xf32, #tpu.memory_space<vmem>>, %arg15: memref<128x64xf32, #tpu.memory_space<vmem>>, %arg16: memref<128x64xf32, #tpu.memory_space<vmem>>, %arg17: memref<128x64xf32, #tpu.memory_space<vmem>>, %arg18: memref<128x64xf32, #tpu.memory_space<vmem>>, %arg19: memref<!tpu.dma_semaphore, #tpu.memory_space<semaphore_mem>>, %arg20: memref<!tpu.dma_semaphore, #tpu.memory_space<semaphore_mem>>, %arg21: memref<!tpu.dma_semaphore, #tpu.memory_space<semaphore_mem>>, %arg22: memref<!tpu.dma_semaphore, #tpu.memory_space<semaphore_mem>>) attributes {dimension_semantics = [#tpu.dimension_semantics<core_parallel>, #tpu.dimension_semantics<subcore_parallel>], iteration_bounds = array<i64: 2, 16>, scalar_prefetch = 0 : i64, scratch_operands = 15 : i64, tpu.core_type = #tpu.core_type<sc_vector_subcore>, window_params = [{transform_indices = #map}, {transform_indices = #map}, {transform_indices = #map}, {transform_indices = #map1}, {transform_indices = #map1}, {transform_indices = #map1}]} {
    %mul3A = arith.constant 2 : i32
    %mul3A_0 = arith.muli %arg1, %mul3A : i32
    %add3A = arith.addi %mul3A_0, %arg0 : i32
    %mul3A_1 = arith.constant 6656 : i32
    %mul3A_2 = arith.muli %add3A, %mul3A_1 : i32
    "tpu.region"() ({
      %run_scoped3A = tpu.sem_alloc : memref<!tpu.dma_semaphore, #tpu.memory_space<semaphore_mem>>
      %dma_start3A_56 = arith.constant 0 : i32
      %dma_start3A_57 = arith.constant 0 : i32
      %dma_start3A_58 = tpu.memref_slice %arg2[%add3A, %dma_start3A_56, %dma_start3A_57] : memref<32x52x128xi32, #tpu.memory_space<hbm>> -> memref<1x52x128xi32, #tpu.memory_space<hbm>>
      %dma_start3A_59 = tpu.memref_squeeze %dma_start3A_58 : memref<1x52x128xi32, #tpu.memory_space<hbm>> -> memref<52x128xi32, #tpu.memory_space<hbm>>
      %dma_start3A_60 = arith.constant 0 : i32
      %dma_start3A_61 = arith.constant 0 : i32
      %dma_start3A_62 = tpu.memref_slice %arg2[%add3A, %dma_start3A_60, %dma_start3A_61] : memref<32x52x128xi32, #tpu.memory_space<hbm>> -> memref<1x52x128xi32, #tpu.memory_space<hbm>>
      %dma_start3A_63 = tpu.memref_squeeze %dma_start3A_62 : memref<1x52x128xi32, #tpu.memory_space<hbm>> -> memref<52x128xi32, #tpu.memory_space<hbm>>
      tpu.enqueue_dma source(%dma_start3A_63 : memref<52x128xi32, #tpu.memory_space<hbm>>) target(%arg8 : memref<52x128xi32, #tpu.memory_space<vmem>>) target_semaphore(%run_scoped3A : memref<!tpu.dma_semaphore, #tpu.memory_space<semaphore_mem>>)
      %dma_wait3A_64 = arith.constant 0 : i32
      %dma_wait3A_65 = arith.constant 0 : i32
      %dma_wait3A_66 = tpu.memref_slice %arg2[%add3A, %dma_wait3A_64, %dma_wait3A_65] : memref<32x52x128xi32, #tpu.memory_space<hbm>> -> memref<1x52x128xi32, #tpu.memory_space<hbm>>
      %dma_wait3A_67 = tpu.memref_squeeze %dma_wait3A_66 : memref<1x52x128xi32, #tpu.memory_space<hbm>> -> memref<52x128xi32, #tpu.memory_space<hbm>>
      %dma_wait3A_68 = arith.constant 0 : i32
      %dma_wait3A_69 = arith.constant 0 : i32
      %dma_wait3A_70 = tpu.memref_slice %arg2[%add3A, %dma_wait3A_68, %dma_wait3A_69] : memref<32x52x128xi32, #tpu.memory_space<hbm>> -> memref<1x52x128xi32, #tpu.memory_space<hbm>>
      %dma_wait3A_71 = tpu.memref_squeeze %dma_wait3A_70 : memref<1x52x128xi32, #tpu.memory_space<hbm>> -> memref<52x128xi32, #tpu.memory_space<hbm>>
      tpu.wait_dma2 semaphore(%run_scoped3A : memref<!tpu.dma_semaphore, #tpu.memory_space<semaphore_mem>>) src(%dma_wait3A_71 : memref<52x128xi32, #tpu.memory_space<hbm>>) dst(%arg8 : memref<52x128xi32, #tpu.memory_space<vmem>>)
      tpu.yield
    }) : () -> ()
    "tpu.region"() ({
      %run_scoped3A = tpu.sem_alloc : memref<!tpu.dma_semaphore, #tpu.memory_space<semaphore_mem>>
      %dma_start3A_56 = arith.constant 0 : i32
      %dma_start3A_57 = arith.constant 0 : i32
      %dma_start3A_58 = tpu.memref_slice %arg3[%add3A, %dma_start3A_56, %dma_start3A_57] : memref<32x52x128xi32, #tpu.memory_space<hbm>> -> memref<1x52x128xi32, #tpu.memory_space<hbm>>
      %dma_start3A_59 = tpu.memref_squeeze %dma_start3A_58 : memref<1x52x128xi32, #tpu.memory_space<hbm>> -> memref<52x128xi32, #tpu.memory_space<hbm>>
      %dma_start3A_60 = arith.constant 0 : i32
      %dma_start3A_61 = arith.constant 0 : i32
      %dma_start3A_62 = tpu.memref_slice %arg3[%add3A, %dma_start3A_60, %dma_start3A_61] : memref<32x52x128xi32, #tpu.memory_space<hbm>> -> memref<1x52x128xi32, #tpu.memory_space<hbm>>
      %dma_start3A_63 = tpu.memref_squeeze %dma_start3A_62 : memref<1x52x128xi32, #tpu.memory_space<hbm>> -> memref<52x128xi32, #tpu.memory_space<hbm>>
      tpu.enqueue_dma source(%dma_start3A_63 : memref<52x128xi32, #tpu.memory_space<hbm>>) target(%arg9 : memref<52x128xi32, #tpu.memory_space<vmem>>) target_semaphore(%run_scoped3A : memref<!tpu.dma_semaphore, #tpu.memory_space<semaphore_mem>>)
      %dma_wait3A_64 = arith.constant 0 : i32
      %dma_wait3A_65 = arith.constant 0 : i32
      %dma_wait3A_66 = tpu.memref_slice %arg3[%add3A, %dma_wait3A_64, %dma_wait3A_65] : memref<32x52x128xi32, #tpu.memory_space<hbm>> -> memref<1x52x128xi32, #tpu.memory_space<hbm>>
      %dma_wait3A_67 = tpu.memref_squeeze %dma_wait3A_66 : memref<1x52x128xi32, #tpu.memory_space<hbm>> -> memref<52x128xi32, #tpu.memory_space<hbm>>
      %dma_wait3A_68 = arith.constant 0 : i32
      %dma_wait3A_69 = arith.constant 0 : i32
      %dma_wait3A_70 = tpu.memref_slice %arg3[%add3A, %dma_wait3A_68, %dma_wait3A_69] : memref<32x52x128xi32, #tpu.memory_space<hbm>> -> memref<1x52x128xi32, #tpu.memory_space<hbm>>
      %dma_wait3A_71 = tpu.memref_squeeze %dma_wait3A_70 : memref<1x52x128xi32, #tpu.memory_space<hbm>> -> memref<52x128xi32, #tpu.memory_space<hbm>>
      tpu.wait_dma2 semaphore(%run_scoped3A : memref<!tpu.dma_semaphore, #tpu.memory_space<semaphore_mem>>) src(%dma_wait3A_71 : memref<52x128xi32, #tpu.memory_space<hbm>>) dst(%arg9 : memref<52x128xi32, #tpu.memory_space<vmem>>)
      tpu.yield
    }) : () -> ()
    "tpu.region"() ({
      %run_scoped3A = tpu.sem_alloc : memref<!tpu.dma_semaphore, #tpu.memory_space<semaphore_mem>>
      %dma_start3A_56 = arith.constant 0 : i32
      %dma_start3A_57 = arith.constant 0 : i32
      %dma_start3A_58 = tpu.memref_slice %arg4[%add3A, %dma_start3A_56, %dma_start3A_57] : memref<32x52x128xi32, #tpu.memory_space<hbm>> -> memref<1x52x128xi32, #tpu.memory_space<hbm>>
      %dma_start3A_59 = tpu.memref_squeeze %dma_start3A_58 : memref<1x52x128xi32, #tpu.memory_space<hbm>> -> memref<52x128xi32, #tpu.memory_space<hbm>>
      %dma_start3A_60 = arith.constant 0 : i32
      %dma_start3A_61 = arith.constant 0 : i32
      %dma_start3A_62 = tpu.memref_slice %arg4[%add3A, %dma_start3A_60, %dma_start3A_61] : memref<32x52x128xi32, #tpu.memory_space<hbm>> -> memref<1x52x128xi32, #tpu.memory_space<hbm>>
      %dma_start3A_63 = tpu.memref_squeeze %dma_start3A_62 : memref<1x52x128xi32, #tpu.memory_space<hbm>> -> memref<52x128xi32, #tpu.memory_space<hbm>>
      tpu.enqueue_dma source(%dma_start3A_63 : memref<52x128xi32, #tpu.memory_space<hbm>>) target(%arg10 : memref<52x128xi32, #tpu.memory_space<vmem>>) target_semaphore(%run_scoped3A : memref<!tpu.dma_semaphore, #tpu.memory_space<semaphore_mem>>)
      %dma_wait3A_64 = arith.constant 0 : i32
      %dma_wait3A_65 = arith.constant 0 : i32
      %dma_wait3A_66 = tpu.memref_slice %arg4[%add3A, %dma_wait3A_64, %dma_wait3A_65] : memref<32x52x128xi32, #tpu.memory_space<hbm>> -> memref<1x52x128xi32, #tpu.memory_space<hbm>>
      %dma_wait3A_67 = tpu.memref_squeeze %dma_wait3A_66 : memref<1x52x128xi32, #tpu.memory_space<hbm>> -> memref<52x128xi32, #tpu.memory_space<hbm>>
      %dma_wait3A_68 = arith.constant 0 : i32
      %dma_wait3A_69 = arith.constant 0 : i32
      %dma_wait3A_70 = tpu.memref_slice %arg4[%add3A, %dma_wait3A_68, %dma_wait3A_69] : memref<32x52x128xi32, #tpu.memory_space<hbm>> -> memref<1x52x128xi32, #tpu.memory_space<hbm>>
      %dma_wait3A_71 = tpu.memref_squeeze %dma_wait3A_70 : memref<1x52x128xi32, #tpu.memory_space<hbm>> -> memref<52x128xi32, #tpu.memory_space<hbm>>
      tpu.wait_dma2 semaphore(%run_scoped3A : memref<!tpu.dma_semaphore, #tpu.memory_space<semaphore_mem>>) src(%dma_wait3A_71 : memref<52x128xi32, #tpu.memory_space<hbm>>) dst(%arg10 : memref<52x128xi32, #tpu.memory_space<vmem>>)
      tpu.yield
    }) : () -> ()
    %dma_start3A = arith.constant 0 : i32
    %dma_start3A_3 = arith.constant 0 : i32
    %dma_start3A_4 = tpu.memref_slice %arg8[%dma_start3A, %dma_start3A_3] : memref<52x128xi32, #tpu.memory_space<vmem>> -> memref<1x128xi32, #tpu.memory_space<vmem>>
    %dma_start3A_5 = tpu.memref_squeeze %dma_start3A_4 : memref<1x128xi32, #tpu.memory_space<vmem>> -> memref<128xi32, #tpu.memory_space<vmem>>
    %dma_start3A_6 = arith.constant 0 : i32
    %dma_start3A_7 = arith.constant 0 : i32
    %dma_start3A_8 = tpu.memref_slice %arg5[%dma_start3A_6, %dma_start3A_7] : memref<1000000x64xf32, #tpu.memory_space<hbm>> -> memref<1000000x64xf32, #tpu.memory_space<hbm>>
    tpu.enqueue_indirect_dma source(%dma_start3A_8 : memref<1000000x64xf32, #tpu.memory_space<hbm>>) target(%arg11 : memref<128x64xf32, #tpu.memory_space<vmem>>) offsets(%dma_start3A_5 : memref<128xi32, #tpu.memory_space<vmem>>) semaphore(%arg19 : memref<!tpu.dma_semaphore, #tpu.memory_space<semaphore_mem>>)
    %dma_start3A_9 = arith.constant 0 : i32
    %dma_start3A_10 = arith.constant 0 : i32
    %dma_start3A_11 = tpu.memref_slice %arg9[%dma_start3A_9, %dma_start3A_10] : memref<52x128xi32, #tpu.memory_space<vmem>> -> memref<1x128xi32, #tpu.memory_space<vmem>>
    %dma_start3A_12 = tpu.memref_squeeze %dma_start3A_11 : memref<1x128xi32, #tpu.memory_space<vmem>> -> memref<128xi32, #tpu.memory_space<vmem>>
    %dma_start3A_13 = arith.constant 0 : i32
    %dma_start3A_14 = arith.constant 0 : i32
    %dma_start3A_15 = tpu.memref_slice %arg6[%dma_start3A_13, %dma_start3A_14] : memref<1000x64xf32, #tpu.memory_space<hbm>> -> memref<1000x64xf32, #tpu.memory_space<hbm>>
    tpu.enqueue_indirect_dma source(%dma_start3A_15 : memref<1000x64xf32, #tpu.memory_space<hbm>>) target(%arg13 : memref<128x64xf32, #tpu.memory_space<vmem>>) offsets(%dma_start3A_12 : memref<128xi32, #tpu.memory_space<vmem>>) semaphore(%arg19 : memref<!tpu.dma_semaphore, #tpu.memory_space<semaphore_mem>>)
    %dma_start3A_16 = arith.constant 0 : i32
    %dma_start3A_17 = arith.constant 0 : i32
    %dma_start3A_18 = tpu.memref_slice %arg10[%dma_start3A_16, %dma_start3A_17] : memref<52x128xi32, #tpu.memory_space<vmem>> -> memref<1x128xi32, #tpu.memory_space<vmem>>
    %dma_start3A_19 = tpu.memref_squeeze %dma_start3A_18 : memref<1x128xi32, #tpu.memory_space<vmem>> -> memref<128xi32, #tpu.memory_space<vmem>>
    %dma_start3A_20 = arith.constant 0 : i32
    %dma_start3A_21 = arith.constant 0 : i32
    %dma_start3A_22 = tpu.memref_slice %arg5[%dma_start3A_20, %dma_start3A_21] : memref<1000000x64xf32, #tpu.memory_space<hbm>> -> memref<1000000x64xf32, #tpu.memory_space<hbm>>
    tpu.enqueue_indirect_dma source(%dma_start3A_22 : memref<1000000x64xf32, #tpu.memory_space<hbm>>) target(%arg15 : memref<128x64xf32, #tpu.memory_space<vmem>>) offsets(%dma_start3A_19 : memref<128xi32, #tpu.memory_space<vmem>>) semaphore(%arg19 : memref<!tpu.dma_semaphore, #tpu.memory_space<semaphore_mem>>)
    %dma_start3A_23 = arith.constant 1 : i32
    %dma_start3A_24 = arith.constant 0 : i32
    %dma_start3A_25 = tpu.memref_slice %arg8[%dma_start3A_23, %dma_start3A_24] : memref<52x128xi32, #tpu.memory_space<vmem>> -> memref<1x128xi32, #tpu.memory_space<vmem>>
    %dma_start3A_26 = tpu.memref_squeeze %dma_start3A_25 : memref<1x128xi32, #tpu.memory_space<vmem>> -> memref<128xi32, #tpu.memory_space<vmem>>
    %dma_start3A_27 = arith.constant 0 : i32
    %dma_start3A_28 = arith.constant 0 : i32
    %dma_start3A_29 = tpu.memref_slice %arg5[%dma_start3A_27, %dma_start3A_28] : memref<1000000x64xf32, #tpu.memory_space<hbm>> -> memref<1000000x64xf32, #tpu.memory_space<hbm>>
    tpu.enqueue_indirect_dma source(%dma_start3A_29 : memref<1000000x64xf32, #tpu.memory_space<hbm>>) target(%arg12 : memref<128x64xf32, #tpu.memory_space<vmem>>) offsets(%dma_start3A_26 : memref<128xi32, #tpu.memory_space<vmem>>) semaphore(%arg20 : memref<!tpu.dma_semaphore, #tpu.memory_space<semaphore_mem>>)
    %dma_start3A_30 = arith.constant 1 : i32
    %dma_start3A_31 = arith.constant 0 : i32
    %dma_start3A_32 = tpu.memref_slice %arg9[%dma_start3A_30, %dma_start3A_31] : memref<52x128xi32, #tpu.memory_space<vmem>> -> memref<1x128xi32, #tpu.memory_space<vmem>>
    %dma_start3A_33 = tpu.memref_squeeze %dma_start3A_32 : memref<1x128xi32, #tpu.memory_space<vmem>> -> memref<128xi32, #tpu.memory_space<vmem>>
    %dma_start3A_34 = arith.constant 0 : i32
    %dma_start3A_35 = arith.constant 0 : i32
    %dma_start3A_36 = tpu.memref_slice %arg6[%dma_start3A_34, %dma_start3A_35] : memref<1000x64xf32, #tpu.memory_space<hbm>> -> memref<1000x64xf32, #tpu.memory_space<hbm>>
    tpu.enqueue_indirect_dma source(%dma_start3A_36 : memref<1000x64xf32, #tpu.memory_space<hbm>>) target(%arg14 : memref<128x64xf32, #tpu.memory_space<vmem>>) offsets(%dma_start3A_33 : memref<128xi32, #tpu.memory_space<vmem>>) semaphore(%arg20 : memref<!tpu.dma_semaphore, #tpu.memory_space<semaphore_mem>>)
    %dma_start3A_37 = arith.constant 1 : i32
    %dma_start3A_38 = arith.constant 0 : i32
    %dma_start3A_39 = tpu.memref_slice %arg10[%dma_start3A_37, %dma_start3A_38] : memref<52x128xi32, #tpu.memory_space<vmem>> -> memref<1x128xi32, #tpu.memory_space<vmem>>
    %dma_start3A_40 = tpu.memref_squeeze %dma_start3A_39 : memref<1x128xi32, #tpu.memory_space<vmem>> -> memref<128xi32, #tpu.memory_space<vmem>>
    %dma_start3A_41 = arith.constant 0 : i32
    %dma_start3A_42 = arith.constant 0 : i32
    %dma_start3A_43 = tpu.memref_slice %arg5[%dma_start3A_41, %dma_start3A_42] : memref<1000000x64xf32, #tpu.memory_space<hbm>> -> memref<1000000x64xf32, #tpu.memory_space<hbm>>
    tpu.enqueue_indirect_dma source(%dma_start3A_43 : memref<1000000x64xf32, #tpu.memory_space<hbm>>) target(%arg16 : memref<128x64xf32, #tpu.memory_space<vmem>>) offsets(%dma_start3A_40 : memref<128xi32, #tpu.memory_space<vmem>>) semaphore(%arg20 : memref<!tpu.dma_semaphore, #tpu.memory_space<semaphore_mem>>)
    %scan3A = arith.constant 0 : i32
    %scan3A_44 = arith.constant 0 : i32
    %scan3A_45 = arith.constant 26 : i32
    %scan3A_46 = arith.addi %scan3A_44, %scan3A_45 : i32
    %scan3A_47 = arith.constant 1 : i32
    scf.for %scan3A_56 = %scan3A_44 to %scan3A_46 step %scan3A_47  : i32 {
      %mul3A_57 = arith.constant 2 : i32
      %mul3A_58 = arith.muli %scan3A_56, %mul3A_57 : i32
      %add3A_59 = arith.constant 0 : i32
      %add3A_60 = arith.addi %mul3A_58, %add3A_59 : i32
      %dma_wait3A_61 = arith.constant 0 : i32
      %dma_wait3A_62 = arith.constant 0 : i32
      %dma_wait3A_63 = tpu.memref_slice %arg5[%dma_wait3A_61, %dma_wait3A_62] : memref<1000000x64xf32, #tpu.memory_space<hbm>> -> memref<128x64xf32, #tpu.memory_space<hbm>>
      %dma_wait3A_64 = arith.constant 0 : i32
      %dma_wait3A_65 = arith.constant 0 : i32
      %dma_wait3A_66 = tpu.memref_slice %arg5[%dma_wait3A_64, %dma_wait3A_65] : memref<1000000x64xf32, #tpu.memory_space<hbm>> -> memref<128x64xf32, #tpu.memory_space<hbm>>
      tpu.wait_dma2 semaphore(%arg19 : memref<!tpu.dma_semaphore, #tpu.memory_space<semaphore_mem>>) src(%dma_wait3A_66 : memref<128x64xf32, #tpu.memory_space<hbm>>) dst(%arg11 : memref<128x64xf32, #tpu.memory_space<vmem>>)
      %dma_wait3A_67 = arith.constant 0 : i32
      %dma_wait3A_68 = arith.constant 0 : i32
      %dma_wait3A_69 = tpu.memref_slice %arg5[%dma_wait3A_67, %dma_wait3A_68] : memref<1000000x64xf32, #tpu.memory_space<hbm>> -> memref<128x64xf32, #tpu.memory_space<hbm>>
      %dma_wait3A_70 = arith.constant 0 : i32
      %dma_wait3A_71 = arith.constant 0 : i32
      %dma_wait3A_72 = tpu.memref_slice %arg5[%dma_wait3A_70, %dma_wait3A_71] : memref<1000000x64xf32, #tpu.memory_space<hbm>> -> memref<128x64xf32, #tpu.memory_space<hbm>>
      tpu.wait_dma2 semaphore(%arg19 : memref<!tpu.dma_semaphore, #tpu.memory_space<semaphore_mem>>) src(%dma_wait3A_72 : memref<128x64xf32, #tpu.memory_space<hbm>>) dst(%arg13 : memref<128x64xf32, #tpu.memory_space<vmem>>)
      %dma_wait3A_73 = arith.constant 0 : i32
      %dma_wait3A_74 = arith.constant 0 : i32
      %dma_wait3A_75 = tpu.memref_slice %arg5[%dma_wait3A_73, %dma_wait3A_74] : memref<1000000x64xf32, #tpu.memory_space<hbm>> -> memref<128x64xf32, #tpu.memory_space<hbm>>
      %dma_wait3A_76 = arith.constant 0 : i32
      %dma_wait3A_77 = arith.constant 0 : i32
      %dma_wait3A_78 = tpu.memref_slice %arg5[%dma_wait3A_76, %dma_wait3A_77] : memref<1000000x64xf32, #tpu.memory_space<hbm>> -> memref<128x64xf32, #tpu.memory_space<hbm>>
      tpu.wait_dma2 semaphore(%arg19 : memref<!tpu.dma_semaphore, #tpu.memory_space<semaphore_mem>>) src(%dma_wait3A_78 : memref<128x64xf32, #tpu.memory_space<hbm>>) dst(%arg15 : memref<128x64xf32, #tpu.memory_space<vmem>>)
      %ge3A = arith.constant 2 : i32
      %ge3A_79 = arith.cmpi sge, %add3A_60, %ge3A : i32
      %convert_element_type3A = arith.extui %ge3A_79 : i1 to i32
      %cond3A = arith.constant 0 : i32
      %cond3A_80 = arith.cmpi ne, %convert_element_type3A, %cond3A : i32
      scf.if %cond3A_80 {
        %dma_wait3A_147 = arith.constant 0 : i32
        %dma_wait3A_148 = tpu.memref_slice %arg7[%mul3A_2, %dma_wait3A_147] : memref<212992x64xf32, #tpu.memory_space<hbm>> -> memref<128x64xf32, #tpu.memory_space<hbm>>
        %dma_wait3A_149 = arith.constant 0 : i32
        %dma_wait3A_150 = tpu.memref_slice %arg7[%mul3A_2, %dma_wait3A_149] : memref<212992x64xf32, #tpu.memory_space<hbm>> -> memref<128x64xf32, #tpu.memory_space<hbm>>
        tpu.wait_dma2 semaphore(%arg21 : memref<!tpu.dma_semaphore, #tpu.memory_space<semaphore_mem>>) src(%arg17 : memref<128x64xf32, #tpu.memory_space<vmem>>) dst(%dma_wait3A_150 : memref<128x64xf32, #tpu.memory_space<hbm>>)
      } else {
      }
      %scan3A_81 = arith.constant 0 : i32
      %scan3A_82 = arith.constant 0 : i32
      %scan3A_83 = arith.constant 128 : i32
      %scan3A_84 = arith.addi %scan3A_82, %scan3A_83 : i32
      %scan3A_85 = arith.constant 8 : i32
      scf.for %scan3A_147 = %scan3A_82 to %scan3A_84 step %scan3A_85  : i32 {
        %get3A = arith.index_cast %scan3A_147 : i32 to index
        %get3A_148 = arith.constant 0 : index
        %get3A_149 = tpu.vector_load %arg11[%get3A, %get3A_148] {strides = array<i32>} : memref<128x64xf32, #tpu.memory_space<vmem>>, vector<1x16xf32>,
        %get3A_150 = vector.shape_cast %get3A_149 : vector<1x16xf32> to vector<16xf32>
        %get3A_151 = arith.index_cast %scan3A_147 : i32 to index
        %get3A_152 = arith.constant 0 : index
        %get3A_153 = tpu.vector_load %arg13[%get3A_151, %get3A_152] {strides = array<i32>} : memref<128x64xf32, #tpu.memory_space<vmem>>, vector<1x16xf32>,
        %get3A_154 = vector.shape_cast %get3A_153 : vector<1x16xf32> to vector<16xf32>
        %mul3A_155 = arith.mulf %get3A_150, %get3A_154 : vector<16xf32>
        %get3A_156 = arith.index_cast %scan3A_147 : i32 to index
        %get3A_157 = arith.constant 0 : index
        %get3A_158 = tpu.vector_load %arg15[%get3A_156, %get3A_157] {strides = array<i32>} : memref<128x64xf32, #tpu.memory_space<vmem>>, vector<1x16xf32>,
        %get3A_159 = vector.shape_cast %get3A_158 : vector<1x16xf32> to vector<16xf32>
        %mul3A_160 = arith.mulf %mul3A_155, %get3A_159 : vector<16xf32>
        %swap3A = arith.index_cast %scan3A_147 : i32 to index
        %swap3A_161 = arith.constant 0 : index
        %swap3A_162 = tpu.vector_load %arg17[%swap3A, %swap3A_161] {strides = array<i32>} : memref<128x64xf32, #tpu.memory_space<vmem>>, vector<1x16xf32>,
        %swap3A_163 = vector.shape_cast %swap3A_162 : vector<1x16xf32> to vector<16xf32>
        %swap3A_164 = vector.shape_cast %mul3A_160 : vector<16xf32> to vector<1x16xf32>
        tpu.vector_store %arg17[%swap3A, %swap3A_161], %swap3A_164 {strides = array<i32>} : memref<128x64xf32, #tpu.memory_space<vmem>>, vector<1x16xf32>,
        %get3A_165 = arith.index_cast %scan3A_147 : i32 to index
        %get3A_166 = arith.constant 16 : index
        %get3A_167 = tpu.vector_load %arg11[%get3A_165, %get3A_166] {strides = array<i32>} : memref<128x64xf32, #tpu.memory_space<vmem>>, vector<1x16xf32>,
        %get3A_168 = vector.shape_cast %get3A_167 : vector<1x16xf32> to vector<16xf32>
        %get3A_169 = arith.index_cast %scan3A_147 : i32 to index
        %get3A_170 = arith.constant 16 : index
        %get3A_171 = tpu.vector_load %arg13[%get3A_169, %get3A_170] {strides = array<i32>} : memref<128x64xf32, #tpu.memory_space<vmem>>, vector<1x16xf32>,
        %get3A_172 = vector.shape_cast %get3A_171 : vector<1x16xf32> to vector<16xf32>
        %mul3A_173 = arith.mulf %get3A_168, %get3A_172 : vector<16xf32>
        %get3A_174 = arith.index_cast %scan3A_147 : i32 to index
        %get3A_175 = arith.constant 16 : index
        %get3A_176 = tpu.vector_load %arg15[%get3A_174, %get3A_175] {strides = array<i32>} : memref<128x64xf32, #tpu.memory_space<vmem>>, vector<1x16xf32>,
        %get3A_177 = vector.shape_cast %get3A_176 : vector<1x16xf32> to vector<16xf32>
        %mul3A_178 = arith.mulf %mul3A_173, %get3A_177 : vector<16xf32>
        %swap3A_179 = arith.index_cast %scan3A_147 : i32 to index
        %swap3A_180 = arith.constant 16 : index
        %swap3A_181 = tpu.vector_load %arg17[%swap3A_179, %swap3A_180] {strides = array<i32>} : memref<128x64xf32, #tpu.memory_space<vmem>>, vector<1x16xf32>,
        %swap3A_182 = vector.shape_cast %swap3A_181 : vector<1x16xf32> to vector<16xf32>
        %swap3A_183 = vector.shape_cast %mul3A_178 : vector<16xf32> to vector<1x16xf32>
        tpu.vector_store %arg17[%swap3A_179, %swap3A_180], %swap3A_183 {strides = array<i32>} : memref<128x64xf32, #tpu.memory_space<vmem>>, vector<1x16xf32>,
        %get3A_184 = arith.index_cast %scan3A_147 : i32 to index
        %get3A_185 = arith.constant 32 : index
        %get3A_186 = tpu.vector_load %arg11[%get3A_184, %get3A_185] {strides = array<i32>} : memref<128x64xf32, #tpu.memory_space<vmem>>, vector<1x16xf32>,
        %get3A_187 = vector.shape_cast %get3A_186 : vector<1x16xf32> to vector<16xf32>
        %get3A_188 = arith.index_cast %scan3A_147 : i32 to index
        %get3A_189 = arith.constant 32 : index
        %get3A_190 = tpu.vector_load %arg13[%get3A_188, %get3A_189] {strides = array<i32>} : memref<128x64xf32, #tpu.memory_space<vmem>>, vector<1x16xf32>,
        %get3A_191 = vector.shape_cast %get3A_190 : vector<1x16xf32> to vector<16xf32>
        %mul3A_192 = arith.mulf %get3A_187, %get3A_191 : vector<16xf32>
        %get3A_193 = arith.index_cast %scan3A_147 : i32 to index
        %get3A_194 = arith.constant 32 : index
        %get3A_195 = tpu.vector_load %arg15[%get3A_193, %get3A_194] {strides = array<i32>} : memref<128x64xf32, #tpu.memory_space<vmem>>, vector<1x16xf32>,
        %get3A_196 = vector.shape_cast %get3A_195 : vector<1x16xf32> to vector<16xf32>
        %mul3A_197 = arith.mulf %mul3A_192, %get3A_196 : vector<16xf32>
        %swap3A_198 = arith.index_cast %scan3A_147 : i32 to index
        %swap3A_199 = arith.constant 32 : index
        %swap3A_200 = tpu.vector_load %arg17[%swap3A_198, %swap3A_199] {strides = array<i32>} : memref<128x64xf32, #tpu.memory_space<vmem>>, vector<1x16xf32>,
        %swap3A_201 = vector.shape_cast %swap3A_200 : vector<1x16xf32> to vector<16xf32>
        %swap3A_202 = vector.shape_cast %mul3A_197 : vector<16xf32> to vector<1x16xf32>
        tpu.vector_store %arg17[%swap3A_198, %swap3A_199], %swap3A_202 {strides = array<i32>} : memref<128x64xf32, #tpu.memory_space<vmem>>, vector<1x16xf32>,
        %get3A_203 = arith.index_cast %scan3A_147 : i32 to index
        %get3A_204 = arith.constant 48 : index
        %get3A_205 = tpu.vector_load %arg11[%get3A_203, %get3A_204] {strides = array<i32>} : memref<128x64xf32, #tpu.memory_space<vmem>>, vector<1x16xf32>,
        %get3A_206 = vector.shape_cast %get3A_205 : vector<1x16xf32> to vector<16xf32>
        %get3A_207 = arith.index_cast %scan3A_147 : i32 to index
        %get3A_208 = arith.constant 48 : index
        %get3A_209 = tpu.vector_load %arg13[%get3A_207, %get3A_208] {strides = array<i32>} : memref<128x64xf32, #tpu.memory_space<vmem>>, vector<1x16xf32>,
        %get3A_210 = vector.shape_cast %get3A_209 : vector<1x16xf32> to vector<16xf32>
        %mul3A_211 = arith.mulf %get3A_206, %get3A_210 : vector<16xf32>
        %get3A_212 = arith.index_cast %scan3A_147 : i32 to index
        %get3A_213 = arith.constant 48 : index
        %get3A_214 = tpu.vector_load %arg15[%get3A_212, %get3A_213] {strides = array<i32>} : memref<128x64xf32, #tpu.memory_space<vmem>>, vector<1x16xf32>,
        %get3A_215 = vector.shape_cast %get3A_214 : vector<1x16xf32> to vector<16xf32>
        %mul3A_216 = arith.mulf %mul3A_211, %get3A_215 : vector<16xf32>
        %swap3A_217 = arith.index_cast %scan3A_147 : i32 to index
        %swap3A_218 = arith.constant 48 : index
        %swap3A_219 = tpu.vector_load %arg17[%swap3A_217, %swap3A_218] {strides = array<i32>} : memref<128x64xf32, #tpu.memory_space<vmem>>, vector<1x16xf32>,
        %swap3A_220 = vector.shape_cast %swap3A_219 : vector<1x16xf32> to vector<16xf32>
        %swap3A_221 = vector.shape_cast %mul3A_216 : vector<16xf32> to vector<1x16xf32>
        tpu.vector_store %arg17[%swap3A_217, %swap3A_218], %swap3A_221 {strides = array<i32>} : memref<128x64xf32, #tpu.memory_space<vmem>>, vector<1x16xf32>,
        %scan3A_222 = arith.constant 1 : i32
        %scan3A_223 = arith.addi %scan3A_147, %scan3A_222 : i32
        %get3A_224 = arith.index_cast %scan3A_223 : i32 to index
        %get3A_225 = arith.constant 0 : index
        %get3A_226 = tpu.vector_load %arg11[%get3A_224, %get3A_225] {strides = array<i32>} : memref<128x64xf32, #tpu.memory_space<vmem>>, vector<1x16xf32>,
        %get3A_227 = vector.shape_cast %get3A_226 : vector<1x16xf32> to vector<16xf32>
        %get3A_228 = arith.index_cast %scan3A_223 : i32 to index
        %get3A_229 = arith.constant 0 : index
        %get3A_230 = tpu.vector_load %arg13[%get3A_228, %get3A_229] {strides = array<i32>} : memref<128x64xf32, #tpu.memory_space<vmem>>, vector<1x16xf32>,
        %get3A_231 = vector.shape_cast %get3A_230 : vector<1x16xf32> to vector<16xf32>
        %mul3A_232 = arith.mulf %get3A_227, %get3A_231 : vector<16xf32>
        %get3A_233 = arith.index_cast %scan3A_223 : i32 to index
        %get3A_234 = arith.constant 0 : index
        %get3A_235 = tpu.vector_load %arg15[%get3A_233, %get3A_234] {strides = array<i32>} : memref<128x64xf32, #tpu.memory_space<vmem>>, vector<1x16xf32>,
        %get3A_236 = vector.shape_cast %get3A_235 : vector<1x16xf32> to vector<16xf32>
        %mul3A_237 = arith.mulf %mul3A_232, %get3A_236 : vector<16xf32>
        %swap3A_238 = arith.index_cast %scan3A_223 : i32 to index
        %swap3A_239 = arith.constant 0 : index
        %swap3A_240 = tpu.vector_load %arg17[%swap3A_238, %swap3A_239] {strides = array<i32>} : memref<128x64xf32, #tpu.memory_space<vmem>>, vector<1x16xf32>,
        %swap3A_241 = vector.shape_cast %swap3A_240 : vector<1x16xf32> to vector<16xf32>
        %swap3A_242 = vector.shape_cast %mul3A_237 : vector<16xf32> to vector<1x16xf32>
        tpu.vector_store %arg17[%swap3A_238, %swap3A_239], %swap3A_242 {strides = array<i32>} : memref<128x64xf32, #tpu.memory_space<vmem>>, vector<1x16xf32>,
        %get3A_243 = arith.index_cast %scan3A_223 : i32 to index
        %get3A_244 = arith.constant 16 : index
        %get3A_245 = tpu.vector_load %arg11[%get3A_243, %get3A_244] {strides = array<i32>} : memref<128x64xf32, #tpu.memory_space<vmem>>, vector<1x16xf32>,
        %get3A_246 = vector.shape_cast %get3A_245 : vector<1x16xf32> to vector<16xf32>
        %get3A_247 = arith.index_cast %scan3A_223 : i32 to index
        %get3A_248 = arith.constant 16 : index
        %get3A_249 = tpu.vector_load %arg13[%get3A_247, %get3A_248] {strides = array<i32>} : memref<128x64xf32, #tpu.memory_space<vmem>>, vector<1x16xf32>,
        %get3A_250 = vector.shape_cast %get3A_249 : vector<1x16xf32> to vector<16xf32>
        %mul3A_251 = arith.mulf %get3A_246, %get3A_250 : vector<16xf32>
        %get3A_252 = arith.index_cast %scan3A_223 : i32 to index
        %get3A_253 = arith.constant 16 : index
        %get3A_254 = tpu.vector_load %arg15[%get3A_252, %get3A_253] {strides = array<i32>} : memref<128x64xf32, #tpu.memory_space<vmem>>, vector<1x16xf32>,
        %get3A_255 = vector.shape_cast %get3A_254 : vector<1x16xf32> to vector<16xf32>
        %mul3A_256 = arith.mulf %mul3A_251, %get3A_255 : vector<16xf32>
        %swap3A_257 = arith.index_cast %scan3A_223 : i32 to index
        %swap3A_258 = arith.constant 16 : index
        %swap3A_259 = tpu.vector_load %arg17[%swap3A_257, %swap3A_258] {strides = array<i32>} : memref<128x64xf32, #tpu.memory_space<vmem>>, vector<1x16xf32>,
        %swap3A_260 = vector.shape_cast %swap3A_259 : vector<1x16xf32> to vector<16xf32>
        %swap3A_261 = vector.shape_cast %mul3A_256 : vector<16xf32> to vector<1x16xf32>
        tpu.vector_store %arg17[%swap3A_257, %swap3A_258], %swap3A_261 {strides = array<i32>} : memref<128x64xf32, #tpu.memory_space<vmem>>, vector<1x16xf32>,
        %get3A_262 = arith.index_cast %scan3A_223 : i32 to index
        %get3A_263 = arith.constant 32 : index
        %get3A_264 = tpu.vector_load %arg11[%get3A_262, %get3A_263] {strides = array<i32>} : memref<128x64xf32, #tpu.memory_space<vmem>>, vector<1x16xf32>,
        %get3A_265 = vector.shape_cast %get3A_264 : vector<1x16xf32> to vector<16xf32>
        %get3A_266 = arith.index_cast %scan3A_223 : i32 to index
        %get3A_267 = arith.constant 32 : index
        %get3A_268 = tpu.vector_load %arg13[%get3A_266, %get3A_267] {strides = array<i32>} : memref<128x64xf32, #tpu.memory_space<vmem>>, vector<1x16xf32>,
        %get3A_269 = vector.shape_cast %get3A_268 : vector<1x16xf32> to vector<16xf32>
        %mul3A_270 = arith.mulf %get3A_265, %get3A_269 : vector<16xf32>
        %get3A_271 = arith.index_cast %scan3A_223 : i32 to index
        %get3A_272 = arith.constant 32 : index
        %get3A_273 = tpu.vector_load %arg15[%get3A_271, %get3A_272] {strides = array<i32>} : memref<128x64xf32, #tpu.memory_space<vmem>>, vector<1x16xf32>,
        %get3A_274 = vector.shape_cast %get3A_273 : vector<1x16xf32> to vector<16xf32>
        %mul3A_275 = arith.mulf %mul3A_270, %get3A_274 : vector<16xf32>
        %swap3A_276 = arith.index_cast %scan3A_223 : i32 to index
        %swap3A_277 = arith.constant 32 : index
        %swap3A_278 = tpu.vector_load %arg17[%swap3A_276, %swap3A_277] {strides = array<i32>} : memref<128x64xf32, #tpu.memory_space<vmem>>, vector<1x16xf32>,
        %swap3A_279 = vector.shape_cast %swap3A_278 : vector<1x16xf32> to vector<16xf32>
        %swap3A_280 = vector.shape_cast %mul3A_275 : vector<16xf32> to vector<1x16xf32>
        tpu.vector_store %arg17[%swap3A_276, %swap3A_277], %swap3A_280 {strides = array<i32>} : memref<128x64xf32, #tpu.memory_space<vmem>>, vector<1x16xf32>,
        %get3A_281 = arith.index_cast %scan3A_223 : i32 to index
        %get3A_282 = arith.constant 48 : index
        %get3A_283 = tpu.vector_load %arg11[%get3A_281, %get3A_282] {strides = array<i32>} : memref<128x64xf32, #tpu.memory_space<vmem>>, vector<1x16xf32>,
        %get3A_284 = vector.shape_cast %get3A_283 : vector<1x16xf32> to vector<16xf32>
        %get3A_285 = arith.index_cast %scan3A_223 : i32 to index
        %get3A_286 = arith.constant 48 : index
        %get3A_287 = tpu.vector_load %arg13[%get3A_285, %get3A_286] {strides = array<i32>} : memref<128x64xf32, #tpu.memory_space<vmem>>, vector<1x16xf32>,
        %get3A_288 = vector.shape_cast %get3A_287 : vector<1x16xf32> to vector<16xf32>
        %mul3A_289 = arith.mulf %get3A_284, %get3A_288 : vector<16xf32>
        %get3A_290 = arith.index_cast %scan3A_223 : i32 to index
        %get3A_291 = arith.constant 48 : index
        %get3A_292 = tpu.vector_load %arg15[%get3A_290, %get3A_291] {strides = array<i32>} : memref<128x64xf32, #tpu.memory_space<vmem>>, vector<1x16xf32>,
        %get3A_293 = vector.shape_cast %get3A_292 : vector<1x16xf32> to vector<16xf32>
        %mul3A_294 = arith.mulf %mul3A_289, %get3A_293 : vector<16xf32>
        %swap3A_295 = arith.index_cast %scan3A_223 : i32 to index
        %swap3A_296 = arith.constant 48 : index
        %swap3A_297 = tpu.vector_load %arg17[%swap3A_295, %swap3A_296] {strides = array<i32>} : memref<128x64xf32, #tpu.memory_space<vmem>>, vector<1x16xf32>,
        %swap3A_298 = vector.shape_cast %swap3A_297 : vector<1x16xf32> to vector<16xf32>
        %swap3A_299 = vector.shape_cast %mul3A_294 : vector<16xf32> to vector<1x16xf32>
        tpu.vector_store %arg17[%swap3A_295, %swap3A_296], %swap3A_299 {strides = array<i32>} : memref<128x64xf32, #tpu.memory_space<vmem>>, vector<1x16xf32>,
        %scan3A_300 = arith.constant 2 : i32
        %scan3A_301 = arith.addi %scan3A_147, %scan3A_300 : i32
        %get3A_302 = arith.index_cast %scan3A_301 : i32 to index
        %get3A_303 = arith.constant 0 : index
        %get3A_304 = tpu.vector_load %arg11[%get3A_302, %get3A_303] {strides = array<i32>} : memref<128x64xf32, #tpu.memory_space<vmem>>, vector<1x16xf32>,
        %get3A_305 = vector.shape_cast %get3A_304 : vector<1x16xf32> to vector<16xf32>
        %get3A_306 = arith.index_cast %scan3A_301 : i32 to index
        %get3A_307 = arith.constant 0 : index
        %get3A_308 = tpu.vector_load %arg13[%get3A_306, %get3A_307] {strides = array<i32>} : memref<128x64xf32, #tpu.memory_space<vmem>>, vector<1x16xf32>,
        %get3A_309 = vector.shape_cast %get3A_308 : vector<1x16xf32> to vector<16xf32>
        %mul3A_310 = arith.mulf %get3A_305, %get3A_309 : vector<16xf32>
        %get3A_311 = arith.index_cast %scan3A_301 : i32 to index
        %get3A_312 = arith.constant 0 : index
        %get3A_313 = tpu.vector_load %arg15[%get3A_311, %get3A_312] {strides = array<i32>} : memref<128x64xf32, #tpu.memory_space<vmem>>, vector<1x16xf32>,
        %get3A_314 = vector.shape_cast %get3A_313 : vector<1x16xf32> to vector<16xf32>
        %mul3A_315 = arith.mulf %mul3A_310, %get3A_314 : vector<16xf32>
        %swap3A_316 = arith.index_cast %scan3A_301 : i32 to index
        %swap3A_317 = arith.constant 0 : index
        %swap3A_318 = tpu.vector_load %arg17[%swap3A_316, %swap3A_317] {strides = array<i32>} : memref<128x64xf32, #tpu.memory_space<vmem>>, vector<1x16xf32>,
        %swap3A_319 = vector.shape_cast %swap3A_318 : vector<1x16xf32> to vector<16xf32>
        %swap3A_320 = vector.shape_cast %mul3A_315 : vector<16xf32> to vector<1x16xf32>
        tpu.vector_store %arg17[%swap3A_316, %swap3A_317], %swap3A_320 {strides = array<i32>} : memref<128x64xf32, #tpu.memory_space<vmem>>, vector<1x16xf32>,
        %get3A_321 = arith.index_cast %scan3A_301 : i32 to index
        %get3A_322 = arith.constant 16 : index
        %get3A_323 = tpu.vector_load %arg11[%get3A_321, %get3A_322] {strides = array<i32>} : memref<128x64xf32, #tpu.memory_space<vmem>>, vector<1x16xf32>,
        %get3A_324 = vector.shape_cast %get3A_323 : vector<1x16xf32> to vector<16xf32>
        %get3A_325 = arith.index_cast %scan3A_301 : i32 to index
        %get3A_326 = arith.constant 16 : index
        %get3A_327 = tpu.vector_load %arg13[%get3A_325, %get3A_326] {strides = array<i32>} : memref<128x64xf32, #tpu.memory_space<vmem>>, vector<1x16xf32>,
        %get3A_328 = vector.shape_cast %get3A_327 : vector<1x16xf32> to vector<16xf32>
        %mul3A_329 = arith.mulf %get3A_324, %get3A_328 : vector<16xf32>
        %get3A_330 = arith.index_cast %scan3A_301 : i32 to index
        %get3A_331 = arith.constant 16 : index
        %get3A_332 = tpu.vector_load %arg15[%get3A_330, %get3A_331] {strides = array<i32>} : memref<128x64xf32, #tpu.memory_space<vmem>>, vector<1x16xf32>,
        %get3A_333 = vector.shape_cast %get3A_332 : vector<1x16xf32> to vector<16xf32>
        %mul3A_334 = arith.mulf %mul3A_329, %get3A_333 : vector<16xf32>
        %swap3A_335 = arith.index_cast %scan3A_301 : i32 to index
        %swap3A_336 = arith.constant 16 : index
        %swap3A_337 = tpu.vector_load %arg17[%swap3A_335, %swap3A_336] {strides = array<i32>} : memref<128x64xf32, #tpu.memory_space<vmem>>, vector<1x16xf32>,
        %swap3A_338 = vector.shape_cast %swap3A_337 : vector<1x16xf32> to vector<16xf32>
        %swap3A_339 = vector.shape_cast %mul3A_334 : vector<16xf32> to vector<1x16xf32>
        tpu.vector_store %arg17[%swap3A_335, %swap3A_336], %swap3A_339 {strides = array<i32>} : memref<128x64xf32, #tpu.memory_space<vmem>>, vector<1x16xf32>,
        %get3A_340 = arith.index_cast %scan3A_301 : i32 to index
        %get3A_341 = arith.constant 32 : index
        %get3A_342 = tpu.vector_load %arg11[%get3A_340, %get3A_341] {strides = array<i32>} : memref<128x64xf32, #tpu.memory_space<vmem>>, vector<1x16xf32>,
        %get3A_343 = vector.shape_cast %get3A_342 : vector<1x16xf32> to vector<16xf32>
        %get3A_344 = arith.index_cast %scan3A_301 : i32 to index
        %get3A_345 = arith.constant 32 : index
        %get3A_346 = tpu.vector_load %arg13[%get3A_344, %get3A_345] {strides = array<i32>} : memref<128x64xf32, #tpu.memory_space<vmem>>, vector<1x16xf32>,
        %get3A_347 = vector.shape_cast %get3A_346 : vector<1x16xf32> to vector<16xf32>
        %mul3A_348 = arith.mulf %get3A_343, %get3A_347 : vector<16xf32>
        %get3A_349 = arith.index_cast %scan3A_301 : i32 to index
        %get3A_350 = arith.constant 32 : index
        %get3A_351 = tpu.vector_load %arg15[%get3A_349, %get3A_350] {strides = array<i32>} : memref<128x64xf32, #tpu.memory_space<vmem>>, vector<1x16xf32>,
        %get3A_352 = vector.shape_cast %get3A_351 : vector<1x16xf32> to vector<16xf32>
        %mul3A_353 = arith.mulf %mul3A_348, %get3A_352 : vector<16xf32>
        %swap3A_354 = arith.index_cast %scan3A_301 : i32 to index
        %swap3A_355 = arith.constant 32 : index
        %swap3A_356 = tpu.vector_load %arg17[%swap3A_354, %swap3A_355] {strides = array<i32>} : memref<128x64xf32, #tpu.memory_space<vmem>>, vector<1x16xf32>,
        %swap3A_357 = vector.shape_cast %swap3A_356 : vector<1x16xf32> to vector<16xf32>
        %swap3A_358 = vector.shape_cast %mul3A_353 : vector<16xf32> to vector<1x16xf32>
        tpu.vector_store %arg17[%swap3A_354, %swap3A_355], %swap3A_358 {strides = array<i32>} : memref<128x64xf32, #tpu.memory_space<vmem>>, vector<1x16xf32>,
        %get3A_359 = arith.index_cast %scan3A_301 : i32 to index
        %get3A_360 = arith.constant 48 : index
        %get3A_361 = tpu.vector_load %arg11[%get3A_359, %get3A_360] {strides = array<i32>} : memref<128x64xf32, #tpu.memory_space<vmem>>, vector<1x16xf32>,
        %get3A_362 = vector.shape_cast %get3A_361 : vector<1x16xf32> to vector<16xf32>
        %get3A_363 = arith.index_cast %scan3A_301 : i32 to index
        %get3A_364 = arith.constant 48 : index
        %get3A_365 = tpu.vector_load %arg13[%get3A_363, %get3A_364] {strides = array<i32>} : memref<128x64xf32, #tpu.memory_space<vmem>>, vector<1x16xf32>,
        %get3A_366 = vector.shape_cast %get3A_365 : vector<1x16xf32> to vector<16xf32>
        %mul3A_367 = arith.mulf %get3A_362, %get3A_366 : vector<16xf32>
        %get3A_368 = arith.index_cast %scan3A_301 : i32 to index
        %get3A_369 = arith.constant 48 : index
        %get3A_370 = tpu.vector_load %arg15[%get3A_368, %get3A_369] {strides = array<i32>} : memref<128x64xf32, #tpu.memory_space<vmem>>, vector<1x16xf32>,
        %get3A_371 = vector.shape_cast %get3A_370 : vector<1x16xf32> to vector<16xf32>
        %mul3A_372 = arith.mulf %mul3A_367, %get3A_371 : vector<16xf32>
        %swap3A_373 = arith.index_cast %scan3A_301 : i32 to index
        %swap3A_374 = arith.constant 48 : index
        %swap3A_375 = tpu.vector_load %arg17[%swap3A_373, %swap3A_374] {strides = array<i32>} : memref<128x64xf32, #tpu.memory_space<vmem>>, vector<1x16xf32>,
        %swap3A_376 = vector.shape_cast %swap3A_375 : vector<1x16xf32> to vector<16xf32>
        %swap3A_377 = vector.shape_cast %mul3A_372 : vector<16xf32> to vector<1x16xf32>
        tpu.vector_store %arg17[%swap3A_373, %swap3A_374], %swap3A_377 {strides = array<i32>} : memref<128x64xf32, #tpu.memory_space<vmem>>, vector<1x16xf32>,
        %scan3A_378 = arith.constant 3 : i32
        %scan3A_379 = arith.addi %scan3A_147, %scan3A_378 : i32
        %get3A_380 = arith.index_cast %scan3A_379 : i32 to index
        %get3A_381 = arith.constant 0 : index
        %get3A_382 = tpu.vector_load %arg11[%get3A_380, %get3A_381] {strides = array<i32>} : memref<128x64xf32, #tpu.memory_space<vmem>>, vector<1x16xf32>,
        %get3A_383 = vector.shape_cast %get3A_382 : vector<1x16xf32> to vector<16xf32>
        %get3A_384 = arith.index_cast %scan3A_379 : i32 to index
        %get3A_385 = arith.constant 0 : index
        %get3A_386 = tpu.vector_load %arg13[%get3A_384, %get3A_385] {strides = array<i32>} : memref<128x64xf32, #tpu.memory_space<vmem>>, vector<1x16xf32>,
        %get3A_387 = vector.shape_cast %get3A_386 : vector<1x16xf32> to vector<16xf32>
        %mul3A_388 = arith.mulf %get3A_383, %get3A_387 : vector<16xf32>
        %get3A_389 = arith.index_cast %scan3A_379 : i32 to index
        %get3A_390 = arith.constant 0 : index
        %get3A_391 = tpu.vector_load %arg15[%get3A_389, %get3A_390] {strides = array<i32>} : memref<128x64xf32, #tpu.memory_space<vmem>>, vector<1x16xf32>,
        %get3A_392 = vector.shape_cast %get3A_391 : vector<1x16xf32> to vector<16xf32>
        %mul3A_393 = arith.mulf %mul3A_388, %get3A_392 : vector<16xf32>
        %swap3A_394 = arith.index_cast %scan3A_379 : i32 to index
        %swap3A_395 = arith.constant 0 : index
        %swap3A_396 = tpu.vector_load %arg17[%swap3A_394, %swap3A_395] {strides = array<i32>} : memref<128x64xf32, #tpu.memory_space<vmem>>, vector<1x16xf32>,
        %swap3A_397 = vector.shape_cast %swap3A_396 : vector<1x16xf32> to vector<16xf32>
        %swap3A_398 = vector.shape_cast %mul3A_393 : vector<16xf32> to vector<1x16xf32>
        tpu.vector_store %arg17[%swap3A_394, %swap3A_395], %swap3A_398 {strides = array<i32>} : memref<128x64xf32, #tpu.memory_space<vmem>>, vector<1x16xf32>,
        %get3A_399 = arith.index_cast %scan3A_379 : i32 to index
        %get3A_400 = arith.constant 16 : index
        %get3A_401 = tpu.vector_load %arg11[%get3A_399, %get3A_400] {strides = array<i32>} : memref<128x64xf32, #tpu.memory_space<vmem>>, vector<1x16xf32>,
        %get3A_402 = vector.shape_cast %get3A_401 : vector<1x16xf32> to vector<16xf32>
        %get3A_403 = arith.index_cast %scan3A_379 : i32 to index
        %get3A_404 = arith.constant 16 : index
        %get3A_405 = tpu.vector_load %arg13[%get3A_403, %get3A_404] {strides = array<i32>} : memref<128x64xf32, #tpu.memory_space<vmem>>, vector<1x16xf32>,
        %get3A_406 = vector.shape_cast %get3A_405 : vector<1x16xf32> to vector<16xf32>
        %mul3A_407 = arith.mulf %get3A_402, %get3A_406 : vector<16xf32>
        %get3A_408 = arith.index_cast %scan3A_379 : i32 to index
        %get3A_409 = arith.constant 16 : index
        %get3A_410 = tpu.vector_load %arg15[%get3A_408, %get3A_409] {strides = array<i32>} : memref<128x64xf32, #tpu.memory_space<vmem>>, vector<1x16xf32>,
        %get3A_411 = vector.shape_cast %get3A_410 : vector<1x16xf32> to vector<16xf32>
        %mul3A_412 = arith.mulf %mul3A_407, %get3A_411 : vector<16xf32>
        %swap3A_413 = arith.index_cast %scan3A_379 : i32 to index
        %swap3A_414 = arith.constant 16 : index
        %swap3A_415 = tpu.vector_load %arg17[%swap3A_413, %swap3A_414] {strides = array<i32>} : memref<128x64xf32, #tpu.memory_space<vmem>>, vector<1x16xf32>,
        %swap3A_416 = vector.shape_cast %swap3A_415 : vector<1x16xf32> to vector<16xf32>
        %swap3A_417 = vector.shape_cast %mul3A_412 : vector<16xf32> to vector<1x16xf32>
        tpu.vector_store %arg17[%swap3A_413, %swap3A_414], %swap3A_417 {strides = array<i32>} : memref<128x64xf32, #tpu.memory_space<vmem>>, vector<1x16xf32>,
        %get3A_418 = arith.index_cast %scan3A_379 : i32 to index
        %get3A_419 = arith.constant 32 : index
        %get3A_420 = tpu.vector_load %arg11[%get3A_418, %get3A_419] {strides = array<i32>} : memref<128x64xf32, #tpu.memory_space<vmem>>, vector<1x16xf32>,
        %get3A_421 = vector.shape_cast %get3A_420 : vector<1x16xf32> to vector<16xf32>
        %get3A_422 = arith.index_cast %scan3A_379 : i32 to index
        %get3A_423 = arith.constant 32 : index
        %get3A_424 = tpu.vector_load %arg13[%get3A_422, %get3A_423] {strides = array<i32>} : memref<128x64xf32, #tpu.memory_space<vmem>>, vector<1x16xf32>,
        %get3A_425 = vector.shape_cast %get3A_424 : vector<1x16xf32> to vector<16xf32>
        %mul3A_426 = arith.mulf %get3A_421, %get3A_425 : vector<16xf32>
        %get3A_427 = arith.index_cast %scan3A_379 : i32 to index
        %get3A_428 = arith.constant 32 : index
        %get3A_429 = tpu.vector_load %arg15[%get3A_427, %get3A_428] {strides = array<i32>} : memref<128x64xf32, #tpu.memory_space<vmem>>, vector<1x16xf32>,
        %get3A_430 = vector.shape_cast %get3A_429 : vector<1x16xf32> to vector<16xf32>
        %mul3A_431 = arith.mulf %mul3A_426, %get3A_430 : vector<16xf32>
        %swap3A_432 = arith.index_cast %scan3A_379 : i32 to index
        %swap3A_433 = arith.constant 32 : index
        %swap3A_434 = tpu.vector_load %arg17[%swap3A_432, %swap3A_433] {strides = array<i32>} : memref<128x64xf32, #tpu.memory_space<vmem>>, vector<1x16xf32>,
        %swap3A_435 = vector.shape_cast %swap3A_434 : vector<1x16xf32> to vector<16xf32>
        %swap3A_436 = vector.shape_cast %mul3A_431 : vector<16xf32> to vector<1x16xf32>
        tpu.vector_store %arg17[%swap3A_432, %swap3A_433], %swap3A_436 {strides = array<i32>} : memref<128x64xf32, #tpu.memory_space<vmem>>, vector<1x16xf32>,
        %get3A_437 = arith.index_cast %scan3A_379 : i32 to index
        %get3A_438 = arith.constant 48 : index
        %get3A_439 = tpu.vector_load %arg11[%get3A_437, %get3A_438] {strides = array<i32>} : memref<128x64xf32, #tpu.memory_space<vmem>>, vector<1x16xf32>,
        %get3A_440 = vector.shape_cast %get3A_439 : vector<1x16xf32> to vector<16xf32>
        %get3A_441 = arith.index_cast %scan3A_379 : i32 to index
        %get3A_442 = arith.constant 48 : index
        %get3A_443 = tpu.vector_load %arg13[%get3A_441, %get3A_442] {strides = array<i32>} : memref<128x64xf32, #tpu.memory_space<vmem>>, vector<1x16xf32>,
        %get3A_444 = vector.shape_cast %get3A_443 : vector<1x16xf32> to vector<16xf32>
        %mul3A_445 = arith.mulf %get3A_440, %get3A_444 : vector<16xf32>
        %get3A_446 = arith.index_cast %scan3A_379 : i32 to index
        %get3A_447 = arith.constant 48 : index
        %get3A_448 = tpu.vector_load %arg15[%get3A_446, %get3A_447] {strides = array<i32>} : memref<128x64xf32, #tpu.memory_space<vmem>>, vector<1x16xf32>,
        %get3A_449 = vector.shape_cast %get3A_448 : vector<1x16xf32> to vector<16xf32>
        %mul3A_450 = arith.mulf %mul3A_445, %get3A_449 : vector<16xf32>
        %swap3A_451 = arith.index_cast %scan3A_379 : i32 to index
        %swap3A_452 = arith.constant 48 : index
        %swap3A_453 = tpu.vector_load %arg17[%swap3A_451, %swap3A_452] {strides = array<i32>} : memref<128x64xf32, #tpu.memory_space<vmem>>, vector<1x16xf32>,
        %swap3A_454 = vector.shape_cast %swap3A_453 : vector<1x16xf32> to vector<16xf32>
        %swap3A_455 = vector.shape_cast %mul3A_450 : vector<16xf32> to vector<1x16xf32>
        tpu.vector_store %arg17[%swap3A_451, %swap3A_452], %swap3A_455 {strides = array<i32>} : memref<128x64xf32, #tpu.memory_space<vmem>>, vector<1x16xf32>,
        %scan3A_456 = arith.constant 4 : i32
        %scan3A_457 = arith.addi %scan3A_147, %scan3A_456 : i32
        %get3A_458 = arith.index_cast %scan3A_457 : i32 to index
        %get3A_459 = arith.constant 0 : index
        %get3A_460 = tpu.vector_load %arg11[%get3A_458, %get3A_459] {strides = array<i32>} : memref<128x64xf32, #tpu.memory_space<vmem>>, vector<1x16xf32>,
        %get3A_461 = vector.shape_cast %get3A_460 : vector<1x16xf32> to vector<16xf32>
        %get3A_462 = arith.index_cast %scan3A_457 : i32 to index
        %get3A_463 = arith.constant 0 : index
        %get3A_464 = tpu.vector_load %arg13[%get3A_462, %get3A_463] {strides = array<i32>} : memref<128x64xf32, #tpu.memory_space<vmem>>, vector<1x16xf32>,
        %get3A_465 = vector.shape_cast %get3A_464 : vector<1x16xf32> to vector<16xf32>
        %mul3A_466 = arith.mulf %get3A_461, %get3A_465 : vector<16xf32>
        %get3A_467 = arith.index_cast %scan3A_457 : i32 to index
        %get3A_468 = arith.constant 0 : index
        %get3A_469 = tpu.vector_load %arg15[%get3A_467, %get3A_468] {strides = array<i32>} : memref<128x64xf32, #tpu.memory_space<vmem>>, vector<1x16xf32>,
        %get3A_470 = vector.shape_cast %get3A_469 : vector<1x16xf32> to vector<16xf32>
        %mul3A_471 = arith.mulf %mul3A_466, %get3A_470 : vector<16xf32>
        %swap3A_472 = arith.index_cast %scan3A_457 : i32 to index
        %swap3A_473 = arith.constant 0 : index
        %swap3A_474 = tpu.vector_load %arg17[%swap3A_472, %swap3A_473] {strides = array<i32>} : memref<128x64xf32, #tpu.memory_space<vmem>>, vector<1x16xf32>,
        %swap3A_475 = vector.shape_cast %swap3A_474 : vector<1x16xf32> to vector<16xf32>
        %swap3A_476 = vector.shape_cast %mul3A_471 : vector<16xf32> to vector<1x16xf32>
        tpu.vector_store %arg17[%swap3A_472, %swap3A_473], %swap3A_476 {strides = array<i32>} : memref<128x64xf32, #tpu.memory_space<vmem>>, vector<1x16xf32>,
        %get3A_477 = arith.index_cast %scan3A_457 : i32 to index
        %get3A_478 = arith.constant 16 : index
        %get3A_479 = tpu.vector_load %arg11[%get3A_477, %get3A_478] {strides = array<i32>} : memref<128x64xf32, #tpu.memory_space<vmem>>, vector<1x16xf32>,
        %get3A_480 = vector.shape_cast %get3A_479 : vector<1x16xf32> to vector<16xf32>
        %get3A_481 = arith.index_cast %scan3A_457 : i32 to index
        %get3A_482 = arith.constant 16 : index
        %get3A_483 = tpu.vector_load %arg13[%get3A_481, %get3A_482] {strides = array<i32>} : memref<128x64xf32, #tpu.memory_space<vmem>>, vector<1x16xf32>,
        %get3A_484 = vector.shape_cast %get3A_483 : vector<1x16xf32> to vector<16xf32>
        %mul3A_485 = arith.mulf %get3A_480, %get3A_484 : vector<16xf32>
        %get3A_486 = arith.index_cast %scan3A_457 : i32 to index
        %get3A_487 = arith.constant 16 : index
        %get3A_488 = tpu.vector_load %arg15[%get3A_486, %get3A_487] {strides = array<i32>} : memref<128x64xf32, #tpu.memory_space<vmem>>, vector<1x16xf32>,
        %get3A_489 = vector.shape_cast %get3A_488 : vector<1x16xf32> to vector<16xf32>
        %mul3A_490 = arith.mulf %mul3A_485, %get3A_489 : vector<16xf32>
        %swap3A_491 = arith.index_cast %scan3A_457 : i32 to index
        %swap3A_492 = arith.constant 16 : index
        %swap3A_493 = tpu.vector_load %arg17[%swap3A_491, %swap3A_492] {strides = array<i32>} : memref<128x64xf32, #tpu.memory_space<vmem>>, vector<1x16xf32>,
        %swap3A_494 = vector.shape_cast %swap3A_493 : vector<1x16xf32> to vector<16xf32>
        %swap3A_495 = vector.shape_cast %mul3A_490 : vector<16xf32> to vector<1x16xf32>
        tpu.vector_store %arg17[%swap3A_491, %swap3A_492], %swap3A_495 {strides = array<i32>} : memref<128x64xf32, #tpu.memory_space<vmem>>, vector<1x16xf32>,
        %get3A_496 = arith.index_cast %scan3A_457 : i32 to index
        %get3A_497 = arith.constant 32 : index
        %get3A_498 = tpu.vector_load %arg11[%get3A_496, %get3A_497] {strides = array<i32>} : memref<128x64xf32, #tpu.memory_space<vmem>>, vector<1x16xf32>,
        %get3A_499 = vector.shape_cast %get3A_498 : vector<1x16xf32> to vector<16xf32>
        %get3A_500 = arith.index_cast %scan3A_457 : i32 to index
        %get3A_501 = arith.constant 32 : index
        %get3A_502 = tpu.vector_load %arg13[%get3A_500, %get3A_501] {strides = array<i32>} : memref<128x64xf32, #tpu.memory_space<vmem>>, vector<1x16xf32>,
        %get3A_503 = vector.shape_cast %get3A_502 : vector<1x16xf32> to vector<16xf32>
        %mul3A_504 = arith.mulf %get3A_499, %get3A_503 : vector<16xf32>
        %get3A_505 = arith.index_cast %scan3A_457 : i32 to index
        %get3A_506 = arith.constant 32 : index
        %get3A_507 = tpu.vector_load %arg15[%get3A_505, %get3A_506] {strides = array<i32>} : memref<128x64xf32, #tpu.memory_space<vmem>>, vector<1x16xf32>,
        %get3A_508 = vector.shape_cast %get3A_507 : vector<1x16xf32> to vector<16xf32>
        %mul3A_509 = arith.mulf %mul3A_504, %get3A_508 : vector<16xf32>
        %swap3A_510 = arith.index_cast %scan3A_457 : i32 to index
        %swap3A_511 = arith.constant 32 : index
        %swap3A_512 = tpu.vector_load %arg17[%swap3A_510, %swap3A_511] {strides = array<i32>} : memref<128x64xf32, #tpu.memory_space<vmem>>, vector<1x16xf32>,
        %swap3A_513 = vector.shape_cast %swap3A_512 : vector<1x16xf32> to vector<16xf32>
        %swap3A_514 = vector.shape_cast %mul3A_509 : vector<16xf32> to vector<1x16xf32>
        tpu.vector_store %arg17[%swap3A_510, %swap3A_511], %swap3A_514 {strides = array<i32>} : memref<128x64xf32, #tpu.memory_space<vmem>>, vector<1x16xf32>,
        %get3A_515 = arith.index_cast %scan3A_457 : i32 to index
        %get3A_516 = arith.constant 48 : index
        %get3A_517 = tpu.vector_load %arg11[%get3A_515, %get3A_516] {strides = array<i32>} : memref<128x64xf32, #tpu.memory_space<vmem>>, vector<1x16xf32>,
        %get3A_518 = vector.shape_cast %get3A_517 : vector<1x16xf32> to vector<16xf32>
        %get3A_519 = arith.index_cast %scan3A_457 : i32 to index
        %get3A_520 = arith.constant 48 : index
        %get3A_521 = tpu.vector_load %arg13[%get3A_519, %get3A_520] {strides = array<i32>} : memref<128x64xf32, #tpu.memory_space<vmem>>, vector<1x16xf32>,
        %get3A_522 = vector.shape_cast %get3A_521 : vector<1x16xf32> to vector<16xf32>
        %mul3A_523 = arith.mulf %get3A_518, %get3A_522 : vector<16xf32>
        %get3A_524 = arith.index_cast %scan3A_457 : i32 to index
        %get3A_525 = arith.constant 48 : index
        %get3A_526 = tpu.vector_load %arg15[%get3A_524, %get3A_525] {strides = array<i32>} : memref<128x64xf32, #tpu.memory_space<vmem>>, vector<1x16xf32>,
        %get3A_527 = vector.shape_cast %get3A_526 : vector<1x16xf32> to vector<16xf32>
        %mul3A_528 = arith.mulf %mul3A_523, %get3A_527 : vector<16xf32>
        %swap3A_529 = arith.index_cast %scan3A_457 : i32 to index
        %swap3A_530 = arith.constant 48 : index
        %swap3A_531 = tpu.vector_load %arg17[%swap3A_529, %swap3A_530] {strides = array<i32>} : memref<128x64xf32, #tpu.memory_space<vmem>>, vector<1x16xf32>,
        %swap3A_532 = vector.shape_cast %swap3A_531 : vector<1x16xf32> to vector<16xf32>
        %swap3A_533 = vector.shape_cast %mul3A_528 : vector<16xf32> to vector<1x16xf32>
        tpu.vector_store %arg17[%swap3A_529, %swap3A_530], %swap3A_533 {strides = array<i32>} : memref<128x64xf32, #tpu.memory_space<vmem>>, vector<1x16xf32>,
        %scan3A_534 = arith.constant 5 : i32
        %scan3A_535 = arith.addi %scan3A_147, %scan3A_534 : i32
        %get3A_536 = arith.index_cast %scan3A_535 : i32 to index
        %get3A_537 = arith.constant 0 : index
        %get3A_538 = tpu.vector_load %arg11[%get3A_536, %get3A_537] {strides = array<i32>} : memref<128x64xf32, #tpu.memory_space<vmem>>, vector<1x16xf32>,
        %get3A_539 = vector.shape_cast %get3A_538 : vector<1x16xf32> to vector<16xf32>
        %get3A_540 = arith.index_cast %scan3A_535 : i32 to index
        %get3A_541 = arith.constant 0 : index
        %get3A_542 = tpu.vector_load %arg13[%get3A_540, %get3A_541] {strides = array<i32>} : memref<128x64xf32, #tpu.memory_space<vmem>>, vector<1x16xf32>,
        %get3A_543 = vector.shape_cast %get3A_542 : vector<1x16xf32> to vector<16xf32>
        %mul3A_544 = arith.mulf %get3A_539, %get3A_543 : vector<16xf32>
        %get3A_545 = arith.index_cast %scan3A_535 : i32 to index
        %get3A_546 = arith.constant 0 : index
        %get3A_547 = tpu.vector_load %arg15[%get3A_545, %get3A_546] {strides = array<i32>} : memref<128x64xf32, #tpu.memory_space<vmem>>, vector<1x16xf32>,
        %get3A_548 = vector.shape_cast %get3A_547 : vector<1x16xf32> to vector<16xf32>
        %mul3A_549 = arith.mulf %mul3A_544, %get3A_548 : vector<16xf32>
        %swap3A_550 = arith.index_cast %scan3A_535 : i32 to index
        %swap3A_551 = arith.constant 0 : index
        %swap3A_552 = tpu.vector_load %arg17[%swap3A_550, %swap3A_551] {strides = array<i32>} : memref<128x64xf32, #tpu.memory_space<vmem>>, vector<1x16xf32>,
        %swap3A_553 = vector.shape_cast %swap3A_552 : vector<1x16xf32> to vector<16xf32>
        %swap3A_554 = vector.shape_cast %mul3A_549 : vector<16xf32> to vector<1x16xf32>
        tpu.vector_store %arg17[%swap3A_550, %swap3A_551], %swap3A_554 {strides = array<i32>} : memref<128x64xf32, #tpu.memory_space<vmem>>, vector<1x16xf32>,
        %get3A_555 = arith.index_cast %scan3A_535 : i32 to index
        %get3A_556 = arith.constant 16 : index
        %get3A_557 = tpu.vector_load %arg11[%get3A_555, %get3A_556] {strides = array<i32>} : memref<128x64xf32, #tpu.memory_space<vmem>>, vector<1x16xf32>,
        %get3A_558 = vector.shape_cast %get3A_557 : vector<1x16xf32> to vector<16xf32>
        %get3A_559 = arith.index_cast %scan3A_535 : i32 to index
        %get3A_560 = arith.constant 16 : index
        %get3A_561 = tpu.vector_load %arg13[%get3A_559, %get3A_560] {strides = array<i32>} : memref<128x64xf32, #tpu.memory_space<vmem>>, vector<1x16xf32>,
        %get3A_562 = vector.shape_cast %get3A_561 : vector<1x16xf32> to vector<16xf32>
        %mul3A_563 = arith.mulf %get3A_558, %get3A_562 : vector<16xf32>
        %get3A_564 = arith.index_cast %scan3A_535 : i32 to index
        %get3A_565 = arith.constant 16 : index
        %get3A_566 = tpu.vector_load %arg15[%get3A_564, %get3A_565] {strides = array<i32>} : memref<128x64xf32, #tpu.memory_space<vmem>>, vector<1x16xf32>,
        %get3A_567 = vector.shape_cast %get3A_566 : vector<1x16xf32> to vector<16xf32>
        %mul3A_568 = arith.mulf %mul3A_563, %get3A_567 : vector<16xf32>
        %swap3A_569 = arith.index_cast %scan3A_535 : i32 to index
        %swap3A_570 = arith.constant 16 : index
        %swap3A_571 = tpu.vector_load %arg17[%swap3A_569, %swap3A_570] {strides = array<i32>} : memref<128x64xf32, #tpu.memory_space<vmem>>, vector<1x16xf32>,
        %swap3A_572 = vector.shape_cast %swap3A_571 : vector<1x16xf32> to vector<16xf32>
        %swap3A_573 = vector.shape_cast %mul3A_568 : vector<16xf32> to vector<1x16xf32>
        tpu.vector_store %arg17[%swap3A_569, %swap3A_570], %swap3A_573 {strides = array<i32>} : memref<128x64xf32, #tpu.memory_space<vmem>>, vector<1x16xf32>,
        %get3A_574 = arith.index_cast %scan3A_535 : i32 to index
        %get3A_575 = arith.constant 32 : index
        %get3A_576 = tpu.vector_load %arg11[%get3A_574, %get3A_575] {strides = array<i32>} : memref<128x64xf32, #tpu.memory_space<vmem>>, vector<1x16xf32>,
        %get3A_577 = vector.shape_cast %get3A_576 : vector<1x16xf32> to vector<16xf32>
        %get3A_578 = arith.index_cast %scan3A_535 : i32 to index
        %get3A_579 = arith.constant 32 : index
        %get3A_580 = tpu.vector_load %arg13[%get3A_578, %get3A_579] {strides = array<i32>} : memref<128x64xf32, #tpu.memory_space<vmem>>, vector<1x16xf32>,
        %get3A_581 = vector.shape_cast %get3A_580 : vector<1x16xf32> to vector<16xf32>
        %mul3A_582 = arith.mulf %get3A_577, %get3A_581 : vector<16xf32>
        %get3A_583 = arith.index_cast %scan3A_535 : i32 to index
        %get3A_584 = arith.constant 32 : index
        %get3A_585 = tpu.vector_load %arg15[%get3A_583, %get3A_584] {strides = array<i32>} : memref<128x64xf32, #tpu.memory_space<vmem>>, vector<1x16xf32>,
        %get3A_586 = vector.shape_cast %get3A_585 : vector<1x16xf32> to vector<16xf32>
        %mul3A_587 = arith.mulf %mul3A_582, %get3A_586 : vector<16xf32>
        %swap3A_588 = arith.index_cast %scan3A_535 : i32 to index
        %swap3A_589 = arith.constant 32 : index
        %swap3A_590 = tpu.vector_load %arg17[%swap3A_588, %swap3A_589] {strides = array<i32>} : memref<128x64xf32, #tpu.memory_space<vmem>>, vector<1x16xf32>,
        %swap3A_591 = vector.shape_cast %swap3A_590 : vector<1x16xf32> to vector<16xf32>
        %swap3A_592 = vector.shape_cast %mul3A_587 : vector<16xf32> to vector<1x16xf32>
        tpu.vector_store %arg17[%swap3A_588, %swap3A_589], %swap3A_592 {strides = array<i32>} : memref<128x64xf32, #tpu.memory_space<vmem>>, vector<1x16xf32>,
        %get3A_593 = arith.index_cast %scan3A_535 : i32 to index
        %get3A_594 = arith.constant 48 : index
        %get3A_595 = tpu.vector_load %arg11[%get3A_593, %get3A_594] {strides = array<i32>} : memref<128x64xf32, #tpu.memory_space<vmem>>, vector<1x16xf32>,
        %get3A_596 = vector.shape_cast %get3A_595 : vector<1x16xf32> to vector<16xf32>
        %get3A_597 = arith.index_cast %scan3A_535 : i32 to index
        %get3A_598 = arith.constant 48 : index
        %get3A_599 = tpu.vector_load %arg13[%get3A_597, %get3A_598] {strides = array<i32>} : memref<128x64xf32, #tpu.memory_space<vmem>>, vector<1x16xf32>,
        %get3A_600 = vector.shape_cast %get3A_599 : vector<1x16xf32> to vector<16xf32>
        %mul3A_601 = arith.mulf %get3A_596, %get3A_600 : vector<16xf32>
        %get3A_602 = arith.index_cast %scan3A_535 : i32 to index
        %get3A_603 = arith.constant 48 : index
        %get3A_604 = tpu.vector_load %arg15[%get3A_602, %get3A_603] {strides = array<i32>} : memref<128x64xf32, #tpu.memory_space<vmem>>, vector<1x16xf32>,
        %get3A_605 = vector.shape_cast %get3A_604 : vector<1x16xf32> to vector<16xf32>
        %mul3A_606 = arith.mulf %mul3A_601, %get3A_605 : vector<16xf32>
        %swap3A_607 = arith.index_cast %scan3A_535 : i32 to index
        %swap3A_608 = arith.constant 48 : index
        %swap3A_609 = tpu.vector_load %arg17[%swap3A_607, %swap3A_608] {strides = array<i32>} : memref<128x64xf32, #tpu.memory_space<vmem>>, vector<1x16xf32>,
        %swap3A_610 = vector.shape_cast %swap3A_609 : vector<1x16xf32> to vector<16xf32>
        %swap3A_611 = vector.shape_cast %mul3A_606 : vector<16xf32> to vector<1x16xf32>
        tpu.vector_store %arg17[%swap3A_607, %swap3A_608], %swap3A_611 {strides = array<i32>} : memref<128x64xf32, #tpu.memory_space<vmem>>, vector<1x16xf32>,
        %scan3A_612 = arith.constant 6 : i32
        %scan3A_613 = arith.addi %scan3A_147, %scan3A_612 : i32
        %get3A_614 = arith.index_cast %scan3A_613 : i32 to index
        %get3A_615 = arith.constant 0 : index
        %get3A_616 = tpu.vector_load %arg11[%get3A_614, %get3A_615] {strides = array<i32>} : memref<128x64xf32, #tpu.memory_space<vmem>>, vector<1x16xf32>,
        %get3A_617 = vector.shape_cast %get3A_616 : vector<1x16xf32> to vector<16xf32>
        %get3A_618 = arith.index_cast %scan3A_613 : i32 to index
        %get3A_619 = arith.constant 0 : index
        %get3A_620 = tpu.vector_load %arg13[%get3A_618, %get3A_619] {strides = array<i32>} : memref<128x64xf32, #tpu.memory_space<vmem>>, vector<1x16xf32>,
        %get3A_621 = vector.shape_cast %get3A_620 : vector<1x16xf32> to vector<16xf32>
        %mul3A_622 = arith.mulf %get3A_617, %get3A_621 : vector<16xf32>
        %get3A_623 = arith.index_cast %scan3A_613 : i32 to index
        %get3A_624 = arith.constant 0 : index
        %get3A_625 = tpu.vector_load %arg15[%get3A_623, %get3A_624] {strides = array<i32>} : memref<128x64xf32, #tpu.memory_space<vmem>>, vector<1x16xf32>,
        %get3A_626 = vector.shape_cast %get3A_625 : vector<1x16xf32> to vector<16xf32>
        %mul3A_627 = arith.mulf %mul3A_622, %get3A_626 : vector<16xf32>
        %swap3A_628 = arith.index_cast %scan3A_613 : i32 to index
        %swap3A_629 = arith.constant 0 : index
        %swap3A_630 = tpu.vector_load %arg17[%swap3A_628, %swap3A_629] {strides = array<i32>} : memref<128x64xf32, #tpu.memory_space<vmem>>, vector<1x16xf32>,
        %swap3A_631 = vector.shape_cast %swap3A_630 : vector<1x16xf32> to vector<16xf32>
        %swap3A_632 = vector.shape_cast %mul3A_627 : vector<16xf32> to vector<1x16xf32>
        tpu.vector_store %arg17[%swap3A_628, %swap3A_629], %swap3A_632 {strides = array<i32>} : memref<128x64xf32, #tpu.memory_space<vmem>>, vector<1x16xf32>,
        %get3A_633 = arith.index_cast %scan3A_613 : i32 to index
        %get3A_634 = arith.constant 16 : index
        %get3A_635 = tpu.vector_load %arg11[%get3A_633, %get3A_634] {strides = array<i32>} : memref<128x64xf32, #tpu.memory_space<vmem>>, vector<1x16xf32>,
        %get3A_636 = vector.shape_cast %get3A_635 : vector<1x16xf32> to vector<16xf32>
        %get3A_637 = arith.index_cast %scan3A_613 : i32 to index
        %get3A_638 = arith.constant 16 : index
        %get3A_639 = tpu.vector_load %arg13[%get3A_637, %get3A_638] {strides = array<i32>} : memref<128x64xf32, #tpu.memory_space<vmem>>, vector<1x16xf32>,
        %get3A_640 = vector.shape_cast %get3A_639 : vector<1x16xf32> to vector<16xf32>
        %mul3A_641 = arith.mulf %get3A_636, %get3A_640 : vector<16xf32>
        %get3A_642 = arith.index_cast %scan3A_613 : i32 to index
        %get3A_643 = arith.constant 16 : index
        %get3A_644 = tpu.vector_load %arg15[%get3A_642, %get3A_643] {strides = array<i32>} : memref<128x64xf32, #tpu.memory_space<vmem>>, vector<1x16xf32>,
        %get3A_645 = vector.shape_cast %get3A_644 : vector<1x16xf32> to vector<16xf32>
        %mul3A_646 = arith.mulf %mul3A_641, %get3A_645 : vector<16xf32>
        %swap3A_647 = arith.index_cast %scan3A_613 : i32 to index
        %swap3A_648 = arith.constant 16 : index
        %swap3A_649 = tpu.vector_load %arg17[%swap3A_647, %swap3A_648] {strides = array<i32>} : memref<128x64xf32, #tpu.memory_space<vmem>>, vector<1x16xf32>,
        %swap3A_650 = vector.shape_cast %swap3A_649 : vector<1x16xf32> to vector<16xf32>
        %swap3A_651 = vector.shape_cast %mul3A_646 : vector<16xf32> to vector<1x16xf32>
        tpu.vector_store %arg17[%swap3A_647, %swap3A_648], %swap3A_651 {strides = array<i32>} : memref<128x64xf32, #tpu.memory_space<vmem>>, vector<1x16xf32>,
        %get3A_652 = arith.index_cast %scan3A_613 : i32 to index
        %get3A_653 = arith.constant 32 : index
        %get3A_654 = tpu.vector_load %arg11[%get3A_652, %get3A_653] {strides = array<i32>} : memref<128x64xf32, #tpu.memory_space<vmem>>, vector<1x16xf32>,
        %get3A_655 = vector.shape_cast %get3A_654 : vector<1x16xf32> to vector<16xf32>
        %get3A_656 = arith.index_cast %scan3A_613 : i32 to index
        %get3A_657 = arith.constant 32 : index
        %get3A_658 = tpu.vector_load %arg13[%get3A_656, %get3A_657] {strides = array<i32>} : memref<128x64xf32, #tpu.memory_space<vmem>>, vector<1x16xf32>,
        %get3A_659 = vector.shape_cast %get3A_658 : vector<1x16xf32> to vector<16xf32>
        %mul3A_660 = arith.mulf %get3A_655, %get3A_659 : vector<16xf32>
        %get3A_661 = arith.index_cast %scan3A_613 : i32 to index
        %get3A_662 = arith.constant 32 : index
        %get3A_663 = tpu.vector_load %arg15[%get3A_661, %get3A_662] {strides = array<i32>} : memref<128x64xf32, #tpu.memory_space<vmem>>, vector<1x16xf32>,
        %get3A_664 = vector.shape_cast %get3A_663 : vector<1x16xf32> to vector<16xf32>
        %mul3A_665 = arith.mulf %mul3A_660, %get3A_664 : vector<16xf32>
        %swap3A_666 = arith.index_cast %scan3A_613 : i32 to index
        %swap3A_667 = arith.constant 32 : index
        %swap3A_668 = tpu.vector_load %arg17[%swap3A_666, %swap3A_667] {strides = array<i32>} : memref<128x64xf32, #tpu.memory_space<vmem>>, vector<1x16xf32>,
        %swap3A_669 = vector.shape_cast %swap3A_668 : vector<1x16xf32> to vector<16xf32>
        %swap3A_670 = vector.shape_cast %mul3A_665 : vector<16xf32> to vector<1x16xf32>
        tpu.vector_store %arg17[%swap3A_666, %swap3A_667], %swap3A_670 {strides = array<i32>} : memref<128x64xf32, #tpu.memory_space<vmem>>, vector<1x16xf32>,
        %get3A_671 = arith.index_cast %scan3A_613 : i32 to index
        %get3A_672 = arith.constant 48 : index
        %get3A_673 = tpu.vector_load %arg11[%get3A_671, %get3A_672] {strides = array<i32>} : memref<128x64xf32, #tpu.memory_space<vmem>>, vector<1x16xf32>,
        %get3A_674 = vector.shape_cast %get3A_673 : vector<1x16xf32> to vector<16xf32>
        %get3A_675 = arith.index_cast %scan3A_613 : i32 to index
        %get3A_676 = arith.constant 48 : index
        %get3A_677 = tpu.vector_load %arg13[%get3A_675, %get3A_676] {strides = array<i32>} : memref<128x64xf32, #tpu.memory_space<vmem>>, vector<1x16xf32>,
        %get3A_678 = vector.shape_cast %get3A_677 : vector<1x16xf32> to vector<16xf32>
        %mul3A_679 = arith.mulf %get3A_674, %get3A_678 : vector<16xf32>
        %get3A_680 = arith.index_cast %scan3A_613 : i32 to index
        %get3A_681 = arith.constant 48 : index
        %get3A_682 = tpu.vector_load %arg15[%get3A_680, %get3A_681] {strides = array<i32>} : memref<128x64xf32, #tpu.memory_space<vmem>>, vector<1x16xf32>,
        %get3A_683 = vector.shape_cast %get3A_682 : vector<1x16xf32> to vector<16xf32>
        %mul3A_684 = arith.mulf %mul3A_679, %get3A_683 : vector<16xf32>
        %swap3A_685 = arith.index_cast %scan3A_613 : i32 to index
        %swap3A_686 = arith.constant 48 : index
        %swap3A_687 = tpu.vector_load %arg17[%swap3A_685, %swap3A_686] {strides = array<i32>} : memref<128x64xf32, #tpu.memory_space<vmem>>, vector<1x16xf32>,
        %swap3A_688 = vector.shape_cast %swap3A_687 : vector<1x16xf32> to vector<16xf32>
        %swap3A_689 = vector.shape_cast %mul3A_684 : vector<16xf32> to vector<1x16xf32>
        tpu.vector_store %arg17[%swap3A_685, %swap3A_686], %swap3A_689 {strides = array<i32>} : memref<128x64xf32, #tpu.memory_space<vmem>>, vector<1x16xf32>,
        %scan3A_690 = arith.constant 7 : i32
        %scan3A_691 = arith.addi %scan3A_147, %scan3A_690 : i32
        %get3A_692 = arith.index_cast %scan3A_691 : i32 to index
        %get3A_693 = arith.constant 0 : index
        %get3A_694 = tpu.vector_load %arg11[%get3A_692, %get3A_693] {strides = array<i32>} : memref<128x64xf32, #tpu.memory_space<vmem>>, vector<1x16xf32>,
        %get3A_695 = vector.shape_cast %get3A_694 : vector<1x16xf32> to vector<16xf32>
        %get3A_696 = arith.index_cast %scan3A_691 : i32 to index
        %get3A_697 = arith.constant 0 : index
        %get3A_698 = tpu.vector_load %arg13[%get3A_696, %get3A_697] {strides = array<i32>} : memref<128x64xf32, #tpu.memory_space<vmem>>, vector<1x16xf32>,
        %get3A_699 = vector.shape_cast %get3A_698 : vector<1x16xf32> to vector<16xf32>
        %mul3A_700 = arith.mulf %get3A_695, %get3A_699 : vector<16xf32>
        %get3A_701 = arith.index_cast %scan3A_691 : i32 to index
        %get3A_702 = arith.constant 0 : index
        %get3A_703 = tpu.vector_load %arg15[%get3A_701, %get3A_702] {strides = array<i32>} : memref<128x64xf32, #tpu.memory_space<vmem>>, vector<1x16xf32>,
        %get3A_704 = vector.shape_cast %get3A_703 : vector<1x16xf32> to vector<16xf32>
        %mul3A_705 = arith.mulf %mul3A_700, %get3A_704 : vector<16xf32>
        %swap3A_706 = arith.index_cast %scan3A_691 : i32 to index
        %swap3A_707 = arith.constant 0 : index
        %swap3A_708 = tpu.vector_load %arg17[%swap3A_706, %swap3A_707] {strides = array<i32>} : memref<128x64xf32, #tpu.memory_space<vmem>>, vector<1x16xf32>,
        %swap3A_709 = vector.shape_cast %swap3A_708 : vector<1x16xf32> to vector<16xf32>
        %swap3A_710 = vector.shape_cast %mul3A_705 : vector<16xf32> to vector<1x16xf32>
        tpu.vector_store %arg17[%swap3A_706, %swap3A_707], %swap3A_710 {strides = array<i32>} : memref<128x64xf32, #tpu.memory_space<vmem>>, vector<1x16xf32>,
        %get3A_711 = arith.index_cast %scan3A_691 : i32 to index
        %get3A_712 = arith.constant 16 : index
        %get3A_713 = tpu.vector_load %arg11[%get3A_711, %get3A_712] {strides = array<i32>} : memref<128x64xf32, #tpu.memory_space<vmem>>, vector<1x16xf32>,
        %get3A_714 = vector.shape_cast %get3A_713 : vector<1x16xf32> to vector<16xf32>
        %get3A_715 = arith.index_cast %scan3A_691 : i32 to index
        %get3A_716 = arith.constant 16 : index
        %get3A_717 = tpu.vector_load %arg13[%get3A_715, %get3A_716] {strides = array<i32>} : memref<128x64xf32, #tpu.memory_space<vmem>>, vector<1x16xf32>,
        %get3A_718 = vector.shape_cast %get3A_717 : vector<1x16xf32> to vector<16xf32>
        %mul3A_719 = arith.mulf %get3A_714, %get3A_718 : vector<16xf32>
        %get3A_720 = arith.index_cast %scan3A_691 : i32 to index
        %get3A_721 = arith.constant 16 : index
        %get3A_722 = tpu.vector_load %arg15[%get3A_720, %get3A_721] {strides = array<i32>} : memref<128x64xf32, #tpu.memory_space<vmem>>, vector<1x16xf32>,
        %get3A_723 = vector.shape_cast %get3A_722 : vector<1x16xf32> to vector<16xf32>
        %mul3A_724 = arith.mulf %mul3A_719, %get3A_723 : vector<16xf32>
        %swap3A_725 = arith.index_cast %scan3A_691 : i32 to index
        %swap3A_726 = arith.constant 16 : index
        %swap3A_727 = tpu.vector_load %arg17[%swap3A_725, %swap3A_726] {strides = array<i32>} : memref<128x64xf32, #tpu.memory_space<vmem>>, vector<1x16xf32>,
        %swap3A_728 = vector.shape_cast %swap3A_727 : vector<1x16xf32> to vector<16xf32>
        %swap3A_729 = vector.shape_cast %mul3A_724 : vector<16xf32> to vector<1x16xf32>
        tpu.vector_store %arg17[%swap3A_725, %swap3A_726], %swap3A_729 {strides = array<i32>} : memref<128x64xf32, #tpu.memory_space<vmem>>, vector<1x16xf32>,
        %get3A_730 = arith.index_cast %scan3A_691 : i32 to index
        %get3A_731 = arith.constant 32 : index
        %get3A_732 = tpu.vector_load %arg11[%get3A_730, %get3A_731] {strides = array<i32>} : memref<128x64xf32, #tpu.memory_space<vmem>>, vector<1x16xf32>,
        %get3A_733 = vector.shape_cast %get3A_732 : vector<1x16xf32> to vector<16xf32>
        %get3A_734 = arith.index_cast %scan3A_691 : i32 to index
        %get3A_735 = arith.constant 32 : index
        %get3A_736 = tpu.vector_load %arg13[%get3A_734, %get3A_735] {strides = array<i32>} : memref<128x64xf32, #tpu.memory_space<vmem>>, vector<1x16xf32>,
        %get3A_737 = vector.shape_cast %get3A_736 : vector<1x16xf32> to vector<16xf32>
        %mul3A_738 = arith.mulf %get3A_733, %get3A_737 : vector<16xf32>
        %get3A_739 = arith.index_cast %scan3A_691 : i32 to index
        %get3A_740 = arith.constant 32 : index
        %get3A_741 = tpu.vector_load %arg15[%get3A_739, %get3A_740] {strides = array<i32>} : memref<128x64xf32, #tpu.memory_space<vmem>>, vector<1x16xf32>,
        %get3A_742 = vector.shape_cast %get3A_741 : vector<1x16xf32> to vector<16xf32>
        %mul3A_743 = arith.mulf %mul3A_738, %get3A_742 : vector<16xf32>
        %swap3A_744 = arith.index_cast %scan3A_691 : i32 to index
        %swap3A_745 = arith.constant 32 : index
        %swap3A_746 = tpu.vector_load %arg17[%swap3A_744, %swap3A_745] {strides = array<i32>} : memref<128x64xf32, #tpu.memory_space<vmem>>, vector<1x16xf32>,
        %swap3A_747 = vector.shape_cast %swap3A_746 : vector<1x16xf32> to vector<16xf32>
        %swap3A_748 = vector.shape_cast %mul3A_743 : vector<16xf32> to vector<1x16xf32>
        tpu.vector_store %arg17[%swap3A_744, %swap3A_745], %swap3A_748 {strides = array<i32>} : memref<128x64xf32, #tpu.memory_space<vmem>>, vector<1x16xf32>,
        %get3A_749 = arith.index_cast %scan3A_691 : i32 to index
        %get3A_750 = arith.constant 48 : index
        %get3A_751 = tpu.vector_load %arg11[%get3A_749, %get3A_750] {strides = array<i32>} : memref<128x64xf32, #tpu.memory_space<vmem>>, vector<1x16xf32>,
        %get3A_752 = vector.shape_cast %get3A_751 : vector<1x16xf32> to vector<16xf32>
        %get3A_753 = arith.index_cast %scan3A_691 : i32 to index
        %get3A_754 = arith.constant 48 : index
        %get3A_755 = tpu.vector_load %arg13[%get3A_753, %get3A_754] {strides = array<i32>} : memref<128x64xf32, #tpu.memory_space<vmem>>, vector<1x16xf32>,
        %get3A_756 = vector.shape_cast %get3A_755 : vector<1x16xf32> to vector<16xf32>
        %mul3A_757 = arith.mulf %get3A_752, %get3A_756 : vector<16xf32>
        %get3A_758 = arith.index_cast %scan3A_691 : i32 to index
        %get3A_759 = arith.constant 48 : index
        %get3A_760 = tpu.vector_load %arg15[%get3A_758, %get3A_759] {strides = array<i32>} : memref<128x64xf32, #tpu.memory_space<vmem>>, vector<1x16xf32>,
        %get3A_761 = vector.shape_cast %get3A_760 : vector<1x16xf32> to vector<16xf32>
        %mul3A_762 = arith.mulf %mul3A_757, %get3A_761 : vector<16xf32>
        %swap3A_763 = arith.index_cast %scan3A_691 : i32 to index
        %swap3A_764 = arith.constant 48 : index
        %swap3A_765 = tpu.vector_load %arg17[%swap3A_763, %swap3A_764] {strides = array<i32>} : memref<128x64xf32, #tpu.memory_space<vmem>>, vector<1x16xf32>,
        %swap3A_766 = vector.shape_cast %swap3A_765 : vector<1x16xf32> to vector<16xf32>
        %swap3A_767 = vector.shape_cast %mul3A_762 : vector<16xf32> to vector<1x16xf32>
        tpu.vector_store %arg17[%swap3A_763, %swap3A_764], %swap3A_767 {strides = array<i32>} : memref<128x64xf32, #tpu.memory_space<vmem>>, vector<1x16xf32>,
      }
      %scan3A_86 = arith.constant 128 : i32
      %add3A_87 = arith.constant 2 : i32
      %add3A_88 = arith.addi %add3A_60, %add3A_87 : i32
      %lt3A = arith.constant 52 : i32
      %lt3A_89 = arith.cmpi slt, %add3A_88, %lt3A : i32
      %convert_element_type3A_90 = arith.extui %lt3A_89 : i1 to i32
      %cond3A_91 = arith.constant 0 : i32
      %cond3A_92 = arith.cmpi ne, %convert_element_type3A_90, %cond3A_91 : i32
      scf.if %cond3A_92 {
        %add3A_147 = arith.constant 2 : i32
        %add3A_148 = arith.addi %add3A_60, %add3A_147 : i32
        %dma_start3A_149 = arith.constant 0 : i32
        %dma_start3A_150 = tpu.memref_slice %arg8[%add3A_148, %dma_start3A_149] : memref<52x128xi32, #tpu.memory_space<vmem>> -> memref<1x128xi32, #tpu.memory_space<vmem>>
        %dma_start3A_151 = tpu.memref_squeeze %dma_start3A_150 : memref<1x128xi32, #tpu.memory_space<vmem>> -> memref<128xi32, #tpu.memory_space<vmem>>
        %dma_start3A_152 = arith.constant 0 : i32
        %dma_start3A_153 = arith.constant 0 : i32
        %dma_start3A_154 = tpu.memref_slice %arg5[%dma_start3A_152, %dma_start3A_153] : memref<1000000x64xf32, #tpu.memory_space<hbm>> -> memref<1000000x64xf32, #tpu.memory_space<hbm>>
        tpu.enqueue_indirect_dma source(%dma_start3A_154 : memref<1000000x64xf32, #tpu.memory_space<hbm>>) target(%arg11 : memref<128x64xf32, #tpu.memory_space<vmem>>) offsets(%dma_start3A_151 : memref<128xi32, #tpu.memory_space<vmem>>) semaphore(%arg19 : memref<!tpu.dma_semaphore, #tpu.memory_space<semaphore_mem>>)
        %dma_start3A_155 = arith.constant 0 : i32
        %dma_start3A_156 = tpu.memref_slice %arg9[%add3A_148, %dma_start3A_155] : memref<52x128xi32, #tpu.memory_space<vmem>> -> memref<1x128xi32, #tpu.memory_space<vmem>>
        %dma_start3A_157 = tpu.memref_squeeze %dma_start3A_156 : memref<1x128xi32, #tpu.memory_space<vmem>> -> memref<128xi32, #tpu.memory_space<vmem>>
        %dma_start3A_158 = arith.constant 0 : i32
        %dma_start3A_159 = arith.constant 0 : i32
        %dma_start3A_160 = tpu.memref_slice %arg6[%dma_start3A_158, %dma_start3A_159] : memref<1000x64xf32, #tpu.memory_space<hbm>> -> memref<1000x64xf32, #tpu.memory_space<hbm>>
        tpu.enqueue_indirect_dma source(%dma_start3A_160 : memref<1000x64xf32, #tpu.memory_space<hbm>>) target(%arg13 : memref<128x64xf32, #tpu.memory_space<vmem>>) offsets(%dma_start3A_157 : memref<128xi32, #tpu.memory_space<vmem>>) semaphore(%arg19 : memref<!tpu.dma_semaphore, #tpu.memory_space<semaphore_mem>>)
        %dma_start3A_161 = arith.constant 0 : i32
        %dma_start3A_162 = tpu.memref_slice %arg10[%add3A_148, %dma_start3A_161] : memref<52x128xi32, #tpu.memory_space<vmem>> -> memref<1x128xi32, #tpu.memory_space<vmem>>
        %dma_start3A_163 = tpu.memref_squeeze %dma_start3A_162 : memref<1x128xi32, #tpu.memory_space<vmem>> -> memref<128xi32, #tpu.memory_space<vmem>>
        %dma_start3A_164 = arith.constant 0 : i32
        %dma_start3A_165 = arith.constant 0 : i32
        %dma_start3A_166 = tpu.memref_slice %arg5[%dma_start3A_164, %dma_start3A_165] : memref<1000000x64xf32, #tpu.memory_space<hbm>> -> memref<1000000x64xf32, #tpu.memory_space<hbm>>
        tpu.enqueue_indirect_dma source(%dma_start3A_166 : memref<1000000x64xf32, #tpu.memory_space<hbm>>) target(%arg15 : memref<128x64xf32, #tpu.memory_space<vmem>>) offsets(%dma_start3A_163 : memref<128xi32, #tpu.memory_space<vmem>>) semaphore(%arg19 : memref<!tpu.dma_semaphore, #tpu.memory_space<semaphore_mem>>)
      } else {
      }
      %mul3A_93 = arith.constant 128 : i32
      %mul3A_94 = arith.muli %add3A_60, %mul3A_93 : i32
      %add3A_95 = arith.addi %mul3A_2, %mul3A_94 : i32
      %dma_start3A_96 = arith.constant 0 : i32
      %dma_start3A_97 = tpu.memref_slice %arg7[%add3A_95, %dma_start3A_96] : memref<212992x64xf32, #tpu.memory_space<hbm>> -> memref<128x64xf32, #tpu.memory_space<hbm>>
      %dma_start3A_98 = arith.constant 0 : i32
      %dma_start3A_99 = tpu.memref_slice %arg7[%add3A_95, %dma_start3A_98] : memref<212992x64xf32, #tpu.memory_space<hbm>> -> memref<128x64xf32, #tpu.memory_space<hbm>>
      tpu.enqueue_dma source(%arg17 : memref<128x64xf32, #tpu.memory_space<vmem>>) target(%dma_start3A_99 : memref<128x64xf32, #tpu.memory_space<hbm>>) target_semaphore(%arg21 : memref<!tpu.dma_semaphore, #tpu.memory_space<semaphore_mem>>)
      %mul3A_100 = arith.constant 2 : i32
      %mul3A_101 = arith.muli %scan3A_56, %mul3A_100 : i32
      %add3A_102 = arith.constant 1 : i32
      %add3A_103 = arith.addi %mul3A_101, %add3A_102 : i32
      %dma_wait3A_104 = arith.constant 0 : i32
      %dma_wait3A_105 = arith.constant 0 : i32
      %dma_wait3A_106 = tpu.memref_slice %arg5[%dma_wait3A_104, %dma_wait3A_105] : memref<1000000x64xf32, #tpu.memory_space<hbm>> -> memref<128x64xf32, #tpu.memory_space<hbm>>
      %dma_wait3A_107 = arith.constant 0 : i32
      %dma_wait3A_108 = arith.constant 0 : i32
      %dma_wait3A_109 = tpu.memref_slice %arg5[%dma_wait3A_107, %dma_wait3A_108] : memref<1000000x64xf32, #tpu.memory_space<hbm>> -> memref<128x64xf32, #tpu.memory_space<hbm>>
      tpu.wait_dma2 semaphore(%arg20 : memref<!tpu.dma_semaphore, #tpu.memory_space<semaphore_mem>>) src(%dma_wait3A_109 : memref<128x64xf32, #tpu.memory_space<hbm>>) dst(%arg12 : memref<128x64xf32, #tpu.memory_space<vmem>>)
      %dma_wait3A_110 = arith.constant 0 : i32
      %dma_wait3A_111 = arith.constant 0 : i32
      %dma_wait3A_112 = tpu.memref_slice %arg5[%dma_wait3A_110, %dma_wait3A_111] : memref<1000000x64xf32, #tpu.memory_space<hbm>> -> memref<128x64xf32, #tpu.memory_space<hbm>>
      %dma_wait3A_113 = arith.constant 0 : i32
      %dma_wait3A_114 = arith.constant 0 : i32
      %dma_wait3A_115 = tpu.memref_slice %arg5[%dma_wait3A_113, %dma_wait3A_114] : memref<1000000x64xf32, #tpu.memory_space<hbm>> -> memref<128x64xf32, #tpu.memory_space<hbm>>
      tpu.wait_dma2 semaphore(%arg20 : memref<!tpu.dma_semaphore, #tpu.memory_space<semaphore_mem>>) src(%dma_wait3A_115 : memref<128x64xf32, #tpu.memory_space<hbm>>) dst(%arg14 : memref<128x64xf32, #tpu.memory_space<vmem>>)
      %dma_wait3A_116 = arith.constant 0 : i32
      %dma_wait3A_117 = arith.constant 0 : i32
      %dma_wait3A_118 = tpu.memref_slice %arg5[%dma_wait3A_116, %dma_wait3A_117] : memref<1000000x64xf32, #tpu.memory_space<hbm>> -> memref<128x64xf32, #tpu.memory_space<hbm>>
      %dma_wait3A_119 = arith.constant 0 : i32
      %dma_wait3A_120 = arith.constant 0 : i32
      %dma_wait3A_121 = tpu.memref_slice %arg5[%dma_wait3A_119, %dma_wait3A_120] : memref<1000000x64xf32, #tpu.memory_space<hbm>> -> memref<128x64xf32, #tpu.memory_space<hbm>>
      tpu.wait_dma2 semaphore(%arg20 : memref<!tpu.dma_semaphore, #tpu.memory_space<semaphore_mem>>) src(%dma_wait3A_121 : memref<128x64xf32, #tpu.memory_space<hbm>>) dst(%arg16 : memref<128x64xf32, #tpu.memory_space<vmem>>)
      %ge3A_122 = arith.constant 2 : i32
      %ge3A_123 = arith.cmpi sge, %add3A_103, %ge3A_122 : i32
      %convert_element_type3A_124 = arith.extui %ge3A_123 : i1 to i32
      %cond3A_125 = arith.constant 0 : i32
      %cond3A_126 = arith.cmpi ne, %convert_element_type3A_124, %cond3A_125 : i32
      scf.if %cond3A_126 {
        %dma_wait3A_147 = arith.constant 0 : i32
        %dma_wait3A_148 = tpu.memref_slice %arg7[%mul3A_2, %dma_wait3A_147] : memref<212992x64xf32, #tpu.memory_space<hbm>> -> memref<128x64xf32, #tpu.memory_space<hbm>>
        %dma_wait3A_149 = arith.constant 0 : i32
        %dma_wait3A_150 = tpu.memref_slice %arg7[%mul3A_2, %dma_wait3A_149] : memref<212992x64xf32, #tpu.memory_space<hbm>> -> memref<128x64xf32, #tpu.memory_space<hbm>>
        tpu.wait_dma2 semaphore(%arg22 : memref<!tpu.dma_semaphore, #tpu.memory_space<semaphore_mem>>) src(%arg18 : memref<128x64xf32, #tpu.memory_space<vmem>>) dst(%dma_wait3A_150 : memref<128x64xf32, #tpu.memory_space<hbm>>)
      } else {
      }
      %scan3A_127 = arith.constant 0 : i32
      %scan3A_128 = arith.constant 0 : i32
      %scan3A_129 = arith.constant 128 : i32
      %scan3A_130 = arith.addi %scan3A_128, %scan3A_129 : i32
      %scan3A_131 = arith.constant 8 : i32
      scf.for %scan3A_147 = %scan3A_128 to %scan3A_130 step %scan3A_131  : i32 {
        %get3A = arith.index_cast %scan3A_147 : i32 to index
        %get3A_148 = arith.constant 0 : index
        %get3A_149 = tpu.vector_load %arg12[%get3A, %get3A_148] {strides = array<i32>} : memref<128x64xf32, #tpu.memory_space<vmem>>, vector<1x16xf32>,
        %get3A_150 = vector.shape_cast %get3A_149 : vector<1x16xf32> to vector<16xf32>
        %get3A_151 = arith.index_cast %scan3A_147 : i32 to index
        %get3A_152 = arith.constant 0 : index
        %get3A_153 = tpu.vector_load %arg14[%get3A_151, %get3A_152] {strides = array<i32>} : memref<128x64xf32, #tpu.memory_space<vmem>>, vector<1x16xf32>,
        %get3A_154 = vector.shape_cast %get3A_153 : vector<1x16xf32> to vector<16xf32>
        %mul3A_155 = arith.mulf %get3A_150, %get3A_154 : vector<16xf32>
        %get3A_156 = arith.index_cast %scan3A_147 : i32 to index
        %get3A_157 = arith.constant 0 : index
        %get3A_158 = tpu.vector_load %arg16[%get3A_156, %get3A_157] {strides = array<i32>} : memref<128x64xf32, #tpu.memory_space<vmem>>, vector<1x16xf32>,
        %get3A_159 = vector.shape_cast %get3A_158 : vector<1x16xf32> to vector<16xf32>
        %mul3A_160 = arith.mulf %mul3A_155, %get3A_159 : vector<16xf32>
        %swap3A = arith.index_cast %scan3A_147 : i32 to index
        %swap3A_161 = arith.constant 0 : index
        %swap3A_162 = tpu.vector_load %arg18[%swap3A, %swap3A_161] {strides = array<i32>} : memref<128x64xf32, #tpu.memory_space<vmem>>, vector<1x16xf32>,
        %swap3A_163 = vector.shape_cast %swap3A_162 : vector<1x16xf32> to vector<16xf32>
        %swap3A_164 = vector.shape_cast %mul3A_160 : vector<16xf32> to vector<1x16xf32>
        tpu.vector_store %arg18[%swap3A, %swap3A_161], %swap3A_164 {strides = array<i32>} : memref<128x64xf32, #tpu.memory_space<vmem>>, vector<1x16xf32>,
        %get3A_165 = arith.index_cast %scan3A_147 : i32 to index
        %get3A_166 = arith.constant 16 : index
        %get3A_167 = tpu.vector_load %arg12[%get3A_165, %get3A_166] {strides = array<i32>} : memref<128x64xf32, #tpu.memory_space<vmem>>, vector<1x16xf32>,
        %get3A_168 = vector.shape_cast %get3A_167 : vector<1x16xf32> to vector<16xf32>
        %get3A_169 = arith.index_cast %scan3A_147 : i32 to index
        %get3A_170 = arith.constant 16 : index
        %get3A_171 = tpu.vector_load %arg14[%get3A_169, %get3A_170] {strides = array<i32>} : memref<128x64xf32, #tpu.memory_space<vmem>>, vector<1x16xf32>,
        %get3A_172 = vector.shape_cast %get3A_171 : vector<1x16xf32> to vector<16xf32>
        %mul3A_173 = arith.mulf %get3A_168, %get3A_172 : vector<16xf32>
        %get3A_174 = arith.index_cast %scan3A_147 : i32 to index
        %get3A_175 = arith.constant 16 : index
        %get3A_176 = tpu.vector_load %arg16[%get3A_174, %get3A_175] {strides = array<i32>} : memref<128x64xf32, #tpu.memory_space<vmem>>, vector<1x16xf32>,
        %get3A_177 = vector.shape_cast %get3A_176 : vector<1x16xf32> to vector<16xf32>
        %mul3A_178 = arith.mulf %mul3A_173, %get3A_177 : vector<16xf32>
        %swap3A_179 = arith.index_cast %scan3A_147 : i32 to index
        %swap3A_180 = arith.constant 16 : index
        %swap3A_181 = tpu.vector_load %arg18[%swap3A_179, %swap3A_180] {strides = array<i32>} : memref<128x64xf32, #tpu.memory_space<vmem>>, vector<1x16xf32>,
        %swap3A_182 = vector.shape_cast %swap3A_181 : vector<1x16xf32> to vector<16xf32>
        %swap3A_183 = vector.shape_cast %mul3A_178 : vector<16xf32> to vector<1x16xf32>
        tpu.vector_store %arg18[%swap3A_179, %swap3A_180], %swap3A_183 {strides = array<i32>} : memref<128x64xf32, #tpu.memory_space<vmem>>, vector<1x16xf32>,
        %get3A_184 = arith.index_cast %scan3A_147 : i32 to index
        %get3A_185 = arith.constant 32 : index
        %get3A_186 = tpu.vector_load %arg12[%get3A_184, %get3A_185] {strides = array<i32>} : memref<128x64xf32, #tpu.memory_space<vmem>>, vector<1x16xf32>,
        %get3A_187 = vector.shape_cast %get3A_186 : vector<1x16xf32> to vector<16xf32>
        %get3A_188 = arith.index_cast %scan3A_147 : i32 to index
        %get3A_189 = arith.constant 32 : index
        %get3A_190 = tpu.vector_load %arg14[%get3A_188, %get3A_189] {strides = array<i32>} : memref<128x64xf32, #tpu.memory_space<vmem>>, vector<1x16xf32>,
        %get3A_191 = vector.shape_cast %get3A_190 : vector<1x16xf32> to vector<16xf32>
        %mul3A_192 = arith.mulf %get3A_187, %get3A_191 : vector<16xf32>
        %get3A_193 = arith.index_cast %scan3A_147 : i32 to index
        %get3A_194 = arith.constant 32 : index
        %get3A_195 = tpu.vector_load %arg16[%get3A_193, %get3A_194] {strides = array<i32>} : memref<128x64xf32, #tpu.memory_space<vmem>>, vector<1x16xf32>,
        %get3A_196 = vector.shape_cast %get3A_195 : vector<1x16xf32> to vector<16xf32>
        %mul3A_197 = arith.mulf %mul3A_192, %get3A_196 : vector<16xf32>
        %swap3A_198 = arith.index_cast %scan3A_147 : i32 to index
        %swap3A_199 = arith.constant 32 : index
        %swap3A_200 = tpu.vector_load %arg18[%swap3A_198, %swap3A_199] {strides = array<i32>} : memref<128x64xf32, #tpu.memory_space<vmem>>, vector<1x16xf32>,
        %swap3A_201 = vector.shape_cast %swap3A_200 : vector<1x16xf32> to vector<16xf32>
        %swap3A_202 = vector.shape_cast %mul3A_197 : vector<16xf32> to vector<1x16xf32>
        tpu.vector_store %arg18[%swap3A_198, %swap3A_199], %swap3A_202 {strides = array<i32>} : memref<128x64xf32, #tpu.memory_space<vmem>>, vector<1x16xf32>,
        %get3A_203 = arith.index_cast %scan3A_147 : i32 to index
        %get3A_204 = arith.constant 48 : index
        %get3A_205 = tpu.vector_load %arg12[%get3A_203, %get3A_204] {strides = array<i32>} : memref<128x64xf32, #tpu.memory_space<vmem>>, vector<1x16xf32>,
        %get3A_206 = vector.shape_cast %get3A_205 : vector<1x16xf32> to vector<16xf32>
        %get3A_207 = arith.index_cast %scan3A_147 : i32 to index
        %get3A_208 = arith.constant 48 : index
        %get3A_209 = tpu.vector_load %arg14[%get3A_207, %get3A_208] {strides = array<i32>} : memref<128x64xf32, #tpu.memory_space<vmem>>, vector<1x16xf32>,
        %get3A_210 = vector.shape_cast %get3A_209 : vector<1x16xf32> to vector<16xf32>
        %mul3A_211 = arith.mulf %get3A_206, %get3A_210 : vector<16xf32>
        %get3A_212 = arith.index_cast %scan3A_147 : i32 to index
        %get3A_213 = arith.constant 48 : index
        %get3A_214 = tpu.vector_load %arg16[%get3A_212, %get3A_213] {strides = array<i32>} : memref<128x64xf32, #tpu.memory_space<vmem>>, vector<1x16xf32>,
        %get3A_215 = vector.shape_cast %get3A_214 : vector<1x16xf32> to vector<16xf32>
        %mul3A_216 = arith.mulf %mul3A_211, %get3A_215 : vector<16xf32>
        %swap3A_217 = arith.index_cast %scan3A_147 : i32 to index
        %swap3A_218 = arith.constant 48 : index
        %swap3A_219 = tpu.vector_load %arg18[%swap3A_217, %swap3A_218] {strides = array<i32>} : memref<128x64xf32, #tpu.memory_space<vmem>>, vector<1x16xf32>,
        %swap3A_220 = vector.shape_cast %swap3A_219 : vector<1x16xf32> to vector<16xf32>
        %swap3A_221 = vector.shape_cast %mul3A_216 : vector<16xf32> to vector<1x16xf32>
        tpu.vector_store %arg18[%swap3A_217, %swap3A_218], %swap3A_221 {strides = array<i32>} : memref<128x64xf32, #tpu.memory_space<vmem>>, vector<1x16xf32>,
        %scan3A_222 = arith.constant 1 : i32
        %scan3A_223 = arith.addi %scan3A_147, %scan3A_222 : i32
        %get3A_224 = arith.index_cast %scan3A_223 : i32 to index
        %get3A_225 = arith.constant 0 : index
        %get3A_226 = tpu.vector_load %arg12[%get3A_224, %get3A_225] {strides = array<i32>} : memref<128x64xf32, #tpu.memory_space<vmem>>, vector<1x16xf32>,
        %get3A_227 = vector.shape_cast %get3A_226 : vector<1x16xf32> to vector<16xf32>
        %get3A_228 = arith.index_cast %scan3A_223 : i32 to index
        %get3A_229 = arith.constant 0 : index
        %get3A_230 = tpu.vector_load %arg14[%get3A_228, %get3A_229] {strides = array<i32>} : memref<128x64xf32, #tpu.memory_space<vmem>>, vector<1x16xf32>,
        %get3A_231 = vector.shape_cast %get3A_230 : vector<1x16xf32> to vector<16xf32>
        %mul3A_232 = arith.mulf %get3A_227, %get3A_231 : vector<16xf32>
        %get3A_233 = arith.index_cast %scan3A_223 : i32 to index
        %get3A_234 = arith.constant 0 : index
        %get3A_235 = tpu.vector_load %arg16[%get3A_233, %get3A_234] {strides = array<i32>} : memref<128x64xf32, #tpu.memory_space<vmem>>, vector<1x16xf32>,
        %get3A_236 = vector.shape_cast %get3A_235 : vector<1x16xf32> to vector<16xf32>
        %mul3A_237 = arith.mulf %mul3A_232, %get3A_236 : vector<16xf32>
        %swap3A_238 = arith.index_cast %scan3A_223 : i32 to index
        %swap3A_239 = arith.constant 0 : index
        %swap3A_240 = tpu.vector_load %arg18[%swap3A_238, %swap3A_239] {strides = array<i32>} : memref<128x64xf32, #tpu.memory_space<vmem>>, vector<1x16xf32>,
        %swap3A_241 = vector.shape_cast %swap3A_240 : vector<1x16xf32> to vector<16xf32>
        %swap3A_242 = vector.shape_cast %mul3A_237 : vector<16xf32> to vector<1x16xf32>
        tpu.vector_store %arg18[%swap3A_238, %swap3A_239], %swap3A_242 {strides = array<i32>} : memref<128x64xf32, #tpu.memory_space<vmem>>, vector<1x16xf32>,
        %get3A_243 = arith.index_cast %scan3A_223 : i32 to index
        %get3A_244 = arith.constant 16 : index
        %get3A_245 = tpu.vector_load %arg12[%get3A_243, %get3A_244] {strides = array<i32>} : memref<128x64xf32, #tpu.memory_space<vmem>>, vector<1x16xf32>,
        %get3A_246 = vector.shape_cast %get3A_245 : vector<1x16xf32> to vector<16xf32>
        %get3A_247 = arith.index_cast %scan3A_223 : i32 to index
        %get3A_248 = arith.constant 16 : index
        %get3A_249 = tpu.vector_load %arg14[%get3A_247, %get3A_248] {strides = array<i32>} : memref<128x64xf32, #tpu.memory_space<vmem>>, vector<1x16xf32>,
        %get3A_250 = vector.shape_cast %get3A_249 : vector<1x16xf32> to vector<16xf32>
        %mul3A_251 = arith.mulf %get3A_246, %get3A_250 : vector<16xf32>
        %get3A_252 = arith.index_cast %scan3A_223 : i32 to index
        %get3A_253 = arith.constant 16 : index
        %get3A_254 = tpu.vector_load %arg16[%get3A_252, %get3A_253] {strides = array<i32>} : memref<128x64xf32, #tpu.memory_space<vmem>>, vector<1x16xf32>,
        %get3A_255 = vector.shape_cast %get3A_254 : vector<1x16xf32> to vector<16xf32>
        %mul3A_256 = arith.mulf %mul3A_251, %get3A_255 : vector<16xf32>
        %swap3A_257 = arith.index_cast %scan3A_223 : i32 to index
        %swap3A_258 = arith.constant 16 : index
        %swap3A_259 = tpu.vector_load %arg18[%swap3A_257, %swap3A_258] {strides = array<i32>} : memref<128x64xf32, #tpu.memory_space<vmem>>, vector<1x16xf32>,
        %swap3A_260 = vector.shape_cast %swap3A_259 : vector<1x16xf32> to vector<16xf32>
        %swap3A_261 = vector.shape_cast %mul3A_256 : vector<16xf32> to vector<1x16xf32>
        tpu.vector_store %arg18[%swap3A_257, %swap3A_258], %swap3A_261 {strides = array<i32>} : memref<128x64xf32, #tpu.memory_space<vmem>>, vector<1x16xf32>,
        %get3A_262 = arith.index_cast %scan3A_223 : i32 to index
        %get3A_263 = arith.constant 32 : index
        %get3A_264 = tpu.vector_load %arg12[%get3A_262, %get3A_263] {strides = array<i32>} : memref<128x64xf32, #tpu.memory_space<vmem>>, vector<1x16xf32>,
        %get3A_265 = vector.shape_cast %get3A_264 : vector<1x16xf32> to vector<16xf32>
        %get3A_266 = arith.index_cast %scan3A_223 : i32 to index
        %get3A_267 = arith.constant 32 : index
        %get3A_268 = tpu.vector_load %arg14[%get3A_266, %get3A_267] {strides = array<i32>} : memref<128x64xf32, #tpu.memory_space<vmem>>, vector<1x16xf32>,
        %get3A_269 = vector.shape_cast %get3A_268 : vector<1x16xf32> to vector<16xf32>
        %mul3A_270 = arith.mulf %get3A_265, %get3A_269 : vector<16xf32>
        %get3A_271 = arith.index_cast %scan3A_223 : i32 to index
        %get3A_272 = arith.constant 32 : index
        %get3A_273 = tpu.vector_load %arg16[%get3A_271, %get3A_272] {strides = array<i32>} : memref<128x64xf32, #tpu.memory_space<vmem>>, vector<1x16xf32>,
        %get3A_274 = vector.shape_cast %get3A_273 : vector<1x16xf32> to vector<16xf32>
        %mul3A_275 = arith.mulf %mul3A_270, %get3A_274 : vector<16xf32>
        %swap3A_276 = arith.index_cast %scan3A_223 : i32 to index
        %swap3A_277 = arith.constant 32 : index
        %swap3A_278 = tpu.vector_load %arg18[%swap3A_276, %swap3A_277] {strides = array<i32>} : memref<128x64xf32, #tpu.memory_space<vmem>>, vector<1x16xf32>,
        %swap3A_279 = vector.shape_cast %swap3A_278 : vector<1x16xf32> to vector<16xf32>
        %swap3A_280 = vector.shape_cast %mul3A_275 : vector<16xf32> to vector<1x16xf32>
        tpu.vector_store %arg18[%swap3A_276, %swap3A_277], %swap3A_280 {strides = array<i32>} : memref<128x64xf32, #tpu.memory_space<vmem>>, vector<1x16xf32>,
        %get3A_281 = arith.index_cast %scan3A_223 : i32 to index
        %get3A_282 = arith.constant 48 : index
        %get3A_283 = tpu.vector_load %arg12[%get3A_281, %get3A_282] {strides = array<i32>} : memref<128x64xf32, #tpu.memory_space<vmem>>, vector<1x16xf32>,
        %get3A_284 = vector.shape_cast %get3A_283 : vector<1x16xf32> to vector<16xf32>
        %get3A_285 = arith.index_cast %scan3A_223 : i32 to index
        %get3A_286 = arith.constant 48 : index
        %get3A_287 = tpu.vector_load %arg14[%get3A_285, %get3A_286] {strides = array<i32>} : memref<128x64xf32, #tpu.memory_space<vmem>>, vector<1x16xf32>,
        %get3A_288 = vector.shape_cast %get3A_287 : vector<1x16xf32> to vector<16xf32>
        %mul3A_289 = arith.mulf %get3A_284, %get3A_288 : vector<16xf32>
        %get3A_290 = arith.index_cast %scan3A_223 : i32 to index
        %get3A_291 = arith.constant 48 : index
        %get3A_292 = tpu.vector_load %arg16[%get3A_290, %get3A_291] {strides = array<i32>} : memref<128x64xf32, #tpu.memory_space<vmem>>, vector<1x16xf32>,
        %get3A_293 = vector.shape_cast %get3A_292 : vector<1x16xf32> to vector<16xf32>
        %mul3A_294 = arith.mulf %mul3A_289, %get3A_293 : vector<16xf32>
        %swap3A_295 = arith.index_cast %scan3A_223 : i32 to index
        %swap3A_296 = arith.constant 48 : index
        %swap3A_297 = tpu.vector_load %arg18[%swap3A_295, %swap3A_296] {strides = array<i32>} : memref<128x64xf32, #tpu.memory_space<vmem>>, vector<1x16xf32>,
        %swap3A_298 = vector.shape_cast %swap3A_297 : vector<1x16xf32> to vector<16xf32>
        %swap3A_299 = vector.shape_cast %mul3A_294 : vector<16xf32> to vector<1x16xf32>
        tpu.vector_store %arg18[%swap3A_295, %swap3A_296], %swap3A_299 {strides = array<i32>} : memref<128x64xf32, #tpu.memory_space<vmem>>, vector<1x16xf32>,
        %scan3A_300 = arith.constant 2 : i32
        %scan3A_301 = arith.addi %scan3A_147, %scan3A_300 : i32
        %get3A_302 = arith.index_cast %scan3A_301 : i32 to index
        %get3A_303 = arith.constant 0 : index
        %get3A_304 = tpu.vector_load %arg12[%get3A_302, %get3A_303] {strides = array<i32>} : memref<128x64xf32, #tpu.memory_space<vmem>>, vector<1x16xf32>,
        %get3A_305 = vector.shape_cast %get3A_304 : vector<1x16xf32> to vector<16xf32>
        %get3A_306 = arith.index_cast %scan3A_301 : i32 to index
        %get3A_307 = arith.constant 0 : index
        %get3A_308 = tpu.vector_load %arg14[%get3A_306, %get3A_307] {strides = array<i32>} : memref<128x64xf32, #tpu.memory_space<vmem>>, vector<1x16xf32>,
        %get3A_309 = vector.shape_cast %get3A_308 : vector<1x16xf32> to vector<16xf32>
        %mul3A_310 = arith.mulf %get3A_305, %get3A_309 : vector<16xf32>
        %get3A_311 = arith.index_cast %scan3A_301 : i32 to index
        %get3A_312 = arith.constant 0 : index
        %get3A_313 = tpu.vector_load %arg16[%get3A_311, %get3A_312] {strides = array<i32>} : memref<128x64xf32, #tpu.memory_space<vmem>>, vector<1x16xf32>,
        %get3A_314 = vector.shape_cast %get3A_313 : vector<1x16xf32> to vector<16xf32>
        %mul3A_315 = arith.mulf %mul3A_310, %get3A_314 : vector<16xf32>
        %swap3A_316 = arith.index_cast %scan3A_301 : i32 to index
        %swap3A_317 = arith.constant 0 : index
        %swap3A_318 = tpu.vector_load %arg18[%swap3A_316, %swap3A_317] {strides = array<i32>} : memref<128x64xf32, #tpu.memory_space<vmem>>, vector<1x16xf32>,
        %swap3A_319 = vector.shape_cast %swap3A_318 : vector<1x16xf32> to vector<16xf32>
        %swap3A_320 = vector.shape_cast %mul3A_315 : vector<16xf32> to vector<1x16xf32>
        tpu.vector_store %arg18[%swap3A_316, %swap3A_317], %swap3A_320 {strides = array<i32>} : memref<128x64xf32, #tpu.memory_space<vmem>>, vector<1x16xf32>,
        %get3A_321 = arith.index_cast %scan3A_301 : i32 to index
        %get3A_322 = arith.constant 16 : index
        %get3A_323 = tpu.vector_load %arg12[%get3A_321, %get3A_322] {strides = array<i32>} : memref<128x64xf32, #tpu.memory_space<vmem>>, vector<1x16xf32>,
        %get3A_324 = vector.shape_cast %get3A_323 : vector<1x16xf32> to vector<16xf32>
        %get3A_325 = arith.index_cast %scan3A_301 : i32 to index
        %get3A_326 = arith.constant 16 : index
        %get3A_327 = tpu.vector_load %arg14[%get3A_325, %get3A_326] {strides = array<i32>} : memref<128x64xf32, #tpu.memory_space<vmem>>, vector<1x16xf32>,
        %get3A_328 = vector.shape_cast %get3A_327 : vector<1x16xf32> to vector<16xf32>
        %mul3A_329 = arith.mulf %get3A_324, %get3A_328 : vector<16xf32>
        %get3A_330 = arith.index_cast %scan3A_301 : i32 to index
        %get3A_331 = arith.constant 16 : index
        %get3A_332 = tpu.vector_load %arg16[%get3A_330, %get3A_331] {strides = array<i32>} : memref<128x64xf32, #tpu.memory_space<vmem>>, vector<1x16xf32>,
        %get3A_333 = vector.shape_cast %get3A_332 : vector<1x16xf32> to vector<16xf32>
        %mul3A_334 = arith.mulf %mul3A_329, %get3A_333 : vector<16xf32>
        %swap3A_335 = arith.index_cast %scan3A_301 : i32 to index
        %swap3A_336 = arith.constant 16 : index
        %swap3A_337 = tpu.vector_load %arg18[%swap3A_335, %swap3A_336] {strides = array<i32>} : memref<128x64xf32, #tpu.memory_space<vmem>>, vector<1x16xf32>,
        %swap3A_338 = vector.shape_cast %swap3A_337 : vector<1x16xf32> to vector<16xf32>
        %swap3A_339 = vector.shape_cast %mul3A_334 : vector<16xf32> to vector<1x16xf32>
        tpu.vector_store %arg18[%swap3A_335, %swap3A_336], %swap3A_339 {strides = array<i32>} : memref<128x64xf32, #tpu.memory_space<vmem>>, vector<1x16xf32>,
        %get3A_340 = arith.index_cast %scan3A_301 : i32 to index
        %get3A_341 = arith.constant 32 : index
        %get3A_342 = tpu.vector_load %arg12[%get3A_340, %get3A_341] {strides = array<i32>} : memref<128x64xf32, #tpu.memory_space<vmem>>, vector<1x16xf32>,
        %get3A_343 = vector.shape_cast %get3A_342 : vector<1x16xf32> to vector<16xf32>
        %get3A_344 = arith.index_cast %scan3A_301 : i32 to index
        %get3A_345 = arith.constant 32 : index
        %get3A_346 = tpu.vector_load %arg14[%get3A_344, %get3A_345] {strides = array<i32>} : memref<128x64xf32, #tpu.memory_space<vmem>>, vector<1x16xf32>,
        %get3A_347 = vector.shape_cast %get3A_346 : vector<1x16xf32> to vector<16xf32>
        %mul3A_348 = arith.mulf %get3A_343, %get3A_347 : vector<16xf32>
        %get3A_349 = arith.index_cast %scan3A_301 : i32 to index
        %get3A_350 = arith.constant 32 : index
        %get3A_351 = tpu.vector_load %arg16[%get3A_349, %get3A_350] {strides = array<i32>} : memref<128x64xf32, #tpu.memory_space<vmem>>, vector<1x16xf32>,
        %get3A_352 = vector.shape_cast %get3A_351 : vector<1x16xf32> to vector<16xf32>
        %mul3A_353 = arith.mulf %mul3A_348, %get3A_352 : vector<16xf32>
        %swap3A_354 = arith.index_cast %scan3A_301 : i32 to index
        %swap3A_355 = arith.constant 32 : index
        %swap3A_356 = tpu.vector_load %arg18[%swap3A_354, %swap3A_355] {strides = array<i32>} : memref<128x64xf32, #tpu.memory_space<vmem>>, vector<1x16xf32>,
        %swap3A_357 = vector.shape_cast %swap3A_356 : vector<1x16xf32> to vector<16xf32>
        %swap3A_358 = vector.shape_cast %mul3A_353 : vector<16xf32> to vector<1x16xf32>
        tpu.vector_store %arg18[%swap3A_354, %swap3A_355], %swap3A_358 {strides = array<i32>} : memref<128x64xf32, #tpu.memory_space<vmem>>, vector<1x16xf32>,
        %get3A_359 = arith.index_cast %scan3A_301 : i32 to index
        %get3A_360 = arith.constant 48 : index
        %get3A_361 = tpu.vector_load %arg12[%get3A_359, %get3A_360] {strides = array<i32>} : memref<128x64xf32, #tpu.memory_space<vmem>>, vector<1x16xf32>,
        %get3A_362 = vector.shape_cast %get3A_361 : vector<1x16xf32> to vector<16xf32>
        %get3A_363 = arith.index_cast %scan3A_301 : i32 to index
        %get3A_364 = arith.constant 48 : index
        %get3A_365 = tpu.vector_load %arg14[%get3A_363, %get3A_364] {strides = array<i32>} : memref<128x64xf32, #tpu.memory_space<vmem>>, vector<1x16xf32>,
        %get3A_366 = vector.shape_cast %get3A_365 : vector<1x16xf32> to vector<16xf32>
        %mul3A_367 = arith.mulf %get3A_362, %get3A_366 : vector<16xf32>
        %get3A_368 = arith.index_cast %scan3A_301 : i32 to index
        %get3A_369 = arith.constant 48 : index
        %get3A_370 = tpu.vector_load %arg16[%get3A_368, %get3A_369] {strides = array<i32>} : memref<128x64xf32, #tpu.memory_space<vmem>>, vector<1x16xf32>,
        %get3A_371 = vector.shape_cast %get3A_370 : vector<1x16xf32> to vector<16xf32>
        %mul3A_372 = arith.mulf %mul3A_367, %get3A_371 : vector<16xf32>
        %swap3A_373 = arith.index_cast %scan3A_301 : i32 to index
        %swap3A_374 = arith.constant 48 : index
        %swap3A_375 = tpu.vector_load %arg18[%swap3A_373, %swap3A_374] {strides = array<i32>} : memref<128x64xf32, #tpu.memory_space<vmem>>, vector<1x16xf32>,
        %swap3A_376 = vector.shape_cast %swap3A_375 : vector<1x16xf32> to vector<16xf32>
        %swap3A_377 = vector.shape_cast %mul3A_372 : vector<16xf32> to vector<1x16xf32>
        tpu.vector_store %arg18[%swap3A_373, %swap3A_374], %swap3A_377 {strides = array<i32>} : memref<128x64xf32, #tpu.memory_space<vmem>>, vector<1x16xf32>,
        %scan3A_378 = arith.constant 3 : i32
        %scan3A_379 = arith.addi %scan3A_147, %scan3A_378 : i32
        %get3A_380 = arith.index_cast %scan3A_379 : i32 to index
        %get3A_381 = arith.constant 0 : index
        %get3A_382 = tpu.vector_load %arg12[%get3A_380, %get3A_381] {strides = array<i32>} : memref<128x64xf32, #tpu.memory_space<vmem>>, vector<1x16xf32>,
        %get3A_383 = vector.shape_cast %get3A_382 : vector<1x16xf32> to vector<16xf32>
        %get3A_384 = arith.index_cast %scan3A_379 : i32 to index
        %get3A_385 = arith.constant 0 : index
        %get3A_386 = tpu.vector_load %arg14[%get3A_384, %get3A_385] {strides = array<i32>} : memref<128x64xf32, #tpu.memory_space<vmem>>, vector<1x16xf32>,
        %get3A_387 = vector.shape_cast %get3A_386 : vector<1x16xf32> to vector<16xf32>
        %mul3A_388 = arith.mulf %get3A_383, %get3A_387 : vector<16xf32>
        %get3A_389 = arith.index_cast %scan3A_379 : i32 to index
        %get3A_390 = arith.constant 0 : index
        %get3A_391 = tpu.vector_load %arg16[%get3A_389, %get3A_390] {strides = array<i32>} : memref<128x64xf32, #tpu.memory_space<vmem>>, vector<1x16xf32>,
        %get3A_392 = vector.shape_cast %get3A_391 : vector<1x16xf32> to vector<16xf32>
        %mul3A_393 = arith.mulf %mul3A_388, %get3A_392 : vector<16xf32>
        %swap3A_394 = arith.index_cast %scan3A_379 : i32 to index
        %swap3A_395 = arith.constant 0 : index
        %swap3A_396 = tpu.vector_load %arg18[%swap3A_394, %swap3A_395] {strides = array<i32>} : memref<128x64xf32, #tpu.memory_space<vmem>>, vector<1x16xf32>,
        %swap3A_397 = vector.shape_cast %swap3A_396 : vector<1x16xf32> to vector<16xf32>
        %swap3A_398 = vector.shape_cast %mul3A_393 : vector<16xf32> to vector<1x16xf32>
        tpu.vector_store %arg18[%swap3A_394, %swap3A_395], %swap3A_398 {strides = array<i32>} : memref<128x64xf32, #tpu.memory_space<vmem>>, vector<1x16xf32>,
        %get3A_399 = arith.index_cast %scan3A_379 : i32 to index
        %get3A_400 = arith.constant 16 : index
        %get3A_401 = tpu.vector_load %arg12[%get3A_399, %get3A_400] {strides = array<i32>} : memref<128x64xf32, #tpu.memory_space<vmem>>, vector<1x16xf32>,
        %get3A_402 = vector.shape_cast %get3A_401 : vector<1x16xf32> to vector<16xf32>
        %get3A_403 = arith.index_cast %scan3A_379 : i32 to index
        %get3A_404 = arith.constant 16 : index
        %get3A_405 = tpu.vector_load %arg14[%get3A_403, %get3A_404] {strides = array<i32>} : memref<128x64xf32, #tpu.memory_space<vmem>>, vector<1x16xf32>,
        %get3A_406 = vector.shape_cast %get3A_405 : vector<1x16xf32> to vector<16xf32>
        %mul3A_407 = arith.mulf %get3A_402, %get3A_406 : vector<16xf32>
        %get3A_408 = arith.index_cast %scan3A_379 : i32 to index
        %get3A_409 = arith.constant 16 : index
        %get3A_410 = tpu.vector_load %arg16[%get3A_408, %get3A_409] {strides = array<i32>} : memref<128x64xf32, #tpu.memory_space<vmem>>, vector<1x16xf32>,
        %get3A_411 = vector.shape_cast %get3A_410 : vector<1x16xf32> to vector<16xf32>
        %mul3A_412 = arith.mulf %mul3A_407, %get3A_411 : vector<16xf32>
        %swap3A_413 = arith.index_cast %scan3A_379 : i32 to index
        %swap3A_414 = arith.constant 16 : index
        %swap3A_415 = tpu.vector_load %arg18[%swap3A_413, %swap3A_414] {strides = array<i32>} : memref<128x64xf32, #tpu.memory_space<vmem>>, vector<1x16xf32>,
        %swap3A_416 = vector.shape_cast %swap3A_415 : vector<1x16xf32> to vector<16xf32>
        %swap3A_417 = vector.shape_cast %mul3A_412 : vector<16xf32> to vector<1x16xf32>
        tpu.vector_store %arg18[%swap3A_413, %swap3A_414], %swap3A_417 {strides = array<i32>} : memref<128x64xf32, #tpu.memory_space<vmem>>, vector<1x16xf32>,
        %get3A_418 = arith.index_cast %scan3A_379 : i32 to index
        %get3A_419 = arith.constant 32 : index
        %get3A_420 = tpu.vector_load %arg12[%get3A_418, %get3A_419] {strides = array<i32>} : memref<128x64xf32, #tpu.memory_space<vmem>>, vector<1x16xf32>,
        %get3A_421 = vector.shape_cast %get3A_420 : vector<1x16xf32> to vector<16xf32>
        %get3A_422 = arith.index_cast %scan3A_379 : i32 to index
        %get3A_423 = arith.constant 32 : index
        %get3A_424 = tpu.vector_load %arg14[%get3A_422, %get3A_423] {strides = array<i32>} : memref<128x64xf32, #tpu.memory_space<vmem>>, vector<1x16xf32>,
        %get3A_425 = vector.shape_cast %get3A_424 : vector<1x16xf32> to vector<16xf32>
        %mul3A_426 = arith.mulf %get3A_421, %get3A_425 : vector<16xf32>
        %get3A_427 = arith.index_cast %scan3A_379 : i32 to index
        %get3A_428 = arith.constant 32 : index
        %get3A_429 = tpu.vector_load %arg16[%get3A_427, %get3A_428] {strides = array<i32>} : memref<128x64xf32, #tpu.memory_space<vmem>>, vector<1x16xf32>,
        %get3A_430 = vector.shape_cast %get3A_429 : vector<1x16xf32> to vector<16xf32>
        %mul3A_431 = arith.mulf %mul3A_426, %get3A_430 : vector<16xf32>
        %swap3A_432 = arith.index_cast %scan3A_379 : i32 to index
        %swap3A_433 = arith.constant 32 : index
        %swap3A_434 = tpu.vector_load %arg18[%swap3A_432, %swap3A_433] {strides = array<i32>} : memref<128x64xf32, #tpu.memory_space<vmem>>, vector<1x16xf32>,
        %swap3A_435 = vector.shape_cast %swap3A_434 : vector<1x16xf32> to vector<16xf32>
        %swap3A_436 = vector.shape_cast %mul3A_431 : vector<16xf32> to vector<1x16xf32>
        tpu.vector_store %arg18[%swap3A_432, %swap3A_433], %swap3A_436 {strides = array<i32>} : memref<128x64xf32, #tpu.memory_space<vmem>>, vector<1x16xf32>,
        %get3A_437 = arith.index_cast %scan3A_379 : i32 to index
        %get3A_438 = arith.constant 48 : index
        %get3A_439 = tpu.vector_load %arg12[%get3A_437, %get3A_438] {strides = array<i32>} : memref<128x64xf32, #tpu.memory_space<vmem>>, vector<1x16xf32>,
        %get3A_440 = vector.shape_cast %get3A_439 : vector<1x16xf32> to vector<16xf32>
        %get3A_441 = arith.index_cast %scan3A_379 : i32 to index
        %get3A_442 = arith.constant 48 : index
        %get3A_443 = tpu.vector_load %arg14[%get3A_441, %get3A_442] {strides = array<i32>} : memref<128x64xf32, #tpu.memory_space<vmem>>, vector<1x16xf32>,
        %get3A_444 = vector.shape_cast %get3A_443 : vector<1x16xf32> to vector<16xf32>
        %mul3A_445 = arith.mulf %get3A_440, %get3A_444 : vector<16xf32>
        %get3A_446 = arith.index_cast %scan3A_379 : i32 to index
        %get3A_447 = arith.constant 48 : index
        %get3A_448 = tpu.vector_load %arg16[%get3A_446, %get3A_447] {strides = array<i32>} : memref<128x64xf32, #tpu.memory_space<vmem>>, vector<1x16xf32>,
        %get3A_449 = vector.shape_cast %get3A_448 : vector<1x16xf32> to vector<16xf32>
        %mul3A_450 = arith.mulf %mul3A_445, %get3A_449 : vector<16xf32>
        %swap3A_451 = arith.index_cast %scan3A_379 : i32 to index
        %swap3A_452 = arith.constant 48 : index
        %swap3A_453 = tpu.vector_load %arg18[%swap3A_451, %swap3A_452] {strides = array<i32>} : memref<128x64xf32, #tpu.memory_space<vmem>>, vector<1x16xf32>,
        %swap3A_454 = vector.shape_cast %swap3A_453 : vector<1x16xf32> to vector<16xf32>
        %swap3A_455 = vector.shape_cast %mul3A_450 : vector<16xf32> to vector<1x16xf32>
        tpu.vector_store %arg18[%swap3A_451, %swap3A_452], %swap3A_455 {strides = array<i32>} : memref<128x64xf32, #tpu.memory_space<vmem>>, vector<1x16xf32>,
        %scan3A_456 = arith.constant 4 : i32
        %scan3A_457 = arith.addi %scan3A_147, %scan3A_456 : i32
        %get3A_458 = arith.index_cast %scan3A_457 : i32 to index
        %get3A_459 = arith.constant 0 : index
        %get3A_460 = tpu.vector_load %arg12[%get3A_458, %get3A_459] {strides = array<i32>} : memref<128x64xf32, #tpu.memory_space<vmem>>, vector<1x16xf32>,
        %get3A_461 = vector.shape_cast %get3A_460 : vector<1x16xf32> to vector<16xf32>
        %get3A_462 = arith.index_cast %scan3A_457 : i32 to index
        %get3A_463 = arith.constant 0 : index
        %get3A_464 = tpu.vector_load %arg14[%get3A_462, %get3A_463] {strides = array<i32>} : memref<128x64xf32, #tpu.memory_space<vmem>>, vector<1x16xf32>,
        %get3A_465 = vector.shape_cast %get3A_464 : vector<1x16xf32> to vector<16xf32>
        %mul3A_466 = arith.mulf %get3A_461, %get3A_465 : vector<16xf32>
        %get3A_467 = arith.index_cast %scan3A_457 : i32 to index
        %get3A_468 = arith.constant 0 : index
        %get3A_469 = tpu.vector_load %arg16[%get3A_467, %get3A_468] {strides = array<i32>} : memref<128x64xf32, #tpu.memory_space<vmem>>, vector<1x16xf32>,
        %get3A_470 = vector.shape_cast %get3A_469 : vector<1x16xf32> to vector<16xf32>
        %mul3A_471 = arith.mulf %mul3A_466, %get3A_470 : vector<16xf32>
        %swap3A_472 = arith.index_cast %scan3A_457 : i32 to index
        %swap3A_473 = arith.constant 0 : index
        %swap3A_474 = tpu.vector_load %arg18[%swap3A_472, %swap3A_473] {strides = array<i32>} : memref<128x64xf32, #tpu.memory_space<vmem>>, vector<1x16xf32>,
        %swap3A_475 = vector.shape_cast %swap3A_474 : vector<1x16xf32> to vector<16xf32>
        %swap3A_476 = vector.shape_cast %mul3A_471 : vector<16xf32> to vector<1x16xf32>
        tpu.vector_store %arg18[%swap3A_472, %swap3A_473], %swap3A_476 {strides = array<i32>} : memref<128x64xf32, #tpu.memory_space<vmem>>, vector<1x16xf32>,
        %get3A_477 = arith.index_cast %scan3A_457 : i32 to index
        %get3A_478 = arith.constant 16 : index
        %get3A_479 = tpu.vector_load %arg12[%get3A_477, %get3A_478] {strides = array<i32>} : memref<128x64xf32, #tpu.memory_space<vmem>>, vector<1x16xf32>,
        %get3A_480 = vector.shape_cast %get3A_479 : vector<1x16xf32> to vector<16xf32>
        %get3A_481 = arith.index_cast %scan3A_457 : i32 to index
        %get3A_482 = arith.constant 16 : index
        %get3A_483 = tpu.vector_load %arg14[%get3A_481, %get3A_482] {strides = array<i32>} : memref<128x64xf32, #tpu.memory_space<vmem>>, vector<1x16xf32>,
        %get3A_484 = vector.shape_cast %get3A_483 : vector<1x16xf32> to vector<16xf32>
        %mul3A_485 = arith.mulf %get3A_480, %get3A_484 : vector<16xf32>
        %get3A_486 = arith.index_cast %scan3A_457 : i32 to index
        %get3A_487 = arith.constant 16 : index
        %get3A_488 = tpu.vector_load %arg16[%get3A_486, %get3A_487] {strides = array<i32>} : memref<128x64xf32, #tpu.memory_space<vmem>>, vector<1x16xf32>,
        %get3A_489 = vector.shape_cast %get3A_488 : vector<1x16xf32> to vector<16xf32>
        %mul3A_490 = arith.mulf %mul3A_485, %get3A_489 : vector<16xf32>
        %swap3A_491 = arith.index_cast %scan3A_457 : i32 to index
        %swap3A_492 = arith.constant 16 : index
        %swap3A_493 = tpu.vector_load %arg18[%swap3A_491, %swap3A_492] {strides = array<i32>} : memref<128x64xf32, #tpu.memory_space<vmem>>, vector<1x16xf32>,
        %swap3A_494 = vector.shape_cast %swap3A_493 : vector<1x16xf32> to vector<16xf32>
        %swap3A_495 = vector.shape_cast %mul3A_490 : vector<16xf32> to vector<1x16xf32>
        tpu.vector_store %arg18[%swap3A_491, %swap3A_492], %swap3A_495 {strides = array<i32>} : memref<128x64xf32, #tpu.memory_space<vmem>>, vector<1x16xf32>,
        %get3A_496 = arith.index_cast %scan3A_457 : i32 to index
        %get3A_497 = arith.constant 32 : index
        %get3A_498 = tpu.vector_load %arg12[%get3A_496, %get3A_497] {strides = array<i32>} : memref<128x64xf32, #tpu.memory_space<vmem>>, vector<1x16xf32>,
        %get3A_499 = vector.shape_cast %get3A_498 : vector<1x16xf32> to vector<16xf32>
        %get3A_500 = arith.index_cast %scan3A_457 : i32 to index
        %get3A_501 = arith.constant 32 : index
        %get3A_502 = tpu.vector_load %arg14[%get3A_500, %get3A_501] {strides = array<i32>} : memref<128x64xf32, #tpu.memory_space<vmem>>, vector<1x16xf32>,
        %get3A_503 = vector.shape_cast %get3A_502 : vector<1x16xf32> to vector<16xf32>
        %mul3A_504 = arith.mulf %get3A_499, %get3A_503 : vector<16xf32>
        %get3A_505 = arith.index_cast %scan3A_457 : i32 to index
        %get3A_506 = arith.constant 32 : index
        %get3A_507 = tpu.vector_load %arg16[%get3A_505, %get3A_506] {strides = array<i32>} : memref<128x64xf32, #tpu.memory_space<vmem>>, vector<1x16xf32>,
        %get3A_508 = vector.shape_cast %get3A_507 : vector<1x16xf32> to vector<16xf32>
        %mul3A_509 = arith.mulf %mul3A_504, %get3A_508 : vector<16xf32>
        %swap3A_510 = arith.index_cast %scan3A_457 : i32 to index
        %swap3A_511 = arith.constant 32 : index
        %swap3A_512 = tpu.vector_load %arg18[%swap3A_510, %swap3A_511] {strides = array<i32>} : memref<128x64xf32, #tpu.memory_space<vmem>>, vector<1x16xf32>,
        %swap3A_513 = vector.shape_cast %swap3A_512 : vector<1x16xf32> to vector<16xf32>
        %swap3A_514 = vector.shape_cast %mul3A_509 : vector<16xf32> to vector<1x16xf32>
        tpu.vector_store %arg18[%swap3A_510, %swap3A_511], %swap3A_514 {strides = array<i32>} : memref<128x64xf32, #tpu.memory_space<vmem>>, vector<1x16xf32>,
        %get3A_515 = arith.index_cast %scan3A_457 : i32 to index
        %get3A_516 = arith.constant 48 : index
        %get3A_517 = tpu.vector_load %arg12[%get3A_515, %get3A_516] {strides = array<i32>} : memref<128x64xf32, #tpu.memory_space<vmem>>, vector<1x16xf32>,
        %get3A_518 = vector.shape_cast %get3A_517 : vector<1x16xf32> to vector<16xf32>
        %get3A_519 = arith.index_cast %scan3A_457 : i32 to index
        %get3A_520 = arith.constant 48 : index
        %get3A_521 = tpu.vector_load %arg14[%get3A_519, %get3A_520] {strides = array<i32>} : memref<128x64xf32, #tpu.memory_space<vmem>>, vector<1x16xf32>,
        %get3A_522 = vector.shape_cast %get3A_521 : vector<1x16xf32> to vector<16xf32>
        %mul3A_523 = arith.mulf %get3A_518, %get3A_522 : vector<16xf32>
        %get3A_524 = arith.index_cast %scan3A_457 : i32 to index
        %get3A_525 = arith.constant 48 : index
        %get3A_526 = tpu.vector_load %arg16[%get3A_524, %get3A_525] {strides = array<i32>} : memref<128x64xf32, #tpu.memory_space<vmem>>, vector<1x16xf32>,
        %get3A_527 = vector.shape_cast %get3A_526 : vector<1x16xf32> to vector<16xf32>
        %mul3A_528 = arith.mulf %mul3A_523, %get3A_527 : vector<16xf32>
        %swap3A_529 = arith.index_cast %scan3A_457 : i32 to index
        %swap3A_530 = arith.constant 48 : index
        %swap3A_531 = tpu.vector_load %arg18[%swap3A_529, %swap3A_530] {strides = array<i32>} : memref<128x64xf32, #tpu.memory_space<vmem>>, vector<1x16xf32>,
        %swap3A_532 = vector.shape_cast %swap3A_531 : vector<1x16xf32> to vector<16xf32>
        %swap3A_533 = vector.shape_cast %mul3A_528 : vector<16xf32> to vector<1x16xf32>
        tpu.vector_store %arg18[%swap3A_529, %swap3A_530], %swap3A_533 {strides = array<i32>} : memref<128x64xf32, #tpu.memory_space<vmem>>, vector<1x16xf32>,
        %scan3A_534 = arith.constant 5 : i32
        %scan3A_535 = arith.addi %scan3A_147, %scan3A_534 : i32
        %get3A_536 = arith.index_cast %scan3A_535 : i32 to index
        %get3A_537 = arith.constant 0 : index
        %get3A_538 = tpu.vector_load %arg12[%get3A_536, %get3A_537] {strides = array<i32>} : memref<128x64xf32, #tpu.memory_space<vmem>>, vector<1x16xf32>,
        %get3A_539 = vector.shape_cast %get3A_538 : vector<1x16xf32> to vector<16xf32>
        %get3A_540 = arith.index_cast %scan3A_535 : i32 to index
        %get3A_541 = arith.constant 0 : index
        %get3A_542 = tpu.vector_load %arg14[%get3A_540, %get3A_541] {strides = array<i32>} : memref<128x64xf32, #tpu.memory_space<vmem>>, vector<1x16xf32>,
        %get3A_543 = vector.shape_cast %get3A_542 : vector<1x16xf32> to vector<16xf32>
        %mul3A_544 = arith.mulf %get3A_539, %get3A_543 : vector<16xf32>
        %get3A_545 = arith.index_cast %scan3A_535 : i32 to index
        %get3A_546 = arith.constant 0 : index
        %get3A_547 = tpu.vector_load %arg16[%get3A_545, %get3A_546] {strides = array<i32>} : memref<128x64xf32, #tpu.memory_space<vmem>>, vector<1x16xf32>,
        %get3A_548 = vector.shape_cast %get3A_547 : vector<1x16xf32> to vector<16xf32>
        %mul3A_549 = arith.mulf %mul3A_544, %get3A_548 : vector<16xf32>
        %swap3A_550 = arith.index_cast %scan3A_535 : i32 to index
        %swap3A_551 = arith.constant 0 : index
        %swap3A_552 = tpu.vector_load %arg18[%swap3A_550, %swap3A_551] {strides = array<i32>} : memref<128x64xf32, #tpu.memory_space<vmem>>, vector<1x16xf32>,
        %swap3A_553 = vector.shape_cast %swap3A_552 : vector<1x16xf32> to vector<16xf32>
        %swap3A_554 = vector.shape_cast %mul3A_549 : vector<16xf32> to vector<1x16xf32>
        tpu.vector_store %arg18[%swap3A_550, %swap3A_551], %swap3A_554 {strides = array<i32>} : memref<128x64xf32, #tpu.memory_space<vmem>>, vector<1x16xf32>,
        %get3A_555 = arith.index_cast %scan3A_535 : i32 to index
        %get3A_556 = arith.constant 16 : index
        %get3A_557 = tpu.vector_load %arg12[%get3A_555, %get3A_556] {strides = array<i32>} : memref<128x64xf32, #tpu.memory_space<vmem>>, vector<1x16xf32>,
        %get3A_558 = vector.shape_cast %get3A_557 : vector<1x16xf32> to vector<16xf32>
        %get3A_559 = arith.index_cast %scan3A_535 : i32 to index
        %get3A_560 = arith.constant 16 : index
        %get3A_561 = tpu.vector_load %arg14[%get3A_559, %get3A_560] {strides = array<i32>} : memref<128x64xf32, #tpu.memory_space<vmem>>, vector<1x16xf32>,
        %get3A_562 = vector.shape_cast %get3A_561 : vector<1x16xf32> to vector<16xf32>
        %mul3A_563 = arith.mulf %get3A_558, %get3A_562 : vector<16xf32>
        %get3A_564 = arith.index_cast %scan3A_535 : i32 to index
        %get3A_565 = arith.constant 16 : index
        %get3A_566 = tpu.vector_load %arg16[%get3A_564, %get3A_565] {strides = array<i32>} : memref<128x64xf32, #tpu.memory_space<vmem>>, vector<1x16xf32>,
        %get3A_567 = vector.shape_cast %get3A_566 : vector<1x16xf32> to vector<16xf32>
        %mul3A_568 = arith.mulf %mul3A_563, %get3A_567 : vector<16xf32>
        %swap3A_569 = arith.index_cast %scan3A_535 : i32 to index
        %swap3A_570 = arith.constant 16 : index
        %swap3A_571 = tpu.vector_load %arg18[%swap3A_569, %swap3A_570] {strides = array<i32>} : memref<128x64xf32, #tpu.memory_space<vmem>>, vector<1x16xf32>,
        %swap3A_572 = vector.shape_cast %swap3A_571 : vector<1x16xf32> to vector<16xf32>
        %swap3A_573 = vector.shape_cast %mul3A_568 : vector<16xf32> to vector<1x16xf32>
        tpu.vector_store %arg18[%swap3A_569, %swap3A_570], %swap3A_573 {strides = array<i32>} : memref<128x64xf32, #tpu.memory_space<vmem>>, vector<1x16xf32>,
        %get3A_574 = arith.index_cast %scan3A_535 : i32 to index
        %get3A_575 = arith.constant 32 : index
        %get3A_576 = tpu.vector_load %arg12[%get3A_574, %get3A_575] {strides = array<i32>} : memref<128x64xf32, #tpu.memory_space<vmem>>, vector<1x16xf32>,
        %get3A_577 = vector.shape_cast %get3A_576 : vector<1x16xf32> to vector<16xf32>
        %get3A_578 = arith.index_cast %scan3A_535 : i32 to index
        %get3A_579 = arith.constant 32 : index
        %get3A_580 = tpu.vector_load %arg14[%get3A_578, %get3A_579] {strides = array<i32>} : memref<128x64xf32, #tpu.memory_space<vmem>>, vector<1x16xf32>,
        %get3A_581 = vector.shape_cast %get3A_580 : vector<1x16xf32> to vector<16xf32>
        %mul3A_582 = arith.mulf %get3A_577, %get3A_581 : vector<16xf32>
        %get3A_583 = arith.index_cast %scan3A_535 : i32 to index
        %get3A_584 = arith.constant 32 : index
        %get3A_585 = tpu.vector_load %arg16[%get3A_583, %get3A_584] {strides = array<i32>} : memref<128x64xf32, #tpu.memory_space<vmem>>, vector<1x16xf32>,
        %get3A_586 = vector.shape_cast %get3A_585 : vector<1x16xf32> to vector<16xf32>
        %mul3A_587 = arith.mulf %mul3A_582, %get3A_586 : vector<16xf32>
        %swap3A_588 = arith.index_cast %scan3A_535 : i32 to index
        %swap3A_589 = arith.constant 32 : index
        %swap3A_590 = tpu.vector_load %arg18[%swap3A_588, %swap3A_589] {strides = array<i32>} : memref<128x64xf32, #tpu.memory_space<vmem>>, vector<1x16xf32>,
        %swap3A_591 = vector.shape_cast %swap3A_590 : vector<1x16xf32> to vector<16xf32>
        %swap3A_592 = vector.shape_cast %mul3A_587 : vector<16xf32> to vector<1x16xf32>
        tpu.vector_store %arg18[%swap3A_588, %swap3A_589], %swap3A_592 {strides = array<i32>} : memref<128x64xf32, #tpu.memory_space<vmem>>, vector<1x16xf32>,
        %get3A_593 = arith.index_cast %scan3A_535 : i32 to index
        %get3A_594 = arith.constant 48 : index
        %get3A_595 = tpu.vector_load %arg12[%get3A_593, %get3A_594] {strides = array<i32>} : memref<128x64xf32, #tpu.memory_space<vmem>>, vector<1x16xf32>,
        %get3A_596 = vector.shape_cast %get3A_595 : vector<1x16xf32> to vector<16xf32>
        %get3A_597 = arith.index_cast %scan3A_535 : i32 to index
        %get3A_598 = arith.constant 48 : index
        %get3A_599 = tpu.vector_load %arg14[%get3A_597, %get3A_598] {strides = array<i32>} : memref<128x64xf32, #tpu.memory_space<vmem>>, vector<1x16xf32>,
        %get3A_600 = vector.shape_cast %get3A_599 : vector<1x16xf32> to vector<16xf32>
        %mul3A_601 = arith.mulf %get3A_596, %get3A_600 : vector<16xf32>
        %get3A_602 = arith.index_cast %scan3A_535 : i32 to index
        %get3A_603 = arith.constant 48 : index
        %get3A_604 = tpu.vector_load %arg16[%get3A_602, %get3A_603] {strides = array<i32>} : memref<128x64xf32, #tpu.memory_space<vmem>>, vector<1x16xf32>,
        %get3A_605 = vector.shape_cast %get3A_604 : vector<1x16xf32> to vector<16xf32>
        %mul3A_606 = arith.mulf %mul3A_601, %get3A_605 : vector<16xf32>
        %swap3A_607 = arith.index_cast %scan3A_535 : i32 to index
        %swap3A_608 = arith.constant 48 : index
        %swap3A_609 = tpu.vector_load %arg18[%swap3A_607, %swap3A_608] {strides = array<i32>} : memref<128x64xf32, #tpu.memory_space<vmem>>, vector<1x16xf32>,
        %swap3A_610 = vector.shape_cast %swap3A_609 : vector<1x16xf32> to vector<16xf32>
        %swap3A_611 = vector.shape_cast %mul3A_606 : vector<16xf32> to vector<1x16xf32>
        tpu.vector_store %arg18[%swap3A_607, %swap3A_608], %swap3A_611 {strides = array<i32>} : memref<128x64xf32, #tpu.memory_space<vmem>>, vector<1x16xf32>,
        %scan3A_612 = arith.constant 6 : i32
        %scan3A_613 = arith.addi %scan3A_147, %scan3A_612 : i32
        %get3A_614 = arith.index_cast %scan3A_613 : i32 to index
        %get3A_615 = arith.constant 0 : index
        %get3A_616 = tpu.vector_load %arg12[%get3A_614, %get3A_615] {strides = array<i32>} : memref<128x64xf32, #tpu.memory_space<vmem>>, vector<1x16xf32>,
        %get3A_617 = vector.shape_cast %get3A_616 : vector<1x16xf32> to vector<16xf32>
        %get3A_618 = arith.index_cast %scan3A_613 : i32 to index
        %get3A_619 = arith.constant 0 : index
        %get3A_620 = tpu.vector_load %arg14[%get3A_618, %get3A_619] {strides = array<i32>} : memref<128x64xf32, #tpu.memory_space<vmem>>, vector<1x16xf32>,
        %get3A_621 = vector.shape_cast %get3A_620 : vector<1x16xf32> to vector<16xf32>
        %mul3A_622 = arith.mulf %get3A_617, %get3A_621 : vector<16xf32>
        %get3A_623 = arith.index_cast %scan3A_613 : i32 to index
        %get3A_624 = arith.constant 0 : index
        %get3A_625 = tpu.vector_load %arg16[%get3A_623, %get3A_624] {strides = array<i32>} : memref<128x64xf32, #tpu.memory_space<vmem>>, vector<1x16xf32>,
        %get3A_626 = vector.shape_cast %get3A_625 : vector<1x16xf32> to vector<16xf32>
        %mul3A_627 = arith.mulf %mul3A_622, %get3A_626 : vector<16xf32>
        %swap3A_628 = arith.index_cast %scan3A_613 : i32 to index
        %swap3A_629 = arith.constant 0 : index
        %swap3A_630 = tpu.vector_load %arg18[%swap3A_628, %swap3A_629] {strides = array<i32>} : memref<128x64xf32, #tpu.memory_space<vmem>>, vector<1x16xf32>,
        %swap3A_631 = vector.shape_cast %swap3A_630 : vector<1x16xf32> to vector<16xf32>
        %swap3A_632 = vector.shape_cast %mul3A_627 : vector<16xf32> to vector<1x16xf32>
        tpu.vector_store %arg18[%swap3A_628, %swap3A_629], %swap3A_632 {strides = array<i32>} : memref<128x64xf32, #tpu.memory_space<vmem>>, vector<1x16xf32>,
        %get3A_633 = arith.index_cast %scan3A_613 : i32 to index
        %get3A_634 = arith.constant 16 : index
        %get3A_635 = tpu.vector_load %arg12[%get3A_633, %get3A_634] {strides = array<i32>} : memref<128x64xf32, #tpu.memory_space<vmem>>, vector<1x16xf32>,
        %get3A_636 = vector.shape_cast %get3A_635 : vector<1x16xf32> to vector<16xf32>
        %get3A_637 = arith.index_cast %scan3A_613 : i32 to index
        %get3A_638 = arith.constant 16 : index
        %get3A_639 = tpu.vector_load %arg14[%get3A_637, %get3A_638] {strides = array<i32>} : memref<128x64xf32, #tpu.memory_space<vmem>>, vector<1x16xf32>,
        %get3A_640 = vector.shape_cast %get3A_639 : vector<1x16xf32> to vector<16xf32>
        %mul3A_641 = arith.mulf %get3A_636, %get3A_640 : vector<16xf32>
        %get3A_642 = arith.index_cast %scan3A_613 : i32 to index
        %get3A_643 = arith.constant 16 : index
        %get3A_644 = tpu.vector_load %arg16[%get3A_642, %get3A_643] {strides = array<i32>} : memref<128x64xf32, #tpu.memory_space<vmem>>, vector<1x16xf32>,
        %get3A_645 = vector.shape_cast %get3A_644 : vector<1x16xf32> to vector<16xf32>
        %mul3A_646 = arith.mulf %mul3A_641, %get3A_645 : vector<16xf32>
        %swap3A_647 = arith.index_cast %scan3A_613 : i32 to index
        %swap3A_648 = arith.constant 16 : index
        %swap3A_649 = tpu.vector_load %arg18[%swap3A_647, %swap3A_648] {strides = array<i32>} : memref<128x64xf32, #tpu.memory_space<vmem>>, vector<1x16xf32>,
        %swap3A_650 = vector.shape_cast %swap3A_649 : vector<1x16xf32> to vector<16xf32>
        %swap3A_651 = vector.shape_cast %mul3A_646 : vector<16xf32> to vector<1x16xf32>
        tpu.vector_store %arg18[%swap3A_647, %swap3A_648], %swap3A_651 {strides = array<i32>} : memref<128x64xf32, #tpu.memory_space<vmem>>, vector<1x16xf32>,
        %get3A_652 = arith.index_cast %scan3A_613 : i32 to index
        %get3A_653 = arith.constant 32 : index
        %get3A_654 = tpu.vector_load %arg12[%get3A_652, %get3A_653] {strides = array<i32>} : memref<128x64xf32, #tpu.memory_space<vmem>>, vector<1x16xf32>,
        %get3A_655 = vector.shape_cast %get3A_654 : vector<1x16xf32> to vector<16xf32>
        %get3A_656 = arith.index_cast %scan3A_613 : i32 to index
        %get3A_657 = arith.constant 32 : index
        %get3A_658 = tpu.vector_load %arg14[%get3A_656, %get3A_657] {strides = array<i32>} : memref<128x64xf32, #tpu.memory_space<vmem>>, vector<1x16xf32>,
        %get3A_659 = vector.shape_cast %get3A_658 : vector<1x16xf32> to vector<16xf32>
        %mul3A_660 = arith.mulf %get3A_655, %get3A_659 : vector<16xf32>
        %get3A_661 = arith.index_cast %scan3A_613 : i32 to index
        %get3A_662 = arith.constant 32 : index
        %get3A_663 = tpu.vector_load %arg16[%get3A_661, %get3A_662] {strides = array<i32>} : memref<128x64xf32, #tpu.memory_space<vmem>>, vector<1x16xf32>,
        %get3A_664 = vector.shape_cast %get3A_663 : vector<1x16xf32> to vector<16xf32>
        %mul3A_665 = arith.mulf %mul3A_660, %get3A_664 : vector<16xf32>
        %swap3A_666 = arith.index_cast %scan3A_613 : i32 to index
        %swap3A_667 = arith.constant 32 : index
        %swap3A_668 = tpu.vector_load %arg18[%swap3A_666, %swap3A_667] {strides = array<i32>} : memref<128x64xf32, #tpu.memory_space<vmem>>, vector<1x16xf32>,
        %swap3A_669 = vector.shape_cast %swap3A_668 : vector<1x16xf32> to vector<16xf32>
        %swap3A_670 = vector.shape_cast %mul3A_665 : vector<16xf32> to vector<1x16xf32>
        tpu.vector_store %arg18[%swap3A_666, %swap3A_667], %swap3A_670 {strides = array<i32>} : memref<128x64xf32, #tpu.memory_space<vmem>>, vector<1x16xf32>,
        %get3A_671 = arith.index_cast %scan3A_613 : i32 to index
        %get3A_672 = arith.constant 48 : index
        %get3A_673 = tpu.vector_load %arg12[%get3A_671, %get3A_672] {strides = array<i32>} : memref<128x64xf32, #tpu.memory_space<vmem>>, vector<1x16xf32>,
        %get3A_674 = vector.shape_cast %get3A_673 : vector<1x16xf32> to vector<16xf32>
        %get3A_675 = arith.index_cast %scan3A_613 : i32 to index
        %get3A_676 = arith.constant 48 : index
        %get3A_677 = tpu.vector_load %arg14[%get3A_675, %get3A_676] {strides = array<i32>} : memref<128x64xf32, #tpu.memory_space<vmem>>, vector<1x16xf32>,
        %get3A_678 = vector.shape_cast %get3A_677 : vector<1x16xf32> to vector<16xf32>
        %mul3A_679 = arith.mulf %get3A_674, %get3A_678 : vector<16xf32>
        %get3A_680 = arith.index_cast %scan3A_613 : i32 to index
        %get3A_681 = arith.constant 48 : index
        %get3A_682 = tpu.vector_load %arg16[%get3A_680, %get3A_681] {strides = array<i32>} : memref<128x64xf32, #tpu.memory_space<vmem>>, vector<1x16xf32>,
        %get3A_683 = vector.shape_cast %get3A_682 : vector<1x16xf32> to vector<16xf32>
        %mul3A_684 = arith.mulf %mul3A_679, %get3A_683 : vector<16xf32>
        %swap3A_685 = arith.index_cast %scan3A_613 : i32 to index
        %swap3A_686 = arith.constant 48 : index
        %swap3A_687 = tpu.vector_load %arg18[%swap3A_685, %swap3A_686] {strides = array<i32>} : memref<128x64xf32, #tpu.memory_space<vmem>>, vector<1x16xf32>,
        %swap3A_688 = vector.shape_cast %swap3A_687 : vector<1x16xf32> to vector<16xf32>
        %swap3A_689 = vector.shape_cast %mul3A_684 : vector<16xf32> to vector<1x16xf32>
        tpu.vector_store %arg18[%swap3A_685, %swap3A_686], %swap3A_689 {strides = array<i32>} : memref<128x64xf32, #tpu.memory_space<vmem>>, vector<1x16xf32>,
        %scan3A_690 = arith.constant 7 : i32
        %scan3A_691 = arith.addi %scan3A_147, %scan3A_690 : i32
        %get3A_692 = arith.index_cast %scan3A_691 : i32 to index
        %get3A_693 = arith.constant 0 : index
        %get3A_694 = tpu.vector_load %arg12[%get3A_692, %get3A_693] {strides = array<i32>} : memref<128x64xf32, #tpu.memory_space<vmem>>, vector<1x16xf32>,
        %get3A_695 = vector.shape_cast %get3A_694 : vector<1x16xf32> to vector<16xf32>
        %get3A_696 = arith.index_cast %scan3A_691 : i32 to index
        %get3A_697 = arith.constant 0 : index
        %get3A_698 = tpu.vector_load %arg14[%get3A_696, %get3A_697] {strides = array<i32>} : memref<128x64xf32, #tpu.memory_space<vmem>>, vector<1x16xf32>,
        %get3A_699 = vector.shape_cast %get3A_698 : vector<1x16xf32> to vector<16xf32>
        %mul3A_700 = arith.mulf %get3A_695, %get3A_699 : vector<16xf32>
        %get3A_701 = arith.index_cast %scan3A_691 : i32 to index
        %get3A_702 = arith.constant 0 : index
        %get3A_703 = tpu.vector_load %arg16[%get3A_701, %get3A_702] {strides = array<i32>} : memref<128x64xf32, #tpu.memory_space<vmem>>, vector<1x16xf32>,
        %get3A_704 = vector.shape_cast %get3A_703 : vector<1x16xf32> to vector<16xf32>
        %mul3A_705 = arith.mulf %mul3A_700, %get3A_704 : vector<16xf32>
        %swap3A_706 = arith.index_cast %scan3A_691 : i32 to index
        %swap3A_707 = arith.constant 0 : index
        %swap3A_708 = tpu.vector_load %arg18[%swap3A_706, %swap3A_707] {strides = array<i32>} : memref<128x64xf32, #tpu.memory_space<vmem>>, vector<1x16xf32>,
        %swap3A_709 = vector.shape_cast %swap3A_708 : vector<1x16xf32> to vector<16xf32>
        %swap3A_710 = vector.shape_cast %mul3A_705 : vector<16xf32> to vector<1x16xf32>
        tpu.vector_store %arg18[%swap3A_706, %swap3A_707], %swap3A_710 {strides = array<i32>} : memref<128x64xf32, #tpu.memory_space<vmem>>, vector<1x16xf32>,
        %get3A_711 = arith.index_cast %scan3A_691 : i32 to index
        %get3A_712 = arith.constant 16 : index
        %get3A_713 = tpu.vector_load %arg12[%get3A_711, %get3A_712] {strides = array<i32>} : memref<128x64xf32, #tpu.memory_space<vmem>>, vector<1x16xf32>,
        %get3A_714 = vector.shape_cast %get3A_713 : vector<1x16xf32> to vector<16xf32>
        %get3A_715 = arith.index_cast %scan3A_691 : i32 to index
        %get3A_716 = arith.constant 16 : index
        %get3A_717 = tpu.vector_load %arg14[%get3A_715, %get3A_716] {strides = array<i32>} : memref<128x64xf32, #tpu.memory_space<vmem>>, vector<1x16xf32>,
        %get3A_718 = vector.shape_cast %get3A_717 : vector<1x16xf32> to vector<16xf32>
        %mul3A_719 = arith.mulf %get3A_714, %get3A_718 : vector<16xf32>
        %get3A_720 = arith.index_cast %scan3A_691 : i32 to index
        %get3A_721 = arith.constant 16 : index
        %get3A_722 = tpu.vector_load %arg16[%get3A_720, %get3A_721] {strides = array<i32>} : memref<128x64xf32, #tpu.memory_space<vmem>>, vector<1x16xf32>,
        %get3A_723 = vector.shape_cast %get3A_722 : vector<1x16xf32> to vector<16xf32>
        %mul3A_724 = arith.mulf %mul3A_719, %get3A_723 : vector<16xf32>
        %swap3A_725 = arith.index_cast %scan3A_691 : i32 to index
        %swap3A_726 = arith.constant 16 : index
        %swap3A_727 = tpu.vector_load %arg18[%swap3A_725, %swap3A_726] {strides = array<i32>} : memref<128x64xf32, #tpu.memory_space<vmem>>, vector<1x16xf32>,
        %swap3A_728 = vector.shape_cast %swap3A_727 : vector<1x16xf32> to vector<16xf32>
        %swap3A_729 = vector.shape_cast %mul3A_724 : vector<16xf32> to vector<1x16xf32>
        tpu.vector_store %arg18[%swap3A_725, %swap3A_726], %swap3A_729 {strides = array<i32>} : memref<128x64xf32, #tpu.memory_space<vmem>>, vector<1x16xf32>,
        %get3A_730 = arith.index_cast %scan3A_691 : i32 to index
        %get3A_731 = arith.constant 32 : index
        %get3A_732 = tpu.vector_load %arg12[%get3A_730, %get3A_731] {strides = array<i32>} : memref<128x64xf32, #tpu.memory_space<vmem>>, vector<1x16xf32>,
        %get3A_733 = vector.shape_cast %get3A_732 : vector<1x16xf32> to vector<16xf32>
        %get3A_734 = arith.index_cast %scan3A_691 : i32 to index
        %get3A_735 = arith.constant 32 : index
        %get3A_736 = tpu.vector_load %arg14[%get3A_734, %get3A_735] {strides = array<i32>} : memref<128x64xf32, #tpu.memory_space<vmem>>, vector<1x16xf32>,
        %get3A_737 = vector.shape_cast %get3A_736 : vector<1x16xf32> to vector<16xf32>
        %mul3A_738 = arith.mulf %get3A_733, %get3A_737 : vector<16xf32>
        %get3A_739 = arith.index_cast %scan3A_691 : i32 to index
        %get3A_740 = arith.constant 32 : index
        %get3A_741 = tpu.vector_load %arg16[%get3A_739, %get3A_740] {strides = array<i32>} : memref<128x64xf32, #tpu.memory_space<vmem>>, vector<1x16xf32>,
        %get3A_742 = vector.shape_cast %get3A_741 : vector<1x16xf32> to vector<16xf32>
        %mul3A_743 = arith.mulf %mul3A_738, %get3A_742 : vector<16xf32>
        %swap3A_744 = arith.index_cast %scan3A_691 : i32 to index
        %swap3A_745 = arith.constant 32 : index
        %swap3A_746 = tpu.vector_load %arg18[%swap3A_744, %swap3A_745] {strides = array<i32>} : memref<128x64xf32, #tpu.memory_space<vmem>>, vector<1x16xf32>,
        %swap3A_747 = vector.shape_cast %swap3A_746 : vector<1x16xf32> to vector<16xf32>
        %swap3A_748 = vector.shape_cast %mul3A_743 : vector<16xf32> to vector<1x16xf32>
        tpu.vector_store %arg18[%swap3A_744, %swap3A_745], %swap3A_748 {strides = array<i32>} : memref<128x64xf32, #tpu.memory_space<vmem>>, vector<1x16xf32>,
        %get3A_749 = arith.index_cast %scan3A_691 : i32 to index
        %get3A_750 = arith.constant 48 : index
        %get3A_751 = tpu.vector_load %arg12[%get3A_749, %get3A_750] {strides = array<i32>} : memref<128x64xf32, #tpu.memory_space<vmem>>, vector<1x16xf32>,
        %get3A_752 = vector.shape_cast %get3A_751 : vector<1x16xf32> to vector<16xf32>
        %get3A_753 = arith.index_cast %scan3A_691 : i32 to index
        %get3A_754 = arith.constant 48 : index
        %get3A_755 = tpu.vector_load %arg14[%get3A_753, %get3A_754] {strides = array<i32>} : memref<128x64xf32, #tpu.memory_space<vmem>>, vector<1x16xf32>,
        %get3A_756 = vector.shape_cast %get3A_755 : vector<1x16xf32> to vector<16xf32>
        %mul3A_757 = arith.mulf %get3A_752, %get3A_756 : vector<16xf32>
        %get3A_758 = arith.index_cast %scan3A_691 : i32 to index
        %get3A_759 = arith.constant 48 : index
        %get3A_760 = tpu.vector_load %arg16[%get3A_758, %get3A_759] {strides = array<i32>} : memref<128x64xf32, #tpu.memory_space<vmem>>, vector<1x16xf32>,
        %get3A_761 = vector.shape_cast %get3A_760 : vector<1x16xf32> to vector<16xf32>
        %mul3A_762 = arith.mulf %mul3A_757, %get3A_761 : vector<16xf32>
        %swap3A_763 = arith.index_cast %scan3A_691 : i32 to index
        %swap3A_764 = arith.constant 48 : index
        %swap3A_765 = tpu.vector_load %arg18[%swap3A_763, %swap3A_764] {strides = array<i32>} : memref<128x64xf32, #tpu.memory_space<vmem>>, vector<1x16xf32>,
        %swap3A_766 = vector.shape_cast %swap3A_765 : vector<1x16xf32> to vector<16xf32>
        %swap3A_767 = vector.shape_cast %mul3A_762 : vector<16xf32> to vector<1x16xf32>
        tpu.vector_store %arg18[%swap3A_763, %swap3A_764], %swap3A_767 {strides = array<i32>} : memref<128x64xf32, #tpu.memory_space<vmem>>, vector<1x16xf32>,
      }
      %scan3A_132 = arith.constant 128 : i32
      %add3A_133 = arith.constant 2 : i32
      %add3A_134 = arith.addi %add3A_103, %add3A_133 : i32
      %lt3A_135 = arith.constant 52 : i32
      %lt3A_136 = arith.cmpi slt, %add3A_134, %lt3A_135 : i32
      %convert_element_type3A_137 = arith.extui %lt3A_136 : i1 to i32
      %cond3A_138 = arith.constant 0 : i32
      %cond3A_139 = arith.cmpi ne, %convert_element_type3A_137, %cond3A_138 : i32
      scf.if %cond3A_139 {
        %add3A_147 = arith.constant 2 : i32
        %add3A_148 = arith.addi %add3A_103, %add3A_147 : i32
        %dma_start3A_149 = arith.constant 0 : i32
        %dma_start3A_150 = tpu.memref_slice %arg8[%add3A_148, %dma_start3A_149] : memref<52x128xi32, #tpu.memory_space<vmem>> -> memref<1x128xi32, #tpu.memory_space<vmem>>
        %dma_start3A_151 = tpu.memref_squeeze %dma_start3A_150 : memref<1x128xi32, #tpu.memory_space<vmem>> -> memref<128xi32, #tpu.memory_space<vmem>>
        %dma_start3A_152 = arith.constant 0 : i32
        %dma_start3A_153 = arith.constant 0 : i32
        %dma_start3A_154 = tpu.memref_slice %arg5[%dma_start3A_152, %dma_start3A_153] : memref<1000000x64xf32, #tpu.memory_space<hbm>> -> memref<1000000x64xf32, #tpu.memory_space<hbm>>
        tpu.enqueue_indirect_dma source(%dma_start3A_154 : memref<1000000x64xf32, #tpu.memory_space<hbm>>) target(%arg12 : memref<128x64xf32, #tpu.memory_space<vmem>>) offsets(%dma_start3A_151 : memref<128xi32, #tpu.memory_space<vmem>>) semaphore(%arg20 : memref<!tpu.dma_semaphore, #tpu.memory_space<semaphore_mem>>)
        %dma_start3A_155 = arith.constant 0 : i32
        %dma_start3A_156 = tpu.memref_slice %arg9[%add3A_148, %dma_start3A_155] : memref<52x128xi32, #tpu.memory_space<vmem>> -> memref<1x128xi32, #tpu.memory_space<vmem>>
        %dma_start3A_157 = tpu.memref_squeeze %dma_start3A_156 : memref<1x128xi32, #tpu.memory_space<vmem>> -> memref<128xi32, #tpu.memory_space<vmem>>
        %dma_start3A_158 = arith.constant 0 : i32
        %dma_start3A_159 = arith.constant 0 : i32
        %dma_start3A_160 = tpu.memref_slice %arg6[%dma_start3A_158, %dma_start3A_159] : memref<1000x64xf32, #tpu.memory_space<hbm>> -> memref<1000x64xf32, #tpu.memory_space<hbm>>
        tpu.enqueue_indirect_dma source(%dma_start3A_160 : memref<1000x64xf32, #tpu.memory_space<hbm>>) target(%arg14 : memref<128x64xf32, #tpu.memory_space<vmem>>) offsets(%dma_start3A_157 : memref<128xi32, #tpu.memory_space<vmem>>) semaphore(%arg20 : memref<!tpu.dma_semaphore, #tpu.memory_space<semaphore_mem>>)
        %dma_start3A_161 = arith.constant 0 : i32
        %dma_start3A_162 = tpu.memref_slice %arg10[%add3A_148, %dma_start3A_161] : memref<52x128xi32, #tpu.memory_space<vmem>> -> memref<1x128xi32, #tpu.memory_space<vmem>>
        %dma_start3A_163 = tpu.memref_squeeze %dma_start3A_162 : memref<1x128xi32, #tpu.memory_space<vmem>> -> memref<128xi32, #tpu.memory_space<vmem>>
        %dma_start3A_164 = arith.constant 0 : i32
        %dma_start3A_165 = arith.constant 0 : i32
        %dma_start3A_166 = tpu.memref_slice %arg5[%dma_start3A_164, %dma_start3A_165] : memref<1000000x64xf32, #tpu.memory_space<hbm>> -> memref<1000000x64xf32, #tpu.memory_space<hbm>>
        tpu.enqueue_indirect_dma source(%dma_start3A_166 : memref<1000000x64xf32, #tpu.memory_space<hbm>>) target(%arg16 : memref<128x64xf32, #tpu.memory_space<vmem>>) offsets(%dma_start3A_163 : memref<128xi32, #tpu.memory_space<vmem>>) semaphore(%arg20 : memref<!tpu.dma_semaphore, #tpu.memory_space<semaphore_mem>>)
      } else {
      }
      %mul3A_140 = arith.constant 128 : i32
      %mul3A_141 = arith.muli %add3A_103, %mul3A_140 : i32
      %add3A_142 = arith.addi %mul3A_2, %mul3A_141 : i32
      %dma_start3A_143 = arith.constant 0 : i32
      %dma_start3A_144 = tpu.memref_slice %arg7[%add3A_142, %dma_start3A_143] : memref<212992x64xf32, #tpu.memory_space<hbm>> -> memref<128x64xf32, #tpu.memory_space<hbm>>
      %dma_start3A_145 = arith.constant 0 : i32
      %dma_start3A_146 = tpu.memref_slice %arg7[%add3A_142, %dma_start3A_145] : memref<212992x64xf32, #tpu.memory_space<hbm>> -> memref<128x64xf32, #tpu.memory_space<hbm>>
      tpu.enqueue_dma source(%arg18 : memref<128x64xf32, #tpu.memory_space<vmem>>) target(%dma_start3A_146 : memref<128x64xf32, #tpu.memory_space<hbm>>) target_semaphore(%arg22 : memref<!tpu.dma_semaphore, #tpu.memory_space<semaphore_mem>>)
    }
    %scan3A_48 = arith.constant 26 : i32
    %dma_wait3A = arith.constant 0 : i32
    %dma_wait3A_49 = tpu.memref_slice %arg7[%mul3A_2, %dma_wait3A] : memref<212992x64xf32, #tpu.memory_space<hbm>> -> memref<128x64xf32, #tpu.memory_space<hbm>>
    %dma_wait3A_50 = arith.constant 0 : i32
    %dma_wait3A_51 = tpu.memref_slice %arg7[%mul3A_2, %dma_wait3A_50] : memref<212992x64xf32, #tpu.memory_space<hbm>> -> memref<128x64xf32, #tpu.memory_space<hbm>>
    tpu.wait_dma2 semaphore(%arg21 : memref<!tpu.dma_semaphore, #tpu.memory_space<semaphore_mem>>) src(%arg17 : memref<128x64xf32, #tpu.memory_space<vmem>>) dst(%dma_wait3A_51 : memref<128x64xf32, #tpu.memory_space<hbm>>)
    %dma_wait3A_52 = arith.constant 0 : i32
    %dma_wait3A_53 = tpu.memref_slice %arg7[%mul3A_2, %dma_wait3A_52] : memref<212992x64xf32, #tpu.memory_space<hbm>> -> memref<128x64xf32, #tpu.memory_space<hbm>>
    %dma_wait3A_54 = arith.constant 0 : i32
    %dma_wait3A_55 = tpu.memref_slice %arg7[%mul3A_2, %dma_wait3A_54] : memref<212992x64xf32, #tpu.memory_space<hbm>> -> memref<128x64xf32, #tpu.memory_space<hbm>>
    tpu.wait_dma2 semaphore(%arg22 : memref<!tpu.dma_semaphore, #tpu.memory_space<semaphore_mem>>) src(%arg18 : memref<128x64xf32, #tpu.memory_space<vmem>>) dst(%dma_wait3A_55 : memref<128x64xf32, #tpu.memory_space<hbm>>)
    return
  }
}

#map = affine_map<(d0, d1) -> (0, 0, 0)>
#map1 = affine_map<(d0, d1) -> (0, 0)>
module attributes {stable_mosaic.version = 14 : i64} {
  func.func @k(%arg0: i32, %arg1: i32, %arg2: memref<32x52x128xi32, #tpu.memory_space<hbm>>, %arg3: memref<32x52x128xi32, #tpu.memory_space<hbm>>, %arg4: memref<32x52x128xi32, #tpu.memory_space<hbm>>, %arg5: memref<1000000x64xf32, #tpu.memory_space<hbm>>, %arg6: memref<1000x64xf32, #tpu.memory_space<hbm>>, %arg7: memref<212992x64xf32, #tpu.memory_space<hbm>>, %arg8: memref<52x128xi32, #tpu.memory_space<vmem>>, %arg9: memref<52x128xi32, #tpu.memory_space<vmem>>, %arg10: memref<52x128xi32, #tpu.memory_space<vmem>>, %arg11: memref<128x64xf32, #tpu.memory_space<vmem>>, %arg12: memref<128x64xf32, #tpu.memory_space<vmem>>, %arg13: memref<128x64xf32, #tpu.memory_space<vmem>>, %arg14: memref<128x64xf32, #tpu.memory_space<vmem>>, %arg15: memref<128x64xf32, #tpu.memory_space<vmem>>, %arg16: memref<128x64xf32, #tpu.memory_space<vmem>>, %arg17: memref<128x64xf32, #tpu.memory_space<vmem>>, %arg18: memref<128x64xf32, #tpu.memory_space<vmem>>, %arg19: memref<!tpu.dma_semaphore, #tpu.memory_space<semaphore_mem>>, %arg20: memref<!tpu.dma_semaphore, #tpu.memory_space<semaphore_mem>>, %arg21: memref<!tpu.dma_semaphore, #tpu.memory_space<semaphore_mem>>, %arg22: memref<!tpu.dma_semaphore, #tpu.memory_space<semaphore_mem>>) attributes {dimension_semantics = [#tpu.dimension_semantics<core_parallel>, #tpu.dimension_semantics<subcore_parallel>], iteration_bounds = array<i64: 2, 16>, scalar_prefetch = 0 : i64, scratch_operands = 15 : i64, tpu.core_type = #tpu.core_type<sc_vector_subcore>, window_params = [{transform_indices = #map}, {transform_indices = #map}, {transform_indices = #map}, {transform_indices = #map1}, {transform_indices = #map1}, {transform_indices = #map1}]} {
    %mul3A = arith.constant 2 : i32
    %mul3A_0 = arith.muli %arg1, %mul3A : i32
    %add3A = arith.addi %mul3A_0, %arg0 : i32
    %mul3A_1 = arith.constant 6656 : i32
    %mul3A_2 = arith.muli %add3A, %mul3A_1 : i32
    "tpu.region"() ({
      %run_scoped3A = tpu.sem_alloc : memref<!tpu.dma_semaphore, #tpu.memory_space<semaphore_mem>>
      %dma_start3A_56 = arith.constant 0 : i32
      %dma_start3A_57 = arith.constant 0 : i32
      %dma_start3A_58 = tpu.memref_slice %arg2[%add3A, %dma_start3A_56, %dma_start3A_57] : memref<32x52x128xi32, #tpu.memory_space<hbm>> -> memref<1x52x128xi32, #tpu.memory_space<hbm>>
      %dma_start3A_59 = tpu.memref_squeeze %dma_start3A_58 : memref<1x52x128xi32, #tpu.memory_space<hbm>> -> memref<52x128xi32, #tpu.memory_space<hbm>>
      %dma_start3A_60 = arith.constant 0 : i32
      %dma_start3A_61 = arith.constant 0 : i32
      %dma_start3A_62 = tpu.memref_slice %arg2[%add3A, %dma_start3A_60, %dma_start3A_61] : memref<32x52x128xi32, #tpu.memory_space<hbm>> -> memref<1x52x128xi32, #tpu.memory_space<hbm>>
      %dma_start3A_63 = tpu.memref_squeeze %dma_start3A_62 : memref<1x52x128xi32, #tpu.memory_space<hbm>> -> memref<52x128xi32, #tpu.memory_space<hbm>>
      tpu.enqueue_dma source(%dma_start3A_63 : memref<52x128xi32, #tpu.memory_space<hbm>>) target(%arg8 : memref<52x128xi32, #tpu.memory_space<vmem>>) target_semaphore(%run_scoped3A : memref<!tpu.dma_semaphore, #tpu.memory_space<semaphore_mem>>)
      %dma_wait3A_64 = arith.constant 0 : i32
      %dma_wait3A_65 = arith.constant 0 : i32
      %dma_wait3A_66 = tpu.memref_slice %arg2[%add3A, %dma_wait3A_64, %dma_wait3A_65] : memref<32x52x128xi32, #tpu.memory_space<hbm>> -> memref<1x52x128xi32, #tpu.memory_space<hbm>>
      %dma_wait3A_67 = tpu.memref_squeeze %dma_wait3A_66 : memref<1x52x128xi32, #tpu.memory_space<hbm>> -> memref<52x128xi32, #tpu.memory_space<hbm>>
      %dma_wait3A_68 = arith.constant 0 : i32
      %dma_wait3A_69 = arith.constant 0 : i32
      %dma_wait3A_70 = tpu.memref_slice %arg2[%add3A, %dma_wait3A_68, %dma_wait3A_69] : memref<32x52x128xi32, #tpu.memory_space<hbm>> -> memref<1x52x128xi32, #tpu.memory_space<hbm>>
      %dma_wait3A_71 = tpu.memref_squeeze %dma_wait3A_70 : memref<1x52x128xi32, #tpu.memory_space<hbm>> -> memref<52x128xi32, #tpu.memory_space<hbm>>
      tpu.wait_dma2 semaphore(%run_scoped3A : memref<!tpu.dma_semaphore, #tpu.memory_space<semaphore_mem>>) src(%dma_wait3A_71 : memref<52x128xi32, #tpu.memory_space<hbm>>) dst(%arg8 : memref<52x128xi32, #tpu.memory_space<vmem>>)
      tpu.yield
    }) : () -> ()
    "tpu.region"() ({
      %run_scoped3A = tpu.sem_alloc : memref<!tpu.dma_semaphore, #tpu.memory_space<semaphore_mem>>
      %dma_start3A_56 = arith.constant 0 : i32
      %dma_start3A_57 = arith.constant 0 : i32
      %dma_start3A_58 = tpu.memref_slice %arg3[%add3A, %dma_start3A_56, %dma_start3A_57] : memref<32x52x128xi32, #tpu.memory_space<hbm>> -> memref<1x52x128xi32, #tpu.memory_space<hbm>>
      %dma_start3A_59 = tpu.memref_squeeze %dma_start3A_58 : memref<1x52x128xi32, #tpu.memory_space<hbm>> -> memref<52x128xi32, #tpu.memory_space<hbm>>
      %dma_start3A_60 = arith.constant 0 : i32
      %dma_start3A_61 = arith.constant 0 : i32
      %dma_start3A_62 = tpu.memref_slice %arg3[%add3A, %dma_start3A_60, %dma_start3A_61] : memref<32x52x128xi32, #tpu.memory_space<hbm>> -> memref<1x52x128xi32, #tpu.memory_space<hbm>>
      %dma_start3A_63 = tpu.memref_squeeze %dma_start3A_62 : memref<1x52x128xi32, #tpu.memory_space<hbm>> -> memref<52x128xi32, #tpu.memory_space<hbm>>
      tpu.enqueue_dma source(%dma_start3A_63 : memref<52x128xi32, #tpu.memory_space<hbm>>) target(%arg9 : memref<52x128xi32, #tpu.memory_space<vmem>>) target_semaphore(%run_scoped3A : memref<!tpu.dma_semaphore, #tpu.memory_space<semaphore_mem>>)
      %dma_wait3A_64 = arith.constant 0 : i32
      %dma_wait3A_65 = arith.constant 0 : i32
      %dma_wait3A_66 = tpu.memref_slice %arg3[%add3A, %dma_wait3A_64, %dma_wait3A_65] : memref<32x52x128xi32, #tpu.memory_space<hbm>> -> memref<1x52x128xi32, #tpu.memory_space<hbm>>
      %dma_wait3A_67 = tpu.memref_squeeze %dma_wait3A_66 : memref<1x52x128xi32, #tpu.memory_space<hbm>> -> memref<52x128xi32, #tpu.memory_space<hbm>>
      %dma_wait3A_68 = arith.constant 0 : i32
      %dma_wait3A_69 = arith.constant 0 : i32
      %dma_wait3A_70 = tpu.memref_slice %arg3[%add3A, %dma_wait3A_68, %dma_wait3A_69] : memref<32x52x128xi32, #tpu.memory_space<hbm>> -> memref<1x52x128xi32, #tpu.memory_space<hbm>>
      %dma_wait3A_71 = tpu.memref_squeeze %dma_wait3A_70 : memref<1x52x128xi32, #tpu.memory_space<hbm>> -> memref<52x128xi32, #tpu.memory_space<hbm>>
      tpu.wait_dma2 semaphore(%run_scoped3A : memref<!tpu.dma_semaphore, #tpu.memory_space<semaphore_mem>>) src(%dma_wait3A_71 : memref<52x128xi32, #tpu.memory_space<hbm>>) dst(%arg9 : memref<52x128xi32, #tpu.memory_space<vmem>>)
      tpu.yield
    }) : () -> ()
    "tpu.region"() ({
      %run_scoped3A = tpu.sem_alloc : memref<!tpu.dma_semaphore, #tpu.memory_space<semaphore_mem>>
      %dma_start3A_56 = arith.constant 0 : i32
      %dma_start3A_57 = arith.constant 0 : i32
      %dma_start3A_58 = tpu.memref_slice %arg4[%add3A, %dma_start3A_56, %dma_start3A_57] : memref<32x52x128xi32, #tpu.memory_space<hbm>> -> memref<1x52x128xi32, #tpu.memory_space<hbm>>
      %dma_start3A_59 = tpu.memref_squeeze %dma_start3A_58 : memref<1x52x128xi32, #tpu.memory_space<hbm>> -> memref<52x128xi32, #tpu.memory_space<hbm>>
      %dma_start3A_60 = arith.constant 0 : i32
      %dma_start3A_61 = arith.constant 0 : i32
      %dma_start3A_62 = tpu.memref_slice %arg4[%add3A, %dma_start3A_60, %dma_start3A_61] : memref<32x52x128xi32, #tpu.memory_space<hbm>> -> memref<1x52x128xi32, #tpu.memory_space<hbm>>
      %dma_start3A_63 = tpu.memref_squeeze %dma_start3A_62 : memref<1x52x128xi32, #tpu.memory_space<hbm>> -> memref<52x128xi32, #tpu.memory_space<hbm>>
      tpu.enqueue_dma source(%dma_start3A_63 : memref<52x128xi32, #tpu.memory_space<hbm>>) target(%arg10 : memref<52x128xi32, #tpu.memory_space<vmem>>) target_semaphore(%run_scoped3A : memref<!tpu.dma_semaphore, #tpu.memory_space<semaphore_mem>>)
      %dma_wait3A_64 = arith.constant 0 : i32
      %dma_wait3A_65 = arith.constant 0 : i32
      %dma_wait3A_66 = tpu.memref_slice %arg4[%add3A, %dma_wait3A_64, %dma_wait3A_65] : memref<32x52x128xi32, #tpu.memory_space<hbm>> -> memref<1x52x128xi32, #tpu.memory_space<hbm>>
      %dma_wait3A_67 = tpu.memref_squeeze %dma_wait3A_66 : memref<1x52x128xi32, #tpu.memory_space<hbm>> -> memref<52x128xi32, #tpu.memory_space<hbm>>
      %dma_wait3A_68 = arith.constant 0 : i32
      %dma_wait3A_69 = arith.constant 0 : i32
      %dma_wait3A_70 = tpu.memref_slice %arg4[%add3A, %dma_wait3A_68, %dma_wait3A_69] : memref<32x52x128xi32, #tpu.memory_space<hbm>> -> memref<1x52x128xi32, #tpu.memory_space<hbm>>
      %dma_wait3A_71 = tpu.memref_squeeze %dma_wait3A_70 : memref<1x52x128xi32, #tpu.memory_space<hbm>> -> memref<52x128xi32, #tpu.memory_space<hbm>>
      tpu.wait_dma2 semaphore(%run_scoped3A : memref<!tpu.dma_semaphore, #tpu.memory_space<semaphore_mem>>) src(%dma_wait3A_71 : memref<52x128xi32, #tpu.memory_space<hbm>>) dst(%arg10 : memref<52x128xi32, #tpu.memory_space<vmem>>)
      tpu.yield
    }) : () -> ()
    %dma_start3A = arith.constant 0 : i32
    %dma_start3A_3 = arith.constant 0 : i32
    %dma_start3A_4 = tpu.memref_slice %arg8[%dma_start3A, %dma_start3A_3] : memref<52x128xi32, #tpu.memory_space<vmem>> -> memref<1x128xi32, #tpu.memory_space<vmem>>
    %dma_start3A_5 = tpu.memref_squeeze %dma_start3A_4 : memref<1x128xi32, #tpu.memory_space<vmem>> -> memref<128xi32, #tpu.memory_space<vmem>>
    %dma_start3A_6 = arith.constant 0 : i32
    %dma_start3A_7 = arith.constant 0 : i32
    %dma_start3A_8 = tpu.memref_slice %arg5[%dma_start3A_6, %dma_start3A_7] : memref<1000000x64xf32, #tpu.memory_space<hbm>> -> memref<1000000x64xf32, #tpu.memory_space<hbm>>
    tpu.enqueue_indirect_dma source(%dma_start3A_8 : memref<1000000x64xf32, #tpu.memory_space<hbm>>) target(%arg11 : memref<128x64xf32, #tpu.memory_space<vmem>>) offsets(%dma_start3A_5 : memref<128xi32, #tpu.memory_space<vmem>>) semaphore(%arg19 : memref<!tpu.dma_semaphore, #tpu.memory_space<semaphore_mem>>)
    %dma_start3A_9 = arith.constant 0 : i32
    %dma_start3A_10 = arith.constant 0 : i32
    %dma_start3A_11 = tpu.memref_slice %arg9[%dma_start3A_9, %dma_start3A_10] : memref<52x128xi32, #tpu.memory_space<vmem>> -> memref<1x128xi32, #tpu.memory_space<vmem>>
    %dma_start3A_12 = tpu.memref_squeeze %dma_start3A_11 : memref<1x128xi32, #tpu.memory_space<vmem>> -> memref<128xi32, #tpu.memory_space<vmem>>
    %dma_start3A_13 = arith.constant 0 : i32
    %dma_start3A_14 = arith.constant 0 : i32
    %dma_start3A_15 = tpu.memref_slice %arg6[%dma_start3A_13, %dma_start3A_14] : memref<1000x64xf32, #tpu.memory_space<hbm>> -> memref<1000x64xf32, #tpu.memory_space<hbm>>
    tpu.enqueue_indirect_dma source(%dma_start3A_15 : memref<1000x64xf32, #tpu.memory_space<hbm>>) target(%arg13 : memref<128x64xf32, #tpu.memory_space<vmem>>) offsets(%dma_start3A_12 : memref<128xi32, #tpu.memory_space<vmem>>) semaphore(%arg19 : memref<!tpu.dma_semaphore, #tpu.memory_space<semaphore_mem>>)
    %dma_start3A_16 = arith.constant 0 : i32
    %dma_start3A_17 = arith.constant 0 : i32
    %dma_start3A_18 = tpu.memref_slice %arg10[%dma_start3A_16, %dma_start3A_17] : memref<52x128xi32, #tpu.memory_space<vmem>> -> memref<1x128xi32, #tpu.memory_space<vmem>>
    %dma_start3A_19 = tpu.memref_squeeze %dma_start3A_18 : memref<1x128xi32, #tpu.memory_space<vmem>> -> memref<128xi32, #tpu.memory_space<vmem>>
    %dma_start3A_20 = arith.constant 0 : i32
    %dma_start3A_21 = arith.constant 0 : i32
    %dma_start3A_22 = tpu.memref_slice %arg5[%dma_start3A_20, %dma_start3A_21] : memref<1000000x64xf32, #tpu.memory_space<hbm>> -> memref<1000000x64xf32, #tpu.memory_space<hbm>>
    tpu.enqueue_indirect_dma source(%dma_start3A_22 : memref<1000000x64xf32, #tpu.memory_space<hbm>>) target(%arg15 : memref<128x64xf32, #tpu.memory_space<vmem>>) offsets(%dma_start3A_19 : memref<128xi32, #tpu.memory_space<vmem>>) semaphore(%arg19 : memref<!tpu.dma_semaphore, #tpu.memory_space<semaphore_mem>>)
    %dma_start3A_23 = arith.constant 1 : i32
    %dma_start3A_24 = arith.constant 0 : i32
    %dma_start3A_25 = tpu.memref_slice %arg8[%dma_start3A_23, %dma_start3A_24] : memref<52x128xi32, #tpu.memory_space<vmem>> -> memref<1x128xi32, #tpu.memory_space<vmem>>
    %dma_start3A_26 = tpu.memref_squeeze %dma_start3A_25 : memref<1x128xi32, #tpu.memory_space<vmem>> -> memref<128xi32, #tpu.memory_space<vmem>>
    %dma_start3A_27 = arith.constant 0 : i32
    %dma_start3A_28 = arith.constant 0 : i32
    %dma_start3A_29 = tpu.memref_slice %arg5[%dma_start3A_27, %dma_start3A_28] : memref<1000000x64xf32, #tpu.memory_space<hbm>> -> memref<1000000x64xf32, #tpu.memory_space<hbm>>
    tpu.enqueue_indirect_dma source(%dma_start3A_29 : memref<1000000x64xf32, #tpu.memory_space<hbm>>) target(%arg12 : memref<128x64xf32, #tpu.memory_space<vmem>>) offsets(%dma_start3A_26 : memref<128xi32, #tpu.memory_space<vmem>>) semaphore(%arg20 : memref<!tpu.dma_semaphore, #tpu.memory_space<semaphore_mem>>)
    %dma_start3A_30 = arith.constant 1 : i32
    %dma_start3A_31 = arith.constant 0 : i32
    %dma_start3A_32 = tpu.memref_slice %arg9[%dma_start3A_30, %dma_start3A_31] : memref<52x128xi32, #tpu.memory_space<vmem>> -> memref<1x128xi32, #tpu.memory_space<vmem>>
    %dma_start3A_33 = tpu.memref_squeeze %dma_start3A_32 : memref<1x128xi32, #tpu.memory_space<vmem>> -> memref<128xi32, #tpu.memory_space<vmem>>
    %dma_start3A_34 = arith.constant 0 : i32
    %dma_start3A_35 = arith.constant 0 : i32
    %dma_start3A_36 = tpu.memref_slice %arg6[%dma_start3A_34, %dma_start3A_35] : memref<1000x64xf32, #tpu.memory_space<hbm>> -> memref<1000x64xf32, #tpu.memory_space<hbm>>
    tpu.enqueue_indirect_dma source(%dma_start3A_36 : memref<1000x64xf32, #tpu.memory_space<hbm>>) target(%arg14 : memref<128x64xf32, #tpu.memory_space<vmem>>) offsets(%dma_start3A_33 : memref<128xi32, #tpu.memory_space<vmem>>) semaphore(%arg20 : memref<!tpu.dma_semaphore, #tpu.memory_space<semaphore_mem>>)
    %dma_start3A_37 = arith.constant 1 : i32
    %dma_start3A_38 = arith.constant 0 : i32
    %dma_start3A_39 = tpu.memref_slice %arg10[%dma_start3A_37, %dma_start3A_38] : memref<52x128xi32, #tpu.memory_space<vmem>> -> memref<1x128xi32, #tpu.memory_space<vmem>>
    %dma_start3A_40 = tpu.memref_squeeze %dma_start3A_39 : memref<1x128xi32, #tpu.memory_space<vmem>> -> memref<128xi32, #tpu.memory_space<vmem>>
    %dma_start3A_41 = arith.constant 0 : i32
    %dma_start3A_42 = arith.constant 0 : i32
    %dma_start3A_43 = tpu.memref_slice %arg5[%dma_start3A_41, %dma_start3A_42] : memref<1000000x64xf32, #tpu.memory_space<hbm>> -> memref<1000000x64xf32, #tpu.memory_space<hbm>>
    tpu.enqueue_indirect_dma source(%dma_start3A_43 : memref<1000000x64xf32, #tpu.memory_space<hbm>>) target(%arg16 : memref<128x64xf32, #tpu.memory_space<vmem>>) offsets(%dma_start3A_40 : memref<128xi32, #tpu.memory_space<vmem>>) semaphore(%arg20 : memref<!tpu.dma_semaphore, #tpu.memory_space<semaphore_mem>>)
    %scan3A = arith.constant 0 : i32
    %scan3A_44 = arith.constant 0 : i32
    %scan3A_45 = arith.constant 26 : i32
    %scan3A_46 = arith.addi %scan3A_44, %scan3A_45 : i32
    %scan3A_47 = arith.constant 1 : i32
    scf.for %scan3A_56 = %scan3A_44 to %scan3A_46 step %scan3A_47  : i32 {
      %mul3A_57 = arith.constant 2 : i32
      %mul3A_58 = arith.muli %scan3A_56, %mul3A_57 : i32
      %add3A_59 = arith.constant 0 : i32
      %add3A_60 = arith.addi %mul3A_58, %add3A_59 : i32
      %dma_wait3A_61 = arith.constant 0 : i32
      %dma_wait3A_62 = arith.constant 0 : i32
      %dma_wait3A_63 = tpu.memref_slice %arg5[%dma_wait3A_61, %dma_wait3A_62] : memref<1000000x64xf32, #tpu.memory_space<hbm>> -> memref<128x64xf32, #tpu.memory_space<hbm>>
      %dma_wait3A_64 = arith.constant 0 : i32
      %dma_wait3A_65 = arith.constant 0 : i32
      %dma_wait3A_66 = tpu.memref_slice %arg5[%dma_wait3A_64, %dma_wait3A_65] : memref<1000000x64xf32, #tpu.memory_space<hbm>> -> memref<128x64xf32, #tpu.memory_space<hbm>>
      tpu.wait_dma2 semaphore(%arg19 : memref<!tpu.dma_semaphore, #tpu.memory_space<semaphore_mem>>) src(%dma_wait3A_66 : memref<128x64xf32, #tpu.memory_space<hbm>>) dst(%arg11 : memref<128x64xf32, #tpu.memory_space<vmem>>)
      %dma_wait3A_67 = arith.constant 0 : i32
      %dma_wait3A_68 = arith.constant 0 : i32
      %dma_wait3A_69 = tpu.memref_slice %arg5[%dma_wait3A_67, %dma_wait3A_68] : memref<1000000x64xf32, #tpu.memory_space<hbm>> -> memref<128x64xf32, #tpu.memory_space<hbm>>
      %dma_wait3A_70 = arith.constant 0 : i32
      %dma_wait3A_71 = arith.constant 0 : i32
      %dma_wait3A_72 = tpu.memref_slice %arg5[%dma_wait3A_70, %dma_wait3A_71] : memref<1000000x64xf32, #tpu.memory_space<hbm>> -> memref<128x64xf32, #tpu.memory_space<hbm>>
      tpu.wait_dma2 semaphore(%arg19 : memref<!tpu.dma_semaphore, #tpu.memory_space<semaphore_mem>>) src(%dma_wait3A_72 : memref<128x64xf32, #tpu.memory_space<hbm>>) dst(%arg13 : memref<128x64xf32, #tpu.memory_space<vmem>>)
      %dma_wait3A_73 = arith.constant 0 : i32
      %dma_wait3A_74 = arith.constant 0 : i32
      %dma_wait3A_75 = tpu.memref_slice %arg5[%dma_wait3A_73, %dma_wait3A_74] : memref<1000000x64xf32, #tpu.memory_space<hbm>> -> memref<128x64xf32, #tpu.memory_space<hbm>>
      %dma_wait3A_76 = arith.constant 0 : i32
      %dma_wait3A_77 = arith.constant 0 : i32
      %dma_wait3A_78 = tpu.memref_slice %arg5[%dma_wait3A_76, %dma_wait3A_77] : memref<1000000x64xf32, #tpu.memory_space<hbm>> -> memref<128x64xf32, #tpu.memory_space<hbm>>
      tpu.wait_dma2 semaphore(%arg19 : memref<!tpu.dma_semaphore, #tpu.memory_space<semaphore_mem>>) src(%dma_wait3A_78 : memref<128x64xf32, #tpu.memory_space<hbm>>) dst(%arg15 : memref<128x64xf32, #tpu.memory_space<vmem>>)
      %ge3A = arith.constant 2 : i32
      %ge3A_79 = arith.cmpi sge, %add3A_60, %ge3A : i32
      %convert_element_type3A = arith.extui %ge3A_79 : i1 to i32
      %cond3A = arith.constant 0 : i32
      %cond3A_80 = arith.cmpi ne, %convert_element_type3A, %cond3A : i32
      scf.if %cond3A_80 {
        %dma_wait3A_147 = arith.constant 0 : i32
        %dma_wait3A_148 = tpu.memref_slice %arg7[%mul3A_2, %dma_wait3A_147] : memref<212992x64xf32, #tpu.memory_space<hbm>> -> memref<128x64xf32, #tpu.memory_space<hbm>>
        %dma_wait3A_149 = arith.constant 0 : i32
        %dma_wait3A_150 = tpu.memref_slice %arg7[%mul3A_2, %dma_wait3A_149] : memref<212992x64xf32, #tpu.memory_space<hbm>> -> memref<128x64xf32, #tpu.memory_space<hbm>>
        tpu.wait_dma2 semaphore(%arg21 : memref<!tpu.dma_semaphore, #tpu.memory_space<semaphore_mem>>) src(%arg17 : memref<128x64xf32, #tpu.memory_space<vmem>>) dst(%dma_wait3A_150 : memref<128x64xf32, #tpu.memory_space<hbm>>)
      } else {
      }
      %scan3A_81 = arith.constant 0 : i32
      %scan3A_82 = arith.constant 0 : i32
      %scan3A_83 = arith.constant 128 : i32
      %scan3A_84 = arith.addi %scan3A_82, %scan3A_83 : i32
      %scan3A_85 = arith.constant 8 : i32
      scf.for %scan3A_147 = %scan3A_82 to %scan3A_84 step %scan3A_85  : i32 {
        %get3A = arith.index_cast %scan3A_147 : i32 to index
        %get3A_148 = arith.constant 0 : index
        %get3A_149 = tpu.vector_load %arg11[%get3A, %get3A_148] {strides = array<i32>} : memref<128x64xf32, #tpu.memory_space<vmem>>, vector<1x16xf32>,
        %get3A_150 = vector.shape_cast %get3A_149 : vector<1x16xf32> to vector<16xf32>
        %get3A_151 = arith.index_cast %scan3A_147 : i32 to index
        %get3A_152 = arith.constant 0 : index
        %get3A_153 = tpu.vector_load %arg13[%get3A_151, %get3A_152] {strides = array<i32>} : memref<128x64xf32, #tpu.memory_space<vmem>>, vector<1x16xf32>,
        %get3A_154 = vector.shape_cast %get3A_153 : vector<1x16xf32> to vector<16xf32>
        %mul3A_155 = arith.mulf %get3A_150, %get3A_154 : vector<16xf32>
        %get3A_156 = arith.index_cast %scan3A_147 : i32 to index
        %get3A_157 = arith.constant 0 : index
        %get3A_158 = tpu.vector_load %arg15[%get3A_156, %get3A_157] {strides = array<i32>} : memref<128x64xf32, #tpu.memory_space<vmem>>, vector<1x16xf32>,
        %get3A_159 = vector.shape_cast %get3A_158 : vector<1x16xf32> to vector<16xf32>
        %mul3A_160 = arith.mulf %mul3A_155, %get3A_159 : vector<16xf32>
        %swap3A = arith.index_cast %scan3A_147 : i32 to index
        %swap3A_161 = arith.constant 0 : index
        %swap3A_162 = tpu.vector_load %arg17[%swap3A, %swap3A_161] {strides = array<i32>} : memref<128x64xf32, #tpu.memory_space<vmem>>, vector<1x16xf32>,
        %swap3A_163 = vector.shape_cast %swap3A_162 : vector<1x16xf32> to vector<16xf32>
        %swap3A_164 = vector.shape_cast %mul3A_160 : vector<16xf32> to vector<1x16xf32>
        tpu.vector_store %arg17[%swap3A, %swap3A_161], %swap3A_164 {strides = array<i32>} : memref<128x64xf32, #tpu.memory_space<vmem>>, vector<1x16xf32>,
        %get3A_165 = arith.index_cast %scan3A_147 : i32 to index
        %get3A_166 = arith.constant 16 : index
        %get3A_167 = tpu.vector_load %arg11[%get3A_165, %get3A_166] {strides = array<i32>} : memref<128x64xf32, #tpu.memory_space<vmem>>, vector<1x16xf32>,
        %get3A_168 = vector.shape_cast %get3A_167 : vector<1x16xf32> to vector<16xf32>
        %get3A_169 = arith.index_cast %scan3A_147 : i32 to index
        %get3A_170 = arith.constant 16 : index
        %get3A_171 = tpu.vector_load %arg13[%get3A_169, %get3A_170] {strides = array<i32>} : memref<128x64xf32, #tpu.memory_space<vmem>>, vector<1x16xf32>,
        %get3A_172 = vector.shape_cast %get3A_171 : vector<1x16xf32> to vector<16xf32>
        %mul3A_173 = arith.mulf %get3A_168, %get3A_172 : vector<16xf32>
        %get3A_174 = arith.index_cast %scan3A_147 : i32 to index
        %get3A_175 = arith.constant 16 : index
        %get3A_176 = tpu.vector_load %arg15[%get3A_174, %get3A_175] {strides = array<i32>} : memref<128x64xf32, #tpu.memory_space<vmem>>, vector<1x16xf32>,
        %get3A_177 = vector.shape_cast %get3A_176 : vector<1x16xf32> to vector<16xf32>
        %mul3A_178 = arith.mulf %mul3A_173, %get3A_177 : vector<16xf32>
        %swap3A_179 = arith.index_cast %scan3A_147 : i32 to index
        %swap3A_180 = arith.constant 16 : index
        %swap3A_181 = tpu.vector_load %arg17[%swap3A_179, %swap3A_180] {strides = array<i32>} : memref<128x64xf32, #tpu.memory_space<vmem>>, vector<1x16xf32>,
        %swap3A_182 = vector.shape_cast %swap3A_181 : vector<1x16xf32> to vector<16xf32>
        %swap3A_183 = vector.shape_cast %mul3A_178 : vector<16xf32> to vector<1x16xf32>
        tpu.vector_store %arg17[%swap3A_179, %swap3A_180], %swap3A_183 {strides = array<i32>} : memref<128x64xf32, #tpu.memory_space<vmem>>, vector<1x16xf32>,
        %get3A_184 = arith.index_cast %scan3A_147 : i32 to index
        %get3A_185 = arith.constant 32 : index
        %get3A_186 = tpu.vector_load %arg11[%get3A_184, %get3A_185] {strides = array<i32>} : memref<128x64xf32, #tpu.memory_space<vmem>>, vector<1x16xf32>,
        %get3A_187 = vector.shape_cast %get3A_186 : vector<1x16xf32> to vector<16xf32>
        %get3A_188 = arith.index_cast %scan3A_147 : i32 to index
        %get3A_189 = arith.constant 32 : index
        %get3A_190 = tpu.vector_load %arg13[%get3A_188, %get3A_189] {strides = array<i32>} : memref<128x64xf32, #tpu.memory_space<vmem>>, vector<1x16xf32>,
        %get3A_191 = vector.shape_cast %get3A_190 : vector<1x16xf32> to vector<16xf32>
        %mul3A_192 = arith.mulf %get3A_187, %get3A_191 : vector<16xf32>
        %get3A_193 = arith.index_cast %scan3A_147 : i32 to index
        %get3A_194 = arith.constant 32 : index
        %get3A_195 = tpu.vector_load %arg15[%get3A_193, %get3A_194] {strides = array<i32>} : memref<128x64xf32, #tpu.memory_space<vmem>>, vector<1x16xf32>,
        %get3A_196 = vector.shape_cast %get3A_195 : vector<1x16xf32> to vector<16xf32>
        %mul3A_197 = arith.mulf %mul3A_192, %get3A_196 : vector<16xf32>
        %swap3A_198 = arith.index_cast %scan3A_147 : i32 to index
        %swap3A_199 = arith.constant 32 : index
        %swap3A_200 = tpu.vector_load %arg17[%swap3A_198, %swap3A_199] {strides = array<i32>} : memref<128x64xf32, #tpu.memory_space<vmem>>, vector<1x16xf32>,
        %swap3A_201 = vector.shape_cast %swap3A_200 : vector<1x16xf32> to vector<16xf32>
        %swap3A_202 = vector.shape_cast %mul3A_197 : vector<16xf32> to vector<1x16xf32>
        tpu.vector_store %arg17[%swap3A_198, %swap3A_199], %swap3A_202 {strides = array<i32>} : memref<128x64xf32, #tpu.memory_space<vmem>>, vector<1x16xf32>,
        %get3A_203 = arith.index_cast %scan3A_147 : i32 to index
        %get3A_204 = arith.constant 48 : index
        %get3A_205 = tpu.vector_load %arg11[%get3A_203, %get3A_204] {strides = array<i32>} : memref<128x64xf32, #tpu.memory_space<vmem>>, vector<1x16xf32>,
        %get3A_206 = vector.shape_cast %get3A_205 : vector<1x16xf32> to vector<16xf32>
        %get3A_207 = arith.index_cast %scan3A_147 : i32 to index
        %get3A_208 = arith.constant 48 : index
        %get3A_209 = tpu.vector_load %arg13[%get3A_207, %get3A_208] {strides = array<i32>} : memref<128x64xf32, #tpu.memory_space<vmem>>, vector<1x16xf32>,
        %get3A_210 = vector.shape_cast %get3A_209 : vector<1x16xf32> to vector<16xf32>
        %mul3A_211 = arith.mulf %get3A_206, %get3A_210 : vector<16xf32>
        %get3A_212 = arith.index_cast %scan3A_147 : i32 to index
        %get3A_213 = arith.constant 48 : index
        %get3A_214 = tpu.vector_load %arg15[%get3A_212, %get3A_213] {strides = array<i32>} : memref<128x64xf32, #tpu.memory_space<vmem>>, vector<1x16xf32>,
        %get3A_215 = vector.shape_cast %get3A_214 : vector<1x16xf32> to vector<16xf32>
        %mul3A_216 = arith.mulf %mul3A_211, %get3A_215 : vector<16xf32>
        %swap3A_217 = arith.index_cast %scan3A_147 : i32 to index
        %swap3A_218 = arith.constant 48 : index
        %swap3A_219 = tpu.vector_load %arg17[%swap3A_217, %swap3A_218] {strides = array<i32>} : memref<128x64xf32, #tpu.memory_space<vmem>>, vector<1x16xf32>,
        %swap3A_220 = vector.shape_cast %swap3A_219 : vector<1x16xf32> to vector<16xf32>
        %swap3A_221 = vector.shape_cast %mul3A_216 : vector<16xf32> to vector<1x16xf32>
        tpu.vector_store %arg17[%swap3A_217, %swap3A_218], %swap3A_221 {strides = array<i32>} : memref<128x64xf32, #tpu.memory_space<vmem>>, vector<1x16xf32>,
        %scan3A_222 = arith.constant 1 : i32
        %scan3A_223 = arith.addi %scan3A_147, %scan3A_222 : i32
        %get3A_224 = arith.index_cast %scan3A_223 : i32 to index
        %get3A_225 = arith.constant 0 : index
        %get3A_226 = tpu.vector_load %arg11[%get3A_224, %get3A_225] {strides = array<i32>} : memref<128x64xf32, #tpu.memory_space<vmem>>, vector<1x16xf32>,
        %get3A_227 = vector.shape_cast %get3A_226 : vector<1x16xf32> to vector<16xf32>
        %get3A_228 = arith.index_cast %scan3A_223 : i32 to index
        %get3A_229 = arith.constant 0 : index
        %get3A_230 = tpu.vector_load %arg13[%get3A_228, %get3A_229] {strides = array<i32>} : memref<128x64xf32, #tpu.memory_space<vmem>>, vector<1x16xf32>,
        %get3A_231 = vector.shape_cast %get3A_230 : vector<1x16xf32> to vector<16xf32>
        %mul3A_232 = arith.mulf %get3A_227, %get3A_231 : vector<16xf32>
        %get3A_233 = arith.index_cast %scan3A_223 : i32 to index
        %get3A_234 = arith.constant 0 : index
        %get3A_235 = tpu.vector_load %arg15[%get3A_233, %get3A_234] {strides = array<i32>} : memref<128x64xf32, #tpu.memory_space<vmem>>, vector<1x16xf32>,
        %get3A_236 = vector.shape_cast %get3A_235 : vector<1x16xf32> to vector<16xf32>
        %mul3A_237 = arith.mulf %mul3A_232, %get3A_236 : vector<16xf32>
        %swap3A_238 = arith.index_cast %scan3A_223 : i32 to index
        %swap3A_239 = arith.constant 0 : index
        %swap3A_240 = tpu.vector_load %arg17[%swap3A_238, %swap3A_239] {strides = array<i32>} : memref<128x64xf32, #tpu.memory_space<vmem>>, vector<1x16xf32>,
        %swap3A_241 = vector.shape_cast %swap3A_240 : vector<1x16xf32> to vector<16xf32>
        %swap3A_242 = vector.shape_cast %mul3A_237 : vector<16xf32> to vector<1x16xf32>
        tpu.vector_store %arg17[%swap3A_238, %swap3A_239], %swap3A_242 {strides = array<i32>} : memref<128x64xf32, #tpu.memory_space<vmem>>, vector<1x16xf32>,
        %get3A_243 = arith.index_cast %scan3A_223 : i32 to index
        %get3A_244 = arith.constant 16 : index
        %get3A_245 = tpu.vector_load %arg11[%get3A_243, %get3A_244] {strides = array<i32>} : memref<128x64xf32, #tpu.memory_space<vmem>>, vector<1x16xf32>,
        %get3A_246 = vector.shape_cast %get3A_245 : vector<1x16xf32> to vector<16xf32>
        %get3A_247 = arith.index_cast %scan3A_223 : i32 to index
        %get3A_248 = arith.constant 16 : index
        %get3A_249 = tpu.vector_load %arg13[%get3A_247, %get3A_248] {strides = array<i32>} : memref<128x64xf32, #tpu.memory_space<vmem>>, vector<1x16xf32>,
        %get3A_250 = vector.shape_cast %get3A_249 : vector<1x16xf32> to vector<16xf32>
        %mul3A_251 = arith.mulf %get3A_246, %get3A_250 : vector<16xf32>
        %get3A_252 = arith.index_cast %scan3A_223 : i32 to index
        %get3A_253 = arith.constant 16 : index
        %get3A_254 = tpu.vector_load %arg15[%get3A_252, %get3A_253] {strides = array<i32>} : memref<128x64xf32, #tpu.memory_space<vmem>>, vector<1x16xf32>,
        %get3A_255 = vector.shape_cast %get3A_254 : vector<1x16xf32> to vector<16xf32>
        %mul3A_256 = arith.mulf %mul3A_251, %get3A_255 : vector<16xf32>
        %swap3A_257 = arith.index_cast %scan3A_223 : i32 to index
        %swap3A_258 = arith.constant 16 : index
        %swap3A_259 = tpu.vector_load %arg17[%swap3A_257, %swap3A_258] {strides = array<i32>} : memref<128x64xf32, #tpu.memory_space<vmem>>, vector<1x16xf32>,
        %swap3A_260 = vector.shape_cast %swap3A_259 : vector<1x16xf32> to vector<16xf32>
        %swap3A_261 = vector.shape_cast %mul3A_256 : vector<16xf32> to vector<1x16xf32>
        tpu.vector_store %arg17[%swap3A_257, %swap3A_258], %swap3A_261 {strides = array<i32>} : memref<128x64xf32, #tpu.memory_space<vmem>>, vector<1x16xf32>,
        %get3A_262 = arith.index_cast %scan3A_223 : i32 to index
        %get3A_263 = arith.constant 32 : index
        %get3A_264 = tpu.vector_load %arg11[%get3A_262, %get3A_263] {strides = array<i32>} : memref<128x64xf32, #tpu.memory_space<vmem>>, vector<1x16xf32>,
        %get3A_265 = vector.shape_cast %get3A_264 : vector<1x16xf32> to vector<16xf32>
        %get3A_266 = arith.index_cast %scan3A_223 : i32 to index
        %get3A_267 = arith.constant 32 : index
        %get3A_268 = tpu.vector_load %arg13[%get3A_266, %get3A_267] {strides = array<i32>} : memref<128x64xf32, #tpu.memory_space<vmem>>, vector<1x16xf32>,
        %get3A_269 = vector.shape_cast %get3A_268 : vector<1x16xf32> to vector<16xf32>
        %mul3A_270 = arith.mulf %get3A_265, %get3A_269 : vector<16xf32>
        %get3A_271 = arith.index_cast %scan3A_223 : i32 to index
        %get3A_272 = arith.constant 32 : index
        %get3A_273 = tpu.vector_load %arg15[%get3A_271, %get3A_272] {strides = array<i32>} : memref<128x64xf32, #tpu.memory_space<vmem>>, vector<1x16xf32>,
        %get3A_274 = vector.shape_cast %get3A_273 : vector<1x16xf32> to vector<16xf32>
        %mul3A_275 = arith.mulf %mul3A_270, %get3A_274 : vector<16xf32>
        %swap3A_276 = arith.index_cast %scan3A_223 : i32 to index
        %swap3A_277 = arith.constant 32 : index
        %swap3A_278 = tpu.vector_load %arg17[%swap3A_276, %swap3A_277] {strides = array<i32>} : memref<128x64xf32, #tpu.memory_space<vmem>>, vector<1x16xf32>,
        %swap3A_279 = vector.shape_cast %swap3A_278 : vector<1x16xf32> to vector<16xf32>
        %swap3A_280 = vector.shape_cast %mul3A_275 : vector<16xf32> to vector<1x16xf32>
        tpu.vector_store %arg17[%swap3A_276, %swap3A_277], %swap3A_280 {strides = array<i32>} : memref<128x64xf32, #tpu.memory_space<vmem>>, vector<1x16xf32>,
        %get3A_281 = arith.index_cast %scan3A_223 : i32 to index
        %get3A_282 = arith.constant 48 : index
        %get3A_283 = tpu.vector_load %arg11[%get3A_281, %get3A_282] {strides = array<i32>} : memref<128x64xf32, #tpu.memory_space<vmem>>, vector<1x16xf32>,
        %get3A_284 = vector.shape_cast %get3A_283 : vector<1x16xf32> to vector<16xf32>
        %get3A_285 = arith.index_cast %scan3A_223 : i32 to index
        %get3A_286 = arith.constant 48 : index
        %get3A_287 = tpu.vector_load %arg13[%get3A_285, %get3A_286] {strides = array<i32>} : memref<128x64xf32, #tpu.memory_space<vmem>>, vector<1x16xf32>,
        %get3A_288 = vector.shape_cast %get3A_287 : vector<1x16xf32> to vector<16xf32>
        %mul3A_289 = arith.mulf %get3A_284, %get3A_288 : vector<16xf32>
        %get3A_290 = arith.index_cast %scan3A_223 : i32 to index
        %get3A_291 = arith.constant 48 : index
        %get3A_292 = tpu.vector_load %arg15[%get3A_290, %get3A_291] {strides = array<i32>} : memref<128x64xf32, #tpu.memory_space<vmem>>, vector<1x16xf32>,
        %get3A_293 = vector.shape_cast %get3A_292 : vector<1x16xf32> to vector<16xf32>
        %mul3A_294 = arith.mulf %mul3A_289, %get3A_293 : vector<16xf32>
        %swap3A_295 = arith.index_cast %scan3A_223 : i32 to index
        %swap3A_296 = arith.constant 48 : index
        %swap3A_297 = tpu.vector_load %arg17[%swap3A_295, %swap3A_296] {strides = array<i32>} : memref<128x64xf32, #tpu.memory_space<vmem>>, vector<1x16xf32>,
        %swap3A_298 = vector.shape_cast %swap3A_297 : vector<1x16xf32> to vector<16xf32>
        %swap3A_299 = vector.shape_cast %mul3A_294 : vector<16xf32> to vector<1x16xf32>
        tpu.vector_store %arg17[%swap3A_295, %swap3A_296], %swap3A_299 {strides = array<i32>} : memref<128x64xf32, #tpu.memory_space<vmem>>, vector<1x16xf32>,
        %scan3A_300 = arith.constant 2 : i32
        %scan3A_301 = arith.addi %scan3A_147, %scan3A_300 : i32
        %get3A_302 = arith.index_cast %scan3A_301 : i32 to index
        %get3A_303 = arith.constant 0 : index
        %get3A_304 = tpu.vector_load %arg11[%get3A_302, %get3A_303] {strides = array<i32>} : memref<128x64xf32, #tpu.memory_space<vmem>>, vector<1x16xf32>,
        %get3A_305 = vector.shape_cast %get3A_304 : vector<1x16xf32> to vector<16xf32>
        %get3A_306 = arith.index_cast %scan3A_301 : i32 to index
        %get3A_307 = arith.constant 0 : index
        %get3A_308 = tpu.vector_load %arg13[%get3A_306, %get3A_307] {strides = array<i32>} : memref<128x64xf32, #tpu.memory_space<vmem>>, vector<1x16xf32>,
        %get3A_309 = vector.shape_cast %get3A_308 : vector<1x16xf32> to vector<16xf32>
        %mul3A_310 = arith.mulf %get3A_305, %get3A_309 : vector<16xf32>
        %get3A_311 = arith.index_cast %scan3A_301 : i32 to index
        %get3A_312 = arith.constant 0 : index
        %get3A_313 = tpu.vector_load %arg15[%get3A_311, %get3A_312] {strides = array<i32>} : memref<128x64xf32, #tpu.memory_space<vmem>>, vector<1x16xf32>,
        %get3A_314 = vector.shape_cast %get3A_313 : vector<1x16xf32> to vector<16xf32>
        %mul3A_315 = arith.mulf %mul3A_310, %get3A_314 : vector<16xf32>
        %swap3A_316 = arith.index_cast %scan3A_301 : i32 to index
        %swap3A_317 = arith.constant 0 : index
        %swap3A_318 = tpu.vector_load %arg17[%swap3A_316, %swap3A_317] {strides = array<i32>} : memref<128x64xf32, #tpu.memory_space<vmem>>, vector<1x16xf32>,
        %swap3A_319 = vector.shape_cast %swap3A_318 : vector<1x16xf32> to vector<16xf32>
        %swap3A_320 = vector.shape_cast %mul3A_315 : vector<16xf32> to vector<1x16xf32>
        tpu.vector_store %arg17[%swap3A_316, %swap3A_317], %swap3A_320 {strides = array<i32>} : memref<128x64xf32, #tpu.memory_space<vmem>>, vector<1x16xf32>,
        %get3A_321 = arith.index_cast %scan3A_301 : i32 to index
        %get3A_322 = arith.constant 16 : index
        %get3A_323 = tpu.vector_load %arg11[%get3A_321, %get3A_322] {strides = array<i32>} : memref<128x64xf32, #tpu.memory_space<vmem>>, vector<1x16xf32>,
        %get3A_324 = vector.shape_cast %get3A_323 : vector<1x16xf32> to vector<16xf32>
        %get3A_325 = arith.index_cast %scan3A_301 : i32 to index
        %get3A_326 = arith.constant 16 : index
        %get3A_327 = tpu.vector_load %arg13[%get3A_325, %get3A_326] {strides = array<i32>} : memref<128x64xf32, #tpu.memory_space<vmem>>, vector<1x16xf32>,
        %get3A_328 = vector.shape_cast %get3A_327 : vector<1x16xf32> to vector<16xf32>
        %mul3A_329 = arith.mulf %get3A_324, %get3A_328 : vector<16xf32>
        %get3A_330 = arith.index_cast %scan3A_301 : i32 to index
        %get3A_331 = arith.constant 16 : index
        %get3A_332 = tpu.vector_load %arg15[%get3A_330, %get3A_331] {strides = array<i32>} : memref<128x64xf32, #tpu.memory_space<vmem>>, vector<1x16xf32>,
        %get3A_333 = vector.shape_cast %get3A_332 : vector<1x16xf32> to vector<16xf32>
        %mul3A_334 = arith.mulf %mul3A_329, %get3A_333 : vector<16xf32>
        %swap3A_335 = arith.index_cast %scan3A_301 : i32 to index
        %swap3A_336 = arith.constant 16 : index
        %swap3A_337 = tpu.vector_load %arg17[%swap3A_335, %swap3A_336] {strides = array<i32>} : memref<128x64xf32, #tpu.memory_space<vmem>>, vector<1x16xf32>,
        %swap3A_338 = vector.shape_cast %swap3A_337 : vector<1x16xf32> to vector<16xf32>
        %swap3A_339 = vector.shape_cast %mul3A_334 : vector<16xf32> to vector<1x16xf32>
        tpu.vector_store %arg17[%swap3A_335, %swap3A_336], %swap3A_339 {strides = array<i32>} : memref<128x64xf32, #tpu.memory_space<vmem>>, vector<1x16xf32>,
        %get3A_340 = arith.index_cast %scan3A_301 : i32 to index
        %get3A_341 = arith.constant 32 : index
        %get3A_342 = tpu.vector_load %arg11[%get3A_340, %get3A_341] {strides = array<i32>} : memref<128x64xf32, #tpu.memory_space<vmem>>, vector<1x16xf32>,
        %get3A_343 = vector.shape_cast %get3A_342 : vector<1x16xf32> to vector<16xf32>
        %get3A_344 = arith.index_cast %scan3A_301 : i32 to index
        %get3A_345 = arith.constant 32 : index
        %get3A_346 = tpu.vector_load %arg13[%get3A_344, %get3A_345] {strides = array<i32>} : memref<128x64xf32, #tpu.memory_space<vmem>>, vector<1x16xf32>,
        %get3A_347 = vector.shape_cast %get3A_346 : vector<1x16xf32> to vector<16xf32>
        %mul3A_348 = arith.mulf %get3A_343, %get3A_347 : vector<16xf32>
        %get3A_349 = arith.index_cast %scan3A_301 : i32 to index
        %get3A_350 = arith.constant 32 : index
        %get3A_351 = tpu.vector_load %arg15[%get3A_349, %get3A_350] {strides = array<i32>} : memref<128x64xf32, #tpu.memory_space<vmem>>, vector<1x16xf32>,
        %get3A_352 = vector.shape_cast %get3A_351 : vector<1x16xf32> to vector<16xf32>
        %mul3A_353 = arith.mulf %mul3A_348, %get3A_352 : vector<16xf32>
        %swap3A_354 = arith.index_cast %scan3A_301 : i32 to index
        %swap3A_355 = arith.constant 32 : index
        %swap3A_356 = tpu.vector_load %arg17[%swap3A_354, %swap3A_355] {strides = array<i32>} : memref<128x64xf32, #tpu.memory_space<vmem>>, vector<1x16xf32>,
        %swap3A_357 = vector.shape_cast %swap3A_356 : vector<1x16xf32> to vector<16xf32>
        %swap3A_358 = vector.shape_cast %mul3A_353 : vector<16xf32> to vector<1x16xf32>
        tpu.vector_store %arg17[%swap3A_354, %swap3A_355], %swap3A_358 {strides = array<i32>} : memref<128x64xf32, #tpu.memory_space<vmem>>, vector<1x16xf32>,
        %get3A_359 = arith.index_cast %scan3A_301 : i32 to index
        %get3A_360 = arith.constant 48 : index
        %get3A_361 = tpu.vector_load %arg11[%get3A_359, %get3A_360] {strides = array<i32>} : memref<128x64xf32, #tpu.memory_space<vmem>>, vector<1x16xf32>,
        %get3A_362 = vector.shape_cast %get3A_361 : vector<1x16xf32> to vector<16xf32>
        %get3A_363 = arith.index_cast %scan3A_301 : i32 to index
        %get3A_364 = arith.constant 48 : index
        %get3A_365 = tpu.vector_load %arg13[%get3A_363, %get3A_364] {strides = array<i32>} : memref<128x64xf32, #tpu.memory_space<vmem>>, vector<1x16xf32>,
        %get3A_366 = vector.shape_cast %get3A_365 : vector<1x16xf32> to vector<16xf32>
        %mul3A_367 = arith.mulf %get3A_362, %get3A_366 : vector<16xf32>
        %get3A_368 = arith.index_cast %scan3A_301 : i32 to index
        %get3A_369 = arith.constant 48 : index
        %get3A_370 = tpu.vector_load %arg15[%get3A_368, %get3A_369] {strides = array<i32>} : memref<128x64xf32, #tpu.memory_space<vmem>>, vector<1x16xf32>,
        %get3A_371 = vector.shape_cast %get3A_370 : vector<1x16xf32> to vector<16xf32>
        %mul3A_372 = arith.mulf %mul3A_367, %get3A_371 : vector<16xf32>
        %swap3A_373 = arith.index_cast %scan3A_301 : i32 to index
        %swap3A_374 = arith.constant 48 : index
        %swap3A_375 = tpu.vector_load %arg17[%swap3A_373, %swap3A_374] {strides = array<i32>} : memref<128x64xf32, #tpu.memory_space<vmem>>, vector<1x16xf32>,
        %swap3A_376 = vector.shape_cast %swap3A_375 : vector<1x16xf32> to vector<16xf32>
        %swap3A_377 = vector.shape_cast %mul3A_372 : vector<16xf32> to vector<1x16xf32>
        tpu.vector_store %arg17[%swap3A_373, %swap3A_374], %swap3A_377 {strides = array<i32>} : memref<128x64xf32, #tpu.memory_space<vmem>>, vector<1x16xf32>,
        %scan3A_378 = arith.constant 3 : i32
        %scan3A_379 = arith.addi %scan3A_147, %scan3A_378 : i32
        %get3A_380 = arith.index_cast %scan3A_379 : i32 to index
        %get3A_381 = arith.constant 0 : index
        %get3A_382 = tpu.vector_load %arg11[%get3A_380, %get3A_381] {strides = array<i32>} : memref<128x64xf32, #tpu.memory_space<vmem>>, vector<1x16xf32>,
        %get3A_383 = vector.shape_cast %get3A_382 : vector<1x16xf32> to vector<16xf32>
        %get3A_384 = arith.index_cast %scan3A_379 : i32 to index
        %get3A_385 = arith.constant 0 : index
        %get3A_386 = tpu.vector_load %arg13[%get3A_384, %get3A_385] {strides = array<i32>} : memref<128x64xf32, #tpu.memory_space<vmem>>, vector<1x16xf32>,
        %get3A_387 = vector.shape_cast %get3A_386 : vector<1x16xf32> to vector<16xf32>
        %mul3A_388 = arith.mulf %get3A_383, %get3A_387 : vector<16xf32>
        %get3A_389 = arith.index_cast %scan3A_379 : i32 to index
        %get3A_390 = arith.constant 0 : index
        %get3A_391 = tpu.vector_load %arg15[%get3A_389, %get3A_390] {strides = array<i32>} : memref<128x64xf32, #tpu.memory_space<vmem>>, vector<1x16xf32>,
        %get3A_392 = vector.shape_cast %get3A_391 : vector<1x16xf32> to vector<16xf32>
        %mul3A_393 = arith.mulf %mul3A_388, %get3A_392 : vector<16xf32>
        %swap3A_394 = arith.index_cast %scan3A_379 : i32 to index
        %swap3A_395 = arith.constant 0 : index
        %swap3A_396 = tpu.vector_load %arg17[%swap3A_394, %swap3A_395] {strides = array<i32>} : memref<128x64xf32, #tpu.memory_space<vmem>>, vector<1x16xf32>,
        %swap3A_397 = vector.shape_cast %swap3A_396 : vector<1x16xf32> to vector<16xf32>
        %swap3A_398 = vector.shape_cast %mul3A_393 : vector<16xf32> to vector<1x16xf32>
        tpu.vector_store %arg17[%swap3A_394, %swap3A_395], %swap3A_398 {strides = array<i32>} : memref<128x64xf32, #tpu.memory_space<vmem>>, vector<1x16xf32>,
        %get3A_399 = arith.index_cast %scan3A_379 : i32 to index
        %get3A_400 = arith.constant 16 : index
        %get3A_401 = tpu.vector_load %arg11[%get3A_399, %get3A_400] {strides = array<i32>} : memref<128x64xf32, #tpu.memory_space<vmem>>, vector<1x16xf32>,
        %get3A_402 = vector.shape_cast %get3A_401 : vector<1x16xf32> to vector<16xf32>
        %get3A_403 = arith.index_cast %scan3A_379 : i32 to index
        %get3A_404 = arith.constant 16 : index
        %get3A_405 = tpu.vector_load %arg13[%get3A_403, %get3A_404] {strides = array<i32>} : memref<128x64xf32, #tpu.memory_space<vmem>>, vector<1x16xf32>,
        %get3A_406 = vector.shape_cast %get3A_405 : vector<1x16xf32> to vector<16xf32>
        %mul3A_407 = arith.mulf %get3A_402, %get3A_406 : vector<16xf32>
        %get3A_408 = arith.index_cast %scan3A_379 : i32 to index
        %get3A_409 = arith.constant 16 : index
        %get3A_410 = tpu.vector_load %arg15[%get3A_408, %get3A_409] {strides = array<i32>} : memref<128x64xf32, #tpu.memory_space<vmem>>, vector<1x16xf32>,
        %get3A_411 = vector.shape_cast %get3A_410 : vector<1x16xf32> to vector<16xf32>
        %mul3A_412 = arith.mulf %mul3A_407, %get3A_411 : vector<16xf32>
        %swap3A_413 = arith.index_cast %scan3A_379 : i32 to index
        %swap3A_414 = arith.constant 16 : index
        %swap3A_415 = tpu.vector_load %arg17[%swap3A_413, %swap3A_414] {strides = array<i32>} : memref<128x64xf32, #tpu.memory_space<vmem>>, vector<1x16xf32>,
        %swap3A_416 = vector.shape_cast %swap3A_415 : vector<1x16xf32> to vector<16xf32>
        %swap3A_417 = vector.shape_cast %mul3A_412 : vector<16xf32> to vector<1x16xf32>
        tpu.vector_store %arg17[%swap3A_413, %swap3A_414], %swap3A_417 {strides = array<i32>} : memref<128x64xf32, #tpu.memory_space<vmem>>, vector<1x16xf32>,
        %get3A_418 = arith.index_cast %scan3A_379 : i32 to index
        %get3A_419 = arith.constant 32 : index
        %get3A_420 = tpu.vector_load %arg11[%get3A_418, %get3A_419] {strides = array<i32>} : memref<128x64xf32, #tpu.memory_space<vmem>>, vector<1x16xf32>,
        %get3A_421 = vector.shape_cast %get3A_420 : vector<1x16xf32> to vector<16xf32>
        %get3A_422 = arith.index_cast %scan3A_379 : i32 to index
        %get3A_423 = arith.constant 32 : index
        %get3A_424 = tpu.vector_load %arg13[%get3A_422, %get3A_423] {strides = array<i32>} : memref<128x64xf32, #tpu.memory_space<vmem>>, vector<1x16xf32>,
        %get3A_425 = vector.shape_cast %get3A_424 : vector<1x16xf32> to vector<16xf32>
        %mul3A_426 = arith.mulf %get3A_421, %get3A_425 : vector<16xf32>
        %get3A_427 = arith.index_cast %scan3A_379 : i32 to index
        %get3A_428 = arith.constant 32 : index
        %get3A_429 = tpu.vector_load %arg15[%get3A_427, %get3A_428] {strides = array<i32>} : memref<128x64xf32, #tpu.memory_space<vmem>>, vector<1x16xf32>,
        %get3A_430 = vector.shape_cast %get3A_429 : vector<1x16xf32> to vector<16xf32>
        %mul3A_431 = arith.mulf %mul3A_426, %get3A_430 : vector<16xf32>
        %swap3A_432 = arith.index_cast %scan3A_379 : i32 to index
        %swap3A_433 = arith.constant 32 : index
        %swap3A_434 = tpu.vector_load %arg17[%swap3A_432, %swap3A_433] {strides = array<i32>} : memref<128x64xf32, #tpu.memory_space<vmem>>, vector<1x16xf32>,
        %swap3A_435 = vector.shape_cast %swap3A_434 : vector<1x16xf32> to vector<16xf32>
        %swap3A_436 = vector.shape_cast %mul3A_431 : vector<16xf32> to vector<1x16xf32>
        tpu.vector_store %arg17[%swap3A_432, %swap3A_433], %swap3A_436 {strides = array<i32>} : memref<128x64xf32, #tpu.memory_space<vmem>>, vector<1x16xf32>,
        %get3A_437 = arith.index_cast %scan3A_379 : i32 to index
        %get3A_438 = arith.constant 48 : index
        %get3A_439 = tpu.vector_load %arg11[%get3A_437, %get3A_438] {strides = array<i32>} : memref<128x64xf32, #tpu.memory_space<vmem>>, vector<1x16xf32>,
        %get3A_440 = vector.shape_cast %get3A_439 : vector<1x16xf32> to vector<16xf32>
        %get3A_441 = arith.index_cast %scan3A_379 : i32 to index
        %get3A_442 = arith.constant 48 : index
        %get3A_443 = tpu.vector_load %arg13[%get3A_441, %get3A_442] {strides = array<i32>} : memref<128x64xf32, #tpu.memory_space<vmem>>, vector<1x16xf32>,
        %get3A_444 = vector.shape_cast %get3A_443 : vector<1x16xf32> to vector<16xf32>
        %mul3A_445 = arith.mulf %get3A_440, %get3A_444 : vector<16xf32>
        %get3A_446 = arith.index_cast %scan3A_379 : i32 to index
        %get3A_447 = arith.constant 48 : index
        %get3A_448 = tpu.vector_load %arg15[%get3A_446, %get3A_447] {strides = array<i32>} : memref<128x64xf32, #tpu.memory_space<vmem>>, vector<1x16xf32>,
        %get3A_449 = vector.shape_cast %get3A_448 : vector<1x16xf32> to vector<16xf32>
        %mul3A_450 = arith.mulf %mul3A_445, %get3A_449 : vector<16xf32>
        %swap3A_451 = arith.index_cast %scan3A_379 : i32 to index
        %swap3A_452 = arith.constant 48 : index
        %swap3A_453 = tpu.vector_load %arg17[%swap3A_451, %swap3A_452] {strides = array<i32>} : memref<128x64xf32, #tpu.memory_space<vmem>>, vector<1x16xf32>,
        %swap3A_454 = vector.shape_cast %swap3A_453 : vector<1x16xf32> to vector<16xf32>
        %swap3A_455 = vector.shape_cast %mul3A_450 : vector<16xf32> to vector<1x16xf32>
        tpu.vector_store %arg17[%swap3A_451, %swap3A_452], %swap3A_455 {strides = array<i32>} : memref<128x64xf32, #tpu.memory_space<vmem>>, vector<1x16xf32>,
        %scan3A_456 = arith.constant 4 : i32
        %scan3A_457 = arith.addi %scan3A_147, %scan3A_456 : i32
        %get3A_458 = arith.index_cast %scan3A_457 : i32 to index
        %get3A_459 = arith.constant 0 : index
        %get3A_460 = tpu.vector_load %arg11[%get3A_458, %get3A_459] {strides = array<i32>} : memref<128x64xf32, #tpu.memory_space<vmem>>, vector<1x16xf32>,
        %get3A_461 = vector.shape_cast %get3A_460 : vector<1x16xf32> to vector<16xf32>
        %get3A_462 = arith.index_cast %scan3A_457 : i32 to index
        %get3A_463 = arith.constant 0 : index
        %get3A_464 = tpu.vector_load %arg13[%get3A_462, %get3A_463] {strides = array<i32>} : memref<128x64xf32, #tpu.memory_space<vmem>>, vector<1x16xf32>,
        %get3A_465 = vector.shape_cast %get3A_464 : vector<1x16xf32> to vector<16xf32>
        %mul3A_466 = arith.mulf %get3A_461, %get3A_465 : vector<16xf32>
        %get3A_467 = arith.index_cast %scan3A_457 : i32 to index
        %get3A_468 = arith.constant 0 : index
        %get3A_469 = tpu.vector_load %arg15[%get3A_467, %get3A_468] {strides = array<i32>} : memref<128x64xf32, #tpu.memory_space<vmem>>, vector<1x16xf32>,
        %get3A_470 = vector.shape_cast %get3A_469 : vector<1x16xf32> to vector<16xf32>
        %mul3A_471 = arith.mulf %mul3A_466, %get3A_470 : vector<16xf32>
        %swap3A_472 = arith.index_cast %scan3A_457 : i32 to index
        %swap3A_473 = arith.constant 0 : index
        %swap3A_474 = tpu.vector_load %arg17[%swap3A_472, %swap3A_473] {strides = array<i32>} : memref<128x64xf32, #tpu.memory_space<vmem>>, vector<1x16xf32>,
        %swap3A_475 = vector.shape_cast %swap3A_474 : vector<1x16xf32> to vector<16xf32>
        %swap3A_476 = vector.shape_cast %mul3A_471 : vector<16xf32> to vector<1x16xf32>
        tpu.vector_store %arg17[%swap3A_472, %swap3A_473], %swap3A_476 {strides = array<i32>} : memref<128x64xf32, #tpu.memory_space<vmem>>, vector<1x16xf32>,
        %get3A_477 = arith.index_cast %scan3A_457 : i32 to index
        %get3A_478 = arith.constant 16 : index
        %get3A_479 = tpu.vector_load %arg11[%get3A_477, %get3A_478] {strides = array<i32>} : memref<128x64xf32, #tpu.memory_space<vmem>>, vector<1x16xf32>,
        %get3A_480 = vector.shape_cast %get3A_479 : vector<1x16xf32> to vector<16xf32>
        %get3A_481 = arith.index_cast %scan3A_457 : i32 to index
        %get3A_482 = arith.constant 16 : index
        %get3A_483 = tpu.vector_load %arg13[%get3A_481, %get3A_482] {strides = array<i32>} : memref<128x64xf32, #tpu.memory_space<vmem>>, vector<1x16xf32>,
        %get3A_484 = vector.shape_cast %get3A_483 : vector<1x16xf32> to vector<16xf32>
        %mul3A_485 = arith.mulf %get3A_480, %get3A_484 : vector<16xf32>
        %get3A_486 = arith.index_cast %scan3A_457 : i32 to index
        %get3A_487 = arith.constant 16 : index
        %get3A_488 = tpu.vector_load %arg15[%get3A_486, %get3A_487] {strides = array<i32>} : memref<128x64xf32, #tpu.memory_space<vmem>>, vector<1x16xf32>,
        %get3A_489 = vector.shape_cast %get3A_488 : vector<1x16xf32> to vector<16xf32>
        %mul3A_490 = arith.mulf %mul3A_485, %get3A_489 : vector<16xf32>
        %swap3A_491 = arith.index_cast %scan3A_457 : i32 to index
        %swap3A_492 = arith.constant 16 : index
        %swap3A_493 = tpu.vector_load %arg17[%swap3A_491, %swap3A_492] {strides = array<i32>} : memref<128x64xf32, #tpu.memory_space<vmem>>, vector<1x16xf32>,
        %swap3A_494 = vector.shape_cast %swap3A_493 : vector<1x16xf32> to vector<16xf32>
        %swap3A_495 = vector.shape_cast %mul3A_490 : vector<16xf32> to vector<1x16xf32>
        tpu.vector_store %arg17[%swap3A_491, %swap3A_492], %swap3A_495 {strides = array<i32>} : memref<128x64xf32, #tpu.memory_space<vmem>>, vector<1x16xf32>,
        %get3A_496 = arith.index_cast %scan3A_457 : i32 to index
        %get3A_497 = arith.constant 32 : index
        %get3A_498 = tpu.vector_load %arg11[%get3A_496, %get3A_497] {strides = array<i32>} : memref<128x64xf32, #tpu.memory_space<vmem>>, vector<1x16xf32>,
        %get3A_499 = vector.shape_cast %get3A_498 : vector<1x16xf32> to vector<16xf32>
        %get3A_500 = arith.index_cast %scan3A_457 : i32 to index
        %get3A_501 = arith.constant 32 : index
        %get3A_502 = tpu.vector_load %arg13[%get3A_500, %get3A_501] {strides = array<i32>} : memref<128x64xf32, #tpu.memory_space<vmem>>, vector<1x16xf32>,
        %get3A_503 = vector.shape_cast %get3A_502 : vector<1x16xf32> to vector<16xf32>
        %mul3A_504 = arith.mulf %get3A_499, %get3A_503 : vector<16xf32>
        %get3A_505 = arith.index_cast %scan3A_457 : i32 to index
        %get3A_506 = arith.constant 32 : index
        %get3A_507 = tpu.vector_load %arg15[%get3A_505, %get3A_506] {strides = array<i32>} : memref<128x64xf32, #tpu.memory_space<vmem>>, vector<1x16xf32>,
        %get3A_508 = vector.shape_cast %get3A_507 : vector<1x16xf32> to vector<16xf32>
        %mul3A_509 = arith.mulf %mul3A_504, %get3A_508 : vector<16xf32>
        %swap3A_510 = arith.index_cast %scan3A_457 : i32 to index
        %swap3A_511 = arith.constant 32 : index
        %swap3A_512 = tpu.vector_load %arg17[%swap3A_510, %swap3A_511] {strides = array<i32>} : memref<128x64xf32, #tpu.memory_space<vmem>>, vector<1x16xf32>,
        %swap3A_513 = vector.shape_cast %swap3A_512 : vector<1x16xf32> to vector<16xf32>
        %swap3A_514 = vector.shape_cast %mul3A_509 : vector<16xf32> to vector<1x16xf32>
        tpu.vector_store %arg17[%swap3A_510, %swap3A_511], %swap3A_514 {strides = array<i32>} : memref<128x64xf32, #tpu.memory_space<vmem>>, vector<1x16xf32>,
        %get3A_515 = arith.index_cast %scan3A_457 : i32 to index
        %get3A_516 = arith.constant 48 : index
        %get3A_517 = tpu.vector_load %arg11[%get3A_515, %get3A_516] {strides = array<i32>} : memref<128x64xf32, #tpu.memory_space<vmem>>, vector<1x16xf32>,
        %get3A_518 = vector.shape_cast %get3A_517 : vector<1x16xf32> to vector<16xf32>
        %get3A_519 = arith.index_cast %scan3A_457 : i32 to index
        %get3A_520 = arith.constant 48 : index
        %get3A_521 = tpu.vector_load %arg13[%get3A_519, %get3A_520] {strides = array<i32>} : memref<128x64xf32, #tpu.memory_space<vmem>>, vector<1x16xf32>,
        %get3A_522 = vector.shape_cast %get3A_521 : vector<1x16xf32> to vector<16xf32>
        %mul3A_523 = arith.mulf %get3A_518, %get3A_522 : vector<16xf32>
        %get3A_524 = arith.index_cast %scan3A_457 : i32 to index
        %get3A_525 = arith.constant 48 : index
        %get3A_526 = tpu.vector_load %arg15[%get3A_524, %get3A_525] {strides = array<i32>} : memref<128x64xf32, #tpu.memory_space<vmem>>, vector<1x16xf32>,
        %get3A_527 = vector.shape_cast %get3A_526 : vector<1x16xf32> to vector<16xf32>
        %mul3A_528 = arith.mulf %mul3A_523, %get3A_527 : vector<16xf32>
        %swap3A_529 = arith.index_cast %scan3A_457 : i32 to index
        %swap3A_530 = arith.constant 48 : index
        %swap3A_531 = tpu.vector_load %arg17[%swap3A_529, %swap3A_530] {strides = array<i32>} : memref<128x64xf32, #tpu.memory_space<vmem>>, vector<1x16xf32>,
        %swap3A_532 = vector.shape_cast %swap3A_531 : vector<1x16xf32> to vector<16xf32>
        %swap3A_533 = vector.shape_cast %mul3A_528 : vector<16xf32> to vector<1x16xf32>
        tpu.vector_store %arg17[%swap3A_529, %swap3A_530], %swap3A_533 {strides = array<i32>} : memref<128x64xf32, #tpu.memory_space<vmem>>, vector<1x16xf32>,
        %scan3A_534 = arith.constant 5 : i32
        %scan3A_535 = arith.addi %scan3A_147, %scan3A_534 : i32
        %get3A_536 = arith.index_cast %scan3A_535 : i32 to index
        %get3A_537 = arith.constant 0 : index
        %get3A_538 = tpu.vector_load %arg11[%get3A_536, %get3A_537] {strides = array<i32>} : memref<128x64xf32, #tpu.memory_space<vmem>>, vector<1x16xf32>,
        %get3A_539 = vector.shape_cast %get3A_538 : vector<1x16xf32> to vector<16xf32>
        %get3A_540 = arith.index_cast %scan3A_535 : i32 to index
        %get3A_541 = arith.constant 0 : index
        %get3A_542 = tpu.vector_load %arg13[%get3A_540, %get3A_541] {strides = array<i32>} : memref<128x64xf32, #tpu.memory_space<vmem>>, vector<1x16xf32>,
        %get3A_543 = vector.shape_cast %get3A_542 : vector<1x16xf32> to vector<16xf32>
        %mul3A_544 = arith.mulf %get3A_539, %get3A_543 : vector<16xf32>
        %get3A_545 = arith.index_cast %scan3A_535 : i32 to index
        %get3A_546 = arith.constant 0 : index
        %get3A_547 = tpu.vector_load %arg15[%get3A_545, %get3A_546] {strides = array<i32>} : memref<128x64xf32, #tpu.memory_space<vmem>>, vector<1x16xf32>,
        %get3A_548 = vector.shape_cast %get3A_547 : vector<1x16xf32> to vector<16xf32>
        %mul3A_549 = arith.mulf %mul3A_544, %get3A_548 : vector<16xf32>
        %swap3A_550 = arith.index_cast %scan3A_535 : i32 to index
        %swap3A_551 = arith.constant 0 : index
        %swap3A_552 = tpu.vector_load %arg17[%swap3A_550, %swap3A_551] {strides = array<i32>} : memref<128x64xf32, #tpu.memory_space<vmem>>, vector<1x16xf32>,
        %swap3A_553 = vector.shape_cast %swap3A_552 : vector<1x16xf32> to vector<16xf32>
        %swap3A_554 = vector.shape_cast %mul3A_549 : vector<16xf32> to vector<1x16xf32>
        tpu.vector_store %arg17[%swap3A_550, %swap3A_551], %swap3A_554 {strides = array<i32>} : memref<128x64xf32, #tpu.memory_space<vmem>>, vector<1x16xf32>,
        %get3A_555 = arith.index_cast %scan3A_535 : i32 to index
        %get3A_556 = arith.constant 16 : index
        %get3A_557 = tpu.vector_load %arg11[%get3A_555, %get3A_556] {strides = array<i32>} : memref<128x64xf32, #tpu.memory_space<vmem>>, vector<1x16xf32>,
        %get3A_558 = vector.shape_cast %get3A_557 : vector<1x16xf32> to vector<16xf32>
        %get3A_559 = arith.index_cast %scan3A_535 : i32 to index
        %get3A_560 = arith.constant 16 : index
        %get3A_561 = tpu.vector_load %arg13[%get3A_559, %get3A_560] {strides = array<i32>} : memref<128x64xf32, #tpu.memory_space<vmem>>, vector<1x16xf32>,
        %get3A_562 = vector.shape_cast %get3A_561 : vector<1x16xf32> to vector<16xf32>
        %mul3A_563 = arith.mulf %get3A_558, %get3A_562 : vector<16xf32>
        %get3A_564 = arith.index_cast %scan3A_535 : i32 to index
        %get3A_565 = arith.constant 16 : index
        %get3A_566 = tpu.vector_load %arg15[%get3A_564, %get3A_565] {strides = array<i32>} : memref<128x64xf32, #tpu.memory_space<vmem>>, vector<1x16xf32>,
        %get3A_567 = vector.shape_cast %get3A_566 : vector<1x16xf32> to vector<16xf32>
        %mul3A_568 = arith.mulf %mul3A_563, %get3A_567 : vector<16xf32>
        %swap3A_569 = arith.index_cast %scan3A_535 : i32 to index
        %swap3A_570 = arith.constant 16 : index
        %swap3A_571 = tpu.vector_load %arg17[%swap3A_569, %swap3A_570] {strides = array<i32>} : memref<128x64xf32, #tpu.memory_space<vmem>>, vector<1x16xf32>,
        %swap3A_572 = vector.shape_cast %swap3A_571 : vector<1x16xf32> to vector<16xf32>
        %swap3A_573 = vector.shape_cast %mul3A_568 : vector<16xf32> to vector<1x16xf32>
        tpu.vector_store %arg17[%swap3A_569, %swap3A_570], %swap3A_573 {strides = array<i32>} : memref<128x64xf32, #tpu.memory_space<vmem>>, vector<1x16xf32>,
        %get3A_574 = arith.index_cast %scan3A_535 : i32 to index
        %get3A_575 = arith.constant 32 : index
        %get3A_576 = tpu.vector_load %arg11[%get3A_574, %get3A_575] {strides = array<i32>} : memref<128x64xf32, #tpu.memory_space<vmem>>, vector<1x16xf32>,
        %get3A_577 = vector.shape_cast %get3A_576 : vector<1x16xf32> to vector<16xf32>
        %get3A_578 = arith.index_cast %scan3A_535 : i32 to index
        %get3A_579 = arith.constant 32 : index
        %get3A_580 = tpu.vector_load %arg13[%get3A_578, %get3A_579] {strides = array<i32>} : memref<128x64xf32, #tpu.memory_space<vmem>>, vector<1x16xf32>,
        %get3A_581 = vector.shape_cast %get3A_580 : vector<1x16xf32> to vector<16xf32>
        %mul3A_582 = arith.mulf %get3A_577, %get3A_581 : vector<16xf32>
        %get3A_583 = arith.index_cast %scan3A_535 : i32 to index
        %get3A_584 = arith.constant 32 : index
        %get3A_585 = tpu.vector_load %arg15[%get3A_583, %get3A_584] {strides = array<i32>} : memref<128x64xf32, #tpu.memory_space<vmem>>, vector<1x16xf32>,
        %get3A_586 = vector.shape_cast %get3A_585 : vector<1x16xf32> to vector<16xf32>
        %mul3A_587 = arith.mulf %mul3A_582, %get3A_586 : vector<16xf32>
        %swap3A_588 = arith.index_cast %scan3A_535 : i32 to index
        %swap3A_589 = arith.constant 32 : index
        %swap3A_590 = tpu.vector_load %arg17[%swap3A_588, %swap3A_589] {strides = array<i32>} : memref<128x64xf32, #tpu.memory_space<vmem>>, vector<1x16xf32>,
        %swap3A_591 = vector.shape_cast %swap3A_590 : vector<1x16xf32> to vector<16xf32>
        %swap3A_592 = vector.shape_cast %mul3A_587 : vector<16xf32> to vector<1x16xf32>
        tpu.vector_store %arg17[%swap3A_588, %swap3A_589], %swap3A_592 {strides = array<i32>} : memref<128x64xf32, #tpu.memory_space<vmem>>, vector<1x16xf32>,
        %get3A_593 = arith.index_cast %scan3A_535 : i32 to index
        %get3A_594 = arith.constant 48 : index
        %get3A_595 = tpu.vector_load %arg11[%get3A_593, %get3A_594] {strides = array<i32>} : memref<128x64xf32, #tpu.memory_space<vmem>>, vector<1x16xf32>,
        %get3A_596 = vector.shape_cast %get3A_595 : vector<1x16xf32> to vector<16xf32>
        %get3A_597 = arith.index_cast %scan3A_535 : i32 to index
        %get3A_598 = arith.constant 48 : index
        %get3A_599 = tpu.vector_load %arg13[%get3A_597, %get3A_598] {strides = array<i32>} : memref<128x64xf32, #tpu.memory_space<vmem>>, vector<1x16xf32>,
        %get3A_600 = vector.shape_cast %get3A_599 : vector<1x16xf32> to vector<16xf32>
        %mul3A_601 = arith.mulf %get3A_596, %get3A_600 : vector<16xf32>
        %get3A_602 = arith.index_cast %scan3A_535 : i32 to index
        %get3A_603 = arith.constant 48 : index
        %get3A_604 = tpu.vector_load %arg15[%get3A_602, %get3A_603] {strides = array<i32>} : memref<128x64xf32, #tpu.memory_space<vmem>>, vector<1x16xf32>,
        %get3A_605 = vector.shape_cast %get3A_604 : vector<1x16xf32> to vector<16xf32>
        %mul3A_606 = arith.mulf %mul3A_601, %get3A_605 : vector<16xf32>
        %swap3A_607 = arith.index_cast %scan3A_535 : i32 to index
        %swap3A_608 = arith.constant 48 : index
        %swap3A_609 = tpu.vector_load %arg17[%swap3A_607, %swap3A_608] {strides = array<i32>} : memref<128x64xf32, #tpu.memory_space<vmem>>, vector<1x16xf32>,
        %swap3A_610 = vector.shape_cast %swap3A_609 : vector<1x16xf32> to vector<16xf32>
        %swap3A_611 = vector.shape_cast %mul3A_606 : vector<16xf32> to vector<1x16xf32>
        tpu.vector_store %arg17[%swap3A_607, %swap3A_608], %swap3A_611 {strides = array<i32>} : memref<128x64xf32, #tpu.memory_space<vmem>>, vector<1x16xf32>,
        %scan3A_612 = arith.constant 6 : i32
        %scan3A_613 = arith.addi %scan3A_147, %scan3A_612 : i32
        %get3A_614 = arith.index_cast %scan3A_613 : i32 to index
        %get3A_615 = arith.constant 0 : index
        %get3A_616 = tpu.vector_load %arg11[%get3A_614, %get3A_615] {strides = array<i32>} : memref<128x64xf32, #tpu.memory_space<vmem>>, vector<1x16xf32>,
        %get3A_617 = vector.shape_cast %get3A_616 : vector<1x16xf32> to vector<16xf32>
        %get3A_618 = arith.index_cast %scan3A_613 : i32 to index
        %get3A_619 = arith.constant 0 : index
        %get3A_620 = tpu.vector_load %arg13[%get3A_618, %get3A_619] {strides = array<i32>} : memref<128x64xf32, #tpu.memory_space<vmem>>, vector<1x16xf32>,
        %get3A_621 = vector.shape_cast %get3A_620 : vector<1x16xf32> to vector<16xf32>
        %mul3A_622 = arith.mulf %get3A_617, %get3A_621 : vector<16xf32>
        %get3A_623 = arith.index_cast %scan3A_613 : i32 to index
        %get3A_624 = arith.constant 0 : index
        %get3A_625 = tpu.vector_load %arg15[%get3A_623, %get3A_624] {strides = array<i32>} : memref<128x64xf32, #tpu.memory_space<vmem>>, vector<1x16xf32>,
        %get3A_626 = vector.shape_cast %get3A_625 : vector<1x16xf32> to vector<16xf32>
        %mul3A_627 = arith.mulf %mul3A_622, %get3A_626 : vector<16xf32>
        %swap3A_628 = arith.index_cast %scan3A_613 : i32 to index
        %swap3A_629 = arith.constant 0 : index
        %swap3A_630 = tpu.vector_load %arg17[%swap3A_628, %swap3A_629] {strides = array<i32>} : memref<128x64xf32, #tpu.memory_space<vmem>>, vector<1x16xf32>,
        %swap3A_631 = vector.shape_cast %swap3A_630 : vector<1x16xf32> to vector<16xf32>
        %swap3A_632 = vector.shape_cast %mul3A_627 : vector<16xf32> to vector<1x16xf32>
        tpu.vector_store %arg17[%swap3A_628, %swap3A_629], %swap3A_632 {strides = array<i32>} : memref<128x64xf32, #tpu.memory_space<vmem>>, vector<1x16xf32>,
        %get3A_633 = arith.index_cast %scan3A_613 : i32 to index
        %get3A_634 = arith.constant 16 : index
        %get3A_635 = tpu.vector_load %arg11[%get3A_633, %get3A_634] {strides = array<i32>} : memref<128x64xf32, #tpu.memory_space<vmem>>, vector<1x16xf32>,
        %get3A_636 = vector.shape_cast %get3A_635 : vector<1x16xf32> to vector<16xf32>
        %get3A_637 = arith.index_cast %scan3A_613 : i32 to index
        %get3A_638 = arith.constant 16 : index
        %get3A_639 = tpu.vector_load %arg13[%get3A_637, %get3A_638] {strides = array<i32>} : memref<128x64xf32, #tpu.memory_space<vmem>>, vector<1x16xf32>,
        %get3A_640 = vector.shape_cast %get3A_639 : vector<1x16xf32> to vector<16xf32>
        %mul3A_641 = arith.mulf %get3A_636, %get3A_640 : vector<16xf32>
        %get3A_642 = arith.index_cast %scan3A_613 : i32 to index
        %get3A_643 = arith.constant 16 : index
        %get3A_644 = tpu.vector_load %arg15[%get3A_642, %get3A_643] {strides = array<i32>} : memref<128x64xf32, #tpu.memory_space<vmem>>, vector<1x16xf32>,
        %get3A_645 = vector.shape_cast %get3A_644 : vector<1x16xf32> to vector<16xf32>
        %mul3A_646 = arith.mulf %mul3A_641, %get3A_645 : vector<16xf32>
        %swap3A_647 = arith.index_cast %scan3A_613 : i32 to index
        %swap3A_648 = arith.constant 16 : index
        %swap3A_649 = tpu.vector_load %arg17[%swap3A_647, %swap3A_648] {strides = array<i32>} : memref<128x64xf32, #tpu.memory_space<vmem>>, vector<1x16xf32>,
        %swap3A_650 = vector.shape_cast %swap3A_649 : vector<1x16xf32> to vector<16xf32>
        %swap3A_651 = vector.shape_cast %mul3A_646 : vector<16xf32> to vector<1x16xf32>
        tpu.vector_store %arg17[%swap3A_647, %swap3A_648], %swap3A_651 {strides = array<i32>} : memref<128x64xf32, #tpu.memory_space<vmem>>, vector<1x16xf32>,
        %get3A_652 = arith.index_cast %scan3A_613 : i32 to index
        %get3A_653 = arith.constant 32 : index
        %get3A_654 = tpu.vector_load %arg11[%get3A_652, %get3A_653] {strides = array<i32>} : memref<128x64xf32, #tpu.memory_space<vmem>>, vector<1x16xf32>,
        %get3A_655 = vector.shape_cast %get3A_654 : vector<1x16xf32> to vector<16xf32>
        %get3A_656 = arith.index_cast %scan3A_613 : i32 to index
        %get3A_657 = arith.constant 32 : index
        %get3A_658 = tpu.vector_load %arg13[%get3A_656, %get3A_657] {strides = array<i32>} : memref<128x64xf32, #tpu.memory_space<vmem>>, vector<1x16xf32>,
        %get3A_659 = vector.shape_cast %get3A_658 : vector<1x16xf32> to vector<16xf32>
        %mul3A_660 = arith.mulf %get3A_655, %get3A_659 : vector<16xf32>
        %get3A_661 = arith.index_cast %scan3A_613 : i32 to index
        %get3A_662 = arith.constant 32 : index
        %get3A_663 = tpu.vector_load %arg15[%get3A_661, %get3A_662] {strides = array<i32>} : memref<128x64xf32, #tpu.memory_space<vmem>>, vector<1x16xf32>,
        %get3A_664 = vector.shape_cast %get3A_663 : vector<1x16xf32> to vector<16xf32>
        %mul3A_665 = arith.mulf %mul3A_660, %get3A_664 : vector<16xf32>
        %swap3A_666 = arith.index_cast %scan3A_613 : i32 to index
        %swap3A_667 = arith.constant 32 : index
        %swap3A_668 = tpu.vector_load %arg17[%swap3A_666, %swap3A_667] {strides = array<i32>} : memref<128x64xf32, #tpu.memory_space<vmem>>, vector<1x16xf32>,
        %swap3A_669 = vector.shape_cast %swap3A_668 : vector<1x16xf32> to vector<16xf32>
        %swap3A_670 = vector.shape_cast %mul3A_665 : vector<16xf32> to vector<1x16xf32>
        tpu.vector_store %arg17[%swap3A_666, %swap3A_667], %swap3A_670 {strides = array<i32>} : memref<128x64xf32, #tpu.memory_space<vmem>>, vector<1x16xf32>,
        %get3A_671 = arith.index_cast %scan3A_613 : i32 to index
        %get3A_672 = arith.constant 48 : index
        %get3A_673 = tpu.vector_load %arg11[%get3A_671, %get3A_672] {strides = array<i32>} : memref<128x64xf32, #tpu.memory_space<vmem>>, vector<1x16xf32>,
        %get3A_674 = vector.shape_cast %get3A_673 : vector<1x16xf32> to vector<16xf32>
        %get3A_675 = arith.index_cast %scan3A_613 : i32 to index
        %get3A_676 = arith.constant 48 : index
        %get3A_677 = tpu.vector_load %arg13[%get3A_675, %get3A_676] {strides = array<i32>} : memref<128x64xf32, #tpu.memory_space<vmem>>, vector<1x16xf32>,
        %get3A_678 = vector.shape_cast %get3A_677 : vector<1x16xf32> to vector<16xf32>
        %mul3A_679 = arith.mulf %get3A_674, %get3A_678 : vector<16xf32>
        %get3A_680 = arith.index_cast %scan3A_613 : i32 to index
        %get3A_681 = arith.constant 48 : index
        %get3A_682 = tpu.vector_load %arg15[%get3A_680, %get3A_681] {strides = array<i32>} : memref<128x64xf32, #tpu.memory_space<vmem>>, vector<1x16xf32>,
        %get3A_683 = vector.shape_cast %get3A_682 : vector<1x16xf32> to vector<16xf32>
        %mul3A_684 = arith.mulf %mul3A_679, %get3A_683 : vector<16xf32>
        %swap3A_685 = arith.index_cast %scan3A_613 : i32 to index
        %swap3A_686 = arith.constant 48 : index
        %swap3A_687 = tpu.vector_load %arg17[%swap3A_685, %swap3A_686] {strides = array<i32>} : memref<128x64xf32, #tpu.memory_space<vmem>>, vector<1x16xf32>,
        %swap3A_688 = vector.shape_cast %swap3A_687 : vector<1x16xf32> to vector<16xf32>
        %swap3A_689 = vector.shape_cast %mul3A_684 : vector<16xf32> to vector<1x16xf32>
        tpu.vector_store %arg17[%swap3A_685, %swap3A_686], %swap3A_689 {strides = array<i32>} : memref<128x64xf32, #tpu.memory_space<vmem>>, vector<1x16xf32>,
        %scan3A_690 = arith.constant 7 : i32
        %scan3A_691 = arith.addi %scan3A_147, %scan3A_690 : i32
        %get3A_692 = arith.index_cast %scan3A_691 : i32 to index
        %get3A_693 = arith.constant 0 : index
        %get3A_694 = tpu.vector_load %arg11[%get3A_692, %get3A_693] {strides = array<i32>} : memref<128x64xf32, #tpu.memory_space<vmem>>, vector<1x16xf32>,
        %get3A_695 = vector.shape_cast %get3A_694 : vector<1x16xf32> to vector<16xf32>
        %get3A_696 = arith.index_cast %scan3A_691 : i32 to index
        %get3A_697 = arith.constant 0 : index
        %get3A_698 = tpu.vector_load %arg13[%get3A_696, %get3A_697] {strides = array<i32>} : memref<128x64xf32, #tpu.memory_space<vmem>>, vector<1x16xf32>,
        %get3A_699 = vector.shape_cast %get3A_698 : vector<1x16xf32> to vector<16xf32>
        %mul3A_700 = arith.mulf %get3A_695, %get3A_699 : vector<16xf32>
        %get3A_701 = arith.index_cast %scan3A_691 : i32 to index
        %get3A_702 = arith.constant 0 : index
        %get3A_703 = tpu.vector_load %arg15[%get3A_701, %get3A_702] {strides = array<i32>} : memref<128x64xf32, #tpu.memory_space<vmem>>, vector<1x16xf32>,
        %get3A_704 = vector.shape_cast %get3A_703 : vector<1x16xf32> to vector<16xf32>
        %mul3A_705 = arith.mulf %mul3A_700, %get3A_704 : vector<16xf32>
        %swap3A_706 = arith.index_cast %scan3A_691 : i32 to index
        %swap3A_707 = arith.constant 0 : index
        %swap3A_708 = tpu.vector_load %arg17[%swap3A_706, %swap3A_707] {strides = array<i32>} : memref<128x64xf32, #tpu.memory_space<vmem>>, vector<1x16xf32>,
        %swap3A_709 = vector.shape_cast %swap3A_708 : vector<1x16xf32> to vector<16xf32>
        %swap3A_710 = vector.shape_cast %mul3A_705 : vector<16xf32> to vector<1x16xf32>
        tpu.vector_store %arg17[%swap3A_706, %swap3A_707], %swap3A_710 {strides = array<i32>} : memref<128x64xf32, #tpu.memory_space<vmem>>, vector<1x16xf32>,
        %get3A_711 = arith.index_cast %scan3A_691 : i32 to index
        %get3A_712 = arith.constant 16 : index
        %get3A_713 = tpu.vector_load %arg11[%get3A_711, %get3A_712] {strides = array<i32>} : memref<128x64xf32, #tpu.memory_space<vmem>>, vector<1x16xf32>,
        %get3A_714 = vector.shape_cast %get3A_713 : vector<1x16xf32> to vector<16xf32>
        %get3A_715 = arith.index_cast %scan3A_691 : i32 to index
        %get3A_716 = arith.constant 16 : index
        %get3A_717 = tpu.vector_load %arg13[%get3A_715, %get3A_716] {strides = array<i32>} : memref<128x64xf32, #tpu.memory_space<vmem>>, vector<1x16xf32>,
        %get3A_718 = vector.shape_cast %get3A_717 : vector<1x16xf32> to vector<16xf32>
        %mul3A_719 = arith.mulf %get3A_714, %get3A_718 : vector<16xf32>
        %get3A_720 = arith.index_cast %scan3A_691 : i32 to index
        %get3A_721 = arith.constant 16 : index
        %get3A_722 = tpu.vector_load %arg15[%get3A_720, %get3A_721] {strides = array<i32>} : memref<128x64xf32, #tpu.memory_space<vmem>>, vector<1x16xf32>,
        %get3A_723 = vector.shape_cast %get3A_722 : vector<1x16xf32> to vector<16xf32>
        %mul3A_724 = arith.mulf %mul3A_719, %get3A_723 : vector<16xf32>
        %swap3A_725 = arith.index_cast %scan3A_691 : i32 to index
        %swap3A_726 = arith.constant 16 : index
        %swap3A_727 = tpu.vector_load %arg17[%swap3A_725, %swap3A_726] {strides = array<i32>} : memref<128x64xf32, #tpu.memory_space<vmem>>, vector<1x16xf32>,
        %swap3A_728 = vector.shape_cast %swap3A_727 : vector<1x16xf32> to vector<16xf32>
        %swap3A_729 = vector.shape_cast %mul3A_724 : vector<16xf32> to vector<1x16xf32>
        tpu.vector_store %arg17[%swap3A_725, %swap3A_726], %swap3A_729 {strides = array<i32>} : memref<128x64xf32, #tpu.memory_space<vmem>>, vector<1x16xf32>,
        %get3A_730 = arith.index_cast %scan3A_691 : i32 to index
        %get3A_731 = arith.constant 32 : index
        %get3A_732 = tpu.vector_load %arg11[%get3A_730, %get3A_731] {strides = array<i32>} : memref<128x64xf32, #tpu.memory_space<vmem>>, vector<1x16xf32>,
        %get3A_733 = vector.shape_cast %get3A_732 : vector<1x16xf32> to vector<16xf32>
        %get3A_734 = arith.index_cast %scan3A_691 : i32 to index
        %get3A_735 = arith.constant 32 : index
        %get3A_736 = tpu.vector_load %arg13[%get3A_734, %get3A_735] {strides = array<i32>} : memref<128x64xf32, #tpu.memory_space<vmem>>, vector<1x16xf32>,
        %get3A_737 = vector.shape_cast %get3A_736 : vector<1x16xf32> to vector<16xf32>
        %mul3A_738 = arith.mulf %get3A_733, %get3A_737 : vector<16xf32>
        %get3A_739 = arith.index_cast %scan3A_691 : i32 to index
        %get3A_740 = arith.constant 32 : index
        %get3A_741 = tpu.vector_load %arg15[%get3A_739, %get3A_740] {strides = array<i32>} : memref<128x64xf32, #tpu.memory_space<vmem>>, vector<1x16xf32>,
        %get3A_742 = vector.shape_cast %get3A_741 : vector<1x16xf32> to vector<16xf32>
        %mul3A_743 = arith.mulf %mul3A_738, %get3A_742 : vector<16xf32>
        %swap3A_744 = arith.index_cast %scan3A_691 : i32 to index
        %swap3A_745 = arith.constant 32 : index
        %swap3A_746 = tpu.vector_load %arg17[%swap3A_744, %swap3A_745] {strides = array<i32>} : memref<128x64xf32, #tpu.memory_space<vmem>>, vector<1x16xf32>,
        %swap3A_747 = vector.shape_cast %swap3A_746 : vector<1x16xf32> to vector<16xf32>
        %swap3A_748 = vector.shape_cast %mul3A_743 : vector<16xf32> to vector<1x16xf32>
        tpu.vector_store %arg17[%swap3A_744, %swap3A_745], %swap3A_748 {strides = array<i32>} : memref<128x64xf32, #tpu.memory_space<vmem>>, vector<1x16xf32>,
        %get3A_749 = arith.index_cast %scan3A_691 : i32 to index
        %get3A_750 = arith.constant 48 : index
        %get3A_751 = tpu.vector_load %arg11[%get3A_749, %get3A_750] {strides = array<i32>} : memref<128x64xf32, #tpu.memory_space<vmem>>, vector<1x16xf32>,
        %get3A_752 = vector.shape_cast %get3A_751 : vector<1x16xf32> to vector<16xf32>
        %get3A_753 = arith.index_cast %scan3A_691 : i32 to index
        %get3A_754 = arith.constant 48 : index
        %get3A_755 = tpu.vector_load %arg13[%get3A_753, %get3A_754] {strides = array<i32>} : memref<128x64xf32, #tpu.memory_space<vmem>>, vector<1x16xf32>,
        %get3A_756 = vector.shape_cast %get3A_755 : vector<1x16xf32> to vector<16xf32>
        %mul3A_757 = arith.mulf %get3A_752, %get3A_756 : vector<16xf32>
        %get3A_758 = arith.index_cast %scan3A_691 : i32 to index
        %get3A_759 = arith.constant 48 : index
        %get3A_760 = tpu.vector_load %arg15[%get3A_758, %get3A_759] {strides = array<i32>} : memref<128x64xf32, #tpu.memory_space<vmem>>, vector<1x16xf32>,
        %get3A_761 = vector.shape_cast %get3A_760 : vector<1x16xf32> to vector<16xf32>
        %mul3A_762 = arith.mulf %mul3A_757, %get3A_761 : vector<16xf32>
        %swap3A_763 = arith.index_cast %scan3A_691 : i32 to index
        %swap3A_764 = arith.constant 48 : index
        %swap3A_765 = tpu.vector_load %arg17[%swap3A_763, %swap3A_764] {strides = array<i32>} : memref<128x64xf32, #tpu.memory_space<vmem>>, vector<1x16xf32>,
        %swap3A_766 = vector.shape_cast %swap3A_765 : vector<1x16xf32> to vector<16xf32>
        %swap3A_767 = vector.shape_cast %mul3A_762 : vector<16xf32> to vector<1x16xf32>
        tpu.vector_store %arg17[%swap3A_763, %swap3A_764], %swap3A_767 {strides = array<i32>} : memref<128x64xf32, #tpu.memory_space<vmem>>, vector<1x16xf32>,
      }
      %scan3A_86 = arith.constant 128 : i32
      %add3A_87 = arith.constant 2 : i32
      %add3A_88 = arith.addi %add3A_60, %add3A_87 : i32
      %lt3A = arith.constant 52 : i32
      %lt3A_89 = arith.cmpi slt, %add3A_88, %lt3A : i32
      %convert_element_type3A_90 = arith.extui %lt3A_89 : i1 to i32
      %cond3A_91 = arith.constant 0 : i32
      %cond3A_92 = arith.cmpi ne, %convert_element_type3A_90, %cond3A_91 : i32
      scf.if %cond3A_92 {
        %add3A_147 = arith.constant 2 : i32
        %add3A_148 = arith.addi %add3A_60, %add3A_147 : i32
        %dma_start3A_149 = arith.constant 0 : i32
        %dma_start3A_150 = tpu.memref_slice %arg8[%add3A_148, %dma_start3A_149] : memref<52x128xi32, #tpu.memory_space<vmem>> -> memref<1x128xi32, #tpu.memory_space<vmem>>
        %dma_start3A_151 = tpu.memref_squeeze %dma_start3A_150 : memref<1x128xi32, #tpu.memory_space<vmem>> -> memref<128xi32, #tpu.memory_space<vmem>>
        %dma_start3A_152 = arith.constant 0 : i32
        %dma_start3A_153 = arith.constant 0 : i32
        %dma_start3A_154 = tpu.memref_slice %arg5[%dma_start3A_152, %dma_start3A_153] : memref<1000000x64xf32, #tpu.memory_space<hbm>> -> memref<1000000x64xf32, #tpu.memory_space<hbm>>
        tpu.enqueue_indirect_dma source(%dma_start3A_154 : memref<1000000x64xf32, #tpu.memory_space<hbm>>) target(%arg11 : memref<128x64xf32, #tpu.memory_space<vmem>>) offsets(%dma_start3A_151 : memref<128xi32, #tpu.memory_space<vmem>>) semaphore(%arg19 : memref<!tpu.dma_semaphore, #tpu.memory_space<semaphore_mem>>)
        %dma_start3A_155 = arith.constant 0 : i32
        %dma_start3A_156 = tpu.memref_slice %arg9[%add3A_148, %dma_start3A_155] : memref<52x128xi32, #tpu.memory_space<vmem>> -> memref<1x128xi32, #tpu.memory_space<vmem>>
        %dma_start3A_157 = tpu.memref_squeeze %dma_start3A_156 : memref<1x128xi32, #tpu.memory_space<vmem>> -> memref<128xi32, #tpu.memory_space<vmem>>
        %dma_start3A_158 = arith.constant 0 : i32
        %dma_start3A_159 = arith.constant 0 : i32
        %dma_start3A_160 = tpu.memref_slice %arg6[%dma_start3A_158, %dma_start3A_159] : memref<1000x64xf32, #tpu.memory_space<hbm>> -> memref<1000x64xf32, #tpu.memory_space<hbm>>
        tpu.enqueue_indirect_dma source(%dma_start3A_160 : memref<1000x64xf32, #tpu.memory_space<hbm>>) target(%arg13 : memref<128x64xf32, #tpu.memory_space<vmem>>) offsets(%dma_start3A_157 : memref<128xi32, #tpu.memory_space<vmem>>) semaphore(%arg19 : memref<!tpu.dma_semaphore, #tpu.memory_space<semaphore_mem>>)
        %dma_start3A_161 = arith.constant 0 : i32
        %dma_start3A_162 = tpu.memref_slice %arg10[%add3A_148, %dma_start3A_161] : memref<52x128xi32, #tpu.memory_space<vmem>> -> memref<1x128xi32, #tpu.memory_space<vmem>>
        %dma_start3A_163 = tpu.memref_squeeze %dma_start3A_162 : memref<1x128xi32, #tpu.memory_space<vmem>> -> memref<128xi32, #tpu.memory_space<vmem>>
        %dma_start3A_164 = arith.constant 0 : i32
        %dma_start3A_165 = arith.constant 0 : i32
        %dma_start3A_166 = tpu.memref_slice %arg5[%dma_start3A_164, %dma_start3A_165] : memref<1000000x64xf32, #tpu.memory_space<hbm>> -> memref<1000000x64xf32, #tpu.memory_space<hbm>>
        tpu.enqueue_indirect_dma source(%dma_start3A_166 : memref<1000000x64xf32, #tpu.memory_space<hbm>>) target(%arg15 : memref<128x64xf32, #tpu.memory_space<vmem>>) offsets(%dma_start3A_163 : memref<128xi32, #tpu.memory_space<vmem>>) semaphore(%arg19 : memref<!tpu.dma_semaphore, #tpu.memory_space<semaphore_mem>>)
      } else {
      }
      %mul3A_93 = arith.constant 128 : i32
      %mul3A_94 = arith.muli %add3A_60, %mul3A_93 : i32
      %add3A_95 = arith.addi %mul3A_2, %mul3A_94 : i32
      %dma_start3A_96 = arith.constant 0 : i32
      %dma_start3A_97 = tpu.memref_slice %arg7[%add3A_95, %dma_start3A_96] : memref<212992x64xf32, #tpu.memory_space<hbm>> -> memref<128x64xf32, #tpu.memory_space<hbm>>
      %dma_start3A_98 = arith.constant 0 : i32
      %dma_start3A_99 = tpu.memref_slice %arg7[%add3A_95, %dma_start3A_98] : memref<212992x64xf32, #tpu.memory_space<hbm>> -> memref<128x64xf32, #tpu.memory_space<hbm>>
      tpu.enqueue_dma source(%arg17 : memref<128x64xf32, #tpu.memory_space<vmem>>) target(%dma_start3A_99 : memref<128x64xf32, #tpu.memory_space<hbm>>) target_semaphore(%arg21 : memref<!tpu.dma_semaphore, #tpu.memory_space<semaphore_mem>>)
      %mul3A_100 = arith.constant 2 : i32
      %mul3A_101 = arith.muli %scan3A_56, %mul3A_100 : i32
      %add3A_102 = arith.constant 1 : i32
      %add3A_103 = arith.addi %mul3A_101, %add3A_102 : i32
      %dma_wait3A_104 = arith.constant 0 : i32
      %dma_wait3A_105 = arith.constant 0 : i32
      %dma_wait3A_106 = tpu.memref_slice %arg5[%dma_wait3A_104, %dma_wait3A_105] : memref<1000000x64xf32, #tpu.memory_space<hbm>> -> memref<128x64xf32, #tpu.memory_space<hbm>>
      %dma_wait3A_107 = arith.constant 0 : i32
      %dma_wait3A_108 = arith.constant 0 : i32
      %dma_wait3A_109 = tpu.memref_slice %arg5[%dma_wait3A_107, %dma_wait3A_108] : memref<1000000x64xf32, #tpu.memory_space<hbm>> -> memref<128x64xf32, #tpu.memory_space<hbm>>
      tpu.wait_dma2 semaphore(%arg20 : memref<!tpu.dma_semaphore, #tpu.memory_space<semaphore_mem>>) src(%dma_wait3A_109 : memref<128x64xf32, #tpu.memory_space<hbm>>) dst(%arg12 : memref<128x64xf32, #tpu.memory_space<vmem>>)
      %dma_wait3A_110 = arith.constant 0 : i32
      %dma_wait3A_111 = arith.constant 0 : i32
      %dma_wait3A_112 = tpu.memref_slice %arg5[%dma_wait3A_110, %dma_wait3A_111] : memref<1000000x64xf32, #tpu.memory_space<hbm>> -> memref<128x64xf32, #tpu.memory_space<hbm>>
      %dma_wait3A_113 = arith.constant 0 : i32
      %dma_wait3A_114 = arith.constant 0 : i32
      %dma_wait3A_115 = tpu.memref_slice %arg5[%dma_wait3A_113, %dma_wait3A_114] : memref<1000000x64xf32, #tpu.memory_space<hbm>> -> memref<128x64xf32, #tpu.memory_space<hbm>>
      tpu.wait_dma2 semaphore(%arg20 : memref<!tpu.dma_semaphore, #tpu.memory_space<semaphore_mem>>) src(%dma_wait3A_115 : memref<128x64xf32, #tpu.memory_space<hbm>>) dst(%arg14 : memref<128x64xf32, #tpu.memory_space<vmem>>)
      %dma_wait3A_116 = arith.constant 0 : i32
      %dma_wait3A_117 = arith.constant 0 : i32
      %dma_wait3A_118 = tpu.memref_slice %arg5[%dma_wait3A_116, %dma_wait3A_117] : memref<1000000x64xf32, #tpu.memory_space<hbm>> -> memref<128x64xf32, #tpu.memory_space<hbm>>
      %dma_wait3A_119 = arith.constant 0 : i32
      %dma_wait3A_120 = arith.constant 0 : i32
      %dma_wait3A_121 = tpu.memref_slice %arg5[%dma_wait3A_119, %dma_wait3A_120] : memref<1000000x64xf32, #tpu.memory_space<hbm>> -> memref<128x64xf32, #tpu.memory_space<hbm>>
      tpu.wait_dma2 semaphore(%arg20 : memref<!tpu.dma_semaphore, #tpu.memory_space<semaphore_mem>>) src(%dma_wait3A_121 : memref<128x64xf32, #tpu.memory_space<hbm>>) dst(%arg16 : memref<128x64xf32, #tpu.memory_space<vmem>>)
      %ge3A_122 = arith.constant 2 : i32
      %ge3A_123 = arith.cmpi sge, %add3A_103, %ge3A_122 : i32
      %convert_element_type3A_124 = arith.extui %ge3A_123 : i1 to i32
      %cond3A_125 = arith.constant 0 : i32
      %cond3A_126 = arith.cmpi ne, %convert_element_type3A_124, %cond3A_125 : i32
      scf.if %cond3A_126 {
        %dma_wait3A_147 = arith.constant 0 : i32
        %dma_wait3A_148 = tpu.memref_slice %arg7[%mul3A_2, %dma_wait3A_147] : memref<212992x64xf32, #tpu.memory_space<hbm>> -> memref<128x64xf32, #tpu.memory_space<hbm>>
        %dma_wait3A_149 = arith.constant 0 : i32
        %dma_wait3A_150 = tpu.memref_slice %arg7[%mul3A_2, %dma_wait3A_149] : memref<212992x64xf32, #tpu.memory_space<hbm>> -> memref<128x64xf32, #tpu.memory_space<hbm>>
        tpu.wait_dma2 semaphore(%arg22 : memref<!tpu.dma_semaphore, #tpu.memory_space<semaphore_mem>>) src(%arg18 : memref<128x64xf32, #tpu.memory_space<vmem>>) dst(%dma_wait3A_150 : memref<128x64xf32, #tpu.memory_space<hbm>>)
      } else {
      }
      %scan3A_127 = arith.constant 0 : i32
      %scan3A_128 = arith.constant 0 : i32
      %scan3A_129 = arith.constant 128 : i32
      %scan3A_130 = arith.addi %scan3A_128, %scan3A_129 : i32
      %scan3A_131 = arith.constant 8 : i32
      scf.for %scan3A_147 = %scan3A_128 to %scan3A_130 step %scan3A_131  : i32 {
        %get3A = arith.index_cast %scan3A_147 : i32 to index
        %get3A_148 = arith.constant 0 : index
        %get3A_149 = tpu.vector_load %arg12[%get3A, %get3A_148] {strides = array<i32>} : memref<128x64xf32, #tpu.memory_space<vmem>>, vector<1x16xf32>,
        %get3A_150 = vector.shape_cast %get3A_149 : vector<1x16xf32> to vector<16xf32>
        %get3A_151 = arith.index_cast %scan3A_147 : i32 to index
        %get3A_152 = arith.constant 0 : index
        %get3A_153 = tpu.vector_load %arg14[%get3A_151, %get3A_152] {strides = array<i32>} : memref<128x64xf32, #tpu.memory_space<vmem>>, vector<1x16xf32>,
        %get3A_154 = vector.shape_cast %get3A_153 : vector<1x16xf32> to vector<16xf32>
        %mul3A_155 = arith.mulf %get3A_150, %get3A_154 : vector<16xf32>
        %get3A_156 = arith.index_cast %scan3A_147 : i32 to index
        %get3A_157 = arith.constant 0 : index
        %get3A_158 = tpu.vector_load %arg16[%get3A_156, %get3A_157] {strides = array<i32>} : memref<128x64xf32, #tpu.memory_space<vmem>>, vector<1x16xf32>,
        %get3A_159 = vector.shape_cast %get3A_158 : vector<1x16xf32> to vector<16xf32>
        %mul3A_160 = arith.mulf %mul3A_155, %get3A_159 : vector<16xf32>
        %swap3A = arith.index_cast %scan3A_147 : i32 to index
        %swap3A_161 = arith.constant 0 : index
        %swap3A_162 = tpu.vector_load %arg18[%swap3A, %swap3A_161] {strides = array<i32>} : memref<128x64xf32, #tpu.memory_space<vmem>>, vector<1x16xf32>,
        %swap3A_163 = vector.shape_cast %swap3A_162 : vector<1x16xf32> to vector<16xf32>
        %swap3A_164 = vector.shape_cast %mul3A_160 : vector<16xf32> to vector<1x16xf32>
        tpu.vector_store %arg18[%swap3A, %swap3A_161], %swap3A_164 {strides = array<i32>} : memref<128x64xf32, #tpu.memory_space<vmem>>, vector<1x16xf32>,
        %get3A_165 = arith.index_cast %scan3A_147 : i32 to index
        %get3A_166 = arith.constant 16 : index
        %get3A_167 = tpu.vector_load %arg12[%get3A_165, %get3A_166] {strides = array<i32>} : memref<128x64xf32, #tpu.memory_space<vmem>>, vector<1x16xf32>,
        %get3A_168 = vector.shape_cast %get3A_167 : vector<1x16xf32> to vector<16xf32>
        %get3A_169 = arith.index_cast %scan3A_147 : i32 to index
        %get3A_170 = arith.constant 16 : index
        %get3A_171 = tpu.vector_load %arg14[%get3A_169, %get3A_170] {strides = array<i32>} : memref<128x64xf32, #tpu.memory_space<vmem>>, vector<1x16xf32>,
        %get3A_172 = vector.shape_cast %get3A_171 : vector<1x16xf32> to vector<16xf32>
        %mul3A_173 = arith.mulf %get3A_168, %get3A_172 : vector<16xf32>
        %get3A_174 = arith.index_cast %scan3A_147 : i32 to index
        %get3A_175 = arith.constant 16 : index
        %get3A_176 = tpu.vector_load %arg16[%get3A_174, %get3A_175] {strides = array<i32>} : memref<128x64xf32, #tpu.memory_space<vmem>>, vector<1x16xf32>,
        %get3A_177 = vector.shape_cast %get3A_176 : vector<1x16xf32> to vector<16xf32>
        %mul3A_178 = arith.mulf %mul3A_173, %get3A_177 : vector<16xf32>
        %swap3A_179 = arith.index_cast %scan3A_147 : i32 to index
        %swap3A_180 = arith.constant 16 : index
        %swap3A_181 = tpu.vector_load %arg18[%swap3A_179, %swap3A_180] {strides = array<i32>} : memref<128x64xf32, #tpu.memory_space<vmem>>, vector<1x16xf32>,
        %swap3A_182 = vector.shape_cast %swap3A_181 : vector<1x16xf32> to vector<16xf32>
        %swap3A_183 = vector.shape_cast %mul3A_178 : vector<16xf32> to vector<1x16xf32>
        tpu.vector_store %arg18[%swap3A_179, %swap3A_180], %swap3A_183 {strides = array<i32>} : memref<128x64xf32, #tpu.memory_space<vmem>>, vector<1x16xf32>,
        %get3A_184 = arith.index_cast %scan3A_147 : i32 to index
        %get3A_185 = arith.constant 32 : index
        %get3A_186 = tpu.vector_load %arg12[%get3A_184, %get3A_185] {strides = array<i32>} : memref<128x64xf32, #tpu.memory_space<vmem>>, vector<1x16xf32>,
        %get3A_187 = vector.shape_cast %get3A_186 : vector<1x16xf32> to vector<16xf32>
        %get3A_188 = arith.index_cast %scan3A_147 : i32 to index
        %get3A_189 = arith.constant 32 : index
        %get3A_190 = tpu.vector_load %arg14[%get3A_188, %get3A_189] {strides = array<i32>} : memref<128x64xf32, #tpu.memory_space<vmem>>, vector<1x16xf32>,
        %get3A_191 = vector.shape_cast %get3A_190 : vector<1x16xf32> to vector<16xf32>
        %mul3A_192 = arith.mulf %get3A_187, %get3A_191 : vector<16xf32>
        %get3A_193 = arith.index_cast %scan3A_147 : i32 to index
        %get3A_194 = arith.constant 32 : index
        %get3A_195 = tpu.vector_load %arg16[%get3A_193, %get3A_194] {strides = array<i32>} : memref<128x64xf32, #tpu.memory_space<vmem>>, vector<1x16xf32>,
        %get3A_196 = vector.shape_cast %get3A_195 : vector<1x16xf32> to vector<16xf32>
        %mul3A_197 = arith.mulf %mul3A_192, %get3A_196 : vector<16xf32>
        %swap3A_198 = arith.index_cast %scan3A_147 : i32 to index
        %swap3A_199 = arith.constant 32 : index
        %swap3A_200 = tpu.vector_load %arg18[%swap3A_198, %swap3A_199] {strides = array<i32>} : memref<128x64xf32, #tpu.memory_space<vmem>>, vector<1x16xf32>,
        %swap3A_201 = vector.shape_cast %swap3A_200 : vector<1x16xf32> to vector<16xf32>
        %swap3A_202 = vector.shape_cast %mul3A_197 : vector<16xf32> to vector<1x16xf32>
        tpu.vector_store %arg18[%swap3A_198, %swap3A_199], %swap3A_202 {strides = array<i32>} : memref<128x64xf32, #tpu.memory_space<vmem>>, vector<1x16xf32>,
        %get3A_203 = arith.index_cast %scan3A_147 : i32 to index
        %get3A_204 = arith.constant 48 : index
        %get3A_205 = tpu.vector_load %arg12[%get3A_203, %get3A_204] {strides = array<i32>} : memref<128x64xf32, #tpu.memory_space<vmem>>, vector<1x16xf32>,
        %get3A_206 = vector.shape_cast %get3A_205 : vector<1x16xf32> to vector<16xf32>
        %get3A_207 = arith.index_cast %scan3A_147 : i32 to index
        %get3A_208 = arith.constant 48 : index
        %get3A_209 = tpu.vector_load %arg14[%get3A_207, %get3A_208] {strides = array<i32>} : memref<128x64xf32, #tpu.memory_space<vmem>>, vector<1x16xf32>,
        %get3A_210 = vector.shape_cast %get3A_209 : vector<1x16xf32> to vector<16xf32>
        %mul3A_211 = arith.mulf %get3A_206, %get3A_210 : vector<16xf32>
        %get3A_212 = arith.index_cast %scan3A_147 : i32 to index
        %get3A_213 = arith.constant 48 : index
        %get3A_214 = tpu.vector_load %arg16[%get3A_212, %get3A_213] {strides = array<i32>} : memref<128x64xf32, #tpu.memory_space<vmem>>, vector<1x16xf32>,
        %get3A_215 = vector.shape_cast %get3A_214 : vector<1x16xf32> to vector<16xf32>
        %mul3A_216 = arith.mulf %mul3A_211, %get3A_215 : vector<16xf32>
        %swap3A_217 = arith.index_cast %scan3A_147 : i32 to index
        %swap3A_218 = arith.constant 48 : index
        %swap3A_219 = tpu.vector_load %arg18[%swap3A_217, %swap3A_218] {strides = array<i32>} : memref<128x64xf32, #tpu.memory_space<vmem>>, vector<1x16xf32>,
        %swap3A_220 = vector.shape_cast %swap3A_219 : vector<1x16xf32> to vector<16xf32>
        %swap3A_221 = vector.shape_cast %mul3A_216 : vector<16xf32> to vector<1x16xf32>
        tpu.vector_store %arg18[%swap3A_217, %swap3A_218], %swap3A_221 {strides = array<i32>} : memref<128x64xf32, #tpu.memory_space<vmem>>, vector<1x16xf32>,
        %scan3A_222 = arith.constant 1 : i32
        %scan3A_223 = arith.addi %scan3A_147, %scan3A_222 : i32
        %get3A_224 = arith.index_cast %scan3A_223 : i32 to index
        %get3A_225 = arith.constant 0 : index
        %get3A_226 = tpu.vector_load %arg12[%get3A_224, %get3A_225] {strides = array<i32>} : memref<128x64xf32, #tpu.memory_space<vmem>>, vector<1x16xf32>,
        %get3A_227 = vector.shape_cast %get3A_226 : vector<1x16xf32> to vector<16xf32>
        %get3A_228 = arith.index_cast %scan3A_223 : i32 to index
        %get3A_229 = arith.constant 0 : index
        %get3A_230 = tpu.vector_load %arg14[%get3A_228, %get3A_229] {strides = array<i32>} : memref<128x64xf32, #tpu.memory_space<vmem>>, vector<1x16xf32>,
        %get3A_231 = vector.shape_cast %get3A_230 : vector<1x16xf32> to vector<16xf32>
        %mul3A_232 = arith.mulf %get3A_227, %get3A_231 : vector<16xf32>
        %get3A_233 = arith.index_cast %scan3A_223 : i32 to index
        %get3A_234 = arith.constant 0 : index
        %get3A_235 = tpu.vector_load %arg16[%get3A_233, %get3A_234] {strides = array<i32>} : memref<128x64xf32, #tpu.memory_space<vmem>>, vector<1x16xf32>,
        %get3A_236 = vector.shape_cast %get3A_235 : vector<1x16xf32> to vector<16xf32>
        %mul3A_237 = arith.mulf %mul3A_232, %get3A_236 : vector<16xf32>
        %swap3A_238 = arith.index_cast %scan3A_223 : i32 to index
        %swap3A_239 = arith.constant 0 : index
        %swap3A_240 = tpu.vector_load %arg18[%swap3A_238, %swap3A_239] {strides = array<i32>} : memref<128x64xf32, #tpu.memory_space<vmem>>, vector<1x16xf32>,
        %swap3A_241 = vector.shape_cast %swap3A_240 : vector<1x16xf32> to vector<16xf32>
        %swap3A_242 = vector.shape_cast %mul3A_237 : vector<16xf32> to vector<1x16xf32>
        tpu.vector_store %arg18[%swap3A_238, %swap3A_239], %swap3A_242 {strides = array<i32>} : memref<128x64xf32, #tpu.memory_space<vmem>>, vector<1x16xf32>,
        %get3A_243 = arith.index_cast %scan3A_223 : i32 to index
        %get3A_244 = arith.constant 16 : index
        %get3A_245 = tpu.vector_load %arg12[%get3A_243, %get3A_244] {strides = array<i32>} : memref<128x64xf32, #tpu.memory_space<vmem>>, vector<1x16xf32>,
        %get3A_246 = vector.shape_cast %get3A_245 : vector<1x16xf32> to vector<16xf32>
        %get3A_247 = arith.index_cast %scan3A_223 : i32 to index
        %get3A_248 = arith.constant 16 : index
        %get3A_249 = tpu.vector_load %arg14[%get3A_247, %get3A_248] {strides = array<i32>} : memref<128x64xf32, #tpu.memory_space<vmem>>, vector<1x16xf32>,
        %get3A_250 = vector.shape_cast %get3A_249 : vector<1x16xf32> to vector<16xf32>
        %mul3A_251 = arith.mulf %get3A_246, %get3A_250 : vector<16xf32>
        %get3A_252 = arith.index_cast %scan3A_223 : i32 to index
        %get3A_253 = arith.constant 16 : index
        %get3A_254 = tpu.vector_load %arg16[%get3A_252, %get3A_253] {strides = array<i32>} : memref<128x64xf32, #tpu.memory_space<vmem>>, vector<1x16xf32>,
        %get3A_255 = vector.shape_cast %get3A_254 : vector<1x16xf32> to vector<16xf32>
        %mul3A_256 = arith.mulf %mul3A_251, %get3A_255 : vector<16xf32>
        %swap3A_257 = arith.index_cast %scan3A_223 : i32 to index
        %swap3A_258 = arith.constant 16 : index
        %swap3A_259 = tpu.vector_load %arg18[%swap3A_257, %swap3A_258] {strides = array<i32>} : memref<128x64xf32, #tpu.memory_space<vmem>>, vector<1x16xf32>,
        %swap3A_260 = vector.shape_cast %swap3A_259 : vector<1x16xf32> to vector<16xf32>
        %swap3A_261 = vector.shape_cast %mul3A_256 : vector<16xf32> to vector<1x16xf32>
        tpu.vector_store %arg18[%swap3A_257, %swap3A_258], %swap3A_261 {strides = array<i32>} : memref<128x64xf32, #tpu.memory_space<vmem>>, vector<1x16xf32>,
        %get3A_262 = arith.index_cast %scan3A_223 : i32 to index
        %get3A_263 = arith.constant 32 : index
        %get3A_264 = tpu.vector_load %arg12[%get3A_262, %get3A_263] {strides = array<i32>} : memref<128x64xf32, #tpu.memory_space<vmem>>, vector<1x16xf32>,
        %get3A_265 = vector.shape_cast %get3A_264 : vector<1x16xf32> to vector<16xf32>
        %get3A_266 = arith.index_cast %scan3A_223 : i32 to index
        %get3A_267 = arith.constant 32 : index
        %get3A_268 = tpu.vector_load %arg14[%get3A_266, %get3A_267] {strides = array<i32>} : memref<128x64xf32, #tpu.memory_space<vmem>>, vector<1x16xf32>,
        %get3A_269 = vector.shape_cast %get3A_268 : vector<1x16xf32> to vector<16xf32>
        %mul3A_270 = arith.mulf %get3A_265, %get3A_269 : vector<16xf32>
        %get3A_271 = arith.index_cast %scan3A_223 : i32 to index
        %get3A_272 = arith.constant 32 : index
        %get3A_273 = tpu.vector_load %arg16[%get3A_271, %get3A_272] {strides = array<i32>} : memref<128x64xf32, #tpu.memory_space<vmem>>, vector<1x16xf32>,
        %get3A_274 = vector.shape_cast %get3A_273 : vector<1x16xf32> to vector<16xf32>
        %mul3A_275 = arith.mulf %mul3A_270, %get3A_274 : vector<16xf32>
        %swap3A_276 = arith.index_cast %scan3A_223 : i32 to index
        %swap3A_277 = arith.constant 32 : index
        %swap3A_278 = tpu.vector_load %arg18[%swap3A_276, %swap3A_277] {strides = array<i32>} : memref<128x64xf32, #tpu.memory_space<vmem>>, vector<1x16xf32>,
        %swap3A_279 = vector.shape_cast %swap3A_278 : vector<1x16xf32> to vector<16xf32>
        %swap3A_280 = vector.shape_cast %mul3A_275 : vector<16xf32> to vector<1x16xf32>
        tpu.vector_store %arg18[%swap3A_276, %swap3A_277], %swap3A_280 {strides = array<i32>} : memref<128x64xf32, #tpu.memory_space<vmem>>, vector<1x16xf32>,
        %get3A_281 = arith.index_cast %scan3A_223 : i32 to index
        %get3A_282 = arith.constant 48 : index
        %get3A_283 = tpu.vector_load %arg12[%get3A_281, %get3A_282] {strides = array<i32>} : memref<128x64xf32, #tpu.memory_space<vmem>>, vector<1x16xf32>,
        %get3A_284 = vector.shape_cast %get3A_283 : vector<1x16xf32> to vector<16xf32>
        %get3A_285 = arith.index_cast %scan3A_223 : i32 to index
        %get3A_286 = arith.constant 48 : index
        %get3A_287 = tpu.vector_load %arg14[%get3A_285, %get3A_286] {strides = array<i32>} : memref<128x64xf32, #tpu.memory_space<vmem>>, vector<1x16xf32>,
        %get3A_288 = vector.shape_cast %get3A_287 : vector<1x16xf32> to vector<16xf32>
        %mul3A_289 = arith.mulf %get3A_284, %get3A_288 : vector<16xf32>
        %get3A_290 = arith.index_cast %scan3A_223 : i32 to index
        %get3A_291 = arith.constant 48 : index
        %get3A_292 = tpu.vector_load %arg16[%get3A_290, %get3A_291] {strides = array<i32>} : memref<128x64xf32, #tpu.memory_space<vmem>>, vector<1x16xf32>,
        %get3A_293 = vector.shape_cast %get3A_292 : vector<1x16xf32> to vector<16xf32>
        %mul3A_294 = arith.mulf %mul3A_289, %get3A_293 : vector<16xf32>
        %swap3A_295 = arith.index_cast %scan3A_223 : i32 to index
        %swap3A_296 = arith.constant 48 : index
        %swap3A_297 = tpu.vector_load %arg18[%swap3A_295, %swap3A_296] {strides = array<i32>} : memref<128x64xf32, #tpu.memory_space<vmem>>, vector<1x16xf32>,
        %swap3A_298 = vector.shape_cast %swap3A_297 : vector<1x16xf32> to vector<16xf32>
        %swap3A_299 = vector.shape_cast %mul3A_294 : vector<16xf32> to vector<1x16xf32>
        tpu.vector_store %arg18[%swap3A_295, %swap3A_296], %swap3A_299 {strides = array<i32>} : memref<128x64xf32, #tpu.memory_space<vmem>>, vector<1x16xf32>,
        %scan3A_300 = arith.constant 2 : i32
        %scan3A_301 = arith.addi %scan3A_147, %scan3A_300 : i32
        %get3A_302 = arith.index_cast %scan3A_301 : i32 to index
        %get3A_303 = arith.constant 0 : index
        %get3A_304 = tpu.vector_load %arg12[%get3A_302, %get3A_303] {strides = array<i32>} : memref<128x64xf32, #tpu.memory_space<vmem>>, vector<1x16xf32>,
        %get3A_305 = vector.shape_cast %get3A_304 : vector<1x16xf32> to vector<16xf32>
        %get3A_306 = arith.index_cast %scan3A_301 : i32 to index
        %get3A_307 = arith.constant 0 : index
        %get3A_308 = tpu.vector_load %arg14[%get3A_306, %get3A_307] {strides = array<i32>} : memref<128x64xf32, #tpu.memory_space<vmem>>, vector<1x16xf32>,
        %get3A_309 = vector.shape_cast %get3A_308 : vector<1x16xf32> to vector<16xf32>
        %mul3A_310 = arith.mulf %get3A_305, %get3A_309 : vector<16xf32>
        %get3A_311 = arith.index_cast %scan3A_301 : i32 to index
        %get3A_312 = arith.constant 0 : index
        %get3A_313 = tpu.vector_load %arg16[%get3A_311, %get3A_312] {strides = array<i32>} : memref<128x64xf32, #tpu.memory_space<vmem>>, vector<1x16xf32>,
        %get3A_314 = vector.shape_cast %get3A_313 : vector<1x16xf32> to vector<16xf32>
        %mul3A_315 = arith.mulf %mul3A_310, %get3A_314 : vector<16xf32>
        %swap3A_316 = arith.index_cast %scan3A_301 : i32 to index
        %swap3A_317 = arith.constant 0 : index
        %swap3A_318 = tpu.vector_load %arg18[%swap3A_316, %swap3A_317] {strides = array<i32>} : memref<128x64xf32, #tpu.memory_space<vmem>>, vector<1x16xf32>,
        %swap3A_319 = vector.shape_cast %swap3A_318 : vector<1x16xf32> to vector<16xf32>
        %swap3A_320 = vector.shape_cast %mul3A_315 : vector<16xf32> to vector<1x16xf32>
        tpu.vector_store %arg18[%swap3A_316, %swap3A_317], %swap3A_320 {strides = array<i32>} : memref<128x64xf32, #tpu.memory_space<vmem>>, vector<1x16xf32>,
        %get3A_321 = arith.index_cast %scan3A_301 : i32 to index
        %get3A_322 = arith.constant 16 : index
        %get3A_323 = tpu.vector_load %arg12[%get3A_321, %get3A_322] {strides = array<i32>} : memref<128x64xf32, #tpu.memory_space<vmem>>, vector<1x16xf32>,
        %get3A_324 = vector.shape_cast %get3A_323 : vector<1x16xf32> to vector<16xf32>
        %get3A_325 = arith.index_cast %scan3A_301 : i32 to index
        %get3A_326 = arith.constant 16 : index
        %get3A_327 = tpu.vector_load %arg14[%get3A_325, %get3A_326] {strides = array<i32>} : memref<128x64xf32, #tpu.memory_space<vmem>>, vector<1x16xf32>,
        %get3A_328 = vector.shape_cast %get3A_327 : vector<1x16xf32> to vector<16xf32>
        %mul3A_329 = arith.mulf %get3A_324, %get3A_328 : vector<16xf32>
        %get3A_330 = arith.index_cast %scan3A_301 : i32 to index
        %get3A_331 = arith.constant 16 : index
        %get3A_332 = tpu.vector_load %arg16[%get3A_330, %get3A_331] {strides = array<i32>} : memref<128x64xf32, #tpu.memory_space<vmem>>, vector<1x16xf32>,
        %get3A_333 = vector.shape_cast %get3A_332 : vector<1x16xf32> to vector<16xf32>
        %mul3A_334 = arith.mulf %mul3A_329, %get3A_333 : vector<16xf32>
        %swap3A_335 = arith.index_cast %scan3A_301 : i32 to index
        %swap3A_336 = arith.constant 16 : index
        %swap3A_337 = tpu.vector_load %arg18[%swap3A_335, %swap3A_336] {strides = array<i32>} : memref<128x64xf32, #tpu.memory_space<vmem>>, vector<1x16xf32>,
        %swap3A_338 = vector.shape_cast %swap3A_337 : vector<1x16xf32> to vector<16xf32>
        %swap3A_339 = vector.shape_cast %mul3A_334 : vector<16xf32> to vector<1x16xf32>
        tpu.vector_store %arg18[%swap3A_335, %swap3A_336], %swap3A_339 {strides = array<i32>} : memref<128x64xf32, #tpu.memory_space<vmem>>, vector<1x16xf32>,
        %get3A_340 = arith.index_cast %scan3A_301 : i32 to index
        %get3A_341 = arith.constant 32 : index
        %get3A_342 = tpu.vector_load %arg12[%get3A_340, %get3A_341] {strides = array<i32>} : memref<128x64xf32, #tpu.memory_space<vmem>>, vector<1x16xf32>,
        %get3A_343 = vector.shape_cast %get3A_342 : vector<1x16xf32> to vector<16xf32>
        %get3A_344 = arith.index_cast %scan3A_301 : i32 to index
        %get3A_345 = arith.constant 32 : index
        %get3A_346 = tpu.vector_load %arg14[%get3A_344, %get3A_345] {strides = array<i32>} : memref<128x64xf32, #tpu.memory_space<vmem>>, vector<1x16xf32>,
        %get3A_347 = vector.shape_cast %get3A_346 : vector<1x16xf32> to vector<16xf32>
        %mul3A_348 = arith.mulf %get3A_343, %get3A_347 : vector<16xf32>
        %get3A_349 = arith.index_cast %scan3A_301 : i32 to index
        %get3A_350 = arith.constant 32 : index
        %get3A_351 = tpu.vector_load %arg16[%get3A_349, %get3A_350] {strides = array<i32>} : memref<128x64xf32, #tpu.memory_space<vmem>>, vector<1x16xf32>,
        %get3A_352 = vector.shape_cast %get3A_351 : vector<1x16xf32> to vector<16xf32>
        %mul3A_353 = arith.mulf %mul3A_348, %get3A_352 : vector<16xf32>
        %swap3A_354 = arith.index_cast %scan3A_301 : i32 to index
        %swap3A_355 = arith.constant 32 : index
        %swap3A_356 = tpu.vector_load %arg18[%swap3A_354, %swap3A_355] {strides = array<i32>} : memref<128x64xf32, #tpu.memory_space<vmem>>, vector<1x16xf32>,
        %swap3A_357 = vector.shape_cast %swap3A_356 : vector<1x16xf32> to vector<16xf32>
        %swap3A_358 = vector.shape_cast %mul3A_353 : vector<16xf32> to vector<1x16xf32>
        tpu.vector_store %arg18[%swap3A_354, %swap3A_355], %swap3A_358 {strides = array<i32>} : memref<128x64xf32, #tpu.memory_space<vmem>>, vector<1x16xf32>,
        %get3A_359 = arith.index_cast %scan3A_301 : i32 to index
        %get3A_360 = arith.constant 48 : index
        %get3A_361 = tpu.vector_load %arg12[%get3A_359, %get3A_360] {strides = array<i32>} : memref<128x64xf32, #tpu.memory_space<vmem>>, vector<1x16xf32>,
        %get3A_362 = vector.shape_cast %get3A_361 : vector<1x16xf32> to vector<16xf32>
        %get3A_363 = arith.index_cast %scan3A_301 : i32 to index
        %get3A_364 = arith.constant 48 : index
        %get3A_365 = tpu.vector_load %arg14[%get3A_363, %get3A_364] {strides = array<i32>} : memref<128x64xf32, #tpu.memory_space<vmem>>, vector<1x16xf32>,
        %get3A_366 = vector.shape_cast %get3A_365 : vector<1x16xf32> to vector<16xf32>
        %mul3A_367 = arith.mulf %get3A_362, %get3A_366 : vector<16xf32>
        %get3A_368 = arith.index_cast %scan3A_301 : i32 to index
        %get3A_369 = arith.constant 48 : index
        %get3A_370 = tpu.vector_load %arg16[%get3A_368, %get3A_369] {strides = array<i32>} : memref<128x64xf32, #tpu.memory_space<vmem>>, vector<1x16xf32>,
        %get3A_371 = vector.shape_cast %get3A_370 : vector<1x16xf32> to vector<16xf32>
        %mul3A_372 = arith.mulf %mul3A_367, %get3A_371 : vector<16xf32>
        %swap3A_373 = arith.index_cast %scan3A_301 : i32 to index
        %swap3A_374 = arith.constant 48 : index
        %swap3A_375 = tpu.vector_load %arg18[%swap3A_373, %swap3A_374] {strides = array<i32>} : memref<128x64xf32, #tpu.memory_space<vmem>>, vector<1x16xf32>,
        %swap3A_376 = vector.shape_cast %swap3A_375 : vector<1x16xf32> to vector<16xf32>
        %swap3A_377 = vector.shape_cast %mul3A_372 : vector<16xf32> to vector<1x16xf32>
        tpu.vector_store %arg18[%swap3A_373, %swap3A_374], %swap3A_377 {strides = array<i32>} : memref<128x64xf32, #tpu.memory_space<vmem>>, vector<1x16xf32>,
        %scan3A_378 = arith.constant 3 : i32
        %scan3A_379 = arith.addi %scan3A_147, %scan3A_378 : i32
        %get3A_380 = arith.index_cast %scan3A_379 : i32 to index
        %get3A_381 = arith.constant 0 : index
        %get3A_382 = tpu.vector_load %arg12[%get3A_380, %get3A_381] {strides = array<i32>} : memref<128x64xf32, #tpu.memory_space<vmem>>, vector<1x16xf32>,
        %get3A_383 = vector.shape_cast %get3A_382 : vector<1x16xf32> to vector<16xf32>
        %get3A_384 = arith.index_cast %scan3A_379 : i32 to index
        %get3A_385 = arith.constant 0 : index
        %get3A_386 = tpu.vector_load %arg14[%get3A_384, %get3A_385] {strides = array<i32>} : memref<128x64xf32, #tpu.memory_space<vmem>>, vector<1x16xf32>,
        %get3A_387 = vector.shape_cast %get3A_386 : vector<1x16xf32> to vector<16xf32>
        %mul3A_388 = arith.mulf %get3A_383, %get3A_387 : vector<16xf32>
        %get3A_389 = arith.index_cast %scan3A_379 : i32 to index
        %get3A_390 = arith.constant 0 : index
        %get3A_391 = tpu.vector_load %arg16[%get3A_389, %get3A_390] {strides = array<i32>} : memref<128x64xf32, #tpu.memory_space<vmem>>, vector<1x16xf32>,
        %get3A_392 = vector.shape_cast %get3A_391 : vector<1x16xf32> to vector<16xf32>
        %mul3A_393 = arith.mulf %mul3A_388, %get3A_392 : vector<16xf32>
        %swap3A_394 = arith.index_cast %scan3A_379 : i32 to index
        %swap3A_395 = arith.constant 0 : index
        %swap3A_396 = tpu.vector_load %arg18[%swap3A_394, %swap3A_395] {strides = array<i32>} : memref<128x64xf32, #tpu.memory_space<vmem>>, vector<1x16xf32>,
        %swap3A_397 = vector.shape_cast %swap3A_396 : vector<1x16xf32> to vector<16xf32>
        %swap3A_398 = vector.shape_cast %mul3A_393 : vector<16xf32> to vector<1x16xf32>
        tpu.vector_store %arg18[%swap3A_394, %swap3A_395], %swap3A_398 {strides = array<i32>} : memref<128x64xf32, #tpu.memory_space<vmem>>, vector<1x16xf32>,
        %get3A_399 = arith.index_cast %scan3A_379 : i32 to index
        %get3A_400 = arith.constant 16 : index
        %get3A_401 = tpu.vector_load %arg12[%get3A_399, %get3A_400] {strides = array<i32>} : memref<128x64xf32, #tpu.memory_space<vmem>>, vector<1x16xf32>,
        %get3A_402 = vector.shape_cast %get3A_401 : vector<1x16xf32> to vector<16xf32>
        %get3A_403 = arith.index_cast %scan3A_379 : i32 to index
        %get3A_404 = arith.constant 16 : index
        %get3A_405 = tpu.vector_load %arg14[%get3A_403, %get3A_404] {strides = array<i32>} : memref<128x64xf32, #tpu.memory_space<vmem>>, vector<1x16xf32>,
        %get3A_406 = vector.shape_cast %get3A_405 : vector<1x16xf32> to vector<16xf32>
        %mul3A_407 = arith.mulf %get3A_402, %get3A_406 : vector<16xf32>
        %get3A_408 = arith.index_cast %scan3A_379 : i32 to index
        %get3A_409 = arith.constant 16 : index
        %get3A_410 = tpu.vector_load %arg16[%get3A_408, %get3A_409] {strides = array<i32>} : memref<128x64xf32, #tpu.memory_space<vmem>>, vector<1x16xf32>,
        %get3A_411 = vector.shape_cast %get3A_410 : vector<1x16xf32> to vector<16xf32>
        %mul3A_412 = arith.mulf %mul3A_407, %get3A_411 : vector<16xf32>
        %swap3A_413 = arith.index_cast %scan3A_379 : i32 to index
        %swap3A_414 = arith.constant 16 : index
        %swap3A_415 = tpu.vector_load %arg18[%swap3A_413, %swap3A_414] {strides = array<i32>} : memref<128x64xf32, #tpu.memory_space<vmem>>, vector<1x16xf32>,
        %swap3A_416 = vector.shape_cast %swap3A_415 : vector<1x16xf32> to vector<16xf32>
        %swap3A_417 = vector.shape_cast %mul3A_412 : vector<16xf32> to vector<1x16xf32>
        tpu.vector_store %arg18[%swap3A_413, %swap3A_414], %swap3A_417 {strides = array<i32>} : memref<128x64xf32, #tpu.memory_space<vmem>>, vector<1x16xf32>,
        %get3A_418 = arith.index_cast %scan3A_379 : i32 to index
        %get3A_419 = arith.constant 32 : index
        %get3A_420 = tpu.vector_load %arg12[%get3A_418, %get3A_419] {strides = array<i32>} : memref<128x64xf32, #tpu.memory_space<vmem>>, vector<1x16xf32>,
        %get3A_421 = vector.shape_cast %get3A_420 : vector<1x16xf32> to vector<16xf32>
        %get3A_422 = arith.index_cast %scan3A_379 : i32 to index
        %get3A_423 = arith.constant 32 : index
        %get3A_424 = tpu.vector_load %arg14[%get3A_422, %get3A_423] {strides = array<i32>} : memref<128x64xf32, #tpu.memory_space<vmem>>, vector<1x16xf32>,
        %get3A_425 = vector.shape_cast %get3A_424 : vector<1x16xf32> to vector<16xf32>
        %mul3A_426 = arith.mulf %get3A_421, %get3A_425 : vector<16xf32>
        %get3A_427 = arith.index_cast %scan3A_379 : i32 to index
        %get3A_428 = arith.constant 32 : index
        %get3A_429 = tpu.vector_load %arg16[%get3A_427, %get3A_428] {strides = array<i32>} : memref<128x64xf32, #tpu.memory_space<vmem>>, vector<1x16xf32>,
        %get3A_430 = vector.shape_cast %get3A_429 : vector<1x16xf32> to vector<16xf32>
        %mul3A_431 = arith.mulf %mul3A_426, %get3A_430 : vector<16xf32>
        %swap3A_432 = arith.index_cast %scan3A_379 : i32 to index
        %swap3A_433 = arith.constant 32 : index
        %swap3A_434 = tpu.vector_load %arg18[%swap3A_432, %swap3A_433] {strides = array<i32>} : memref<128x64xf32, #tpu.memory_space<vmem>>, vector<1x16xf32>,
        %swap3A_435 = vector.shape_cast %swap3A_434 : vector<1x16xf32> to vector<16xf32>
        %swap3A_436 = vector.shape_cast %mul3A_431 : vector<16xf32> to vector<1x16xf32>
        tpu.vector_store %arg18[%swap3A_432, %swap3A_433], %swap3A_436 {strides = array<i32>} : memref<128x64xf32, #tpu.memory_space<vmem>>, vector<1x16xf32>,
        %get3A_437 = arith.index_cast %scan3A_379 : i32 to index
        %get3A_438 = arith.constant 48 : index
        %get3A_439 = tpu.vector_load %arg12[%get3A_437, %get3A_438] {strides = array<i32>} : memref<128x64xf32, #tpu.memory_space<vmem>>, vector<1x16xf32>,
        %get3A_440 = vector.shape_cast %get3A_439 : vector<1x16xf32> to vector<16xf32>
        %get3A_441 = arith.index_cast %scan3A_379 : i32 to index
        %get3A_442 = arith.constant 48 : index
        %get3A_443 = tpu.vector_load %arg14[%get3A_441, %get3A_442] {strides = array<i32>} : memref<128x64xf32, #tpu.memory_space<vmem>>, vector<1x16xf32>,
        %get3A_444 = vector.shape_cast %get3A_443 : vector<1x16xf32> to vector<16xf32>
        %mul3A_445 = arith.mulf %get3A_440, %get3A_444 : vector<16xf32>
        %get3A_446 = arith.index_cast %scan3A_379 : i32 to index
        %get3A_447 = arith.constant 48 : index
        %get3A_448 = tpu.vector_load %arg16[%get3A_446, %get3A_447] {strides = array<i32>} : memref<128x64xf32, #tpu.memory_space<vmem>>, vector<1x16xf32>,
        %get3A_449 = vector.shape_cast %get3A_448 : vector<1x16xf32> to vector<16xf32>
        %mul3A_450 = arith.mulf %mul3A_445, %get3A_449 : vector<16xf32>
        %swap3A_451 = arith.index_cast %scan3A_379 : i32 to index
        %swap3A_452 = arith.constant 48 : index
        %swap3A_453 = tpu.vector_load %arg18[%swap3A_451, %swap3A_452] {strides = array<i32>} : memref<128x64xf32, #tpu.memory_space<vmem>>, vector<1x16xf32>,
        %swap3A_454 = vector.shape_cast %swap3A_453 : vector<1x16xf32> to vector<16xf32>
        %swap3A_455 = vector.shape_cast %mul3A_450 : vector<16xf32> to vector<1x16xf32>
        tpu.vector_store %arg18[%swap3A_451, %swap3A_452], %swap3A_455 {strides = array<i32>} : memref<128x64xf32, #tpu.memory_space<vmem>>, vector<1x16xf32>,
        %scan3A_456 = arith.constant 4 : i32
        %scan3A_457 = arith.addi %scan3A_147, %scan3A_456 : i32
        %get3A_458 = arith.index_cast %scan3A_457 : i32 to index
        %get3A_459 = arith.constant 0 : index
        %get3A_460 = tpu.vector_load %arg12[%get3A_458, %get3A_459] {strides = array<i32>} : memref<128x64xf32, #tpu.memory_space<vmem>>, vector<1x16xf32>,
        %get3A_461 = vector.shape_cast %get3A_460 : vector<1x16xf32> to vector<16xf32>
        %get3A_462 = arith.index_cast %scan3A_457 : i32 to index
        %get3A_463 = arith.constant 0 : index
        %get3A_464 = tpu.vector_load %arg14[%get3A_462, %get3A_463] {strides = array<i32>} : memref<128x64xf32, #tpu.memory_space<vmem>>, vector<1x16xf32>,
        %get3A_465 = vector.shape_cast %get3A_464 : vector<1x16xf32> to vector<16xf32>
        %mul3A_466 = arith.mulf %get3A_461, %get3A_465 : vector<16xf32>
        %get3A_467 = arith.index_cast %scan3A_457 : i32 to index
        %get3A_468 = arith.constant 0 : index
        %get3A_469 = tpu.vector_load %arg16[%get3A_467, %get3A_468] {strides = array<i32>} : memref<128x64xf32, #tpu.memory_space<vmem>>, vector<1x16xf32>,
        %get3A_470 = vector.shape_cast %get3A_469 : vector<1x16xf32> to vector<16xf32>
        %mul3A_471 = arith.mulf %mul3A_466, %get3A_470 : vector<16xf32>
        %swap3A_472 = arith.index_cast %scan3A_457 : i32 to index
        %swap3A_473 = arith.constant 0 : index
        %swap3A_474 = tpu.vector_load %arg18[%swap3A_472, %swap3A_473] {strides = array<i32>} : memref<128x64xf32, #tpu.memory_space<vmem>>, vector<1x16xf32>,
        %swap3A_475 = vector.shape_cast %swap3A_474 : vector<1x16xf32> to vector<16xf32>
        %swap3A_476 = vector.shape_cast %mul3A_471 : vector<16xf32> to vector<1x16xf32>
        tpu.vector_store %arg18[%swap3A_472, %swap3A_473], %swap3A_476 {strides = array<i32>} : memref<128x64xf32, #tpu.memory_space<vmem>>, vector<1x16xf32>,
        %get3A_477 = arith.index_cast %scan3A_457 : i32 to index
        %get3A_478 = arith.constant 16 : index
        %get3A_479 = tpu.vector_load %arg12[%get3A_477, %get3A_478] {strides = array<i32>} : memref<128x64xf32, #tpu.memory_space<vmem>>, vector<1x16xf32>,
        %get3A_480 = vector.shape_cast %get3A_479 : vector<1x16xf32> to vector<16xf32>
        %get3A_481 = arith.index_cast %scan3A_457 : i32 to index
        %get3A_482 = arith.constant 16 : index
        %get3A_483 = tpu.vector_load %arg14[%get3A_481, %get3A_482] {strides = array<i32>} : memref<128x64xf32, #tpu.memory_space<vmem>>, vector<1x16xf32>,
        %get3A_484 = vector.shape_cast %get3A_483 : vector<1x16xf32> to vector<16xf32>
        %mul3A_485 = arith.mulf %get3A_480, %get3A_484 : vector<16xf32>
        %get3A_486 = arith.index_cast %scan3A_457 : i32 to index
        %get3A_487 = arith.constant 16 : index
        %get3A_488 = tpu.vector_load %arg16[%get3A_486, %get3A_487] {strides = array<i32>} : memref<128x64xf32, #tpu.memory_space<vmem>>, vector<1x16xf32>,
        %get3A_489 = vector.shape_cast %get3A_488 : vector<1x16xf32> to vector<16xf32>
        %mul3A_490 = arith.mulf %mul3A_485, %get3A_489 : vector<16xf32>
        %swap3A_491 = arith.index_cast %scan3A_457 : i32 to index
        %swap3A_492 = arith.constant 16 : index
        %swap3A_493 = tpu.vector_load %arg18[%swap3A_491, %swap3A_492] {strides = array<i32>} : memref<128x64xf32, #tpu.memory_space<vmem>>, vector<1x16xf32>,
        %swap3A_494 = vector.shape_cast %swap3A_493 : vector<1x16xf32> to vector<16xf32>
        %swap3A_495 = vector.shape_cast %mul3A_490 : vector<16xf32> to vector<1x16xf32>
        tpu.vector_store %arg18[%swap3A_491, %swap3A_492], %swap3A_495 {strides = array<i32>} : memref<128x64xf32, #tpu.memory_space<vmem>>, vector<1x16xf32>,
        %get3A_496 = arith.index_cast %scan3A_457 : i32 to index
        %get3A_497 = arith.constant 32 : index
        %get3A_498 = tpu.vector_load %arg12[%get3A_496, %get3A_497] {strides = array<i32>} : memref<128x64xf32, #tpu.memory_space<vmem>>, vector<1x16xf32>,
        %get3A_499 = vector.shape_cast %get3A_498 : vector<1x16xf32> to vector<16xf32>
        %get3A_500 = arith.index_cast %scan3A_457 : i32 to index
        %get3A_501 = arith.constant 32 : index
        %get3A_502 = tpu.vector_load %arg14[%get3A_500, %get3A_501] {strides = array<i32>} : memref<128x64xf32, #tpu.memory_space<vmem>>, vector<1x16xf32>,
        %get3A_503 = vector.shape_cast %get3A_502 : vector<1x16xf32> to vector<16xf32>
        %mul3A_504 = arith.mulf %get3A_499, %get3A_503 : vector<16xf32>
        %get3A_505 = arith.index_cast %scan3A_457 : i32 to index
        %get3A_506 = arith.constant 32 : index
        %get3A_507 = tpu.vector_load %arg16[%get3A_505, %get3A_506] {strides = array<i32>} : memref<128x64xf32, #tpu.memory_space<vmem>>, vector<1x16xf32>,
        %get3A_508 = vector.shape_cast %get3A_507 : vector<1x16xf32> to vector<16xf32>
        %mul3A_509 = arith.mulf %mul3A_504, %get3A_508 : vector<16xf32>
        %swap3A_510 = arith.index_cast %scan3A_457 : i32 to index
        %swap3A_511 = arith.constant 32 : index
        %swap3A_512 = tpu.vector_load %arg18[%swap3A_510, %swap3A_511] {strides = array<i32>} : memref<128x64xf32, #tpu.memory_space<vmem>>, vector<1x16xf32>,
        %swap3A_513 = vector.shape_cast %swap3A_512 : vector<1x16xf32> to vector<16xf32>
        %swap3A_514 = vector.shape_cast %mul3A_509 : vector<16xf32> to vector<1x16xf32>
        tpu.vector_store %arg18[%swap3A_510, %swap3A_511], %swap3A_514 {strides = array<i32>} : memref<128x64xf32, #tpu.memory_space<vmem>>, vector<1x16xf32>,
        %get3A_515 = arith.index_cast %scan3A_457 : i32 to index
        %get3A_516 = arith.constant 48 : index
        %get3A_517 = tpu.vector_load %arg12[%get3A_515, %get3A_516] {strides = array<i32>} : memref<128x64xf32, #tpu.memory_space<vmem>>, vector<1x16xf32>,
        %get3A_518 = vector.shape_cast %get3A_517 : vector<1x16xf32> to vector<16xf32>
        %get3A_519 = arith.index_cast %scan3A_457 : i32 to index
        %get3A_520 = arith.constant 48 : index
        %get3A_521 = tpu.vector_load %arg14[%get3A_519, %get3A_520] {strides = array<i32>} : memref<128x64xf32, #tpu.memory_space<vmem>>, vector<1x16xf32>,
        %get3A_522 = vector.shape_cast %get3A_521 : vector<1x16xf32> to vector<16xf32>
        %mul3A_523 = arith.mulf %get3A_518, %get3A_522 : vector<16xf32>
        %get3A_524 = arith.index_cast %scan3A_457 : i32 to index
        %get3A_525 = arith.constant 48 : index
        %get3A_526 = tpu.vector_load %arg16[%get3A_524, %get3A_525] {strides = array<i32>} : memref<128x64xf32, #tpu.memory_space<vmem>>, vector<1x16xf32>,
        %get3A_527 = vector.shape_cast %get3A_526 : vector<1x16xf32> to vector<16xf32>
        %mul3A_528 = arith.mulf %mul3A_523, %get3A_527 : vector<16xf32>
        %swap3A_529 = arith.index_cast %scan3A_457 : i32 to index
        %swap3A_530 = arith.constant 48 : index
        %swap3A_531 = tpu.vector_load %arg18[%swap3A_529, %swap3A_530] {strides = array<i32>} : memref<128x64xf32, #tpu.memory_space<vmem>>, vector<1x16xf32>,
        %swap3A_532 = vector.shape_cast %swap3A_531 : vector<1x16xf32> to vector<16xf32>
        %swap3A_533 = vector.shape_cast %mul3A_528 : vector<16xf32> to vector<1x16xf32>
        tpu.vector_store %arg18[%swap3A_529, %swap3A_530], %swap3A_533 {strides = array<i32>} : memref<128x64xf32, #tpu.memory_space<vmem>>, vector<1x16xf32>,
        %scan3A_534 = arith.constant 5 : i32
        %scan3A_535 = arith.addi %scan3A_147, %scan3A_534 : i32
        %get3A_536 = arith.index_cast %scan3A_535 : i32 to index
        %get3A_537 = arith.constant 0 : index
        %get3A_538 = tpu.vector_load %arg12[%get3A_536, %get3A_537] {strides = array<i32>} : memref<128x64xf32, #tpu.memory_space<vmem>>, vector<1x16xf32>,
        %get3A_539 = vector.shape_cast %get3A_538 : vector<1x16xf32> to vector<16xf32>
        %get3A_540 = arith.index_cast %scan3A_535 : i32 to index
        %get3A_541 = arith.constant 0 : index
        %get3A_542 = tpu.vector_load %arg14[%get3A_540, %get3A_541] {strides = array<i32>} : memref<128x64xf32, #tpu.memory_space<vmem>>, vector<1x16xf32>,
        %get3A_543 = vector.shape_cast %get3A_542 : vector<1x16xf32> to vector<16xf32>
        %mul3A_544 = arith.mulf %get3A_539, %get3A_543 : vector<16xf32>
        %get3A_545 = arith.index_cast %scan3A_535 : i32 to index
        %get3A_546 = arith.constant 0 : index
        %get3A_547 = tpu.vector_load %arg16[%get3A_545, %get3A_546] {strides = array<i32>} : memref<128x64xf32, #tpu.memory_space<vmem>>, vector<1x16xf32>,
        %get3A_548 = vector.shape_cast %get3A_547 : vector<1x16xf32> to vector<16xf32>
        %mul3A_549 = arith.mulf %mul3A_544, %get3A_548 : vector<16xf32>
        %swap3A_550 = arith.index_cast %scan3A_535 : i32 to index
        %swap3A_551 = arith.constant 0 : index
        %swap3A_552 = tpu.vector_load %arg18[%swap3A_550, %swap3A_551] {strides = array<i32>} : memref<128x64xf32, #tpu.memory_space<vmem>>, vector<1x16xf32>,
        %swap3A_553 = vector.shape_cast %swap3A_552 : vector<1x16xf32> to vector<16xf32>
        %swap3A_554 = vector.shape_cast %mul3A_549 : vector<16xf32> to vector<1x16xf32>
        tpu.vector_store %arg18[%swap3A_550, %swap3A_551], %swap3A_554 {strides = array<i32>} : memref<128x64xf32, #tpu.memory_space<vmem>>, vector<1x16xf32>,
        %get3A_555 = arith.index_cast %scan3A_535 : i32 to index
        %get3A_556 = arith.constant 16 : index
        %get3A_557 = tpu.vector_load %arg12[%get3A_555, %get3A_556] {strides = array<i32>} : memref<128x64xf32, #tpu.memory_space<vmem>>, vector<1x16xf32>,
        %get3A_558 = vector.shape_cast %get3A_557 : vector<1x16xf32> to vector<16xf32>
        %get3A_559 = arith.index_cast %scan3A_535 : i32 to index
        %get3A_560 = arith.constant 16 : index
        %get3A_561 = tpu.vector_load %arg14[%get3A_559, %get3A_560] {strides = array<i32>} : memref<128x64xf32, #tpu.memory_space<vmem>>, vector<1x16xf32>,
        %get3A_562 = vector.shape_cast %get3A_561 : vector<1x16xf32> to vector<16xf32>
        %mul3A_563 = arith.mulf %get3A_558, %get3A_562 : vector<16xf32>
        %get3A_564 = arith.index_cast %scan3A_535 : i32 to index
        %get3A_565 = arith.constant 16 : index
        %get3A_566 = tpu.vector_load %arg16[%get3A_564, %get3A_565] {strides = array<i32>} : memref<128x64xf32, #tpu.memory_space<vmem>>, vector<1x16xf32>,
        %get3A_567 = vector.shape_cast %get3A_566 : vector<1x16xf32> to vector<16xf32>
        %mul3A_568 = arith.mulf %mul3A_563, %get3A_567 : vector<16xf32>
        %swap3A_569 = arith.index_cast %scan3A_535 : i32 to index
        %swap3A_570 = arith.constant 16 : index
        %swap3A_571 = tpu.vector_load %arg18[%swap3A_569, %swap3A_570] {strides = array<i32>} : memref<128x64xf32, #tpu.memory_space<vmem>>, vector<1x16xf32>,
        %swap3A_572 = vector.shape_cast %swap3A_571 : vector<1x16xf32> to vector<16xf32>
        %swap3A_573 = vector.shape_cast %mul3A_568 : vector<16xf32> to vector<1x16xf32>
        tpu.vector_store %arg18[%swap3A_569, %swap3A_570], %swap3A_573 {strides = array<i32>} : memref<128x64xf32, #tpu.memory_space<vmem>>, vector<1x16xf32>,
        %get3A_574 = arith.index_cast %scan3A_535 : i32 to index
        %get3A_575 = arith.constant 32 : index
        %get3A_576 = tpu.vector_load %arg12[%get3A_574, %get3A_575] {strides = array<i32>} : memref<128x64xf32, #tpu.memory_space<vmem>>, vector<1x16xf32>,
        %get3A_577 = vector.shape_cast %get3A_576 : vector<1x16xf32> to vector<16xf32>
        %get3A_578 = arith.index_cast %scan3A_535 : i32 to index
        %get3A_579 = arith.constant 32 : index
        %get3A_580 = tpu.vector_load %arg14[%get3A_578, %get3A_579] {strides = array<i32>} : memref<128x64xf32, #tpu.memory_space<vmem>>, vector<1x16xf32>,
        %get3A_581 = vector.shape_cast %get3A_580 : vector<1x16xf32> to vector<16xf32>
        %mul3A_582 = arith.mulf %get3A_577, %get3A_581 : vector<16xf32>
        %get3A_583 = arith.index_cast %scan3A_535 : i32 to index
        %get3A_584 = arith.constant 32 : index
        %get3A_585 = tpu.vector_load %arg16[%get3A_583, %get3A_584] {strides = array<i32>} : memref<128x64xf32, #tpu.memory_space<vmem>>, vector<1x16xf32>,
        %get3A_586 = vector.shape_cast %get3A_585 : vector<1x16xf32> to vector<16xf32>
        %mul3A_587 = arith.mulf %mul3A_582, %get3A_586 : vector<16xf32>
        %swap3A_588 = arith.index_cast %scan3A_535 : i32 to index
        %swap3A_589 = arith.constant 32 : index
        %swap3A_590 = tpu.vector_load %arg18[%swap3A_588, %swap3A_589] {strides = array<i32>} : memref<128x64xf32, #tpu.memory_space<vmem>>, vector<1x16xf32>,
        %swap3A_591 = vector.shape_cast %swap3A_590 : vector<1x16xf32> to vector<16xf32>
        %swap3A_592 = vector.shape_cast %mul3A_587 : vector<16xf32> to vector<1x16xf32>
        tpu.vector_store %arg18[%swap3A_588, %swap3A_589], %swap3A_592 {strides = array<i32>} : memref<128x64xf32, #tpu.memory_space<vmem>>, vector<1x16xf32>,
        %get3A_593 = arith.index_cast %scan3A_535 : i32 to index
        %get3A_594 = arith.constant 48 : index
        %get3A_595 = tpu.vector_load %arg12[%get3A_593, %get3A_594] {strides = array<i32>} : memref<128x64xf32, #tpu.memory_space<vmem>>, vector<1x16xf32>,
        %get3A_596 = vector.shape_cast %get3A_595 : vector<1x16xf32> to vector<16xf32>
        %get3A_597 = arith.index_cast %scan3A_535 : i32 to index
        %get3A_598 = arith.constant 48 : index
        %get3A_599 = tpu.vector_load %arg14[%get3A_597, %get3A_598] {strides = array<i32>} : memref<128x64xf32, #tpu.memory_space<vmem>>, vector<1x16xf32>,
        %get3A_600 = vector.shape_cast %get3A_599 : vector<1x16xf32> to vector<16xf32>
        %mul3A_601 = arith.mulf %get3A_596, %get3A_600 : vector<16xf32>
        %get3A_602 = arith.index_cast %scan3A_535 : i32 to index
        %get3A_603 = arith.constant 48 : index
        %get3A_604 = tpu.vector_load %arg16[%get3A_602, %get3A_603] {strides = array<i32>} : memref<128x64xf32, #tpu.memory_space<vmem>>, vector<1x16xf32>,
        %get3A_605 = vector.shape_cast %get3A_604 : vector<1x16xf32> to vector<16xf32>
        %mul3A_606 = arith.mulf %mul3A_601, %get3A_605 : vector<16xf32>
        %swap3A_607 = arith.index_cast %scan3A_535 : i32 to index
        %swap3A_608 = arith.constant 48 : index
        %swap3A_609 = tpu.vector_load %arg18[%swap3A_607, %swap3A_608] {strides = array<i32>} : memref<128x64xf32, #tpu.memory_space<vmem>>, vector<1x16xf32>,
        %swap3A_610 = vector.shape_cast %swap3A_609 : vector<1x16xf32> to vector<16xf32>
        %swap3A_611 = vector.shape_cast %mul3A_606 : vector<16xf32> to vector<1x16xf32>
        tpu.vector_store %arg18[%swap3A_607, %swap3A_608], %swap3A_611 {strides = array<i32>} : memref<128x64xf32, #tpu.memory_space<vmem>>, vector<1x16xf32>,
        %scan3A_612 = arith.constant 6 : i32
        %scan3A_613 = arith.addi %scan3A_147, %scan3A_612 : i32
        %get3A_614 = arith.index_cast %scan3A_613 : i32 to index
        %get3A_615 = arith.constant 0 : index
        %get3A_616 = tpu.vector_load %arg12[%get3A_614, %get3A_615] {strides = array<i32>} : memref<128x64xf32, #tpu.memory_space<vmem>>, vector<1x16xf32>,
        %get3A_617 = vector.shape_cast %get3A_616 : vector<1x16xf32> to vector<16xf32>
        %get3A_618 = arith.index_cast %scan3A_613 : i32 to index
        %get3A_619 = arith.constant 0 : index
        %get3A_620 = tpu.vector_load %arg14[%get3A_618, %get3A_619] {strides = array<i32>} : memref<128x64xf32, #tpu.memory_space<vmem>>, vector<1x16xf32>,
        %get3A_621 = vector.shape_cast %get3A_620 : vector<1x16xf32> to vector<16xf32>
        %mul3A_622 = arith.mulf %get3A_617, %get3A_621 : vector<16xf32>
        %get3A_623 = arith.index_cast %scan3A_613 : i32 to index
        %get3A_624 = arith.constant 0 : index
        %get3A_625 = tpu.vector_load %arg16[%get3A_623, %get3A_624] {strides = array<i32>} : memref<128x64xf32, #tpu.memory_space<vmem>>, vector<1x16xf32>,
        %get3A_626 = vector.shape_cast %get3A_625 : vector<1x16xf32> to vector<16xf32>
        %mul3A_627 = arith.mulf %mul3A_622, %get3A_626 : vector<16xf32>
        %swap3A_628 = arith.index_cast %scan3A_613 : i32 to index
        %swap3A_629 = arith.constant 0 : index
        %swap3A_630 = tpu.vector_load %arg18[%swap3A_628, %swap3A_629] {strides = array<i32>} : memref<128x64xf32, #tpu.memory_space<vmem>>, vector<1x16xf32>,
        %swap3A_631 = vector.shape_cast %swap3A_630 : vector<1x16xf32> to vector<16xf32>
        %swap3A_632 = vector.shape_cast %mul3A_627 : vector<16xf32> to vector<1x16xf32>
        tpu.vector_store %arg18[%swap3A_628, %swap3A_629], %swap3A_632 {strides = array<i32>} : memref<128x64xf32, #tpu.memory_space<vmem>>, vector<1x16xf32>,
        %get3A_633 = arith.index_cast %scan3A_613 : i32 to index
        %get3A_634 = arith.constant 16 : index
        %get3A_635 = tpu.vector_load %arg12[%get3A_633, %get3A_634] {strides = array<i32>} : memref<128x64xf32, #tpu.memory_space<vmem>>, vector<1x16xf32>,
        %get3A_636 = vector.shape_cast %get3A_635 : vector<1x16xf32> to vector<16xf32>
        %get3A_637 = arith.index_cast %scan3A_613 : i32 to index
        %get3A_638 = arith.constant 16 : index
        %get3A_639 = tpu.vector_load %arg14[%get3A_637, %get3A_638] {strides = array<i32>} : memref<128x64xf32, #tpu.memory_space<vmem>>, vector<1x16xf32>,
        %get3A_640 = vector.shape_cast %get3A_639 : vector<1x16xf32> to vector<16xf32>
        %mul3A_641 = arith.mulf %get3A_636, %get3A_640 : vector<16xf32>
        %get3A_642 = arith.index_cast %scan3A_613 : i32 to index
        %get3A_643 = arith.constant 16 : index
        %get3A_644 = tpu.vector_load %arg16[%get3A_642, %get3A_643] {strides = array<i32>} : memref<128x64xf32, #tpu.memory_space<vmem>>, vector<1x16xf32>,
        %get3A_645 = vector.shape_cast %get3A_644 : vector<1x16xf32> to vector<16xf32>
        %mul3A_646 = arith.mulf %mul3A_641, %get3A_645 : vector<16xf32>
        %swap3A_647 = arith.index_cast %scan3A_613 : i32 to index
        %swap3A_648 = arith.constant 16 : index
        %swap3A_649 = tpu.vector_load %arg18[%swap3A_647, %swap3A_648] {strides = array<i32>} : memref<128x64xf32, #tpu.memory_space<vmem>>, vector<1x16xf32>,
        %swap3A_650 = vector.shape_cast %swap3A_649 : vector<1x16xf32> to vector<16xf32>
        %swap3A_651 = vector.shape_cast %mul3A_646 : vector<16xf32> to vector<1x16xf32>
        tpu.vector_store %arg18[%swap3A_647, %swap3A_648], %swap3A_651 {strides = array<i32>} : memref<128x64xf32, #tpu.memory_space<vmem>>, vector<1x16xf32>,
        %get3A_652 = arith.index_cast %scan3A_613 : i32 to index
        %get3A_653 = arith.constant 32 : index
        %get3A_654 = tpu.vector_load %arg12[%get3A_652, %get3A_653] {strides = array<i32>} : memref<128x64xf32, #tpu.memory_space<vmem>>, vector<1x16xf32>,
        %get3A_655 = vector.shape_cast %get3A_654 : vector<1x16xf32> to vector<16xf32>
        %get3A_656 = arith.index_cast %scan3A_613 : i32 to index
        %get3A_657 = arith.constant 32 : index
        %get3A_658 = tpu.vector_load %arg14[%get3A_656, %get3A_657] {strides = array<i32>} : memref<128x64xf32, #tpu.memory_space<vmem>>, vector<1x16xf32>,
        %get3A_659 = vector.shape_cast %get3A_658 : vector<1x16xf32> to vector<16xf32>
        %mul3A_660 = arith.mulf %get3A_655, %get3A_659 : vector<16xf32>
        %get3A_661 = arith.index_cast %scan3A_613 : i32 to index
        %get3A_662 = arith.constant 32 : index
        %get3A_663 = tpu.vector_load %arg16[%get3A_661, %get3A_662] {strides = array<i32>} : memref<128x64xf32, #tpu.memory_space<vmem>>, vector<1x16xf32>,
        %get3A_664 = vector.shape_cast %get3A_663 : vector<1x16xf32> to vector<16xf32>
        %mul3A_665 = arith.mulf %mul3A_660, %get3A_664 : vector<16xf32>
        %swap3A_666 = arith.index_cast %scan3A_613 : i32 to index
        %swap3A_667 = arith.constant 32 : index
        %swap3A_668 = tpu.vector_load %arg18[%swap3A_666, %swap3A_667] {strides = array<i32>} : memref<128x64xf32, #tpu.memory_space<vmem>>, vector<1x16xf32>,
        %swap3A_669 = vector.shape_cast %swap3A_668 : vector<1x16xf32> to vector<16xf32>
        %swap3A_670 = vector.shape_cast %mul3A_665 : vector<16xf32> to vector<1x16xf32>
        tpu.vector_store %arg18[%swap3A_666, %swap3A_667], %swap3A_670 {strides = array<i32>} : memref<128x64xf32, #tpu.memory_space<vmem>>, vector<1x16xf32>,
        %get3A_671 = arith.index_cast %scan3A_613 : i32 to index
        %get3A_672 = arith.constant 48 : index
        %get3A_673 = tpu.vector_load %arg12[%get3A_671, %get3A_672] {strides = array<i32>} : memref<128x64xf32, #tpu.memory_space<vmem>>, vector<1x16xf32>,
        %get3A_674 = vector.shape_cast %get3A_673 : vector<1x16xf32> to vector<16xf32>
        %get3A_675 = arith.index_cast %scan3A_613 : i32 to index
        %get3A_676 = arith.constant 48 : index
        %get3A_677 = tpu.vector_load %arg14[%get3A_675, %get3A_676] {strides = array<i32>} : memref<128x64xf32, #tpu.memory_space<vmem>>, vector<1x16xf32>,
        %get3A_678 = vector.shape_cast %get3A_677 : vector<1x16xf32> to vector<16xf32>
        %mul3A_679 = arith.mulf %get3A_674, %get3A_678 : vector<16xf32>
        %get3A_680 = arith.index_cast %scan3A_613 : i32 to index
        %get3A_681 = arith.constant 48 : index
        %get3A_682 = tpu.vector_load %arg16[%get3A_680, %get3A_681] {strides = array<i32>} : memref<128x64xf32, #tpu.memory_space<vmem>>, vector<1x16xf32>,
        %get3A_683 = vector.shape_cast %get3A_682 : vector<1x16xf32> to vector<16xf32>
        %mul3A_684 = arith.mulf %mul3A_679, %get3A_683 : vector<16xf32>
        %swap3A_685 = arith.index_cast %scan3A_613 : i32 to index
        %swap3A_686 = arith.constant 48 : index
        %swap3A_687 = tpu.vector_load %arg18[%swap3A_685, %swap3A_686] {strides = array<i32>} : memref<128x64xf32, #tpu.memory_space<vmem>>, vector<1x16xf32>,
        %swap3A_688 = vector.shape_cast %swap3A_687 : vector<1x16xf32> to vector<16xf32>
        %swap3A_689 = vector.shape_cast %mul3A_684 : vector<16xf32> to vector<1x16xf32>
        tpu.vector_store %arg18[%swap3A_685, %swap3A_686], %swap3A_689 {strides = array<i32>} : memref<128x64xf32, #tpu.memory_space<vmem>>, vector<1x16xf32>,
        %scan3A_690 = arith.constant 7 : i32
        %scan3A_691 = arith.addi %scan3A_147, %scan3A_690 : i32
        %get3A_692 = arith.index_cast %scan3A_691 : i32 to index
        %get3A_693 = arith.constant 0 : index
        %get3A_694 = tpu.vector_load %arg12[%get3A_692, %get3A_693] {strides = array<i32>} : memref<128x64xf32, #tpu.memory_space<vmem>>, vector<1x16xf32>,
        %get3A_695 = vector.shape_cast %get3A_694 : vector<1x16xf32> to vector<16xf32>
        %get3A_696 = arith.index_cast %scan3A_691 : i32 to index
        %get3A_697 = arith.constant 0 : index
        %get3A_698 = tpu.vector_load %arg14[%get3A_696, %get3A_697] {strides = array<i32>} : memref<128x64xf32, #tpu.memory_space<vmem>>, vector<1x16xf32>,
        %get3A_699 = vector.shape_cast %get3A_698 : vector<1x16xf32> to vector<16xf32>
        %mul3A_700 = arith.mulf %get3A_695, %get3A_699 : vector<16xf32>
        %get3A_701 = arith.index_cast %scan3A_691 : i32 to index
        %get3A_702 = arith.constant 0 : index
        %get3A_703 = tpu.vector_load %arg16[%get3A_701, %get3A_702] {strides = array<i32>} : memref<128x64xf32, #tpu.memory_space<vmem>>, vector<1x16xf32>,
        %get3A_704 = vector.shape_cast %get3A_703 : vector<1x16xf32> to vector<16xf32>
        %mul3A_705 = arith.mulf %mul3A_700, %get3A_704 : vector<16xf32>
        %swap3A_706 = arith.index_cast %scan3A_691 : i32 to index
        %swap3A_707 = arith.constant 0 : index
        %swap3A_708 = tpu.vector_load %arg18[%swap3A_706, %swap3A_707] {strides = array<i32>} : memref<128x64xf32, #tpu.memory_space<vmem>>, vector<1x16xf32>,
        %swap3A_709 = vector.shape_cast %swap3A_708 : vector<1x16xf32> to vector<16xf32>
        %swap3A_710 = vector.shape_cast %mul3A_705 : vector<16xf32> to vector<1x16xf32>
        tpu.vector_store %arg18[%swap3A_706, %swap3A_707], %swap3A_710 {strides = array<i32>} : memref<128x64xf32, #tpu.memory_space<vmem>>, vector<1x16xf32>,
        %get3A_711 = arith.index_cast %scan3A_691 : i32 to index
        %get3A_712 = arith.constant 16 : index
        %get3A_713 = tpu.vector_load %arg12[%get3A_711, %get3A_712] {strides = array<i32>} : memref<128x64xf32, #tpu.memory_space<vmem>>, vector<1x16xf32>,
        %get3A_714 = vector.shape_cast %get3A_713 : vector<1x16xf32> to vector<16xf32>
        %get3A_715 = arith.index_cast %scan3A_691 : i32 to index
        %get3A_716 = arith.constant 16 : index
        %get3A_717 = tpu.vector_load %arg14[%get3A_715, %get3A_716] {strides = array<i32>} : memref<128x64xf32, #tpu.memory_space<vmem>>, vector<1x16xf32>,
        %get3A_718 = vector.shape_cast %get3A_717 : vector<1x16xf32> to vector<16xf32>
        %mul3A_719 = arith.mulf %get3A_714, %get3A_718 : vector<16xf32>
        %get3A_720 = arith.index_cast %scan3A_691 : i32 to index
        %get3A_721 = arith.constant 16 : index
        %get3A_722 = tpu.vector_load %arg16[%get3A_720, %get3A_721] {strides = array<i32>} : memref<128x64xf32, #tpu.memory_space<vmem>>, vector<1x16xf32>,
        %get3A_723 = vector.shape_cast %get3A_722 : vector<1x16xf32> to vector<16xf32>
        %mul3A_724 = arith.mulf %mul3A_719, %get3A_723 : vector<16xf32>
        %swap3A_725 = arith.index_cast %scan3A_691 : i32 to index
        %swap3A_726 = arith.constant 16 : index
        %swap3A_727 = tpu.vector_load %arg18[%swap3A_725, %swap3A_726] {strides = array<i32>} : memref<128x64xf32, #tpu.memory_space<vmem>>, vector<1x16xf32>,
        %swap3A_728 = vector.shape_cast %swap3A_727 : vector<1x16xf32> to vector<16xf32>
        %swap3A_729 = vector.shape_cast %mul3A_724 : vector<16xf32> to vector<1x16xf32>
        tpu.vector_store %arg18[%swap3A_725, %swap3A_726], %swap3A_729 {strides = array<i32>} : memref<128x64xf32, #tpu.memory_space<vmem>>, vector<1x16xf32>,
        %get3A_730 = arith.index_cast %scan3A_691 : i32 to index
        %get3A_731 = arith.constant 32 : index
        %get3A_732 = tpu.vector_load %arg12[%get3A_730, %get3A_731] {strides = array<i32>} : memref<128x64xf32, #tpu.memory_space<vmem>>, vector<1x16xf32>,
        %get3A_733 = vector.shape_cast %get3A_732 : vector<1x16xf32> to vector<16xf32>
        %get3A_734 = arith.index_cast %scan3A_691 : i32 to index
        %get3A_735 = arith.constant 32 : index
        %get3A_736 = tpu.vector_load %arg14[%get3A_734, %get3A_735] {strides = array<i32>} : memref<128x64xf32, #tpu.memory_space<vmem>>, vector<1x16xf32>,
        %get3A_737 = vector.shape_cast %get3A_736 : vector<1x16xf32> to vector<16xf32>
        %mul3A_738 = arith.mulf %get3A_733, %get3A_737 : vector<16xf32>
        %get3A_739 = arith.index_cast %scan3A_691 : i32 to index
        %get3A_740 = arith.constant 32 : index
        %get3A_741 = tpu.vector_load %arg16[%get3A_739, %get3A_740] {strides = array<i32>} : memref<128x64xf32, #tpu.memory_space<vmem>>, vector<1x16xf32>,
        %get3A_742 = vector.shape_cast %get3A_741 : vector<1x16xf32> to vector<16xf32>
        %mul3A_743 = arith.mulf %mul3A_738, %get3A_742 : vector<16xf32>
        %swap3A_744 = arith.index_cast %scan3A_691 : i32 to index
        %swap3A_745 = arith.constant 32 : index
        %swap3A_746 = tpu.vector_load %arg18[%swap3A_744, %swap3A_745] {strides = array<i32>} : memref<128x64xf32, #tpu.memory_space<vmem>>, vector<1x16xf32>,
        %swap3A_747 = vector.shape_cast %swap3A_746 : vector<1x16xf32> to vector<16xf32>
        %swap3A_748 = vector.shape_cast %mul3A_743 : vector<16xf32> to vector<1x16xf32>
        tpu.vector_store %arg18[%swap3A_744, %swap3A_745], %swap3A_748 {strides = array<i32>} : memref<128x64xf32, #tpu.memory_space<vmem>>, vector<1x16xf32>,
        %get3A_749 = arith.index_cast %scan3A_691 : i32 to index
        %get3A_750 = arith.constant 48 : index
        %get3A_751 = tpu.vector_load %arg12[%get3A_749, %get3A_750] {strides = array<i32>} : memref<128x64xf32, #tpu.memory_space<vmem>>, vector<1x16xf32>,
        %get3A_752 = vector.shape_cast %get3A_751 : vector<1x16xf32> to vector<16xf32>
        %get3A_753 = arith.index_cast %scan3A_691 : i32 to index
        %get3A_754 = arith.constant 48 : index
        %get3A_755 = tpu.vector_load %arg14[%get3A_753, %get3A_754] {strides = array<i32>} : memref<128x64xf32, #tpu.memory_space<vmem>>, vector<1x16xf32>,
        %get3A_756 = vector.shape_cast %get3A_755 : vector<1x16xf32> to vector<16xf32>
        %mul3A_757 = arith.mulf %get3A_752, %get3A_756 : vector<16xf32>
        %get3A_758 = arith.index_cast %scan3A_691 : i32 to index
        %get3A_759 = arith.constant 48 : index
        %get3A_760 = tpu.vector_load %arg16[%get3A_758, %get3A_759] {strides = array<i32>} : memref<128x64xf32, #tpu.memory_space<vmem>>, vector<1x16xf32>,
        %get3A_761 = vector.shape_cast %get3A_760 : vector<1x16xf32> to vector<16xf32>
        %mul3A_762 = arith.mulf %mul3A_757, %get3A_761 : vector<16xf32>
        %swap3A_763 = arith.index_cast %scan3A_691 : i32 to index
        %swap3A_764 = arith.constant 48 : index
        %swap3A_765 = tpu.vector_load %arg18[%swap3A_763, %swap3A_764] {strides = array<i32>} : memref<128x64xf32, #tpu.memory_space<vmem>>, vector<1x16xf32>,
        %swap3A_766 = vector.shape_cast %swap3A_765 : vector<1x16xf32> to vector<16xf32>
        %swap3A_767 = vector.shape_cast %mul3A_762 : vector<16xf32> to vector<1x16xf32>
        tpu.vector_store %arg18[%swap3A_763, %swap3A_764], %swap3A_767 {strides = array<i32>} : memref<128x64xf32, #tpu.memory_space<vmem>>, vector<1x16xf32>,
      }
      %scan3A_132 = arith.constant 128 : i32
      %add3A_133 = arith.constant 2 : i32
      %add3A_134 = arith.addi %add3A_103, %add3A_133 : i32
      %lt3A_135 = arith.constant 52 : i32
      %lt3A_136 = arith.cmpi slt, %add3A_134, %lt3A_135 : i32
      %convert_element_type3A_137 = arith.extui %lt3A_136 : i1 to i32
      %cond3A_138 = arith.constant 0 : i32
      %cond3A_139 = arith.cmpi ne, %convert_element_type3A_137, %cond3A_138 : i32
      scf.if %cond3A_139 {
        %add3A_147 = arith.constant 2 : i32
        %add3A_148 = arith.addi %add3A_103, %add3A_147 : i32
        %dma_start3A_149 = arith.constant 0 : i32
        %dma_start3A_150 = tpu.memref_slice %arg8[%add3A_148, %dma_start3A_149] : memref<52x128xi32, #tpu.memory_space<vmem>> -> memref<1x128xi32, #tpu.memory_space<vmem>>
        %dma_start3A_151 = tpu.memref_squeeze %dma_start3A_150 : memref<1x128xi32, #tpu.memory_space<vmem>> -> memref<128xi32, #tpu.memory_space<vmem>>
        %dma_start3A_152 = arith.constant 0 : i32
        %dma_start3A_153 = arith.constant 0 : i32
        %dma_start3A_154 = tpu.memref_slice %arg5[%dma_start3A_152, %dma_start3A_153] : memref<1000000x64xf32, #tpu.memory_space<hbm>> -> memref<1000000x64xf32, #tpu.memory_space<hbm>>
        tpu.enqueue_indirect_dma source(%dma_start3A_154 : memref<1000000x64xf32, #tpu.memory_space<hbm>>) target(%arg12 : memref<128x64xf32, #tpu.memory_space<vmem>>) offsets(%dma_start3A_151 : memref<128xi32, #tpu.memory_space<vmem>>) semaphore(%arg20 : memref<!tpu.dma_semaphore, #tpu.memory_space<semaphore_mem>>)
        %dma_start3A_155 = arith.constant 0 : i32
        %dma_start3A_156 = tpu.memref_slice %arg9[%add3A_148, %dma_start3A_155] : memref<52x128xi32, #tpu.memory_space<vmem>> -> memref<1x128xi32, #tpu.memory_space<vmem>>
        %dma_start3A_157 = tpu.memref_squeeze %dma_start3A_156 : memref<1x128xi32, #tpu.memory_space<vmem>> -> memref<128xi32, #tpu.memory_space<vmem>>
        %dma_start3A_158 = arith.constant 0 : i32
        %dma_start3A_159 = arith.constant 0 : i32
        %dma_start3A_160 = tpu.memref_slice %arg6[%dma_start3A_158, %dma_start3A_159] : memref<1000x64xf32, #tpu.memory_space<hbm>> -> memref<1000x64xf32, #tpu.memory_space<hbm>>
        tpu.enqueue_indirect_dma source(%dma_start3A_160 : memref<1000x64xf32, #tpu.memory_space<hbm>>) target(%arg14 : memref<128x64xf32, #tpu.memory_space<vmem>>) offsets(%dma_start3A_157 : memref<128xi32, #tpu.memory_space<vmem>>) semaphore(%arg20 : memref<!tpu.dma_semaphore, #tpu.memory_space<semaphore_mem>>)
        %dma_start3A_161 = arith.constant 0 : i32
        %dma_start3A_162 = tpu.memref_slice %arg10[%add3A_148, %dma_start3A_161] : memref<52x128xi32, #tpu.memory_space<vmem>> -> memref<1x128xi32, #tpu.memory_space<vmem>>
        %dma_start3A_163 = tpu.memref_squeeze %dma_start3A_162 : memref<1x128xi32, #tpu.memory_space<vmem>> -> memref<128xi32, #tpu.memory_space<vmem>>
        %dma_start3A_164 = arith.constant 0 : i32
        %dma_start3A_165 = arith.constant 0 : i32
        %dma_start3A_166 = tpu.memref_slice %arg5[%dma_start3A_164, %dma_start3A_165] : memref<1000000x64xf32, #tpu.memory_space<hbm>> -> memref<1000000x64xf32, #tpu.memory_space<hbm>>
        tpu.enqueue_indirect_dma source(%dma_start3A_166 : memref<1000000x64xf32, #tpu.memory_space<hbm>>) target(%arg16 : memref<128x64xf32, #tpu.memory_space<vmem>>) offsets(%dma_start3A_163 : memref<128xi32, #tpu.memory_space<vmem>>) semaphore(%arg20 : memref<!tpu.dma_semaphore, #tpu.memory_space<semaphore_mem>>)
      } else {
      }
      %mul3A_140 = arith.constant 128 : i32
      %mul3A_141 = arith.muli %add3A_103, %mul3A_140 : i32
      %add3A_142 = arith.addi %mul3A_2, %mul3A_141 : i32
      %dma_start3A_143 = arith.constant 0 : i32
      %dma_start3A_144 = tpu.memref_slice %arg7[%add3A_142, %dma_start3A_143] : memref<212992x64xf32, #tpu.memory_space<hbm>> -> memref<128x64xf32, #tpu.memory_space<hbm>>
      %dma_start3A_145 = arith.constant 0 : i32
      %dma_start3A_146 = tpu.memref_slice %arg7[%add3A_142, %dma_start3A_145] : memref<212992x64xf32, #tpu.memory_space<hbm>> -> memref<128x64xf32, #tpu.memory_space<hbm>>
      tpu.enqueue_dma source(%arg18 : memref<128x64xf32, #tpu.memory_space<vmem>>) target(%dma_start3A_146 : memref<128x64xf32, #tpu.memory_space<hbm>>) target_semaphore(%arg22 : memref<!tpu.dma_semaphore, #tpu.memory_space<semaphore_mem>>)
    }
    %scan3A_48 = arith.constant 26 : i32
    %dma_wait3A = arith.constant 0 : i32
    %dma_wait3A_49 = tpu.memref_slice %arg7[%mul3A_2, %dma_wait3A] : memref<212992x64xf32, #tpu.memory_space<hbm>> -> memref<128x64xf32, #tpu.memory_space<hbm>>
    %dma_wait3A_50 = arith.constant 0 : i32
    %dma_wait3A_51 = tpu.memref_slice %arg7[%mul3A_2, %dma_wait3A_50] : memref<212992x64xf32, #tpu.memory_space<hbm>> -> memref<128x64xf32, #tpu.memory_space<hbm>>
    tpu.wait_dma2 semaphore(%arg21 : memref<!tpu.dma_semaphore, #tpu.memory_space<semaphore_mem>>) src(%arg17 : memref<128x64xf32, #tpu.memory_space<vmem>>) dst(%dma_wait3A_51 : memref<128x64xf32, #tpu.memory_space<hbm>>)
    %dma_wait3A_52 = arith.constant 0 : i32
    %dma_wait3A_53 = tpu.memref_slice %arg7[%mul3A_2, %dma_wait3A_52] : memref<212992x64xf32, #tpu.memory_space<hbm>> -> memref<128x64xf32, #tpu.memory_space<hbm>>
    %dma_wait3A_54 = arith.constant 0 : i32
    %dma_wait3A_55 = tpu.memref_slice %arg7[%mul3A_2, %dma_wait3A_54] : memref<212992x64xf32, #tpu.memory_space<hbm>> -> memref<128x64xf32, #tpu.memory_space<hbm>>
    tpu.wait_dma2 semaphore(%arg22 : memref<!tpu.dma_semaphore, #tpu.memory_space<semaphore_mem>>) src(%arg18 : memref<128x64xf32, #tpu.memory_space<vmem>>) dst(%dma_wait3A_55 : memref<128x64xf32, #tpu.memory_space<hbm>>)
    return
  }
}

</mosaic_0001>

<sc_bundles>
// kernel: kernel.4.cloned.1.call-start
scs
__scs_entry_jumppad:
0x0: {  	(pc) =	sbr.rel $0x88, $3  }
0x1: {  	(tag) =	ssettag $0x0;
	lr =	simm.s32 $0x1  }
0x2: {  	[smem:$0x3F9C] =	sst lr;
	_ =	strace $0xD0000000  }
0x3: {  	_ = 	snop  }
0x4: {  	_ = 	snop  }
0x5: {  	_ = 	snop  }
0x6: {  	_ = 	snop  }
0x7: {  	_ = 	snop  }
__scs_overlays_trampoline_lowered:
0x8: {  	[smem:$0x3FAB] =	sst s0  }
0x9: {  	[smem:$0x3FAC] =	sst s1  }
0xa: {  	[smem:$0x3FAD] =	sst s2  }
0xb: {  	[smem:$0x3FAE] =	sst s3  }
0xc: {  	[smem:$0x3FAF] =	sst s4  }
0xd: {  	[smem:$0x3FB0] =	sst s5  }
0xe: {  	[smem:$0x3FB1] =	sst s6  }
0xf: {  	[smem:$0x3FB2] =	sst s7  }
0x10: {  	[smem:$0x3FB3] =	sst s8  }
0x11: {  	[smem:$0x3FB4] =	sst s9;
	s0 =	simm.s32 @!p0 $0x0  }
0x12: {  	s1 =	sld [smem:$0x3F9A];
	s0 =	simm.s32 @p0 $0x1  }
0x13: {  	[smem:$0x3FB5] =	sst s0;
	s0 =	simm.s32 @!p1 $0x0  }
0x14: {  	s2 =	sld [smem:$0x3F99];
	s0 =	simm.s32 @p1 $0x1  }
0x15: {  	[smem:$0x3FB6] =	sst s0;
	s0 =	simm.s32 @!p2 $0x0  }
0x16: {  	s3 =	sld [smem:$0x3FDB];
	s0 =	simm.s32 @p2 $0x1  }
0x17: {  	s4 =	simm.s32 $0x1BF5;
	[smem:$0x3FB8] =	sst s0  }
0x18: {  	s0 =	sld [smem:$0x3F9B];
	_ =	swait.ge [sflag:s4], $0x0  }
0x19: {  	s7 =	sld [smem:$0x3F9C]  }
0x1a: {  	s8 =	sadd.s32 $0xFFFFE003, lr  }
0x1b: {  	s9 =	sadd.s32 $0xFFFFFEF7, lr;
	s5 =	simm.s32 $0xFFFFFFFF;
	p2 =	slt.u32 s8, $0xFFFFF086  }
0x1c: {  	p1 =	slt.u32 s9, $0xF7A;
	s5 =	simm.s32 @!p2 $0x0  }
0x1d: {  	s5 =	simm.s32 @p1 $0x1;
	p0 =	seq.s32 s7, s2  }
0x1e: {  	s7 =	smul.u32 @!p0 $0xF7A, s2;
	p2 =	seq.s32 @!p0 s5, $0x0  }
0x1f: {  	s9 =	smul.u32 $0xF7A, s1;
	s8 =	simm.s32 @!p0 $0x1BF5;
	p2 =	por !p2, p0  }
0x20: {  	[sflag:s8] =	ssyncset.s32 @!p0 $0xFFFFF086;
	s6 =	sadd.s32 @!p0 s3, s7;
	s7 =	simm.s32 @!p0 $0x108  }
0x21: {  	s3 =	sadd.s32 s3, s9;
	s6 =	sadd.s32 @!p0 $0x88, s6;
	s7 =	simm.s32 @p2 $0x1082  }
0x22: {  	[simem:s7], [sflag:s8] =	dma.local @!p0 [hbm:s6], $0xF7A  }
0x23: {  	s9 =	sor.u32 $0xD0000000, s2;
	s6 =	simm.s32 $0x108;
	_ =	swait.ge @!p0 [sflag:s8], $0x0  }
0x24: {  	s3 =	sadd.s32 $0x88, s3;
	s6 =	simm.s32 @!p1 $0x1082;
	[sflag:s4] =	ssyncset.s32 $0xFFFFF086  }
0x25: {  	[simem:s6], [sflag:s4] =	dma.local [hbm:s3], $0xF7A  }
0x26: {  	[smem:$0x3F9C] =	sst s1;
	(tag) =	ssettag s2;
	_ =	strace s9  }
0x27: {  	s1 =	sld [smem:$0x3FAC]  }
0x28: {  	s2 =	sld [smem:$0x3FAD]  }
0x29: {  	s4 =	sld [smem:$0x3FAF]  }
0x2a: {  	p0 =	seq.s32 s5, $0x0;
	s5 =	sld [smem:$0x3FB0]  }
0x2b: {  	s6 =	sld [smem:$0x3FB1]  }
0x2c: {  	s7 =	sld [smem:$0x3FB2]  }
0x2d: {  	s3 =	simm.s32 $0x108;
	s8 =	sld [smem:$0x3FB3]  }
0x2e: {  	s3 =	simm.s32 @!p0 $0x1082;
	s9 =	sld [smem:$0x3FB4]  }
0x2f: {  	lr =	sadd.s32 s0, s3;
	s0 =	sld [smem:$0x3FAB]  }
0x30: {  	s3 =	sld [smem:$0x3FAE]  }
0x31: {  	[smem:$0x3FB7] =	sst s10  }
0x32: {  	s10 =	sld [smem:$0x3FB5];
	_ =	sdelay $0x3  }
0x33: {  	p0 =	seq.s32 s10, $0x1;
	s10 =	sld [smem:$0x3FB7];
	_ =	sdelay $0x3  }
0x34: {  	[smem:$0x3FB7] =	sst s10  }
0x35: {  	s10 =	sld [smem:$0x3FB6];
	_ =	sdelay $0x3  }
0x36: {  	p1 =	seq.s32 s10, $0x1;
	s10 =	sld [smem:$0x3FB7];
	_ =	sdelay $0x3  }
0x37: {  	[smem:$0x3FB7] =	sst s10  }
0x38: {  	s10 =	sld [smem:$0x3FB8]  }
0x39: {  	_ = 	snop;
	(pc) =	sbr.ind lr, $3  }
0x3a: {  	_ = 	snop  }
0x3b: {  	_ = 	snop  }
0x3c: {  	p2 =	seq.s32 s10, $0x1;
	s10 =	sld [smem:$0x3FB7]  }
0x3d: {  	_ =	shalt  }
0x3e: {  	_ =	shalt  }
0x3f: {  	_ =	shalt  }
0x40: {  	_ =	shalt  }
0x41: {  	_ =	shalt  }
0x42: {  	_ =	shalt  }
0x43: {  	_ =	shalt  }
0x44: {  	_ =	shalt  }
0x45: {  	_ =	shalt  }
0x46: {  	_ =	shalt  }
0x47: {  	_ =	shalt  }
0x48: {  	_ =	shalt  }
0x49: {  	_ =	shalt  }
0x4a: {  	_ =	shalt  }
0x4b: {  	_ =	shalt  }
0x4c: {  	_ =	shalt  }
0x4d: {  	_ =	shalt  }
0x4e: {  	_ =	shalt  }
0x4f: {  	_ =	shalt  }
0x50: {  	_ =	shalt  }
0x51: {  	_ =	shalt  }
0x52: {  	_ =	shalt  }
0x53: {  	_ =	shalt  }
0x54: {  	_ =	shalt  }
0x55: {  	_ =	shalt  }
0x56: {  	_ =	shalt  }
0x57: {  	_ =	shalt  }
0x58: {  	_ =	shalt  }
0x59: {  	_ =	shalt  }
0x5a: {  	_ =	shalt  }
0x5b: {  	_ =	shalt  }
0x5c: {  	_ =	shalt  }
0x5d: {  	_ =	shalt  }
0x5e: {  	_ =	shalt  }
0x5f: {  	_ =	shalt  }
0x60: {  	_ =	shalt  }
0x61: {  	_ =	shalt  }
0x62: {  	_ =	shalt  }
0x63: {  	_ =	shalt  }
0x64: {  	_ =	shalt  }
0x65: {  	_ =	shalt  }
0x66: {  	_ =	shalt  }
0x67: {  	_ =	shalt  }
0x68: {  	_ =	shalt  }
0x69: {  	_ =	shalt  }
0x6a: {  	_ =	shalt  }
0x6b: {  	_ =	shalt  }
0x6c: {  	_ =	shalt  }
0x6d: {  	_ =	shalt  }
0x6e: {  	_ =	shalt  }
0x6f: {  	_ =	shalt  }
0x70: {  	_ =	shalt  }
0x71: {  	_ =	shalt  }
0x72: {  	_ =	shalt  }
0x73: {  	_ =	shalt  }
0x74: {  	_ =	shalt  }
0x75: {  	_ =	shalt  }
0x76: {  	_ =	shalt  }
0x77: {  	_ =	shalt  }
0x78: {  	_ =	shalt  }
0x79: {  	_ =	shalt  }
0x7a: {  	_ =	shalt  }
0x7b: {  	_ =	shalt  }
0x7c: {  	_ =	shalt  }
0x7d: {  	_ =	shalt  }
0x7e: {  	_ =	shalt  }
0x7f: {  	_ =	shalt  }
0x80: {  	_ =	shalt  }
0x81: {  	_ =	shalt  }
0x82: {  	_ =	shalt  }
0x83: {  	_ =	shalt  }
0x84: {  	_ =	shalt  }
0x85: {  	_ =	shalt  }
0x86: {  	_ =	shalt  }
0x87: {  	_ =	shalt  }
.Lfunc_end0:
.L_simem_size_0:
called_computation.2_lowered:
.L_overlay_start_0:
0x88: {  	s2 =	sld [smem:$0x3FD9]  }
0x89: {  	s3 =	sld [smem:$0x3FFE];
	_ =	sdelay $0x1  }
0x8a: {  	s1 =	srdreg.scid  }
0x8b: {  	s0 =	sand.u32 $0x1, s1  }
0x8c: {  	s17 =	sshll.u32 s0, $0xA;
	s2 =	sadd.s32 s3, s2  }
0x8d: {  	s2 =	sadd.s32 s2, s17  }
0x8e: {  	[smem:$0x3FC3] =	sst s2  }
0x8f: {  	_ = 	snop  }
0x90: {  	s18 =	sld [smem:$0x3FD0];
	(tm) =	ssettm $0x1  }
0x91: {  	s19 =	sld [smem:$0x3FFB];
	_ =	sdelay $0x3  }
0x92: {  	_ =	strace s19  }
0x93: {  	s2 =	sld [smem:$0x3FFC];
	_ =	sdelay $0x3  }
0x94: {  	_ =	strace s2  }
0x95: {  	s2 =	sld [smem:$0x3FFD];
	_ =	sdelay $0x3  }
0x96: {  	_ =	strace s2  }
0x97: {  	_ =	strace $0x8FFFFFFF  }
0x98: {  	s20 =	sld [smem:$0x3FDB];
	_ =	sdelay $0x1  }
0x99: {  	s4 =	simm.s32 $_scs_section_size  }
0x9a: {  	s5 =	simm.s32 $_size__tile_overlayer_lowered;
	s6 =	simm.s32 $_tile_overlayer_lowered  }
0x9b: {  	s7 =	simm.s32 $0x1BFF;
	s21 =	sshll.u32 s6, $0x1;
	s4 =	sadd.s32 s4, s20  }
0x9c: {  	s22 =	simm.s32 $0x0;
	s5 =	sshll.u32 s5, $0x1;
	s6 =	sadd.s32 s21, s4  }
0x9d: {  	[timem:s22], [sflag:s7] =	dma.local [hbm:s6], s5  }
0x9e: {  	_ =	swait.ge [sflag:s7], s5  }
0x9f: {  	s5 =	ssub.s32 $0x0, s5;
	[sflag:s7] =	ssyncset.done $0x0  }
0xa0: {  	[sflag:s7] =	ssyncadd.s32 s5;
	_ =	sdelay $0x1  }
0xa1: {  	s23 =	simm.s32 $0x1B8B  }
0xa2: {  	_ =	swait.ge [sflag:s23], $0x1  }
0xa3: {  	[sflag:s23] =	ssyncset.done $0x0  }
0xa4: {  	[sflag:s23] =	ssyncadd.s32 $0xFFFFFFFF  }
0xa5: {  	s5 =	sld [smem:$0x0]  }
0xa6: {  	s6 =	sand.u32 $0xFFFFFFFE, s1  }
0xa7: {  	p0 =	sne.s32 s1, s6  }
0xa8: {  	s6 =	sshll.u32 @p0 s6, $0xE  }
0xa9: {  	s6 =	sadd.s32 @p0 $0x11B8D, s6;
	s7 =	sshll.u32 @p0 s5, $0x11  }
0xaa: {  	s6 =	sor.u32 @p0 s7, s6  }
0xab: {  	[sflag:s6] =	ssyncadd.remote.s32 @p0 $0x1;
	_ =	sdelay $0x1  }
0xac: {  	s6 =	simm.s32 @p0 $0x1B8D  }
0xad: {  	_ =	swait.eq @p0 [sflag:s6], $0x1  }
0xae: {  	[sflag:s6] =	ssyncadd.s32 @p0 $0xFFFFFFFF  }
0xaf: {  	s7 =	sshll.u32 @!p0 s1, $0xE  }
0xb0: {  	s7 =	sor.u32 @!p0 $0x4000, s7;
	s6 =	simm.s32 @!p0 $0x1B8D  }
0xb1: {  	s5 =	sshll.u32 @!p0 s5, $0x11;
	s7 =	sadd.s32 @!p0 $0x11B8D, s7;
	_ =	swait.eq @!p0 [sflag:s6], $0x1  }
0xb2: {  	s5 =	sor.u32 @!p0 s5, s7;
	[sflag:s6] =	ssyncadd.s32 @!p0 $0xFFFFFFFF  }
0xb3: {  	s25 =	simm.s32 $0x1B8E;
	s24 =	sld [smem:$0x3FFE];
	[sflag:s5] =	ssyncadd.remote.s32 @!p0 $0x1  }
0xb4: {  	s26 =	simm.s32 $execute0_lowered;
	[smem:$0x3FD2] =	sst s25  }
0xb5: {  	s6 =	sshll.u32 s26, $0x1;
	_ =	strace $0x80000049;
	[dreg:$0x1] =	wrdreg $0xFFFFFFFF  }
0xb6: {  	s28 =	simm.s32 $_size_execute0_lowered;
	s4 =	sadd.s32 s4, s6;
	[dreg:$0x0] =	wrdreg $0x0  }
0xb7: {  	s6 =	sshll.u32 s28, $0x1;
	[dreg:$0x2] =	wrdreg s4  }
0xb8: {  	[dreg:$0x3] =	wrdreg s6  }
0xb9: {  	[dreg:$0x4] =	wrdreg $0xC0  }
0xba: {  	_ =	task [dreg:s22], $0x5FFFF  }
0xbb: {  	[dreg:$0x1] =	wrdreg $0xFFFFFFFF  }
0xbc: {  	[dreg:$0x0] =	wrdreg $0x60  }
0xbd: {  	[dreg:$0x2] =	wrdreg s24  }
0xbe: {  	[dreg:$0x3] =	wrdreg s18  }
0xbf: {  	[dreg:$0x4] =	wrdreg $0xA  }
0xc0: {  	_ =	task.clear_ibuf [dreg:s22], $0x5FFFF;
	_ =	strace $0x90000049  }
0xc1: {  	s29 =	simm.s32 $0xA;
	_ =	strace $0x8000004B  }
0xc2: {  	_ =	swait.ge [sflag:s29], $0x1  }
0xc3: {  	[sflag:s29] =	ssyncadd.s32 $0xFFFFFFFF  }
0xc4: {  	_ =	strace $0x9000004B  }
0xc5: {  	_ =	sfence  }
0xc6: {  	s30 =	sld [smem:$0x0];
	_ =	sdelay $0x2  }
0xc7: {  	s31 =	sshll.u32 s1, $0xD;
	s1 =	sshrl.u32 s1, $0x2  }
0xc8: {  	s4 =	sand.u32 $0x4000, s31;
	s1 =	sadd.s32 s1, s30  }
0xc9: {  	s0 =	sor.u32 s4, s0;
	s1 =	sshll.u32 s1, $0x11  }
0xca: {  	s0 =	sor.u32 s1, s0  }
0xcb: {  	s0 =	sadd.s32 $0x8F2B, s0  }
0xcc: {  	[sflag:s0] =	ssyncadd.remote.s32 $0x1  }
0xcd: {  	_ =	sfence.sel $0xFFFF  }
0xce: {  	[dreg:$0x0] =	wrdreg $0xFFFFFFFF;
	(pc) =	sbr.abs _section_cstart, $3  }
0xcf: {  	[dreg:$0x1] =	wrdreg $0xFFFFFFFF  }
0xd0: {  	_ =	task.clear_ibuf [dreg:s22], $0x2FFFF;
	_ =	strace $0x9FFFFFFF  }
0xd1: {  	(tm) =	ssettm $0x7FFFFFFF  }
tec
execute0_lowered:
.L_overlay_start_1:
0x0: {  	(tag) =	ssettag $0x1  }
0x1: {  	s0 =	srdreg.scid;
	s2 =	stileid.u32  }
0x2: {  	s1 =	rddreg [dreg:$0x0];
	s12 =	simm.s32 $0x5;
	s13 =	simm.s32 $0x1A00  }
0x3: {  	s14 =	simm.s32 $0x3400;
	s15 =	simm.s32 $0x80;
	s21 =	simm.s32 $0xAE00  }
0x4: {  	s22 =	simm.s32 $0x3480;
	s23 =	simm.s32 $0xEE00;
	s24 =	simm.s32 $0x1  }
0x5: {  	s25 =	simm.s32 $0x10E00;
	s26 =	simm.s32 $0x2;
	s28 =	simm.s32 $0x12E00  }
0x6: {  	s29 =	simm.s32 $0x3;
	s30 =	simm.s32 $0x4;
	s31 =	simm.s32 $0x0  }
0x7: {  	s0 =	sand.u32 $0x1, s0;
	s3 =	sshll.u32 s2, $0x1;
	s2 =	rddreg [dreg:$0x1]  }
0x8: {  	s5 =	sadd.s32 $0x25C00, s1;
	s9 =	sor.u32 s0, s3;
	s3 =	simm.s32 $0x0  }
0x9: {  	s0 =	ssub.s32 $0x2, s0;
	s10 =	smul.u32 $0x1A00, s9;
	[smem:$0x7FF] =	sst s3  }
0xa: {  	s6 =	sshrl.u32 s0, $0x1;
	s9 =	smul.u32 $0x68000, s9;
	_ =	strace $0x8000004A  }
0xb: {  	s0 =	ssub.s32 s0, s6;
	s4 =	sshrl.u32 s10, $0x3;
	s10 =	sor.u32 $0x80, s10  }
0xc: {  	s11 =	smax.u32 s0, $0x1;
	s8 =	sadd.s32 s4, s1;
	s4 =	sadd.s32 $0xF44800, s1  }
0xd: {  	s6 =	sadd.s32 $0x1C7C00, s8;
	s7 =	sadd.s32 $0x10C00, s8;
	s8 =	sadd.s32 $0x2400, s8  }
.LBB2_1:
0xe: {  	[tilespmem:s3], [sflag:$0x5] =	stream.linear.gather [hbm4b:s6+s3], $0x1A00, $0x38;
	[tilespmem:$0x14E00] =	vst v63  }
0xf: {  	_ =	swait.ge [sflag:s12], $0x1A00  }
0x10: {  	[sflag:s12] =	ssyncset.done $0x0  }
0x11: {  	[sflag:s12] =	ssyncadd.s32 $0xFFFFE600  }
0x12: {  	[tilespmem:s13], [sflag:$0x5] =	stream.linear.gather [hbm4b:s7+s3], $0x1A00, $0x38;
	[tilespmem:$0x14E00] =	vst v63  }
0x13: {  	_ =	swait.ge [sflag:s12], $0x1A00  }
0x14: {  	[sflag:s12] =	ssyncset.done $0x0  }
0x15: {  	[sflag:s12] =	ssyncadd.s32 $0xFFFFE600  }
0x16: {  	[tilespmem:s14], [sflag:$0x5] =	stream.linear.gather [hbm4b:s8+s3], $0x1A00, $0x38;
	[tilespmem:$0x14E00] =	vst v63  }
0x17: {  	_ =	swait.ge [sflag:s12], $0x1A00  }
0x18: {  	[sflag:s12] =	ssyncset.done $0x0  }
0x19: {  	s0 =	simm.s32 $0x4E00;
	[sflag:s12] =	ssyncadd.s32 $0xFFFFE600  }
0x1a: {  	[tilespmem:s0], [sflag:$0x1] =	stream.indirect.gather [hbm4b:s4+s15], $0x40, s3, s15, $0xb8;
	[tilespmem:$0x14E00] =	vst v63  }
0x1b: {  	s17 =	simm.s32 $0x8E00  }
0x1c: {  	[tilespmem:s17], [sflag:$0x1] =	stream.indirect.gather [hbm4b:s5+s15], $0x40, s13, s15, $0xb8;
	[tilespmem:$0x14E00] =	vst v63  }
0x1d: {  	s18 =	simm.s32 $0xCE00  }
0x1e: {  	[tilespmem:s18], [sflag:$0x1] =	stream.indirect.gather [hbm4b:s4+s15], $0x40, s14, s15, $0xb8;
	[tilespmem:$0x14E00] =	vst v63  }
0x1f: {  	s19 =	simm.s32 $0x6E00  }
0x20: {  	[tilespmem:s19], [sflag:$0x2] =	stream.indirect.gather [hbm4b:s4+s15], $0x40, s15, s15, $0xb8;
	[tilespmem:$0x14E00] =	vst v63  }
0x21: {  	s20 =	simm.s32 $0x1A80  }
0x22: {  	[tilespmem:s21], [sflag:$0x2] =	stream.indirect.gather [hbm4b:s5+s15], $0x40, s20, s15, $0xb8;
	[tilespmem:$0x14E00] =	vst v63  }
0x23: {  	s1 =	simm.s32 $0x0  }
0x24: {  	[tilespmem:s23], [sflag:$0x2] =	stream.indirect.gather [hbm4b:s4+s15], $0x40, s22, s15, $0xb8;
	[tilespmem:$0x14E00] =	vst v63  }
.LBB2_2:
0x25: {  	_ =	swait.ge [sflag:s24], $0x2000  }
0x26: {  	[sflag:s24] =	ssyncset.done $0x0  }
0x27: {  	[sflag:s24] =	ssyncadd.s32 $0xFFFFE000  }
0x28: {  	_ =	swait.ge [sflag:s24], $0x2000  }
0x29: {  	[sflag:s24] =	ssyncset.done $0x0  }
0x2a: {  	[sflag:s24] =	ssyncadd.s32 $0xFFFFE000  }
0x2b: {  	_ =	swait.ge [sflag:s24], $0x2000  }
0x2c: {  	p1 =	seq.s32 s1, $0x0;
	[sflag:s24] =	ssyncset.done $0x0  }
0x2d: {  	s16 =	simm.s32 @!p1 $0x3;
	[sflag:s24] =	ssyncadd.s32 $0xFFFFE000  }
0x2e: {  	s0 =	sshll.u32 s1, $0x8;
	s17 =	simm.s32 $0x4F00;
	_ =	swait.ge @!p1 [sflag:s16], $0x2000  }
0x2f: {  	s18 =	simm.s32 $0x8F00;
	s19 =	simm.s32 $0xCF00;
	[sflag:s16] =	ssyncset.done @!p1 $0x0  }
0x30: {  	s20 =	simm.s32 $0x10F00;
	[sflag:s16] =	ssyncadd.s32 @!p1 $0xFFFFE000;
	s16 =	simm.s32 $0xFFFFFFF8  }
.LBB2_3:
0x31: {  	v0 =	vld [tilespmem:s17+$0xFFFFFF00]  }
0x32: {  	v1 =	vld [tilespmem:s18+$0xFFFFFF00];
	_ =	sdelay $0x1  }
0x33: {  	v2 =	vld [tilespmem:s19+$0xFFFFFF00];
	_ =	sdelay $0x2  }
0x34: {  	v0 =	vmul.f32 v1, v0;
	_ =	sdelay $0x1  }
0x35: {  	v0 =	vmul.f32 v2, v0;
	_ =	sdelay $0x1  }
0x36: {  	[tilespmem:s20+$0xFFFFFF00] =	vst v0  }
0x37: {  	v0 =	vld [tilespmem:s17+$0xFFFFFF10]  }
0x38: {  	v62 =	vld [tilespmem:s18+$0xFFFFFF10];
	_ =	sdelay $0x1  }
0x39: {  	v63 =	vld [tilespmem:s19+$0xFFFFFF10];
	_ =	sdelay $0x2  }
0x3a: {  	v0 =	vmul.f32 v62, v0;
	_ =	sdelay $0x1  }
0x3b: {  	v0 =	vmul.f32 v63, v0;
	_ =	sdelay $0x1  }
0x3c: {  	[tilespmem:s20+$0xFFFFFF10] =	vst v0  }
0x3d: {  	v0 =	vld [tilespmem:s17+$0xFFFFFF20]  }
0x3e: {  	v4 =	vld [tilespmem:s18+$0xFFFFFF20];
	_ =	sdelay $0x1  }
0x3f: {  	v5 =	vld [tilespmem:s19+$0xFFFFFF20];
	_ =	sdelay $0x2  }
0x40: {  	v0 =	vmul.f32 v4, v0;
	_ =	sdelay $0x1  }
0x41: {  	v0 =	vmul.f32 v5, v0;
	_ =	sdelay $0x1  }
0x42: {  	[tilespmem:s20+$0xFFFFFF20] =	vst v0  }
0x43: {  	v0 =	vld [tilespmem:s17+$0xFFFFFF30]  }
0x44: {  	v6 =	vld [tilespmem:s18+$0xFFFFFF30];
	_ =	sdelay $0x1  }
0x45: {  	v7 =	vld [tilespmem:s19+$0xFFFFFF30];
	_ =	sdelay $0x2  }
0x46: {  	v0 =	vmul.f32 v6, v0;
	_ =	sdelay $0x1  }
0x47: {  	v0 =	vmul.f32 v7, v0;
	_ =	sdelay $0x1  }
0x48: {  	[tilespmem:s20+$0xFFFFFF30] =	vst v0  }
0x49: {  	v0 =	vld [tilespmem:s17+$0xFFFFFF40]  }
0x4a: {  	v8 =	vld [tilespmem:s18+$0xFFFFFF40];
	_ =	sdelay $0x1  }
0x4b: {  	v9 =	vld [tilespmem:s19+$0xFFFFFF40];
	_ =	sdelay $0x2  }
0x4c: {  	v0 =	vmul.f32 v8, v0;
	_ =	sdelay $0x1  }
0x4d: {  	v0 =	vmul.f32 v9, v0;
	_ =	sdelay $0x1  }
0x4e: {  	[tilespmem:s20+$0xFFFFFF40] =	vst v0  }
0x4f: {  	v0 =	vld [tilespmem:s17+$0xFFFFFF50]  }
0x50: {  	v10 =	vld [tilespmem:s18+$0xFFFFFF50];
	_ =	sdelay $0x1  }
0x51: {  	v11 =	vld [tilespmem:s19+$0xFFFFFF50];
	_ =	sdelay $0x2  }
0x52: {  	v0 =	vmul.f32 v10, v0;
	_ =	sdelay $0x1  }
0x53: {  	v0 =	vmul.f32 v11, v0;
	_ =	sdelay $0x1  }
0x54: {  	[tilespmem:s20+$0xFFFFFF50] =	vst v0  }
0x55: {  	v0 =	vld [tilespmem:s17+$0xFFFFFF60]  }
0x56: {  	v12 =	vld [tilespmem:s18+$0xFFFFFF60];
	_ =	sdelay $0x1  }
0x57: {  	v13 =	vld [tilespmem:s19+$0xFFFFFF60];
	_ =	sdelay $0x2  }
0x58: {  	v0 =	vmul.f32 v12, v0;
	_ =	sdelay $0x1  }
0x59: {  	v0 =	vmul.f32 v13, v0;
	_ =	sdelay $0x1  }
0x5a: {  	[tilespmem:s20+$0xFFFFFF60] =	vst v0  }
0x5b: {  	v0 =	vld [tilespmem:s17+$0xFFFFFF70]  }
0x5c: {  	v14 =	vld [tilespmem:s18+$0xFFFFFF70];
	_ =	sdelay $0x1  }
0x5d: {  	v15 =	vld [tilespmem:s19+$0xFFFFFF70];
	_ =	sdelay $0x2  }
0x5e: {  	v0 =	vmul.f32 v14, v0;
	_ =	sdelay $0x1  }
0x5f: {  	v0 =	vmul.f32 v15, v0;
	_ =	sdelay $0x1  }
0x60: {  	[tilespmem:s20+$0xFFFFFF70] =	vst v0  }
0x61: {  	v0 =	vld [tilespmem:s17+$0xFFFFFF80]  }
0x62: {  	v16 =	vld [tilespmem:s18+$0xFFFFFF80];
	_ =	sdelay $0x1  }
0x63: {  	v17 =	vld [tilespmem:s19+$0xFFFFFF80];
	_ =	sdelay $0x2  }
0x64: {  	v0 =	vmul.f32 v16, v0;
	_ =	sdelay $0x1  }
0x65: {  	v0 =	vmul.f32 v17, v0;
	_ =	sdelay $0x1  }
0x66: {  	[tilespmem:s20+$0xFFFFFF80] =	vst v0  }
0x67: {  	v0 =	vld [tilespmem:s17+$0xFFFFFF90]  }
0x68: {  	v18 =	vld [tilespmem:s18+$0xFFFFFF90];
	_ =	sdelay $0x1  }
0x69: {  	v19 =	vld [tilespmem:s19+$0xFFFFFF90];
	_ =	sdelay $0x2  }
0x6a: {  	v0 =	vmul.f32 v18, v0;
	_ =	sdelay $0x1  }
0x6b: {  	v0 =	vmul.f32 v19, v0;
	_ =	sdelay $0x1  }
0x6c: {  	[tilespmem:s20+$0xFFFFFF90] =	vst v0  }
0x6d: {  	v0 =	vld [tilespmem:s17+$0xFFFFFFA0]  }
0x6e: {  	v20 =	vld [tilespmem:s18+$0xFFFFFFA0];
	_ =	sdelay $0x1  }
0x6f: {  	v21 =	vld [tilespmem:s19+$0xFFFFFFA0];
	_ =	sdelay $0x2  }
0x70: {  	v0 =	vmul.f32 v20, v0;
	_ =	sdelay $0x1  }
0x71: {  	v0 =	vmul.f32 v21, v0;
	_ =	sdelay $0x1  }
0x72: {  	[tilespmem:s20+$0xFFFFFFA0] =	vst v0  }
0x73: {  	v0 =	vld [tilespmem:s17+$0xFFFFFFB0]  }
0x74: {  	v22 =	vld [tilespmem:s18+$0xFFFFFFB0];
	_ =	sdelay $0x1  }
0x75: {  	v23 =	vld [tilespmem:s19+$0xFFFFFFB0];
	_ =	sdelay $0x2  }
0x76: {  	v0 =	vmul.f32 v22, v0;
	_ =	sdelay $0x1  }
0x77: {  	v0 =	vmul.f32 v23, v0;
	_ =	sdelay $0x1  }
0x78: {  	[tilespmem:s20+$0xFFFFFFB0] =	vst v0  }
0x79: {  	v0 =	vld [tilespmem:s17+$0xFFFFFFC0]  }
0x7a: {  	v24 =	vld [tilespmem:s18+$0xFFFFFFC0];
	_ =	sdelay $0x1  }
0x7b: {  	v25 =	vld [tilespmem:s19+$0xFFFFFFC0];
	_ =	sdelay $0x2  }
0x7c: {  	v0 =	vmul.f32 v24, v0;
	_ =	sdelay $0x1  }
0x7d: {  	v0 =	vmul.f32 v25, v0;
	_ =	sdelay $0x1  }
0x7e: {  	[tilespmem:s20+$0xFFFFFFC0] =	vst v0  }
0x7f: {  	v0 =	vld [tilespmem:s17+$0xFFFFFFD0]  }
0x80: {  	v26 =	vld [tilespmem:s18+$0xFFFFFFD0];
	_ =	sdelay $0x1  }
0x81: {  	v27 =	vld [tilespmem:s19+$0xFFFFFFD0];
	_ =	sdelay $0x2  }
0x82: {  	v0 =	vmul.f32 v26, v0;
	_ =	sdelay $0x1  }
0x83: {  	v0 =	vmul.f32 v27, v0;
	_ =	sdelay $0x1  }
0x84: {  	[tilespmem:s20+$0xFFFFFFD0] =	vst v0  }
0x85: {  	v0 =	vld [tilespmem:s17+$0xFFFFFFE0]  }
0x86: {  	v28 =	vld [tilespmem:s18+$0xFFFFFFE0];
	_ =	sdelay $0x1  }
0x87: {  	v29 =	vld [tilespmem:s19+$0xFFFFFFE0];
	_ =	sdelay $0x2  }
0x88: {  	v0 =	vmul.f32 v28, v0;
	_ =	sdelay $0x1  }
0x89: {  	v0 =	vmul.f32 v29, v0;
	_ =	sdelay $0x1  }
0x8a: {  	[tilespmem:s20+$0xFFFFFFE0] =	vst v0  }
0x8b: {  	v0 =	vld [tilespmem:s17+$0xFFFFFFF0]  }
0x8c: {  	v30 =	vld [tilespmem:s18+$0xFFFFFFF0];
	_ =	sdelay $0x1  }
0x8d: {  	v31 =	vld [tilespmem:s19+$0xFFFFFFF0];
	_ =	sdelay $0x2  }
0x8e: {  	v0 =	vmul.f32 v30, v0;
	_ =	sdelay $0x1  }
0x8f: {  	v0 =	vmul.f32 v31, v0;
	_ =	sdelay $0x1  }
0x90: {  	[tilespmem:s20+$0xFFFFFFF0] =	vst v0  }
0x91: {  	v0 =	vld [tilespmem:s17+$0x0]  }
0x92: {  	v32 =	vld [tilespmem:s18+$0x0];
	_ =	sdelay $0x1  }
0x93: {  	v33 =	vld [tilespmem:s19+$0x0];
	_ =	sdelay $0x2  }
0x94: {  	v0 =	vmul.f32 v32, v0;
	_ =	sdelay $0x1  }
0x95: {  	v0 =	vmul.f32 v33, v0;
	_ =	sdelay $0x1  }
0x96: {  	[tilespmem:s20+$0x0] =	vst v0  }
0x97: {  	v0 =	vld [tilespmem:s17+$0x10]  }
0x98: {  	v34 =	vld [tilespmem:s18+$0x10];
	_ =	sdelay $0x1  }
0x99: {  	v35 =	vld [tilespmem:s19+$0x10];
	_ =	sdelay $0x2  }
0x9a: {  	v0 =	vmul.f32 v34, v0;
	_ =	sdelay $0x1  }
0x9b: {  	v0 =	vmul.f32 v35, v0;
	_ =	sdelay $0x1  }
0x9c: {  	[tilespmem:s20+$0x10] =	vst v0  }
0x9d: {  	v0 =	vld [tilespmem:s17+$0x20]  }
0x9e: {  	v36 =	vld [tilespmem:s18+$0x20];
	_ =	sdelay $0x1  }
0x9f: {  	v37 =	vld [tilespmem:s19+$0x20];
	_ =	sdelay $0x2  }
0xa0: {  	v0 =	vmul.f32 v36, v0;
	_ =	sdelay $0x1  }
0xa1: {  	v0 =	vmul.f32 v37, v0;
	_ =	sdelay $0x1  }
0xa2: {  	[tilespmem:s20+$0x20] =	vst v0  }
0xa3: {  	v0 =	vld [tilespmem:s17+$0x30]  }
0xa4: {  	v38 =	vld [tilespmem:s18+$0x30];
	_ =	sdelay $0x1  }
0xa5: {  	v39 =	vld [tilespmem:s19+$0x30];
	_ =	sdelay $0x2  }
0xa6: {  	v0 =	vmul.f32 v38, v0;
	_ =	sdelay $0x1  }
0xa7: {  	v0 =	vmul.f32 v39, v0;
	_ =	sdelay $0x1  }
0xa8: {  	[tilespmem:s20+$0x30] =	vst v0  }
0xa9: {  	v0 =	vld [tilespmem:s17+$0x40]  }
0xaa: {  	v40 =	vld [tilespmem:s18+$0x40];
	_ =	sdelay $0x1  }
0xab: {  	v41 =	vld [tilespmem:s19+$0x40];
	_ =	sdelay $0x2  }
0xac: {  	v0 =	vmul.f32 v40, v0;
	_ =	sdelay $0x1  }
0xad: {  	v0 =	vmul.f32 v41, v0;
	_ =	sdelay $0x1  }
0xae: {  	[tilespmem:s20+$0x40] =	vst v0  }
0xaf: {  	v0 =	vld [tilespmem:s17+$0x50]  }
0xb0: {  	v42 =	vld [tilespmem:s18+$0x50];
	_ =	sdelay $0x1  }
0xb1: {  	v43 =	vld [tilespmem:s19+$0x50];
	_ =	sdelay $0x2  }
0xb2: {  	v0 =	vmul.f32 v42, v0;
	_ =	sdelay $0x1  }
0xb3: {  	v0 =	vmul.f32 v43, v0;
	_ =	sdelay $0x1  }
0xb4: {  	[tilespmem:s20+$0x50] =	vst v0  }
0xb5: {  	v0 =	vld [tilespmem:s17+$0x60]  }
0xb6: {  	v44 =	vld [tilespmem:s18+$0x60];
	_ =	sdelay $0x1  }
0xb7: {  	v45 =	vld [tilespmem:s19+$0x60];
	_ =	sdelay $0x2  }
0xb8: {  	v0 =	vmul.f32 v44, v0;
	_ =	sdelay $0x1  }
0xb9: {  	v0 =	vmul.f32 v45, v0;
	_ =	sdelay $0x1  }
0xba: {  	[tilespmem:s20+$0x60] =	vst v0  }
0xbb: {  	v0 =	vld [tilespmem:s17+$0x70]  }
0xbc: {  	v46 =	vld [tilespmem:s18+$0x70];
	_ =	sdelay $0x1  }
0xbd: {  	v47 =	vld [tilespmem:s19+$0x70];
	_ =	sdelay $0x2  }
0xbe: {  	v0 =	vmul.f32 v46, v0;
	_ =	sdelay $0x1  }
0xbf: {  	v0 =	vmul.f32 v47, v0;
	_ =	sdelay $0x1  }
0xc0: {  	[tilespmem:s20+$0x70] =	vst v0  }
0xc1: {  	v0 =	vld [tilespmem:s17+$0x80]  }
0xc2: {  	v48 =	vld [tilespmem:s18+$0x80];
	_ =	sdelay $0x1  }
0xc3: {  	v49 =	vld [tilespmem:s19+$0x80];
	_ =	sdelay $0x2  }
0xc4: {  	v0 =	vmul.f32 v48, v0;
	_ =	sdelay $0x1  }
0xc5: {  	v0 =	vmul.f32 v49, v0;
	_ =	sdelay $0x1  }
0xc6: {  	[tilespmem:s20+$0x80] =	vst v0  }
0xc7: {  	v0 =	vld [tilespmem:s17+$0x90]  }
0xc8: {  	v50 =	vld [tilespmem:s18+$0x90];
	_ =	sdelay $0x1  }
0xc9: {  	v51 =	vld [tilespmem:s19+$0x90];
	_ =	sdelay $0x2  }
0xca: {  	v0 =	vmul.f32 v50, v0;
	_ =	sdelay $0x1  }
0xcb: {  	v0 =	vmul.f32 v51, v0;
	_ =	sdelay $0x1  }
0xcc: {  	[tilespmem:s20+$0x90] =	vst v0  }
0xcd: {  	v0 =	vld [tilespmem:s17+$0xA0]  }
0xce: {  	v52 =	vld [tilespmem:s18+$0xA0];
	_ =	sdelay $0x1  }
0xcf: {  	v53 =	vld [tilespmem:s19+$0xA0];
	_ =	sdelay $0x2  }
0xd0: {  	v0 =	vmul.f32 v52, v0;
	_ =	sdelay $0x1  }
0xd1: {  	v0 =	vmul.f32 v53, v0;
	_ =	sdelay $0x1  }
0xd2: {  	[tilespmem:s20+$0xA0] =	vst v0  }
0xd3: {  	v0 =	vld [tilespmem:s17+$0xB0]  }
0xd4: {  	v54 =	vld [tilespmem:s18+$0xB0];
	_ =	sdelay $0x1  }
0xd5: {  	v55 =	vld [tilespmem:s19+$0xB0];
	_ =	sdelay $0x2  }
0xd6: {  	v0 =	vmul.f32 v54, v0;
	_ =	sdelay $0x1  }
0xd7: {  	v0 =	vmul.f32 v55, v0;
	_ =	sdelay $0x1  }
0xd8: {  	[tilespmem:s20+$0xB0] =	vst v0  }
0xd9: {  	v0 =	vld [tilespmem:s17+$0xC0]  }
0xda: {  	v56 =	vld [tilespmem:s18+$0xC0];
	_ =	sdelay $0x1  }
0xdb: {  	v57 =	vld [tilespmem:s19+$0xC0];
	_ =	sdelay $0x2  }
0xdc: {  	v0 =	vmul.f32 v56, v0;
	_ =	sdelay $0x1  }
0xdd: {  	v0 =	vmul.f32 v57, v0;
	_ =	sdelay $0x1  }
0xde: {  	[tilespmem:s20+$0xC0] =	vst v0  }
0xdf: {  	v0 =	vld [tilespmem:s17+$0xD0]  }
0xe0: {  	v58 =	vld [tilespmem:s18+$0xD0];
	_ =	sdelay $0x1  }
0xe1: {  	v59 =	vld [tilespmem:s19+$0xD0];
	_ =	sdelay $0x2  }
0xe2: {  	v0 =	vmul.f32 v58, v0;
	_ =	sdelay $0x1  }
0xe3: {  	v0 =	vmul.f32 v59, v0;
	_ =	sdelay $0x1  }
0xe4: {  	[tilespmem:s20+$0xD0] =	vst v0  }
0xe5: {  	v0 =	vld [tilespmem:s17+$0xE0]  }
0xe6: {  	v60 =	vld [tilespmem:s18+$0xE0];
	_ =	sdelay $0x1  }
0xe7: {  	v61 =	vld [tilespmem:s19+$0xE0];
	_ =	sdelay $0x2  }
0xe8: {  	v0 =	vmul.f32 v60, v0;
	_ =	sdelay $0x1  }
0xe9: {  	v0 =	vmul.f32 v61, v0;
	_ =	sdelay $0x1  }
0xea: {  	[tilespmem:s20+$0xE0] =	vst v0  }
0xeb: {  	v0 =	vld [tilespmem:s17+$0xF0]  }
0xec: {  	v62 =	vld [tilespmem:s18+$0xF0];
	_ =	sdelay $0x1  }
0xed: {  	v63 =	vld [tilespmem:s19+$0xF0]  }
0xee: {  	s16 =	sadd.s32 $0x8, s16  }
0xef: {  	p0 =	slt.u32 s16, $0x78  }
.Ltmp0:
0xf0: {  	v0 =	vmul.f32 v62, v0;
	(pc) =	sbr.rel @p0 .LBB2_3-.Ltmp0, $4  }
0xf1: {  	_ = 	snop  }
0xf2: {  	v0 =	vmul.f32 v63, v0  }
0xf3: {  	s17 =	sadd.s32 $0x200, s17  }
0xf4: {  	s18 =	sadd.s32 $0x200, s18;
	s19 =	sadd.s32 $0x200, s19;
	[tilespmem:s20+$0xF0] =	vst v0;
	s20 =	sadd.s32 $0x200, s20  }
0xf5: {  	p0 =	seq.s32 s1, $0x19  }
0xf6: {  	s16 =	sadd.s32 @!p0 $0x100, s0;
	s17 =	simm.s32 @!p0 $0x80;
	s18 =	simm.s32 @!p0 $0x4E00  }
0xf7: {  	[tilespmem:s18], [sflag:$0x1] =	stream.indirect.gather @!p0 [hbm4b:s4+s17], $0x40, s16, s17, $0xb8;
	[tilespmem:$0x14E00] =	vst v63  }
0xf8: {  	s16 =	sadd.s32 @!p0 $0x1B00, s0;
	s18 =	simm.s32 @!p0 $0x8E00  }
0xf9: {  	[tilespmem:s18], [sflag:$0x1] =	stream.indirect.gather @!p0 [hbm4b:s5+s17], $0x40, s16, s17, $0xb8;
	[tilespmem:$0x14E00] =	vst v63  }
0xfa: {  	s20 =	sshll.u32 s1, $0xE;
	s16 =	sadd.s32 @!p0 $0x3500, s0;
	s18 =	simm.s32 @!p0 $0xCE00  }
0xfb: {  	[tilespmem:s18], [sflag:$0x1] =	stream.indirect.gather @!p0 [hbm4b:s4+s17], $0x40, s16, s17, $0xb8;
	[tilespmem:$0x14E00] =	vst v63  }
0xfc: {  	s16 =	sadd.s32 s9, s20  }
0xfd: {  	s16 =	sshrl.u32 s16, $0x3  }
0xfe: {  	s16 =	sadd.s32 s2, s16  }
0xff: {  	[hbm4b:s16+s3] =	stream.linear.scatter [tilespmem:s25], [sflag:$0x3], $0x2000, $0x38;
	[tilespmem:$0x14E00] =	vst v63  }
0x100: {  	_ =	swait.ge [sflag:s26], $0x2000  }
0x101: {  	[sflag:s26] =	ssyncset.done $0x0  }
0x102: {  	[sflag:s26] =	ssyncadd.s32 $0xFFFFE000  }
0x103: {  	_ =	swait.ge [sflag:s26], $0x2000  }
0x104: {  	[sflag:s26] =	ssyncset.done $0x0  }
0x105: {  	[sflag:s26] =	ssyncadd.s32 $0xFFFFE000  }
0x106: {  	_ =	swait.ge [sflag:s26], $0x2000  }
0x107: {  	[sflag:s26] =	ssyncset.done $0x0  }
0x108: {  	s16 =	simm.s32 @!p1 $0x4;
	[sflag:s26] =	ssyncadd.s32 $0xFFFFE000  }
0x109: {  	s19 =	simm.s32 $0xEF00;
	_ =	swait.ge @!p1 [sflag:s16], $0x2000  }
0x10a: {  	s17 =	simm.s32 $0x6F00;
	s18 =	simm.s32 $0xAF00;
	[sflag:s16] =	ssyncset.done @!p1 $0x0  }
0x10b: {  	s20 =	simm.s32 $0x12F00;
	[sflag:s16] =	ssyncadd.s32 @!p1 $0xFFFFE000;
	s16 =	simm.s32 $0xFFFFFFF8  }
.LBB2_5:
0x10c: {  	v0 =	vld [tilespmem:s17+$0xFFFFFF00]  }
0x10d: {  	v1 =	vld [tilespmem:s18+$0xFFFFFF00];
	_ =	sdelay $0x1  }
0x10e: {  	v2 =	vld [tilespmem:s19+$0xFFFFFF00];
	_ =	sdelay $0x2  }
0x10f: {  	v0 =	vmul.f32 v1, v0;
	_ =	sdelay $0x1  }
0x110: {  	v0 =	vmul.f32 v2, v0;
	_ =	sdelay $0x1  }
0x111: {  	[tilespmem:s20+$0xFFFFFF00] =	vst v0  }
0x112: {  	v0 =	vld [tilespmem:s17+$0xFFFFFF10]  }
0x113: {  	v62 =	vld [tilespmem:s18+$0xFFFFFF10];
	_ =	sdelay $0x1  }
0x114: {  	v63 =	vld [tilespmem:s19+$0xFFFFFF10];
	_ =	sdelay $0x2  }
0x115: {  	v0 =	vmul.f32 v62, v0;
	_ =	sdelay $0x1  }
0x116: {  	v0 =	vmul.f32 v63, v0;
	_ =	sdelay $0x1  }
0x117: {  	[tilespmem:s20+$0xFFFFFF10] =	vst v0  }
0x118: {  	v0 =	vld [tilespmem:s17+$0xFFFFFF20]  }
0x119: {  	v4 =	vld [tilespmem:s18+$0xFFFFFF20];
	_ =	sdelay $0x1  }
0x11a: {  	v5 =	vld [tilespmem:s19+$0xFFFFFF20];
	_ =	sdelay $0x2  }
0x11b: {  	v0 =	vmul.f32 v4, v0;
	_ =	sdelay $0x1  }
0x11c: {  	v0 =	vmul.f32 v5, v0;
	_ =	sdelay $0x1  }
0x11d: {  	[tilespmem:s20+$0xFFFFFF20] =	vst v0  }
0x11e: {  	v0 =	vld [tilespmem:s17+$0xFFFFFF30]  }
0x11f: {  	v6 =	vld [tilespmem:s18+$0xFFFFFF30];
	_ =	sdelay $0x1  }
0x120: {  	v7 =	vld [tilespmem:s19+$0xFFFFFF30];
	_ =	sdelay $0x2  }
0x121: {  	v0 =	vmul.f32 v6, v0;
	_ =	sdelay $0x1  }
0x122: {  	v0 =	vmul.f32 v7, v0;
	_ =	sdelay $0x1  }
0x123: {  	[tilespmem:s20+$0xFFFFFF30] =	vst v0  }
0x124: {  	v0 =	vld [tilespmem:s17+$0xFFFFFF40]  }
0x125: {  	v8 =	vld [tilespmem:s18+$0xFFFFFF40];
	_ =	sdelay $0x1  }
0x126: {  	v9 =	vld [tilespmem:s19+$0xFFFFFF40];
	_ =	sdelay $0x2  }
0x127: {  	v0 =	vmul.f32 v8, v0;
	_ =	sdelay $0x1  }
0x128: {  	v0 =	vmul.f32 v9, v0;
	_ =	sdelay $0x1  }
0x129: {  	[tilespmem:s20+$0xFFFFFF40] =	vst v0  }
0x12a: {  	v0 =	vld [tilespmem:s17+$0xFFFFFF50]  }
0x12b: {  	v10 =	vld [tilespmem:s18+$0xFFFFFF50];
	_ =	sdelay $0x1  }
0x12c: {  	v11 =	vld [tilespmem:s19+$0xFFFFFF50];
	_ =	sdelay $0x2  }
0x12d: {  	v0 =	vmul.f32 v10, v0;
	_ =	sdelay $0x1  }
0x12e: {  	v0 =	vmul.f32 v11, v0;
	_ =	sdelay $0x1  }
0x12f: {  	[tilespmem:s20+$0xFFFFFF50] =	vst v0  }
0x130: {  	v0 =	vld [tilespmem:s17+$0xFFFFFF60]  }
0x131: {  	v12 =	vld [tilespmem:s18+$0xFFFFFF60];
	_ =	sdelay $0x1  }
0x132: {  	v13 =	vld [tilespmem:s19+$0xFFFFFF60];
	_ =	sdelay $0x2  }
0x133: {  	v0 =	vmul.f32 v12, v0;
	_ =	sdelay $0x1  }
0x134: {  	v0 =	vmul.f32 v13, v0;
	_ =	sdelay $0x1  }
0x135: {  	[tilespmem:s20+$0xFFFFFF60] =	vst v0  }
0x136: {  	v0 =	vld [tilespmem:s17+$0xFFFFFF70]  }
0x137: {  	v14 =	vld [tilespmem:s18+$0xFFFFFF70];
	_ =	sdelay $0x1  }
0x138: {  	v15 =	vld [tilespmem:s19+$0xFFFFFF70];
	_ =	sdelay $0x2  }
0x139: {  	v0 =	vmul.f32 v14, v0;
	_ =	sdelay $0x1  }
0x13a: {  	v0 =	vmul.f32 v15, v0;
	_ =	sdelay $0x1  }
0x13b: {  	[tilespmem:s20+$0xFFFFFF70] =	vst v0  }
0x13c: {  	v0 =	vld [tilespmem:s17+$0xFFFFFF80]  }
0x13d: {  	v16 =	vld [tilespmem:s18+$0xFFFFFF80];
	_ =	sdelay $0x1  }
0x13e: {  	v17 =	vld [tilespmem:s19+$0xFFFFFF80];
	_ =	sdelay $0x2  }
0x13f: {  	v0 =	vmul.f32 v16, v0;
	_ =	sdelay $0x1  }
0x140: {  	v0 =	vmul.f32 v17, v0;
	_ =	sdelay $0x1  }
0x141: {  	[tilespmem:s20+$0xFFFFFF80] =	vst v0  }
0x142: {  	v0 =	vld [tilespmem:s17+$0xFFFFFF90]  }
0x143: {  	v18 =	vld [tilespmem:s18+$0xFFFFFF90];
	_ =	sdelay $0x1  }
0x144: {  	v19 =	vld [tilespmem:s19+$0xFFFFFF90];
	_ =	sdelay $0x2  }
0x145: {  	v0 =	vmul.f32 v18, v0;
	_ =	sdelay $0x1  }
0x146: {  	v0 =	vmul.f32 v19, v0;
	_ =	sdelay $0x1  }
0x147: {  	[tilespmem:s20+$0xFFFFFF90] =	vst v0  }
0x148: {  	v0 =	vld [tilespmem:s17+$0xFFFFFFA0]  }
0x149: {  	v20 =	vld [tilespmem:s18+$0xFFFFFFA0];
	_ =	sdelay $0x1  }
0x14a: {  	v21 =	vld [tilespmem:s19+$0xFFFFFFA0];
	_ =	sdelay $0x2  }
0x14b: {  	v0 =	vmul.f32 v20, v0;
	_ =	sdelay $0x1  }
0x14c: {  	v0 =	vmul.f32 v21, v0;
	_ =	sdelay $0x1  }
0x14d: {  	[tilespmem:s20+$0xFFFFFFA0] =	vst v0  }
0x14e: {  	v0 =	vld [tilespmem:s17+$0xFFFFFFB0]  }
0x14f: {  	v22 =	vld [tilespmem:s18+$0xFFFFFFB0];
	_ =	sdelay $0x1  }
0x150: {  	v23 =	vld [tilespmem:s19+$0xFFFFFFB0];
	_ =	sdelay $0x2  }
0x151: {  	v0 =	vmul.f32 v22, v0;
	_ =	sdelay $0x1  }
0x152: {  	v0 =	vmul.f32 v23, v0;
	_ =	sdelay $0x1  }
0x153: {  	[tilespmem:s20+$0xFFFFFFB0] =	vst v0  }
0x154: {  	v0 =	vld [tilespmem:s17+$0xFFFFFFC0]  }
0x155: {  	v24 =	vld [tilespmem:s18+$0xFFFFFFC0];
	_ =	sdelay $0x1  }
0x156: {  	v25 =	vld [tilespmem:s19+$0xFFFFFFC0];
	_ =	sdelay $0x2  }
0x157: {  	v0 =	vmul.f32 v24, v0;
	_ =	sdelay $0x1  }
0x158: {  	v0 =	vmul.f32 v25, v0;
	_ =	sdelay $0x1  }
0x159: {  	[tilespmem:s20+$0xFFFFFFC0] =	vst v0  }
0x15a: {  	v0 =	vld [tilespmem:s17+$0xFFFFFFD0]  }
0x15b: {  	v26 =	vld [tilespmem:s18+$0xFFFFFFD0];
	_ =	sdelay $0x1  }
0x15c: {  	v27 =	vld [tilespmem:s19+$0xFFFFFFD0];
	_ =	sdelay $0x2  }
0x15d: {  	v0 =	vmul.f32 v26, v0;
	_ =	sdelay $0x1  }
0x15e: {  	v0 =	vmul.f32 v27, v0;
	_ =	sdelay $0x1  }
0x15f: {  	[tilespmem:s20+$0xFFFFFFD0] =	vst v0  }
0x160: {  	v0 =	vld [tilespmem:s17+$0xFFFFFFE0]  }
0x161: {  	v28 =	vld [tilespmem:s18+$0xFFFFFFE0];
	_ =	sdelay $0x1  }
0x162: {  	v29 =	vld [tilespmem:s19+$0xFFFFFFE0];
	_ =	sdelay $0x2  }
0x163: {  	v0 =	vmul.f32 v28, v0;
	_ =	sdelay $0x1  }
0x164: {  	v0 =	vmul.f32 v29, v0;
	_ =	sdelay $0x1  }
0x165: {  	[tilespmem:s20+$0xFFFFFFE0] =	vst v0  }
0x166: {  	v0 =	vld [tilespmem:s17+$0xFFFFFFF0]  }
0x167: {  	v30 =	vld [tilespmem:s18+$0xFFFFFFF0];
	_ =	sdelay $0x1  }
0x168: {  	v31 =	vld [tilespmem:s19+$0xFFFFFFF0];
	_ =	sdelay $0x2  }
0x169: {  	v0 =	vmul.f32 v30, v0;
	_ =	sdelay $0x1  }
0x16a: {  	v0 =	vmul.f32 v31, v0;
	_ =	sdelay $0x1  }
0x16b: {  	[tilespmem:s20+$0xFFFFFFF0] =	vst v0  }
0x16c: {  	v0 =	vld [tilespmem:s17+$0x0]  }
0x16d: {  	v32 =	vld [tilespmem:s18+$0x0];
	_ =	sdelay $0x1  }
0x16e: {  	v33 =	vld [tilespmem:s19+$0x0];
	_ =	sdelay $0x2  }
0x16f: {  	v0 =	vmul.f32 v32, v0;
	_ =	sdelay $0x1  }
0x170: {  	v0 =	vmul.f32 v33, v0;
	_ =	sdelay $0x1  }
0x171: {  	[tilespmem:s20+$0x0] =	vst v0  }
0x172: {  	v0 =	vld [tilespmem:s17+$0x10]  }
0x173: {  	v34 =	vld [tilespmem:s18+$0x10];
	_ =	sdelay $0x1  }
0x174: {  	v35 =	vld [tilespmem:s19+$0x10];
	_ =	sdelay $0x2  }
0x175: {  	v0 =	vmul.f32 v34, v0;
	_ =	sdelay $0x1  }
0x176: {  	v0 =	vmul.f32 v35, v0;
	_ =	sdelay $0x1  }
0x177: {  	[tilespmem:s20+$0x10] =	vst v0  }
0x178: {  	v0 =	vld [tilespmem:s17+$0x20]  }
0x179: {  	v36 =	vld [tilespmem:s18+$0x20];
	_ =	sdelay $0x1  }
0x17a: {  	v37 =	vld [tilespmem:s19+$0x20];
	_ =	sdelay $0x2  }
0x17b: {  	v0 =	vmul.f32 v36, v0;
	_ =	sdelay $0x1  }
0x17c: {  	v0 =	vmul.f32 v37, v0;
	_ =	sdelay $0x1  }
0x17d: {  	[tilespmem:s20+$0x20] =	vst v0  }
0x17e: {  	v0 =	vld [tilespmem:s17+$0x30]  }
0x17f: {  	v38 =	vld [tilespmem:s18+$0x30];
	_ =	sdelay $0x1  }
0x180: {  	v39 =	vld [tilespmem:s19+$0x30];
	_ =	sdelay $0x2  }
0x181: {  	v0 =	vmul.f32 v38, v0;
	_ =	sdelay $0x1  }
0x182: {  	v0 =	vmul.f32 v39, v0;
	_ =	sdelay $0x1  }
0x183: {  	[tilespmem:s20+$0x30] =	vst v0  }
0x184: {  	v0 =	vld [tilespmem:s17+$0x40]  }
0x185: {  	v40 =	vld [tilespmem:s18+$0x40];
	_ =	sdelay $0x1  }
0x186: {  	v41 =	vld [tilespmem:s19+$0x40];
	_ =	sdelay $0x2  }
0x187: {  	v0 =	vmul.f32 v40, v0;
	_ =	sdelay $0x1  }
0x188: {  	v0 =	vmul.f32 v41, v0;
	_ =	sdelay $0x1  }
0x189: {  	[tilespmem:s20+$0x40] =	vst v0  }
0x18a: {  	v0 =	vld [tilespmem:s17+$0x50]  }
0x18b: {  	v42 =	vld [tilespmem:s18+$0x50];
	_ =	sdelay $0x1  }
0x18c: {  	v43 =	vld [tilespmem:s19+$0x50];
	_ =	sdelay $0x2  }
0x18d: {  	v0 =	vmul.f32 v42, v0;
	_ =	sdelay $0x1  }
0x18e: {  	v0 =	vmul.f32 v43, v0;
	_ =	sdelay $0x1  }
0x18f: {  	[tilespmem:s20+$0x50] =	vst v0  }
0x190: {  	v0 =	vld [tilespmem:s17+$0x60]  }
0x191: {  	v44 =	vld [tilespmem:s18+$0x60];
	_ =	sdelay $0x1  }
0x192: {  	v45 =	vld [tilespmem:s19+$0x60];
	_ =	sdelay $0x2  }
0x193: {  	v0 =	vmul.f32 v44, v0;
	_ =	sdelay $0x1  }
0x194: {  	v0 =	vmul.f32 v45, v0;
	_ =	sdelay $0x1  }
0x195: {  	[tilespmem:s20+$0x60] =	vst v0  }
0x196: {  	v0 =	vld [tilespmem:s17+$0x70]  }
0x197: {  	v46 =	vld [tilespmem:s18+$0x70];
	_ =	sdelay $0x1  }
0x198: {  	v47 =	vld [tilespmem:s19+$0x70];
	_ =	sdelay $0x2  }
0x199: {  	v0 =	vmul.f32 v46, v0;
	_ =	sdelay $0x1  }
0x19a: {  	v0 =	vmul.f32 v47, v0;
	_ =	sdelay $0x1  }
0x19b: {  	[tilespmem:s20+$0x70] =	vst v0  }
0x19c: {  	v0 =	vld [tilespmem:s17+$0x80]  }
0x19d: {  	v48 =	vld [tilespmem:s18+$0x80];
	_ =	sdelay $0x1  }
0x19e: {  	v49 =	vld [tilespmem:s19+$0x80];
	_ =	sdelay $0x2  }
0x19f: {  	v0 =	vmul.f32 v48, v0;
	_ =	sdelay $0x1  }
0x1a0: {  	v0 =	vmul.f32 v49, v0;
	_ =	sdelay $0x1  }
0x1a1: {  	[tilespmem:s20+$0x80] =	vst v0  }
0x1a2: {  	v0 =	vld [tilespmem:s17+$0x90]  }
0x1a3: {  	v50 =	vld [tilespmem:s18+$0x90];
	_ =	sdelay $0x1  }
0x1a4: {  	v51 =	vld [tilespmem:s19+$0x90];
	_ =	sdelay $0x2  }
0x1a5: {  	v0 =	vmul.f32 v50, v0;
	_ =	sdelay $0x1  }
0x1a6: {  	v0 =	vmul.f32 v51, v0;
	_ =	sdelay $0x1  }
0x1a7: {  	[tilespmem:s20+$0x90] =	vst v0  }
0x1a8: {  	v0 =	vld [tilespmem:s17+$0xA0]  }
0x1a9: {  	v52 =	vld [tilespmem:s18+$0xA0];
	_ =	sdelay $0x1  }
0x1aa: {  	v53 =	vld [tilespmem:s19+$0xA0];
	_ =	sdelay $0x2  }
0x1ab: {  	v0 =	vmul.f32 v52, v0;
	_ =	sdelay $0x1  }
0x1ac: {  	v0 =	vmul.f32 v53, v0;
	_ =	sdelay $0x1  }
0x1ad: {  	[tilespmem:s20+$0xA0] =	vst v0  }
0x1ae: {  	v0 =	vld [tilespmem:s17+$0xB0]  }
0x1af: {  	v54 =	vld [tilespmem:s18+$0xB0];
	_ =	sdelay $0x1  }
0x1b0: {  	v55 =	vld [tilespmem:s19+$0xB0];
	_ =	sdelay $0x2  }
0x1b1: {  	v0 =	vmul.f32 v54, v0;
	_ =	sdelay $0x1  }
0x1b2: {  	v0 =	vmul.f32 v55, v0;
	_ =	sdelay $0x1  }
0x1b3: {  	[tilespmem:s20+$0xB0] =	vst v0  }
0x1b4: {  	v0 =	vld [tilespmem:s17+$0xC0]  }
0x1b5: {  	v56 =	vld [tilespmem:s18+$0xC0];
	_ =	sdelay $0x1  }
0x1b6: {  	v57 =	vld [tilespmem:s19+$0xC0];
	_ =	sdelay $0x2  }
0x1b7: {  	v0 =	vmul.f32 v56, v0;
	_ =	sdelay $0x1  }
0x1b8: {  	v0 =	vmul.f32 v57, v0;
	_ =	sdelay $0x1  }
0x1b9: {  	[tilespmem:s20+$0xC0] =	vst v0  }
0x1ba: {  	v0 =	vld [tilespmem:s17+$0xD0]  }
0x1bb: {  	v58 =	vld [tilespmem:s18+$0xD0];
	_ =	sdelay $0x1  }
0x1bc: {  	v59 =	vld [tilespmem:s19+$0xD0];
	_ =	sdelay $0x2  }
0x1bd: {  	v0 =	vmul.f32 v58, v0;
	_ =	sdelay $0x1  }
0x1be: {  	v0 =	vmul.f32 v59, v0;
	_ =	sdelay $0x1  }
0x1bf: {  	[tilespmem:s20+$0xD0] =	vst v0  }
0x1c0: {  	v0 =	vld [tilespmem:s17+$0xE0]  }
0x1c1: {  	v60 =	vld [tilespmem:s18+$0xE0];
	_ =	sdelay $0x1  }
0x1c2: {  	v61 =	vld [tilespmem:s19+$0xE0];
	_ =	sdelay $0x2  }
0x1c3: {  	v0 =	vmul.f32 v60, v0;
	_ =	sdelay $0x1  }
0x1c4: {  	v0 =	vmul.f32 v61, v0;
	_ =	sdelay $0x1  }
0x1c5: {  	[tilespmem:s20+$0xE0] =	vst v0  }
0x1c6: {  	v0 =	vld [tilespmem:s17+$0xF0]  }
0x1c7: {  	v62 =	vld [tilespmem:s18+$0xF0];
	_ =	sdelay $0x1  }
0x1c8: {  	v63 =	vld [tilespmem:s19+$0xF0]  }
0x1c9: {  	s16 =	sadd.s32 $0x8, s16  }
0x1ca: {  	p1 =	slt.u32 s16, $0x78  }
.Ltmp1:
0x1cb: {  	v0 =	vmul.f32 v62, v0;
	(pc) =	sbr.rel @p1 .LBB2_5-.Ltmp1, $4  }
0x1cc: {  	_ = 	snop  }
0x1cd: {  	v0 =	vmul.f32 v63, v0  }
0x1ce: {  	s17 =	sadd.s32 $0x200, s17  }
0x1cf: {  	s18 =	sadd.s32 $0x200, s18;
	s19 =	sadd.s32 $0x200, s19;
	[tilespmem:s20+$0xF0] =	vst v0;
	s20 =	sadd.s32 $0x200, s20  }
0x1d0: {  	s16 =	sadd.s32 @!p0 $0x180, s0;
	s17 =	simm.s32 @!p0 $0x80;
	s18 =	simm.s32 @!p0 $0x6E00  }
0x1d1: {  	[tilespmem:s18], [sflag:$0x2] =	stream.indirect.gather @!p0 [hbm4b:s4+s17], $0x40, s16, s17, $0xb8;
	[tilespmem:$0x14E00] =	vst v63  }
0x1d2: {  	s16 =	sadd.s32 @!p0 $0x1B80, s0;
	s18 =	simm.s32 @!p0 $0xAE00  }
0x1d3: {  	[tilespmem:s18], [sflag:$0x2] =	stream.indirect.gather @!p0 [hbm4b:s5+s17], $0x40, s16, s17, $0xb8;
	[tilespmem:$0x14E00] =	vst v63  }
0x1d4: {  	s1 =	sadd.s32 $0x1, s1;
	s16 =	sadd.s32 @!p0 $0x3580, s0;
	s18 =	simm.s32 @!p0 $0xEE00  }
0x1d5: {  	[tilespmem:s18], [sflag:$0x2] =	stream.indirect.gather @!p0 [hbm4b:s4+s17], $0x40, s16, s17, $0xb8;
	[tilespmem:$0x14E00] =	vst v63  }
0x1d6: {  	p0 =	sne.s32 s1, $0x1A  }
.Ltmp2:
0x1d7: {  	s20 =	sadd.s32 s0, s10;
	(pc) =	sbr.rel @p0 .LBB2_2-.Ltmp2, $4  }
0x1d8: {  	s0 =	sshll.u32 s20, $0x3  }
0x1d9: {  	s0 =	sand.u32 $0x1FFFFC00, s0  }
0x1da: {  	s0 =	sadd.s32 s2, s0  }
0x1db: {  	[hbm4b:s0+s3] =	stream.linear.scatter [tilespmem:s28], [sflag:$0x4], $0x2000, $0x38;
	[tilespmem:$0x14E00] =	vst v63  }
0x1dc: {  	s31 =	sadd.s32 $0x1, s31  }
0x1dd: {  	_ =	swait.ge [sflag:s29], $0x2000;
	p0 =	sne.s32 s31, s11  }
.Ltmp3:
0x1de: {  	[sflag:s29] =	ssyncset.done $0x0;
	(pc) =	sbr.rel @p0 .LBB2_1-.Ltmp3, $4  }
0x1df: {  	[sflag:s29] =	ssyncadd.s32 $0xFFFFE000  }
0x1e0: {  	_ =	swait.ge [sflag:s30], $0x2000  }
0x1e1: {  	[sflag:s30] =	ssyncset.done $0x0  }
0x1e2: {  	[sflag:s30] =	ssyncadd.s32 $0xFFFFE000  }
0x1e3: {  	_ =	sfence.sel $0x180000  }
0x1e4: {  	[bflag:$0x0] =	sbarrier.arrive $0xFFFF  }
0x1e5: {  	_ =	strace $0x9000004A  }
0x1e6: {  	s0 =	stileid.u32;
	[bflag:$0x2] =	sbarrier.arrive $0xFFFF  }
0x1e7: {  	p0 =	sne.s32 s0, $0x0;
	s0 =	rddreg [dreg:$0x2]  }
0x1e8: {  	s0 =	sadd.s32 @!p0 $0x100000, s0  }
0x1e9: {  	[sflag:s0] =	ssyncadd.tile.s32 @!p0 $0x1;
	_ =	shalt  }
.Lfunc_end2:
_tile_overlayer_lowered:
.L_overlay_start_2:
0x1ea: {  	(tag) =	ssettag $0x2  }
0x1eb: {  	s0 =	rddreg [dreg:$0x0];
	s2 =	stileid.u32  }
0x1ec: {  	s1 =	rddreg [dreg:$0x1];
	p0 =	sne.s32 s2, $0x0  }
0x1ed: {  	s3 =	rddreg [dreg:$0x2];
	[bflag:$0x3] =	sbarrier.arrive $0xFFFF;
	s2 =	simm.s32 @!p0 $0x1C05  }
0x1ee: {  	[timem:s3], [sflag:s2] =	dma.local @!p0 [hbm:s0], s1  }
0x1ef: {  	s0 =	simm.s32 @!p0 $0x5  }
0x1f0: {  	_ =	swait.ge @!p0 [sflag:s0], s1  }
0x1f1: {  	s1 =	ssub.s32 @!p0 $0x0, s1;
	[sflag:s0] =	ssyncset.done @!p0 $0x0  }
0x1f2: {  	[sflag:s0] =	ssyncadd.s32 @!p0 s1  }
0x1f3: {  	[bflag:$0x3] =	sbarrier.arrive $0xFFFF  }
0x1f4: {  	_ =	shalt  }

// kernel: kernel.7.cloned.1.call-start
scs
__scs_entry_jumppad:
0x0: {  	(pc) =	sbr.rel $0x88, $3  }
0x1: {  	(tag) =	ssettag $0x0;
	lr =	simm.s32 $0x1  }
0x2: {  	[smem:$0x3F9C] =	sst lr;
	_ =	strace $0xD0000000  }
0x3: {  	_ = 	snop  }
0x4: {  	_ = 	snop  }
0x5: {  	_ = 	snop  }
0x6: {  	_ = 	snop  }
0x7: {  	_ = 	snop  }
__scs_overlays_trampoline_lowered:
0x8: {  	[smem:$0x3FAB] =	sst s0  }
0x9: {  	[smem:$0x3FAC] =	sst s1  }
0xa: {  	[smem:$0x3FAD] =	sst s2  }
0xb: {  	[smem:$0x3FAE] =	sst s3  }
0xc: {  	[smem:$0x3FAF] =	sst s4  }
0xd: {  	[smem:$0x3FB0] =	sst s5  }
0xe: {  	[smem:$0x3FB1] =	sst s6  }
0xf: {  	[smem:$0x3FB2] =	sst s7  }
0x10: {  	[smem:$0x3FB3] =	sst s8  }
0x11: {  	[smem:$0x3FB4] =	sst s9;
	s0 =	simm.s32 @!p0 $0x0  }
0x12: {  	s1 =	sld [smem:$0x3F9A];
	s0 =	simm.s32 @p0 $0x1  }
0x13: {  	[smem:$0x3FB5] =	sst s0;
	s0 =	simm.s32 @!p1 $0x0  }
0x14: {  	s2 =	sld [smem:$0x3F99];
	s0 =	simm.s32 @p1 $0x1  }
0x15: {  	[smem:$0x3FB6] =	sst s0;
	s0 =	simm.s32 @!p2 $0x0  }
0x16: {  	s3 =	sld [smem:$0x3FDB];
	s0 =	simm.s32 @p2 $0x1  }
0x17: {  	s4 =	simm.s32 $0x1BF5;
	[smem:$0x3FB8] =	sst s0  }
0x18: {  	s0 =	sld [smem:$0x3F9B];
	_ =	swait.ge [sflag:s4], $0x0  }
0x19: {  	s7 =	sld [smem:$0x3F9C]  }
0x1a: {  	s8 =	sadd.s32 $0xFFFFE003, lr  }
0x1b: {  	s9 =	sadd.s32 $0xFFFFFEF7, lr;
	s5 =	simm.s32 $0xFFFFFFFF;
	p2 =	slt.u32 s8, $0xFFFFF086  }
0x1c: {  	p1 =	slt.u32 s9, $0xF7A;
	s5 =	simm.s32 @!p2 $0x0  }
0x1d: {  	s5 =	simm.s32 @p1 $0x1;
	p0 =	seq.s32 s7, s2  }
0x1e: {  	s7 =	smul.u32 @!p0 $0xF7A, s2;
	p2 =	seq.s32 @!p0 s5, $0x0  }
0x1f: {  	s9 =	smul.u32 $0xF7A, s1;
	s8 =	simm.s32 @!p0 $0x1BF5;
	p2 =	por !p2, p0  }
0x20: {  	[sflag:s8] =	ssyncset.s32 @!p0 $0xFFFFF086;
	s6 =	sadd.s32 @!p0 s3, s7;
	s7 =	simm.s32 @!p0 $0x108  }
0x21: {  	s3 =	sadd.s32 s3, s9;
	s6 =	sadd.s32 @!p0 $0x88, s6;
	s7 =	simm.s32 @p2 $0x1082  }
0x22: {  	[simem:s7], [sflag:s8] =	dma.local @!p0 [hbm:s6], $0xF7A  }
0x23: {  	s9 =	sor.u32 $0xD0000000, s2;
	s6 =	simm.s32 $0x108;
	_ =	swait.ge @!p0 [sflag:s8], $0x0  }
0x24: {  	s3 =	sadd.s32 $0x88, s3;
	s6 =	simm.s32 @!p1 $0x1082;
	[sflag:s4] =	ssyncset.s32 $0xFFFFF086  }
0x25: {  	[simem:s6], [sflag:s4] =	dma.local [hbm:s3], $0xF7A  }
0x26: {  	[smem:$0x3F9C] =	sst s1;
	(tag) =	ssettag s2;
	_ =	strace s9  }
0x27: {  	s1 =	sld [smem:$0x3FAC]  }
0x28: {  	s2 =	sld [smem:$0x3FAD]  }
0x29: {  	s4 =	sld [smem:$0x3FAF]  }
0x2a: {  	p0 =	seq.s32 s5, $0x0;
	s5 =	sld [smem:$0x3FB0]  }
0x2b: {  	s6 =	sld [smem:$0x3FB1]  }
0x2c: {  	s7 =	sld [smem:$0x3FB2]  }
0x2d: {  	s3 =	simm.s32 $0x108;
	s8 =	sld [smem:$0x3FB3]  }
0x2e: {  	s3 =	simm.s32 @!p0 $0x1082;
	s9 =	sld [smem:$0x3FB4]  }
0x2f: {  	lr =	sadd.s32 s0, s3;
	s0 =	sld [smem:$0x3FAB]  }
0x30: {  	s3 =	sld [smem:$0x3FAE]  }
0x31: {  	[smem:$0x3FB7] =	sst s10  }
0x32: {  	s10 =	sld [smem:$0x3FB5];
	_ =	sdelay $0x3  }
0x33: {  	p0 =	seq.s32 s10, $0x1;
	s10 =	sld [smem:$0x3FB7];
	_ =	sdelay $0x3  }
0x34: {  	[smem:$0x3FB7] =	sst s10  }
0x35: {  	s10 =	sld [smem:$0x3FB6];
	_ =	sdelay $0x3  }
0x36: {  	p1 =	seq.s32 s10, $0x1;
	s10 =	sld [smem:$0x3FB7];
	_ =	sdelay $0x3  }
0x37: {  	[smem:$0x3FB7] =	sst s10  }
0x38: {  	s10 =	sld [smem:$0x3FB8]  }
0x39: {  	_ = 	snop;
	(pc) =	sbr.ind lr, $3  }
0x3a: {  	_ = 	snop  }
0x3b: {  	_ = 	snop  }
0x3c: {  	p2 =	seq.s32 s10, $0x1;
	s10 =	sld [smem:$0x3FB7]  }
0x3d: {  	_ =	shalt  }
0x3e: {  	_ =	shalt  }
0x3f: {  	_ =	shalt  }
0x40: {  	_ =	shalt  }
0x41: {  	_ =	shalt  }
0x42: {  	_ =	shalt  }
0x43: {  	_ =	shalt  }
0x44: {  	_ =	shalt  }
0x45: {  	_ =	shalt  }
0x46: {  	_ =	shalt  }
0x47: {  	_ =	shalt  }
0x48: {  	_ =	shalt  }
0x49: {  	_ =	shalt  }
0x4a: {  	_ =	shalt  }
0x4b: {  	_ =	shalt  }
0x4c: {  	_ =	shalt  }
0x4d: {  	_ =	shalt  }
0x4e: {  	_ =	shalt  }
0x4f: {  	_ =	shalt  }
0x50: {  	_ =	shalt  }
0x51: {  	_ =	shalt  }
0x52: {  	_ =	shalt  }
0x53: {  	_ =	shalt  }
0x54: {  	_ =	shalt  }
0x55: {  	_ =	shalt  }
0x56: {  	_ =	shalt  }
0x57: {  	_ =	shalt  }
0x58: {  	_ =	shalt  }
0x59: {  	_ =	shalt  }
0x5a: {  	_ =	shalt  }
0x5b: {  	_ =	shalt  }
0x5c: {  	_ =	shalt  }
0x5d: {  	_ =	shalt  }
0x5e: {  	_ =	shalt  }
0x5f: {  	_ =	shalt  }
0x60: {  	_ =	shalt  }
0x61: {  	_ =	shalt  }
0x62: {  	_ =	shalt  }
0x63: {  	_ =	shalt  }
0x64: {  	_ =	shalt  }
0x65: {  	_ =	shalt  }
0x66: {  	_ =	shalt  }
0x67: {  	_ =	shalt  }
0x68: {  	_ =	shalt  }
0x69: {  	_ =	shalt  }
0x6a: {  	_ =	shalt  }
0x6b: {  	_ =	shalt  }
0x6c: {  	_ =	shalt  }
0x6d: {  	_ =	shalt  }
0x6e: {  	_ =	shalt  }
0x6f: {  	_ =	shalt  }
0x70: {  	_ =	shalt  }
0x71: {  	_ =	shalt  }
0x72: {  	_ =	shalt  }
0x73: {  	_ =	shalt  }
0x74: {  	_ =	shalt  }
0x75: {  	_ =	shalt  }
0x76: {  	_ =	shalt  }
0x77: {  	_ =	shalt  }
0x78: {  	_ =	shalt  }
0x79: {  	_ =	shalt  }
0x7a: {  	_ =	shalt  }
0x7b: {  	_ =	shalt  }
0x7c: {  	_ =	shalt  }
0x7d: {  	_ =	shalt  }
0x7e: {  	_ =	shalt  }
0x7f: {  	_ =	shalt  }
0x80: {  	_ =	shalt  }
0x81: {  	_ =	shalt  }
0x82: {  	_ =	shalt  }
0x83: {  	_ =	shalt  }
0x84: {  	_ =	shalt  }
0x85: {  	_ =	shalt  }
0x86: {  	_ =	shalt  }
0x87: {  	_ =	shalt  }
.Lfunc_end0:
.L_simem_size_0:
called_computation.3_lowered:
.L_overlay_start_0:
0x88: {  	s2 =	sld [smem:$0x3FD9]  }
0x89: {  	s3 =	sld [smem:$0x3FFE];
	_ =	sdelay $0x1  }
0x8a: {  	s1 =	srdreg.scid  }
0x8b: {  	s0 =	sand.u32 $0x1, s1  }
0x8c: {  	s16 =	sshll.u32 s0, $0xA;
	s2 =	sadd.s32 s3, s2  }
0x8d: {  	s2 =	sadd.s32 s2, s16  }
0x8e: {  	[smem:$0x3FC3] =	sst s2  }
0x8f: {  	_ = 	snop  }
0x90: {  	(tm) =	ssettm $0x1  }
0x91: {  	s17 =	sld [smem:$0x3FFB];
	_ =	sdelay $0x3  }
0x92: {  	_ =	strace s17  }
0x93: {  	s2 =	sld [smem:$0x3FFC];
	_ =	sdelay $0x3  }
0x94: {  	_ =	strace s2  }
0x95: {  	s2 =	sld [smem:$0x3FFD];
	_ =	sdelay $0x3  }
0x96: {  	_ =	strace s2  }
0x97: {  	_ =	strace $0x8FFFFFFF  }
0x98: {  	s18 =	sld [smem:$0x3FDB];
	_ =	sdelay $0x1  }
0x99: {  	s19 =	simm.s32 $_scs_section_size  }
0x9a: {  	s4 =	simm.s32 $_size__tile_overlayer_lowered;
	s5 =	simm.s32 $_tile_overlayer_lowered  }
0x9b: {  	s22 =	simm.s32 $0x1BFF;
	s21 =	sshll.u32 s5, $0x1;
	s2 =	sadd.s32 s19, s18  }
0x9c: {  	s6 =	simm.s32 $0x0;
	s20 =	sshll.u32 s4, $0x1;
	s4 =	sadd.s32 s21, s2  }
0x9d: {  	[timem:s6], [sflag:s22] =	dma.local [hbm:s4], s20  }
0x9e: {  	_ =	swait.ge [sflag:s22], s20  }
0x9f: {  	s3 =	ssub.s32 $0x0, s20;
	[sflag:s22] =	ssyncset.done $0x0  }
0xa0: {  	[sflag:s22] =	ssyncadd.s32 s3;
	_ =	sdelay $0x1  }
0xa1: {  	s23 =	simm.s32 $0x1B8B  }
0xa2: {  	_ =	swait.ge [sflag:s23], $0x1  }
0xa3: {  	[sflag:s23] =	ssyncset.done $0x0  }
0xa4: {  	s25 =	simm.s32 $0x1B8E;
	s24 =	sld [smem:$0x3FFE];
	[sflag:s23] =	ssyncadd.s32 $0xFFFFFFFF  }
0xa5: {  	s26 =	simm.s32 $execute0_lowered;
	[smem:$0x3FD2] =	sst s25  }
0xa6: {  	s4 =	sshll.u32 s26, $0x1;
	_ =	strace $0x80000046;
	[dreg:$0x1] =	wrdreg $0xFFFFFFFF  }
0xa7: {  	s28 =	simm.s32 $_size_execute0_lowered;
	s2 =	sadd.s32 s2, s4;
	[dreg:$0x0] =	wrdreg $0x0  }
0xa8: {  	s4 =	sshll.u32 s28, $0x1;
	[dreg:$0x2] =	wrdreg s2  }
0xa9: {  	[dreg:$0x3] =	wrdreg s4  }
0xaa: {  	[dreg:$0x4] =	wrdreg $0xC0  }
0xab: {  	_ =	task [dreg:s6], $0x5FFFF  }
0xac: {  	[dreg:$0x1] =	wrdreg $0xFFFFFFFF  }
0xad: {  	[dreg:$0x0] =	wrdreg $0x60  }
0xae: {  	[dreg:$0x2] =	wrdreg s24  }
0xaf: {  	[dreg:$0x3] =	wrdreg $0x9  }
0xb0: {  	_ =	task.clear_ibuf [dreg:s6], $0x4FFFF;
	_ =	strace $0x90000046  }
0xb1: {  	s29 =	simm.s32 $0x9;
	_ =	strace $0x80000048  }
0xb2: {  	_ =	swait.ge [sflag:s29], $0x1  }
0xb3: {  	[sflag:s29] =	ssyncadd.s32 $0xFFFFFFFF  }
0xb4: {  	_ =	strace $0x90000048  }
0xb5: {  	_ =	sfence  }
0xb6: {  	s30 =	sld [smem:$0x0];
	_ =	sdelay $0x2  }
0xb7: {  	s31 =	sshll.u32 s1, $0xD;
	s1 =	sshrl.u32 s1, $0x2  }
0xb8: {  	s3 =	sand.u32 $0x4000, s31;
	s1 =	sadd.s32 s1, s30  }
0xb9: {  	s0 =	sor.u32 s3, s0;
	s1 =	sshll.u32 s1, $0x11  }
0xba: {  	s0 =	sor.u32 s1, s0  }
0xbb: {  	s0 =	sadd.s32 $0x8F2B, s0  }
0xbc: {  	[sflag:s0] =	ssyncadd.remote.s32 $0x1  }
0xbd: {  	_ =	sfence.sel $0xFFFF  }
0xbe: {  	[dreg:$0x0] =	wrdreg $0xFFFFFFFF;
	(pc) =	sbr.abs _section_cstart, $3  }
0xbf: {  	[dreg:$0x1] =	wrdreg $0xFFFFFFFF  }
0xc0: {  	_ =	task.clear_ibuf [dreg:s6], $0x2FFFF;
	_ =	strace $0x9FFFFFFF  }
0xc1: {  	(tm) =	ssettm $0x7FFFFFFF  }
tec
execute0_lowered:
.L_overlay_start_1:
0x0: {  	(tag) =	ssettag $0x1  }
0x1: {  	s0 =	srdreg.scid;
	s1 =	stileid.u32  }
0x2: {  	s5 =	rddreg [dreg:$0x0];
	s2 =	simm.s32 $0x0;
	s12 =	simm.s32 $0x5  }
0x3: {  	s13 =	simm.s32 $0x1A00;
	s14 =	simm.s32 $0x3400;
	s15 =	simm.s32 $0x80  }
0x4: {  	s21 =	simm.s32 $0xAE00;
	s22 =	simm.s32 $0x3480;
	s23 =	simm.s32 $0xEE00  }
0x5: {  	s24 =	simm.s32 $0x1;
	s25 =	simm.s32 $0x10E00;
	s26 =	simm.s32 $0x2  }
0x6: {  	s28 =	simm.s32 $0x12E00;
	s29 =	simm.s32 $0x3;
	s30 =	simm.s32 $0x4  }
0x7: {  	s31 =	simm.s32 $0x0;
	s0 =	sand.u32 $0x1, s0;
	s1 =	sshll.u32 s1, $0x1  }
0x8: {  	[smem:$0x7FF] =	sst s2;
	s1 =	sor.u32 s0, s1;
	s0 =	ssub.s32 $0x2, s0  }
0x9: {  	s4 =	sadd.s32 $0x25C00, s5;
	s10 =	smul.u32 $0x1A00, s1;
	s6 =	sshrl.u32 s0, $0x1  }
0xa: {  	_ =	strace $0x80000047;
	s9 =	smul.u32 $0x68000, s1;
	s0 =	ssub.s32 s0, s6  }
0xb: {  	s3 =	sshrl.u32 s10, $0x3;
	s10 =	sor.u32 $0x80, s10;
	s11 =	smax.u32 s0, $0x1  }
0xc: {  	s8 =	sadd.s32 s3, s5;
	s3 =	sadd.s32 $0xF44800, s5;
	s5 =	sadd.s32 $0x27C00, s5  }
0xd: {  	s6 =	sadd.s32 $0x1F400, s8;
	s7 =	sadd.s32 $0x18C00, s8;
	s8 =	sadd.s32 $0xA400, s8  }
.LBB2_1:
0xe: {  	[tilespmem:s2], [sflag:$0x5] =	stream.linear.gather [hbm4b:s6+s2], $0x1A00, $0x38;
	[tilespmem:$0x14E00] =	vst v63  }
0xf: {  	_ =	swait.ge [sflag:s12], $0x1A00  }
0x10: {  	[sflag:s12] =	ssyncset.done $0x0  }
0x11: {  	[sflag:s12] =	ssyncadd.s32 $0xFFFFE600  }
0x12: {  	[tilespmem:s13], [sflag:$0x5] =	stream.linear.gather [hbm4b:s7+s2], $0x1A00, $0x38;
	[tilespmem:$0x14E00] =	vst v63  }
0x13: {  	_ =	swait.ge [sflag:s12], $0x1A00  }
0x14: {  	[sflag:s12] =	ssyncset.done $0x0  }
0x15: {  	[sflag:s12] =	ssyncadd.s32 $0xFFFFE600  }
0x16: {  	[tilespmem:s14], [sflag:$0x5] =	stream.linear.gather [hbm4b:s8+s2], $0x1A00, $0x38;
	[tilespmem:$0x14E00] =	vst v63  }
0x17: {  	_ =	swait.ge [sflag:s12], $0x1A00  }
0x18: {  	[sflag:s12] =	ssyncset.done $0x0  }
0x19: {  	s0 =	simm.s32 $0x4E00;
	[sflag:s12] =	ssyncadd.s32 $0xFFFFE600  }
0x1a: {  	[tilespmem:s0], [sflag:$0x1] =	stream.indirect.gather [hbm4b:s3+s15], $0x40, s2, s15, $0xb8;
	[tilespmem:$0x14E00] =	vst v63  }
0x1b: {  	s17 =	simm.s32 $0x8E00  }
0x1c: {  	[tilespmem:s17], [sflag:$0x1] =	stream.indirect.gather [hbm4b:s4+s15], $0x40, s13, s15, $0xb8;
	[tilespmem:$0x14E00] =	vst v63  }
0x1d: {  	s18 =	simm.s32 $0xCE00  }
0x1e: {  	[tilespmem:s18], [sflag:$0x1] =	stream.indirect.gather [hbm4b:s3+s15], $0x40, s14, s15, $0xb8;
	[tilespmem:$0x14E00] =	vst v63  }
0x1f: {  	s19 =	simm.s32 $0x6E00  }
0x20: {  	[tilespmem:s19], [sflag:$0x2] =	stream.indirect.gather [hbm4b:s3+s15], $0x40, s15, s15, $0xb8;
	[tilespmem:$0x14E00] =	vst v63  }
0x21: {  	s20 =	simm.s32 $0x1A80  }
0x22: {  	[tilespmem:s21], [sflag:$0x2] =	stream.indirect.gather [hbm4b:s4+s15], $0x40, s20, s15, $0xb8;
	[tilespmem:$0x14E00] =	vst v63  }
0x23: {  	s1 =	simm.s32 $0x0  }
0x24: {  	[tilespmem:s23], [sflag:$0x2] =	stream.indirect.gather [hbm4b:s3+s15], $0x40, s22, s15, $0xb8;
	[tilespmem:$0x14E00] =	vst v63  }
.LBB2_2:
0x25: {  	_ =	swait.ge [sflag:s24], $0x2000  }
0x26: {  	[sflag:s24] =	ssyncset.done $0x0  }
0x27: {  	[sflag:s24] =	ssyncadd.s32 $0xFFFFE000  }
0x28: {  	_ =	swait.ge [sflag:s24], $0x2000  }
0x29: {  	[sflag:s24] =	ssyncset.done $0x0  }
0x2a: {  	[sflag:s24] =	ssyncadd.s32 $0xFFFFE000  }
0x2b: {  	_ =	swait.ge [sflag:s24], $0x2000  }
0x2c: {  	p1 =	seq.s32 s1, $0x0;
	[sflag:s24] =	ssyncset.done $0x0  }
0x2d: {  	s16 =	simm.s32 @!p1 $0x3;
	[sflag:s24] =	ssyncadd.s32 $0xFFFFE000  }
0x2e: {  	s0 =	sshll.u32 s1, $0x8;
	s17 =	simm.s32 $0x4F00;
	_ =	swait.ge @!p1 [sflag:s16], $0x2000  }
0x2f: {  	s18 =	simm.s32 $0x8F00;
	s19 =	simm.s32 $0xCF00;
	[sflag:s16] =	ssyncset.done @!p1 $0x0  }
0x30: {  	s20 =	simm.s32 $0x10F00;
	[sflag:s16] =	ssyncadd.s32 @!p1 $0xFFFFE000;
	s16 =	simm.s32 $0xFFFFFFF8  }
.LBB2_3:
0x31: {  	v0 =	vld [tilespmem:s17+$0xFFFFFF00]  }
0x32: {  	v1 =	vld [tilespmem:s18+$0xFFFFFF00];
	_ =	sdelay $0x1  }
0x33: {  	v2 =	vld [tilespmem:s19+$0xFFFFFF00];
	_ =	sdelay $0x2  }
0x34: {  	v0 =	vmul.f32 v1, v0;
	_ =	sdelay $0x1  }
0x35: {  	v0 =	vmul.f32 v2, v0;
	_ =	sdelay $0x1  }
0x36: {  	[tilespmem:s20+$0xFFFFFF00] =	vst v0  }
0x37: {  	v0 =	vld [tilespmem:s17+$0xFFFFFF10]  }
0x38: {  	v62 =	vld [tilespmem:s18+$0xFFFFFF10];
	_ =	sdelay $0x1  }
0x39: {  	v63 =	vld [tilespmem:s19+$0xFFFFFF10];
	_ =	sdelay $0x2  }
0x3a: {  	v0 =	vmul.f32 v62, v0;
	_ =	sdelay $0x1  }
0x3b: {  	v0 =	vmul.f32 v63, v0;
	_ =	sdelay $0x1  }
0x3c: {  	[tilespmem:s20+$0xFFFFFF10] =	vst v0  }
0x3d: {  	v0 =	vld [tilespmem:s17+$0xFFFFFF20]  }
0x3e: {  	v4 =	vld [tilespmem:s18+$0xFFFFFF20];
	_ =	sdelay $0x1  }
0x3f: {  	v5 =	vld [tilespmem:s19+$0xFFFFFF20];
	_ =	sdelay $0x2  }
0x40: {  	v0 =	vmul.f32 v4, v0;
	_ =	sdelay $0x1  }
0x41: {  	v0 =	vmul.f32 v5, v0;
	_ =	sdelay $0x1  }
0x42: {  	[tilespmem:s20+$0xFFFFFF20] =	vst v0  }
0x43: {  	v0 =	vld [tilespmem:s17+$0xFFFFFF30]  }
0x44: {  	v6 =	vld [tilespmem:s18+$0xFFFFFF30];
	_ =	sdelay $0x1  }
0x45: {  	v7 =	vld [tilespmem:s19+$0xFFFFFF30];
	_ =	sdelay $0x2  }
0x46: {  	v0 =	vmul.f32 v6, v0;
	_ =	sdelay $0x1  }
0x47: {  	v0 =	vmul.f32 v7, v0;
	_ =	sdelay $0x1  }
0x48: {  	[tilespmem:s20+$0xFFFFFF30] =	vst v0  }
0x49: {  	v0 =	vld [tilespmem:s17+$0xFFFFFF40]  }
0x4a: {  	v8 =	vld [tilespmem:s18+$0xFFFFFF40];
	_ =	sdelay $0x1  }
0x4b: {  	v9 =	vld [tilespmem:s19+$0xFFFFFF40];
	_ =	sdelay $0x2  }
0x4c: {  	v0 =	vmul.f32 v8, v0;
	_ =	sdelay $0x1  }
0x4d: {  	v0 =	vmul.f32 v9, v0;
	_ =	sdelay $0x1  }
0x4e: {  	[tilespmem:s20+$0xFFFFFF40] =	vst v0  }
0x4f: {  	v0 =	vld [tilespmem:s17+$0xFFFFFF50]  }
0x50: {  	v10 =	vld [tilespmem:s18+$0xFFFFFF50];
	_ =	sdelay $0x1  }
0x51: {  	v11 =	vld [tilespmem:s19+$0xFFFFFF50];
	_ =	sdelay $0x2  }
0x52: {  	v0 =	vmul.f32 v10, v0;
	_ =	sdelay $0x1  }
0x53: {  	v0 =	vmul.f32 v11, v0;
	_ =	sdelay $0x1  }
0x54: {  	[tilespmem:s20+$0xFFFFFF50] =	vst v0  }
0x55: {  	v0 =	vld [tilespmem:s17+$0xFFFFFF60]  }
0x56: {  	v12 =	vld [tilespmem:s18+$0xFFFFFF60];
	_ =	sdelay $0x1  }
0x57: {  	v13 =	vld [tilespmem:s19+$0xFFFFFF60];
	_ =	sdelay $0x2  }
0x58: {  	v0 =	vmul.f32 v12, v0;
	_ =	sdelay $0x1  }
0x59: {  	v0 =	vmul.f32 v13, v0;
	_ =	sdelay $0x1  }
0x5a: {  	[tilespmem:s20+$0xFFFFFF60] =	vst v0  }
0x5b: {  	v0 =	vld [tilespmem:s17+$0xFFFFFF70]  }
0x5c: {  	v14 =	vld [tilespmem:s18+$0xFFFFFF70];
	_ =	sdelay $0x1  }
0x5d: {  	v15 =	vld [tilespmem:s19+$0xFFFFFF70];
	_ =	sdelay $0x2  }
0x5e: {  	v0 =	vmul.f32 v14, v0;
	_ =	sdelay $0x1  }
0x5f: {  	v0 =	vmul.f32 v15, v0;
	_ =	sdelay $0x1  }
0x60: {  	[tilespmem:s20+$0xFFFFFF70] =	vst v0  }
0x61: {  	v0 =	vld [tilespmem:s17+$0xFFFFFF80]  }
0x62: {  	v16 =	vld [tilespmem:s18+$0xFFFFFF80];
	_ =	sdelay $0x1  }
0x63: {  	v17 =	vld [tilespmem:s19+$0xFFFFFF80];
	_ =	sdelay $0x2  }
0x64: {  	v0 =	vmul.f32 v16, v0;
	_ =	sdelay $0x1  }
0x65: {  	v0 =	vmul.f32 v17, v0;
	_ =	sdelay $0x1  }
0x66: {  	[tilespmem:s20+$0xFFFFFF80] =	vst v0  }
0x67: {  	v0 =	vld [tilespmem:s17+$0xFFFFFF90]  }
0x68: {  	v18 =	vld [tilespmem:s18+$0xFFFFFF90];
	_ =	sdelay $0x1  }
0x69: {  	v19 =	vld [tilespmem:s19+$0xFFFFFF90];
	_ =	sdelay $0x2  }
0x6a: {  	v0 =	vmul.f32 v18, v0;
	_ =	sdelay $0x1  }
0x6b: {  	v0 =	vmul.f32 v19, v0;
	_ =	sdelay $0x1  }
0x6c: {  	[tilespmem:s20+$0xFFFFFF90] =	vst v0  }
0x6d: {  	v0 =	vld [tilespmem:s17+$0xFFFFFFA0]  }
0x6e: {  	v20 =	vld [tilespmem:s18+$0xFFFFFFA0];
	_ =	sdelay $0x1  }
0x6f: {  	v21 =	vld [tilespmem:s19+$0xFFFFFFA0];
	_ =	sdelay $0x2  }
0x70: {  	v0 =	vmul.f32 v20, v0;
	_ =	sdelay $0x1  }
0x71: {  	v0 =	vmul.f32 v21, v0;
	_ =	sdelay $0x1  }
0x72: {  	[tilespmem:s20+$0xFFFFFFA0] =	vst v0  }
0x73: {  	v0 =	vld [tilespmem:s17+$0xFFFFFFB0]  }
0x74: {  	v22 =	vld [tilespmem:s18+$0xFFFFFFB0];
	_ =	sdelay $0x1  }
0x75: {  	v23 =	vld [tilespmem:s19+$0xFFFFFFB0];
	_ =	sdelay $0x2  }
0x76: {  	v0 =	vmul.f32 v22, v0;
	_ =	sdelay $0x1  }
0x77: {  	v0 =	vmul.f32 v23, v0;
	_ =	sdelay $0x1  }
0x78: {  	[tilespmem:s20+$0xFFFFFFB0] =	vst v0  }
0x79: {  	v0 =	vld [tilespmem:s17+$0xFFFFFFC0]  }
0x7a: {  	v24 =	vld [tilespmem:s18+$0xFFFFFFC0];
	_ =	sdelay $0x1  }
0x7b: {  	v25 =	vld [tilespmem:s19+$0xFFFFFFC0];
	_ =	sdelay $0x2  }
0x7c: {  	v0 =	vmul.f32 v24, v0;
	_ =	sdelay $0x1  }
0x7d: {  	v0 =	vmul.f32 v25, v0;
	_ =	sdelay $0x1  }
0x7e: {  	[tilespmem:s20+$0xFFFFFFC0] =	vst v0  }
0x7f: {  	v0 =	vld [tilespmem:s17+$0xFFFFFFD0]  }
0x80: {  	v26 =	vld [tilespmem:s18+$0xFFFFFFD0];
	_ =	sdelay $0x1  }
0x81: {  	v27 =	vld [tilespmem:s19+$0xFFFFFFD0];
	_ =	sdelay $0x2  }
0x82: {  	v0 =	vmul.f32 v26, v0;
	_ =	sdelay $0x1  }
0x83: {  	v0 =	vmul.f32 v27, v0;
	_ =	sdelay $0x1  }
0x84: {  	[tilespmem:s20+$0xFFFFFFD0] =	vst v0  }
0x85: {  	v0 =	vld [tilespmem:s17+$0xFFFFFFE0]  }
0x86: {  	v28 =	vld [tilespmem:s18+$0xFFFFFFE0];
	_ =	sdelay $0x1  }
0x87: {  	v29 =	vld [tilespmem:s19+$0xFFFFFFE0];
	_ =	sdelay $0x2  }
0x88: {  	v0 =	vmul.f32 v28, v0;
	_ =	sdelay $0x1  }
0x89: {  	v0 =	vmul.f32 v29, v0;
	_ =	sdelay $0x1  }
0x8a: {  	[tilespmem:s20+$0xFFFFFFE0] =	vst v0  }
0x8b: {  	v0 =	vld [tilespmem:s17+$0xFFFFFFF0]  }
0x8c: {  	v30 =	vld [tilespmem:s18+$0xFFFFFFF0];
	_ =	sdelay $0x1  }
0x8d: {  	v31 =	vld [tilespmem:s19+$0xFFFFFFF0];
	_ =	sdelay $0x2  }
0x8e: {  	v0 =	vmul.f32 v30, v0;
	_ =	sdelay $0x1  }
0x8f: {  	v0 =	vmul.f32 v31, v0;
	_ =	sdelay $0x1  }
0x90: {  	[tilespmem:s20+$0xFFFFFFF0] =	vst v0  }
0x91: {  	v0 =	vld [tilespmem:s17+$0x0]  }
0x92: {  	v32 =	vld [tilespmem:s18+$0x0];
	_ =	sdelay $0x1  }
0x93: {  	v33 =	vld [tilespmem:s19+$0x0];
	_ =	sdelay $0x2  }
0x94: {  	v0 =	vmul.f32 v32, v0;
	_ =	sdelay $0x1  }
0x95: {  	v0 =	vmul.f32 v33, v0;
	_ =	sdelay $0x1  }
0x96: {  	[tilespmem:s20+$0x0] =	vst v0  }
0x97: {  	v0 =	vld [tilespmem:s17+$0x10]  }
0x98: {  	v34 =	vld [tilespmem:s18+$0x10];
	_ =	sdelay $0x1  }
0x99: {  	v35 =	vld [tilespmem:s19+$0x10];
	_ =	sdelay $0x2  }
0x9a: {  	v0 =	vmul.f32 v34, v0;
	_ =	sdelay $0x1  }
0x9b: {  	v0 =	vmul.f32 v35, v0;
	_ =	sdelay $0x1  }
0x9c: {  	[tilespmem:s20+$0x10] =	vst v0  }
0x9d: {  	v0 =	vld [tilespmem:s17+$0x20]  }
0x9e: {  	v36 =	vld [tilespmem:s18+$0x20];
	_ =	sdelay $0x1  }
0x9f: {  	v37 =	vld [tilespmem:s19+$0x20];
	_ =	sdelay $0x2  }
0xa0: {  	v0 =	vmul.f32 v36, v0;
	_ =	sdelay $0x1  }
0xa1: {  	v0 =	vmul.f32 v37, v0;
	_ =	sdelay $0x1  }
0xa2: {  	[tilespmem:s20+$0x20] =	vst v0  }
0xa3: {  	v0 =	vld [tilespmem:s17+$0x30]  }
0xa4: {  	v38 =	vld [tilespmem:s18+$0x30];
	_ =	sdelay $0x1  }
0xa5: {  	v39 =	vld [tilespmem:s19+$0x30];
	_ =	sdelay $0x2  }
0xa6: {  	v0 =	vmul.f32 v38, v0;
	_ =	sdelay $0x1  }
0xa7: {  	v0 =	vmul.f32 v39, v0;
	_ =	sdelay $0x1  }
0xa8: {  	[tilespmem:s20+$0x30] =	vst v0  }
0xa9: {  	v0 =	vld [tilespmem:s17+$0x40]  }
0xaa: {  	v40 =	vld [tilespmem:s18+$0x40];
	_ =	sdelay $0x1  }
0xab: {  	v41 =	vld [tilespmem:s19+$0x40];
	_ =	sdelay $0x2  }
0xac: {  	v0 =	vmul.f32 v40, v0;
	_ =	sdelay $0x1  }
0xad: {  	v0 =	vmul.f32 v41, v0;
	_ =	sdelay $0x1  }
0xae: {  	[tilespmem:s20+$0x40] =	vst v0  }
0xaf: {  	v0 =	vld [tilespmem:s17+$0x50]  }
0xb0: {  	v42 =	vld [tilespmem:s18+$0x50];
	_ =	sdelay $0x1  }
0xb1: {  	v43 =	vld [tilespmem:s19+$0x50];
	_ =	sdelay $0x2  }
0xb2: {  	v0 =	vmul.f32 v42, v0;
	_ =	sdelay $0x1  }
0xb3: {  	v0 =	vmul.f32 v43, v0;
	_ =	sdelay $0x1  }
0xb4: {  	[tilespmem:s20+$0x50] =	vst v0  }
0xb5: {  	v0 =	vld [tilespmem:s17+$0x60]  }
0xb6: {  	v44 =	vld [tilespmem:s18+$0x60];
	_ =	sdelay $0x1  }
0xb7: {  	v45 =	vld [tilespmem:s19+$0x60];
	_ =	sdelay $0x2  }
0xb8: {  	v0 =	vmul.f32 v44, v0;
	_ =	sdelay $0x1  }
0xb9: {  	v0 =	vmul.f32 v45, v0;
	_ =	sdelay $0x1  }
0xba: {  	[tilespmem:s20+$0x60] =	vst v0  }
0xbb: {  	v0 =	vld [tilespmem:s17+$0x70]  }
0xbc: {  	v46 =	vld [tilespmem:s18+$0x70];
	_ =	sdelay $0x1  }
0xbd: {  	v47 =	vld [tilespmem:s19+$0x70];
	_ =	sdelay $0x2  }
0xbe: {  	v0 =	vmul.f32 v46, v0;
	_ =	sdelay $0x1  }
0xbf: {  	v0 =	vmul.f32 v47, v0;
	_ =	sdelay $0x1  }
0xc0: {  	[tilespmem:s20+$0x70] =	vst v0  }
0xc1: {  	v0 =	vld [tilespmem:s17+$0x80]  }
0xc2: {  	v48 =	vld [tilespmem:s18+$0x80];
	_ =	sdelay $0x1  }
0xc3: {  	v49 =	vld [tilespmem:s19+$0x80];
	_ =	sdelay $0x2  }
0xc4: {  	v0 =	vmul.f32 v48, v0;
	_ =	sdelay $0x1  }
0xc5: {  	v0 =	vmul.f32 v49, v0;
	_ =	sdelay $0x1  }
0xc6: {  	[tilespmem:s20+$0x80] =	vst v0  }
0xc7: {  	v0 =	vld [tilespmem:s17+$0x90]  }
0xc8: {  	v50 =	vld [tilespmem:s18+$0x90];
	_ =	sdelay $0x1  }
0xc9: {  	v51 =	vld [tilespmem:s19+$0x90];
	_ =	sdelay $0x2  }
0xca: {  	v0 =	vmul.f32 v50, v0;
	_ =	sdelay $0x1  }
0xcb: {  	v0 =	vmul.f32 v51, v0;
	_ =	sdelay $0x1  }
0xcc: {  	[tilespmem:s20+$0x90] =	vst v0  }
0xcd: {  	v0 =	vld [tilespmem:s17+$0xA0]  }
0xce: {  	v52 =	vld [tilespmem:s18+$0xA0];
	_ =	sdelay $0x1  }
0xcf: {  	v53 =	vld [tilespmem:s19+$0xA0];
	_ =	sdelay $0x2  }
0xd0: {  	v0 =	vmul.f32 v52, v0;
	_ =	sdelay $0x1  }
0xd1: {  	v0 =	vmul.f32 v53, v0;
	_ =	sdelay $0x1  }
0xd2: {  	[tilespmem:s20+$0xA0] =	vst v0  }
0xd3: {  	v0 =	vld [tilespmem:s17+$0xB0]  }
0xd4: {  	v54 =	vld [tilespmem:s18+$0xB0];
	_ =	sdelay $0x1  }
0xd5: {  	v55 =	vld [tilespmem:s19+$0xB0];
	_ =	sdelay $0x2  }
0xd6: {  	v0 =	vmul.f32 v54, v0;
	_ =	sdelay $0x1  }
0xd7: {  	v0 =	vmul.f32 v55, v0;
	_ =	sdelay $0x1  }
0xd8: {  	[tilespmem:s20+$0xB0] =	vst v0  }
0xd9: {  	v0 =	vld [tilespmem:s17+$0xC0]  }
0xda: {  	v56 =	vld [tilespmem:s18+$0xC0];
	_ =	sdelay $0x1  }
0xdb: {  	v57 =	vld [tilespmem:s19+$0xC0];
	_ =	sdelay $0x2  }
0xdc: {  	v0 =	vmul.f32 v56, v0;
	_ =	sdelay $0x1  }
0xdd: {  	v0 =	vmul.f32 v57, v0;
	_ =	sdelay $0x1  }
0xde: {  	[tilespmem:s20+$0xC0] =	vst v0  }
0xdf: {  	v0 =	vld [tilespmem:s17+$0xD0]  }
0xe0: {  	v58 =	vld [tilespmem:s18+$0xD0];
	_ =	sdelay $0x1  }
0xe1: {  	v59 =	vld [tilespmem:s19+$0xD0];
	_ =	sdelay $0x2  }
0xe2: {  	v0 =	vmul.f32 v58, v0;
	_ =	sdelay $0x1  }
0xe3: {  	v0 =	vmul.f32 v59, v0;
	_ =	sdelay $0x1  }
0xe4: {  	[tilespmem:s20+$0xD0] =	vst v0  }
0xe5: {  	v0 =	vld [tilespmem:s17+$0xE0]  }
0xe6: {  	v60 =	vld [tilespmem:s18+$0xE0];
	_ =	sdelay $0x1  }
0xe7: {  	v61 =	vld [tilespmem:s19+$0xE0];
	_ =	sdelay $0x2  }
0xe8: {  	v0 =	vmul.f32 v60, v0;
	_ =	sdelay $0x1  }
0xe9: {  	v0 =	vmul.f32 v61, v0;
	_ =	sdelay $0x1  }
0xea: {  	[tilespmem:s20+$0xE0] =	vst v0  }
0xeb: {  	v0 =	vld [tilespmem:s17+$0xF0]  }
0xec: {  	v62 =	vld [tilespmem:s18+$0xF0];
	_ =	sdelay $0x1  }
0xed: {  	v63 =	vld [tilespmem:s19+$0xF0]  }
0xee: {  	s16 =	sadd.s32 $0x8, s16  }
0xef: {  	p0 =	slt.u32 s16, $0x78  }
.Ltmp0:
0xf0: {  	v0 =	vmul.f32 v62, v0;
	(pc) =	sbr.rel @p0 .LBB2_3-.Ltmp0, $4  }
0xf1: {  	_ = 	snop  }
0xf2: {  	v0 =	vmul.f32 v63, v0  }
0xf3: {  	s17 =	sadd.s32 $0x200, s17  }
0xf4: {  	s18 =	sadd.s32 $0x200, s18;
	s19 =	sadd.s32 $0x200, s19;
	[tilespmem:s20+$0xF0] =	vst v0;
	s20 =	sadd.s32 $0x200, s20  }
0xf5: {  	p0 =	seq.s32 s1, $0x19  }
0xf6: {  	s16 =	sadd.s32 @!p0 $0x100, s0;
	s17 =	simm.s32 @!p0 $0x80;
	s18 =	simm.s32 @!p0 $0x4E00  }
0xf7: {  	[tilespmem:s18], [sflag:$0x1] =	stream.indirect.gather @!p0 [hbm4b:s3+s17], $0x40, s16, s17, $0xb8;
	[tilespmem:$0x14E00] =	vst v63  }
0xf8: {  	s16 =	sadd.s32 @!p0 $0x1B00, s0;
	s18 =	simm.s32 @!p0 $0x8E00  }
0xf9: {  	[tilespmem:s18], [sflag:$0x1] =	stream.indirect.gather @!p0 [hbm4b:s4+s17], $0x40, s16, s17, $0xb8;
	[tilespmem:$0x14E00] =	vst v63  }
0xfa: {  	s20 =	sshll.u32 s1, $0xE;
	s16 =	sadd.s32 @!p0 $0x3500, s0;
	s18 =	simm.s32 @!p0 $0xCE00  }
0xfb: {  	[tilespmem:s18], [sflag:$0x1] =	stream.indirect.gather @!p0 [hbm4b:s3+s17], $0x40, s16, s17, $0xb8;
	[tilespmem:$0x14E00] =	vst v63  }
0xfc: {  	s16 =	sadd.s32 s9, s20  }
0xfd: {  	s16 =	sshrl.u32 s16, $0x3  }
0xfe: {  	s16 =	sadd.s32 s5, s16  }
0xff: {  	[hbm4b:s16+s2] =	stream.linear.scatter [tilespmem:s25], [sflag:$0x3], $0x2000, $0x38;
	[tilespmem:$0x14E00] =	vst v63  }
0x100: {  	_ =	swait.ge [sflag:s26], $0x2000  }
0x101: {  	[sflag:s26] =	ssyncset.done $0x0  }
0x102: {  	[sflag:s26] =	ssyncadd.s32 $0xFFFFE000  }
0x103: {  	_ =	swait.ge [sflag:s26], $0x2000  }
0x104: {  	[sflag:s26] =	ssyncset.done $0x0  }
0x105: {  	[sflag:s26] =	ssyncadd.s32 $0xFFFFE000  }
0x106: {  	_ =	swait.ge [sflag:s26], $0x2000  }
0x107: {  	[sflag:s26] =	ssyncset.done $0x0  }
0x108: {  	s16 =	simm.s32 @!p1 $0x4;
	[sflag:s26] =	ssyncadd.s32 $0xFFFFE000  }
0x109: {  	s19 =	simm.s32 $0xEF00;
	_ =	swait.ge @!p1 [sflag:s16], $0x2000  }
0x10a: {  	s17 =	simm.s32 $0x6F00;
	s18 =	simm.s32 $0xAF00;
	[sflag:s16] =	ssyncset.done @!p1 $0x0  }
0x10b: {  	s20 =	simm.s32 $0x12F00;
	[sflag:s16] =	ssyncadd.s32 @!p1 $0xFFFFE000;
	s16 =	simm.s32 $0xFFFFFFF8  }
.LBB2_5:
0x10c: {  	v0 =	vld [tilespmem:s17+$0xFFFFFF00]  }
0x10d: {  	v1 =	vld [tilespmem:s18+$0xFFFFFF00];
	_ =	sdelay $0x1  }
0x10e: {  	v2 =	vld [tilespmem:s19+$0xFFFFFF00];
	_ =	sdelay $0x2  }
0x10f: {  	v0 =	vmul.f32 v1, v0;
	_ =	sdelay $0x1  }
0x110: {  	v0 =	vmul.f32 v2, v0;
	_ =	sdelay $0x1  }
0x111: {  	[tilespmem:s20+$0xFFFFFF00] =	vst v0  }
0x112: {  	v0 =	vld [tilespmem:s17+$0xFFFFFF10]  }
0x113: {  	v62 =	vld [tilespmem:s18+$0xFFFFFF10];
	_ =	sdelay $0x1  }
0x114: {  	v63 =	vld [tilespmem:s19+$0xFFFFFF10];
	_ =	sdelay $0x2  }
0x115: {  	v0 =	vmul.f32 v62, v0;
	_ =	sdelay $0x1  }
0x116: {  	v0 =	vmul.f32 v63, v0;
	_ =	sdelay $0x1  }
0x117: {  	[tilespmem:s20+$0xFFFFFF10] =	vst v0  }
0x118: {  	v0 =	vld [tilespmem:s17+$0xFFFFFF20]  }
0x119: {  	v4 =	vld [tilespmem:s18+$0xFFFFFF20];
	_ =	sdelay $0x1  }
0x11a: {  	v5 =	vld [tilespmem:s19+$0xFFFFFF20];
	_ =	sdelay $0x2  }
0x11b: {  	v0 =	vmul.f32 v4, v0;
	_ =	sdelay $0x1  }
0x11c: {  	v0 =	vmul.f32 v5, v0;
	_ =	sdelay $0x1  }
0x11d: {  	[tilespmem:s20+$0xFFFFFF20] =	vst v0  }
0x11e: {  	v0 =	vld [tilespmem:s17+$0xFFFFFF30]  }
0x11f: {  	v6 =	vld [tilespmem:s18+$0xFFFFFF30];
	_ =	sdelay $0x1  }
0x120: {  	v7 =	vld [tilespmem:s19+$0xFFFFFF30];
	_ =	sdelay $0x2  }
0x121: {  	v0 =	vmul.f32 v6, v0;
	_ =	sdelay $0x1  }
0x122: {  	v0 =	vmul.f32 v7, v0;
	_ =	sdelay $0x1  }
0x123: {  	[tilespmem:s20+$0xFFFFFF30] =	vst v0  }
0x124: {  	v0 =	vld [tilespmem:s17+$0xFFFFFF40]  }
0x125: {  	v8 =	vld [tilespmem:s18+$0xFFFFFF40];
	_ =	sdelay $0x1  }
0x126: {  	v9 =	vld [tilespmem:s19+$0xFFFFFF40];
	_ =	sdelay $0x2  }
0x127: {  	v0 =	vmul.f32 v8, v0;
	_ =	sdelay $0x1  }
0x128: {  	v0 =	vmul.f32 v9, v0;
	_ =	sdelay $0x1  }
0x129: {  	[tilespmem:s20+$0xFFFFFF40] =	vst v0  }
0x12a: {  	v0 =	vld [tilespmem:s17+$0xFFFFFF50]  }
0x12b: {  	v10 =	vld [tilespmem:s18+$0xFFFFFF50];
	_ =	sdelay $0x1  }
0x12c: {  	v11 =	vld [tilespmem:s19+$0xFFFFFF50];
	_ =	sdelay $0x2  }
0x12d: {  	v0 =	vmul.f32 v10, v0;
	_ =	sdelay $0x1  }
0x12e: {  	v0 =	vmul.f32 v11, v0;
	_ =	sdelay $0x1  }
0x12f: {  	[tilespmem:s20+$0xFFFFFF50] =	vst v0  }
0x130: {  	v0 =	vld [tilespmem:s17+$0xFFFFFF60]  }
0x131: {  	v12 =	vld [tilespmem:s18+$0xFFFFFF60];
	_ =	sdelay $0x1  }
0x132: {  	v13 =	vld [tilespmem:s19+$0xFFFFFF60];
	_ =	sdelay $0x2  }
0x133: {  	v0 =	vmul.f32 v12, v0;
	_ =	sdelay $0x1  }
0x134: {  	v0 =	vmul.f32 v13, v0;
	_ =	sdelay $0x1  }
0x135: {  	[tilespmem:s20+$0xFFFFFF60] =	vst v0  }
0x136: {  	v0 =	vld [tilespmem:s17+$0xFFFFFF70]  }
0x137: {  	v14 =	vld [tilespmem:s18+$0xFFFFFF70];
	_ =	sdelay $0x1  }
0x138: {  	v15 =	vld [tilespmem:s19+$0xFFFFFF70];
	_ =	sdelay $0x2  }
0x139: {  	v0 =	vmul.f32 v14, v0;
	_ =	sdelay $0x1  }
0x13a: {  	v0 =	vmul.f32 v15, v0;
	_ =	sdelay $0x1  }
0x13b: {  	[tilespmem:s20+$0xFFFFFF70] =	vst v0  }
0x13c: {  	v0 =	vld [tilespmem:s17+$0xFFFFFF80]  }
0x13d: {  	v16 =	vld [tilespmem:s18+$0xFFFFFF80];
	_ =	sdelay $0x1  }
0x13e: {  	v17 =	vld [tilespmem:s19+$0xFFFFFF80];
	_ =	sdelay $0x2  }
0x13f: {  	v0 =	vmul.f32 v16, v0;
	_ =	sdelay $0x1  }
0x140: {  	v0 =	vmul.f32 v17, v0;
	_ =	sdelay $0x1  }
0x141: {  	[tilespmem:s20+$0xFFFFFF80] =	vst v0  }
0x142: {  	v0 =	vld [tilespmem:s17+$0xFFFFFF90]  }
0x143: {  	v18 =	vld [tilespmem:s18+$0xFFFFFF90];
	_ =	sdelay $0x1  }
0x144: {  	v19 =	vld [tilespmem:s19+$0xFFFFFF90];
	_ =	sdelay $0x2  }
0x145: {  	v0 =	vmul.f32 v18, v0;
	_ =	sdelay $0x1  }
0x146: {  	v0 =	vmul.f32 v19, v0;
	_ =	sdelay $0x1  }
0x147: {  	[tilespmem:s20+$0xFFFFFF90] =	vst v0  }
0x148: {  	v0 =	vld [tilespmem:s17+$0xFFFFFFA0]  }
0x149: {  	v20 =	vld [tilespmem:s18+$0xFFFFFFA0];
	_ =	sdelay $0x1  }
0x14a: {  	v21 =	vld [tilespmem:s19+$0xFFFFFFA0];
	_ =	sdelay $0x2  }
0x14b: {  	v0 =	vmul.f32 v20, v0;
	_ =	sdelay $0x1  }
0x14c: {  	v0 =	vmul.f32 v21, v0;
	_ =	sdelay $0x1  }
0x14d: {  	[tilespmem:s20+$0xFFFFFFA0] =	vst v0  }
0x14e: {  	v0 =	vld [tilespmem:s17+$0xFFFFFFB0]  }
0x14f: {  	v22 =	vld [tilespmem:s18+$0xFFFFFFB0];
	_ =	sdelay $0x1  }
0x150: {  	v23 =	vld [tilespmem:s19+$0xFFFFFFB0];
	_ =	sdelay $0x2  }
0x151: {  	v0 =	vmul.f32 v22, v0;
	_ =	sdelay $0x1  }
0x152: {  	v0 =	vmul.f32 v23, v0;
	_ =	sdelay $0x1  }
0x153: {  	[tilespmem:s20+$0xFFFFFFB0] =	vst v0  }
0x154: {  	v0 =	vld [tilespmem:s17+$0xFFFFFFC0]  }
0x155: {  	v24 =	vld [tilespmem:s18+$0xFFFFFFC0];
	_ =	sdelay $0x1  }
0x156: {  	v25 =	vld [tilespmem:s19+$0xFFFFFFC0];
	_ =	sdelay $0x2  }
0x157: {  	v0 =	vmul.f32 v24, v0;
	_ =	sdelay $0x1  }
0x158: {  	v0 =	vmul.f32 v25, v0;
	_ =	sdelay $0x1  }
0x159: {  	[tilespmem:s20+$0xFFFFFFC0] =	vst v0  }
0x15a: {  	v0 =	vld [tilespmem:s17+$0xFFFFFFD0]  }
0x15b: {  	v26 =	vld [tilespmem:s18+$0xFFFFFFD0];
	_ =	sdelay $0x1  }
0x15c: {  	v27 =	vld [tilespmem:s19+$0xFFFFFFD0];
	_ =	sdelay $0x2  }
0x15d: {  	v0 =	vmul.f32 v26, v0;
	_ =	sdelay $0x1  }
0x15e: {  	v0 =	vmul.f32 v27, v0;
	_ =	sdelay $0x1  }
0x15f: {  	[tilespmem:s20+$0xFFFFFFD0] =	vst v0  }
0x160: {  	v0 =	vld [tilespmem:s17+$0xFFFFFFE0]  }
0x161: {  	v28 =	vld [tilespmem:s18+$0xFFFFFFE0];
	_ =	sdelay $0x1  }
0x162: {  	v29 =	vld [tilespmem:s19+$0xFFFFFFE0];
	_ =	sdelay $0x2  }
0x163: {  	v0 =	vmul.f32 v28, v0;
	_ =	sdelay $0x1  }
0x164: {  	v0 =	vmul.f32 v29, v0;
	_ =	sdelay $0x1  }
0x165: {  	[tilespmem:s20+$0xFFFFFFE0] =	vst v0  }
0x166: {  	v0 =	vld [tilespmem:s17+$0xFFFFFFF0]  }
0x167: {  	v30 =	vld [tilespmem:s18+$0xFFFFFFF0];
	_ =	sdelay $0x1  }
0x168: {  	v31 =	vld [tilespmem:s19+$0xFFFFFFF0];
	_ =	sdelay $0x2  }
0x169: {  	v0 =	vmul.f32 v30, v0;
	_ =	sdelay $0x1  }
0x16a: {  	v0 =	vmul.f32 v31, v0;
	_ =	sdelay $0x1  }
0x16b: {  	[tilespmem:s20+$0xFFFFFFF0] =	vst v0  }
0x16c: {  	v0 =	vld [tilespmem:s17+$0x0]  }
0x16d: {  	v32 =	vld [tilespmem:s18+$0x0];
	_ =	sdelay $0x1  }
0x16e: {  	v33 =	vld [tilespmem:s19+$0x0];
	_ =	sdelay $0x2  }
0x16f: {  	v0 =	vmul.f32 v32, v0;
	_ =	sdelay $0x1  }
0x170: {  	v0 =	vmul.f32 v33, v0;
	_ =	sdelay $0x1  }
0x171: {  	[tilespmem:s20+$0x0] =	vst v0  }
0x172: {  	v0 =	vld [tilespmem:s17+$0x10]  }
0x173: {  	v34 =	vld [tilespmem:s18+$0x10];
	_ =	sdelay $0x1  }
0x174: {  	v35 =	vld [tilespmem:s19+$0x10];
	_ =	sdelay $0x2  }
0x175: {  	v0 =	vmul.f32 v34, v0;
	_ =	sdelay $0x1  }
0x176: {  	v0 =	vmul.f32 v35, v0;
	_ =	sdelay $0x1  }
0x177: {  	[tilespmem:s20+$0x10] =	vst v0  }
0x178: {  	v0 =	vld [tilespmem:s17+$0x20]  }
0x179: {  	v36 =	vld [tilespmem:s18+$0x20];
	_ =	sdelay $0x1  }
0x17a: {  	v37 =	vld [tilespmem:s19+$0x20];
	_ =	sdelay $0x2  }
0x17b: {  	v0 =	vmul.f32 v36, v0;
	_ =	sdelay $0x1  }
0x17c: {  	v0 =	vmul.f32 v37, v0;
	_ =	sdelay $0x1  }
0x17d: {  	[tilespmem:s20+$0x20] =	vst v0  }
0x17e: {  	v0 =	vld [tilespmem:s17+$0x30]  }
0x17f: {  	v38 =	vld [tilespmem:s18+$0x30];
	_ =	sdelay $0x1  }
0x180: {  	v39 =	vld [tilespmem:s19+$0x30];
	_ =	sdelay $0x2  }
0x181: {  	v0 =	vmul.f32 v38, v0;
	_ =	sdelay $0x1  }
0x182: {  	v0 =	vmul.f32 v39, v0;
	_ =	sdelay $0x1  }
0x183: {  	[tilespmem:s20+$0x30] =	vst v0  }
0x184: {  	v0 =	vld [tilespmem:s17+$0x40]  }
0x185: {  	v40 =	vld [tilespmem:s18+$0x40];
	_ =	sdelay $0x1  }
0x186: {  	v41 =	vld [tilespmem:s19+$0x40];
	_ =	sdelay $0x2  }
0x187: {  	v0 =	vmul.f32 v40, v0;
	_ =	sdelay $0x1  }
0x188: {  	v0 =	vmul.f32 v41, v0;
	_ =	sdelay $0x1  }
0x189: {  	[tilespmem:s20+$0x40] =	vst v0  }
0x18a: {  	v0 =	vld [tilespmem:s17+$0x50]  }
0x18b: {  	v42 =	vld [tilespmem:s18+$0x50];
	_ =	sdelay $0x1  }
0x18c: {  	v43 =	vld [tilespmem:s19+$0x50];
	_ =	sdelay $0x2  }
0x18d: {  	v0 =	vmul.f32 v42, v0;
	_ =	sdelay $0x1  }
0x18e: {  	v0 =	vmul.f32 v43, v0;
	_ =	sdelay $0x1  }
0x18f: {  	[tilespmem:s20+$0x50] =	vst v0  }
0x190: {  	v0 =	vld [tilespmem:s17+$0x60]  }
0x191: {  	v44 =	vld [tilespmem:s18+$0x60];
	_ =	sdelay $0x1  }
0x192: {  	v45 =	vld [tilespmem:s19+$0x60];
	_ =	sdelay $0x2  }
0x193: {  	v0 =	vmul.f32 v44, v0;
	_ =	sdelay $0x1  }
0x194: {  	v0 =	vmul.f32 v45, v0;
	_ =	sdelay $0x1  }
0x195: {  	[tilespmem:s20+$0x60] =	vst v0  }
0x196: {  	v0 =	vld [tilespmem:s17+$0x70]  }
0x197: {  	v46 =	vld [tilespmem:s18+$0x70];
	_ =	sdelay $0x1  }
0x198: {  	v47 =	vld [tilespmem:s19+$0x70];
	_ =	sdelay $0x2  }
0x199: {  	v0 =	vmul.f32 v46, v0;
	_ =	sdelay $0x1  }
0x19a: {  	v0 =	vmul.f32 v47, v0;
	_ =	sdelay $0x1  }
0x19b: {  	[tilespmem:s20+$0x70] =	vst v0  }
0x19c: {  	v0 =	vld [tilespmem:s17+$0x80]  }
0x19d: {  	v48 =	vld [tilespmem:s18+$0x80];
	_ =	sdelay $0x1  }
0x19e: {  	v49 =	vld [tilespmem:s19+$0x80];
	_ =	sdelay $0x2  }
0x19f: {  	v0 =	vmul.f32 v48, v0;
	_ =	sdelay $0x1  }
0x1a0: {  	v0 =	vmul.f32 v49, v0;
	_ =	sdelay $0x1  }
0x1a1: {  	[tilespmem:s20+$0x80] =	vst v0  }
0x1a2: {  	v0 =	vld [tilespmem:s17+$0x90]  }
0x1a3: {  	v50 =	vld [tilespmem:s18+$0x90];
	_ =	sdelay $0x1  }
0x1a4: {  	v51 =	vld [tilespmem:s19+$0x90];
	_ =	sdelay $0x2  }
0x1a5: {  	v0 =	vmul.f32 v50, v0;
	_ =	sdelay $0x1  }
0x1a6: {  	v0 =	vmul.f32 v51, v0;
	_ =	sdelay $0x1  }
0x1a7: {  	[tilespmem:s20+$0x90] =	vst v0  }
0x1a8: {  	v0 =	vld [tilespmem:s17+$0xA0]  }
0x1a9: {  	v52 =	vld [tilespmem:s18+$0xA0];
	_ =	sdelay $0x1  }
0x1aa: {  	v53 =	vld [tilespmem:s19+$0xA0];
	_ =	sdelay $0x2  }
0x1ab: {  	v0 =	vmul.f32 v52, v0;
	_ =	sdelay $0x1  }
0x1ac: {  	v0 =	vmul.f32 v53, v0;
	_ =	sdelay $0x1  }
0x1ad: {  	[tilespmem:s20+$0xA0] =	vst v0  }
0x1ae: {  	v0 =	vld [tilespmem:s17+$0xB0]  }
0x1af: {  	v54 =	vld [tilespmem:s18+$0xB0];
	_ =	sdelay $0x1  }
0x1b0: {  	v55 =	vld [tilespmem:s19+$0xB0];
	_ =	sdelay $0x2  }
0x1b1: {  	v0 =	vmul.f32 v54, v0;
	_ =	sdelay $0x1  }
0x1b2: {  	v0 =	vmul.f32 v55, v0;
	_ =	sdelay $0x1  }
0x1b3: {  	[tilespmem:s20+$0xB0] =	vst v0  }
0x1b4: {  	v0 =	vld [tilespmem:s17+$0xC0]  }
0x1b5: {  	v56 =	vld [tilespmem:s18+$0xC0];
	_ =	sdelay $0x1  }
0x1b6: {  	v57 =	vld [tilespmem:s19+$0xC0];
	_ =	sdelay $0x2  }
0x1b7: {  	v0 =	vmul.f32 v56, v0;
	_ =	sdelay $0x1  }
0x1b8: {  	v0 =	vmul.f32 v57, v0;
	_ =	sdelay $0x1  }
0x1b9: {  	[tilespmem:s20+$0xC0] =	vst v0  }
0x1ba: {  	v0 =	vld [tilespmem:s17+$0xD0]  }
0x1bb: {  	v58 =	vld [tilespmem:s18+$0xD0];
	_ =	sdelay $0x1  }
0x1bc: {  	v59 =	vld [tilespmem:s19+$0xD0];
	_ =	sdelay $0x2  }
0x1bd: {  	v0 =	vmul.f32 v58, v0;
	_ =	sdelay $0x1  }
0x1be: {  	v0 =	vmul.f32 v59, v0;
	_ =	sdelay $0x1  }
0x1bf: {  	[tilespmem:s20+$0xD0] =	vst v0  }
0x1c0: {  	v0 =	vld [tilespmem:s17+$0xE0]  }
0x1c1: {  	v60 =	vld [tilespmem:s18+$0xE0];
	_ =	sdelay $0x1  }
0x1c2: {  	v61 =	vld [tilespmem:s19+$0xE0];
	_ =	sdelay $0x2  }
0x1c3: {  	v0 =	vmul.f32 v60, v0;
	_ =	sdelay $0x1  }
0x1c4: {  	v0 =	vmul.f32 v61, v0;
	_ =	sdelay $0x1  }
0x1c5: {  	[tilespmem:s20+$0xE0] =	vst v0  }
0x1c6: {  	v0 =	vld [tilespmem:s17+$0xF0]  }
0x1c7: {  	v62 =	vld [tilespmem:s18+$0xF0];
	_ =	sdelay $0x1  }
0x1c8: {  	v63 =	vld [tilespmem:s19+$0xF0]  }
0x1c9: {  	s16 =	sadd.s32 $0x8, s16  }
0x1ca: {  	p1 =	slt.u32 s16, $0x78  }
.Ltmp1:
0x1cb: {  	v0 =	vmul.f32 v62, v0;
	(pc) =	sbr.rel @p1 .LBB2_5-.Ltmp1, $4  }
0x1cc: {  	_ = 	snop  }
0x1cd: {  	v0 =	vmul.f32 v63, v0  }
0x1ce: {  	s17 =	sadd.s32 $0x200, s17  }
0x1cf: {  	s18 =	sadd.s32 $0x200, s18;
	s19 =	sadd.s32 $0x200, s19;
	[tilespmem:s20+$0xF0] =	vst v0;
	s20 =	sadd.s32 $0x200, s20  }
0x1d0: {  	s16 =	sadd.s32 @!p0 $0x180, s0;
	s17 =	simm.s32 @!p0 $0x80;
	s18 =	simm.s32 @!p0 $0x6E00  }
0x1d1: {  	[tilespmem:s18], [sflag:$0x2] =	stream.indirect.gather @!p0 [hbm4b:s3+s17], $0x40, s16, s17, $0xb8;
	[tilespmem:$0x14E00] =	vst v63  }
0x1d2: {  	s16 =	sadd.s32 @!p0 $0x1B80, s0;
	s18 =	simm.s32 @!p0 $0xAE00  }
0x1d3: {  	[tilespmem:s18], [sflag:$0x2] =	stream.indirect.gather @!p0 [hbm4b:s4+s17], $0x40, s16, s17, $0xb8;
	[tilespmem:$0x14E00] =	vst v63  }
0x1d4: {  	s1 =	sadd.s32 $0x1, s1;
	s16 =	sadd.s32 @!p0 $0x3580, s0;
	s18 =	simm.s32 @!p0 $0xEE00  }
0x1d5: {  	[tilespmem:s18], [sflag:$0x2] =	stream.indirect.gather @!p0 [hbm4b:s3+s17], $0x40, s16, s17, $0xb8;
	[tilespmem:$0x14E00] =	vst v63  }
0x1d6: {  	p0 =	sne.s32 s1, $0x1A  }
.Ltmp2:
0x1d7: {  	s20 =	sadd.s32 s0, s10;
	(pc) =	sbr.rel @p0 .LBB2_2-.Ltmp2, $4  }
0x1d8: {  	s0 =	sshll.u32 s20, $0x3  }
0x1d9: {  	s0 =	sand.u32 $0x1FFFFC00, s0  }
0x1da: {  	s0 =	sadd.s32 s5, s0  }
0x1db: {  	[hbm4b:s0+s2] =	stream.linear.scatter [tilespmem:s28], [sflag:$0x4], $0x2000, $0x38;
	[tilespmem:$0x14E00] =	vst v63  }
0x1dc: {  	s31 =	sadd.s32 $0x1, s31  }
0x1dd: {  	_ =	swait.ge [sflag:s29], $0x2000;
	p0 =	sne.s32 s31, s11  }
.Ltmp3:
0x1de: {  	[sflag:s29] =	ssyncset.done $0x0;
	(pc) =	sbr.rel @p0 .LBB2_1-.Ltmp3, $4  }
0x1df: {  	[sflag:s29] =	ssyncadd.s32 $0xFFFFE000  }
0x1e0: {  	_ =	swait.ge [sflag:s30], $0x2000  }
0x1e1: {  	[sflag:s30] =	ssyncset.done $0x0  }
0x1e2: {  	[sflag:s30] =	ssyncadd.s32 $0xFFFFE000  }
0x1e3: {  	_ =	sfence.sel $0x180000  }
0x1e4: {  	[bflag:$0x0] =	sbarrier.arrive $0xFFFF  }
0x1e5: {  	_ =	strace $0x90000047  }
0x1e6: {  	s0 =	stileid.u32;
	[bflag:$0x2] =	sbarrier.arrive $0xFFFF  }
0x1e7: {  	p0 =	sne.s32 s0, $0x0;
	s0 =	rddreg [dreg:$0x1]  }
0x1e8: {  	s0 =	sadd.s32 @!p0 $0x100000, s0  }
0x1e9: {  	[sflag:s0] =	ssyncadd.tile.s32 @!p0 $0x1;
	_ =	shalt  }
.Lfunc_end2:
_tile_overlayer_lowered:
.L_overlay_start_2:
0x1ea: {  	(tag) =	ssettag $0x2  }
0x1eb: {  	s0 =	rddreg [dreg:$0x0];
	s2 =	stileid.u32  }
0x1ec: {  	s1 =	rddreg [dreg:$0x1];
	p0 =	sne.s32 s2, $0x0  }
0x1ed: {  	s3 =	rddreg [dreg:$0x2];
	[bflag:$0x3] =	sbarrier.arrive $0xFFFF;
	s2 =	simm.s32 @!p0 $0x1C05  }
0x1ee: {  	[timem:s3], [sflag:s2] =	dma.local @!p0 [hbm:s0], s1  }
0x1ef: {  	s0 =	simm.s32 @!p0 $0x5  }
0x1f0: {  	_ =	swait.ge @!p0 [sflag:s0], s1  }
0x1f1: {  	s1 =	ssub.s32 @!p0 $0x0, s1;
	[sflag:s0] =	ssyncset.done @!p0 $0x0  }
0x1f2: {  	[sflag:s0] =	ssyncadd.s32 @!p0 s1  }
0x1f3: {  	[bflag:$0x3] =	sbarrier.arrive $0xFFFF  }
0x1f4: {  	_ =	shalt  }

// kernel: sparse-core-data-format-call.1.cloned.1.call-start
scs
called_computation.1_lowered:
.L_overlay_start_0:
0x0: {  	s2 =	sld [smem:$0x3FD9]  }
0x1: {  	s3 =	sld [smem:$0x3FFE];
	_ =	sdelay $0x1  }
0x2: {  	s1 =	srdreg.scid  }
0x3: {  	s0 =	sand.u32 $0x1, s1  }
0x4: {  	s18 =	sshll.u32 s0, $0xA;
	s2 =	sadd.s32 s3, s2  }
0x5: {  	s2 =	sadd.s32 s2, s18  }
0x6: {  	[smem:$0x3FC3] =	sst s2  }
0x7: {  	_ = 	snop  }
0x8: {  	(tm) =	ssettm $0x1  }
0x9: {  	s19 =	sld [smem:$0x3FFB];
	_ =	sdelay $0x3  }
0xa: {  	_ =	strace s19  }
0xb: {  	s2 =	sld [smem:$0x3FFC];
	_ =	sdelay $0x3  }
0xc: {  	_ =	strace s2  }
0xd: {  	s2 =	sld [smem:$0x3FFD];
	_ =	sdelay $0x3  }
0xe: {  	_ =	strace s2  }
0xf: {  	_ =	strace $0x8FFFFFFF  }
0x10: {  	s20 =	sld [smem:$0x3FDB];
	_ =	sdelay $0x1  }
0x11: {  	s21 =	simm.s32 $_scs_section_size  }
0x12: {  	s4 =	simm.s32 $_size__tile_overlayer_lowered;
	s5 =	simm.s32 $_tile_overlayer_lowered  }
0x13: {  	s6 =	simm.s32 $0x1BFF;
	s22 =	sshll.u32 s5, $0x1;
	s3 =	sadd.s32 s21, s20  }
0x14: {  	s23 =	simm.s32 $0x0;
	s4 =	sshll.u32 s4, $0x1;
	s5 =	sadd.s32 s22, s3  }
0x15: {  	[timem:s23], [sflag:s6] =	dma.local [hbm:s5], s4  }
0x16: {  	_ =	swait.ge [sflag:s6], s4  }
0x17: {  	s4 =	ssub.s32 $0x0, s4;
	[sflag:s6] =	ssyncset.done $0x0  }
0x18: {  	[sflag:s6] =	ssyncadd.s32 s4;
	_ =	sdelay $0x1  }
0x19: {  	s24 =	simm.s32 $0x1B8B  }
0x1a: {  	_ =	swait.ge [sflag:s24], $0x1  }
0x1b: {  	[sflag:s24] =	ssyncset.done $0x0  }
0x1c: {  	[sflag:s24] =	ssyncadd.s32 $0xFFFFFFFF  }
0x1d: {  	s4 =	sld [smem:$0x0]  }
0x1e: {  	s5 =	sand.u32 $0xFFFFFFFE, s1  }
0x1f: {  	p0 =	sne.s32 s1, s5  }
0x20: {  	s5 =	sshll.u32 @p0 s5, $0xE  }
0x21: {  	s5 =	sadd.s32 @p0 $0x11B8D, s5;
	s6 =	sshll.u32 @p0 s4, $0x11  }
0x22: {  	s5 =	sor.u32 @p0 s6, s5  }
0x23: {  	[sflag:s5] =	ssyncadd.remote.s32 @p0 $0x1;
	_ =	sdelay $0x1  }
0x24: {  	s5 =	simm.s32 @p0 $0x1B8D  }
0x25: {  	_ =	swait.eq @p0 [sflag:s5], $0x1  }
0x26: {  	[sflag:s5] =	ssyncadd.s32 @p0 $0xFFFFFFFF  }
0x27: {  	s6 =	sshll.u32 @!p0 s1, $0xE  }
0x28: {  	s6 =	sor.u32 @!p0 $0x4000, s6;
	s5 =	simm.s32 @!p0 $0x1B8D  }
0x29: {  	s4 =	sshll.u32 @!p0 s4, $0x11;
	s6 =	sadd.s32 @!p0 $0x11B8D, s6;
	_ =	swait.eq @!p0 [sflag:s5], $0x1  }
0x2a: {  	s4 =	sor.u32 @!p0 s4, s6;
	[sflag:s5] =	ssyncadd.s32 @!p0 $0xFFFFFFFF  }
0x2b: {  	s26 =	simm.s32 $0x1B8E;
	s25 =	sld [smem:$0x3FFE];
	[sflag:s4] =	ssyncadd.remote.s32 @!p0 $0x1  }
0x2c: {  	s27 =	simm.s32 $execute0_lowered;
	[smem:$0x3FD2] =	sst s26  }
0x2d: {  	s5 =	sshll.u32 s27, $0x1;
	_ =	strace $0x8000004C;
	[dreg:$0x1] =	wrdreg $0xFFFFFFFF  }
0x2e: {  	s28 =	simm.s32 $_size_execute0_lowered;
	s3 =	sadd.s32 s3, s5;
	[dreg:$0x0] =	wrdreg $0x0  }
0x2f: {  	s5 =	sshll.u32 s28, $0x1;
	[dreg:$0x2] =	wrdreg s3  }
0x30: {  	[dreg:$0x3] =	wrdreg s5  }
0x31: {  	[dreg:$0x4] =	wrdreg $0xC0  }
0x32: {  	_ =	task [dreg:s23], $0x5FFFF  }
0x33: {  	[dreg:$0x1] =	wrdreg $0xFFFFFFFF  }
0x34: {  	[dreg:$0x0] =	wrdreg $0x60  }
0x35: {  	[dreg:$0x2] =	wrdreg s25  }
0x36: {  	[dreg:$0x3] =	wrdreg $0x9  }
0x37: {  	_ =	task.clear_ibuf [dreg:s23], $0x4FFFF;
	_ =	strace $0x9000004C  }
0x38: {  	s29 =	simm.s32 $0x9;
	_ =	strace $0x8000004E  }
0x39: {  	_ =	swait.ge [sflag:s29], $0x1  }
0x3a: {  	[sflag:s29] =	ssyncadd.s32 $0xFFFFFFFF  }
0x3b: {  	_ =	strace $0x9000004E  }
0x3c: {  	_ =	sfence  }
0x3d: {  	s30 =	sld [smem:$0x0];
	_ =	sdelay $0x2  }
0x3e: {  	s31 =	sshll.u32 s1, $0xD;
	s1 =	sshrl.u32 s1, $0x2  }
0x3f: {  	s4 =	sand.u32 $0x4000, s31;
	s1 =	sadd.s32 s1, s30  }
0x40: {  	s0 =	sor.u32 s4, s0;
	s1 =	sshll.u32 s1, $0x11  }
0x41: {  	s0 =	sor.u32 s1, s0  }
0x42: {  	s0 =	sadd.s32 $0x8F2B, s0  }
0x43: {  	[sflag:s0] =	ssyncadd.remote.s32 $0x1  }
0x44: {  	_ =	sfence.sel $0xFFFF  }
0x45: {  	[dreg:$0x0] =	wrdreg $0xFFFFFFFF;
	(pc) =	sbr.abs _section_cstart, $3  }
0x46: {  	[dreg:$0x1] =	wrdreg $0xFFFFFFFF  }
0x47: {  	_ =	task.clear_ibuf [dreg:s23], $0x2FFFF;
	_ =	strace $0x9FFFFFFF  }
0x48: {  	(tm) =	ssettm $0x7FFFFFFF  }
0x49: {  	_ =	shalt  }
tec
execute0_lowered:
.L_overlay_start_1:
0x0: {  	(tag) =	ssettag $0x1  }
0x1: {  	s0 =	srdreg.scid  }
0x2: {  	s1 =	sshll.u32 s0, $0x4  }
0x3: {  	s0 =	stileid.u32;
	s1 =	sand.u32 $0x10, s1  }
0x4: {  	s1 =	sor.u32 s0, s1  }
0x5: {  	s6 =	rddreg [dreg:$0x0];
	s7 =	simm.s32 $0x2;
	s2 =	sshll.u32 s1, $0x7  }
0x6: {  	s12 =	simm.s32 $0x0;
	s8 =	simm.s32 $0x20000;
	s1 =	ssub.s32 $0x4000, s2  }
0x7: {  	s13 =	simm.s32 $0x0;
	s9 =	simm.s32 $0x0;
	s3 =	sand.u32 $0xF80, s1  }
0x8: {  	s11 =	simm.s32 $0x0;
	p0 =	sne.s32 s3, $0x0;
	s3 =	simm.s32 $0x1  }
.Ltmp0:
0x9: {  	s4 =	sshrl.u32 s1, $0xC;
	s3 =	simm.s32 @!p0 $0x0;
	(pc) =	sbr.rel .LBB1_1-.Ltmp0, $4  }
0xa: {  	s5 =	sadd.s32 $0x1CE400, s6;
	s1 =	rddreg [dreg:$0x1];
	s4 =	sadd.s32 s3, s4  }
0xb: {  	_ =	strace $0x8000004D;
	s3 =	simm.s32 $0x1;
	s4 =	smul.u32 $0xD, s4  }
0xc: {  	s6 =	sadd.s32 $0x27C00, s6;
	s10 =	smov.u32 s2;
	[sflag:s3] =	ssyncpa.u1 $0x0  }
0xd: {  	p0 =	por $0x0, $0x0;
	[sflag:s7] =	ssyncpa.u1 $0x0;
	s7 =	sadd.s32 $0x1, s4  }
.LBB1_4:
0xe: {  	s16 =	sshll.u32 s13, $0x3;
	s17 =	sand.u32 $0x78, s13  }
0xf: {  	s30 =	sand.u32 $0x1F800, s13;
	s12 =	sshll.u32 s12, $0x11;
	s16 =	sand.u32 $0x3C00, s16  }
0x10: {  	[tilespmem:s15+$0x810 ss:$0x81] =	vst.msk $0xffff, v2;
	s31 =	sand.u32 $0x7, s13;
	s16 =	sor.u32 s17, s16;
	s17 =	sadd.s32 s6, s30  }
0x11: {  	[tilespmem:s15+$0x1020 ss:$0x81] =	vst.msk $0xffff, v0;
	s13 =	sshll.u32 s31, $0x12;
	s12 =	sadd.s32 s12, s17;
	s16 =	sshrl.u32 s16, $0x3  }
0x12: {  	[tilespmem:s15+$0x0 ss:$0x81] =	vst.msk $0xffff, v1;
	s13 =	sor.u32 $0x400, s13;
	s12 =	sadd.s32 s16, s12  }
0x13: {  	[hbm4b:s12+s13] =	stream.strided.scatter [tilespmem:s14], [sflag:$0x2], $0x2000, s8, s13, $0x20;
	[tilespmem:$0x8080] =	vst v63  }
.LBB1_5:
0x14: {  	s14 =	sadd.s32 $0x1, s9  }
0x15: {  	s12 =	sadd.s32 $0x1000, s10;
	s16 =	smov.u32 s10;
	p2 =	sgt.s32 s14, $0xC  }
0x16: {  	s16 =	smov.u32 @p2 s12  }
0x17: {  	s14 =	simm.s32 @p2 $0x0;
	p2 =	sgt.s32 s16, $0x3FFF  }
0x18: {  	s16 =	smov.u32 @p2 s2;
	p2 =	sne.s32 s11, s7  }
.Ltmp1:
0x19: {  	p1 =	slt.u32 s11, $0x2;
	(pc) =	sbr.rel @!p2 .LBB1_6-.Ltmp1, $4  }
0x1a: {  	s15 =	simm.s32 @!p1 $0x2  }
0x1b: {  	s13 =	smov.u32 s10;
	p0 =	por !p0, !p0;
	_ =	swait.ge @!p1 [sflag:s15], $0x2000  }
0x1c: {  	s12 =	smov.u32 s9;
	[sflag:s15] =	ssyncset.done @!p1 $0x0;
	s9 =	smov.u32 s14  }
0x1d: {  	s11 =	sadd.s32 $0x1, s11;
	[sflag:s15] =	ssyncadd.s32 @!p1 $0xFFFFE000;
	s10 =	smov.u32 s16  }
.LBB1_1:
0x1e: {  	p1 =	sge.u32 s11, s4  }
0x1f: {  	s31 =	sadd.s32 $0xFFFFFFFF, s11;
	s14 =	sxor.u32 @!p1 $0xFFFFFFFF, s11  }
0x20: {  	s15 =	sshll.u32 @!p1 s10, $0x8;
	s16 =	sshll.u32 @!p1 s9, $0x4;
	s17 =	simm.s32 @!p1 $0x800  }
0x21: {  	s14 =	sshll.u32 @!p1 s14, $0xD;
	s16 =	sand.u32 @!p1 $0xF0, s16;
	s15 =	sadd.s32 @!p1 s5, s15  }
0x22: {  	s14 =	sand.u32 @!p1 $0x2000, s14;
	s15 =	sadd.s32 @!p1 s16, s15;
	s16 =	simm.s32 @!p1 $0x40  }
0x23: {  	[tilespmem:s14], [sflag:$0x1] =	stream.strided.gather @!p1 [hbm4b:s15+s16], $0x2000, s17, s16, $0x38;
	[tilespmem:$0x8080] =	vst v63  }
0x24: {  	p1 =	sge.u32 s31, s4  }
.Ltmp2:
0x25: {  	_ = 	snop;
	(pc) =	sbr.rel @p1 .LBB1_5-.Ltmp2, $1  }
0x26: {  	_ =	sdelay $0x3  }
0x27: {  	s14 =	simm.s32 $0x1  }
0x28: {  	_ =	swait.ge [sflag:s3], $0x2000;
	s14 =	simm.s32 @!p0 $0x0  }
0x29: {  	[sflag:s3] =	ssyncset.done $0x0;
	s15 =	sshll.u32 s14, $0xD  }
0x2a: {  	[sflag:s3] =	ssyncadd.s32 $0xFFFFE000;
	s18 =	sor.u32 $0x20, s15  }
0x2b: {  	s14 =	smul.u32 $0x8100, s14;
	v3 =	vld [tilespmem:s18+$0x10]  }
0x2c: {  	s30 =	sand.u32 $0x1, s11;
	v2 =	vld [tilespmem:s18+$0xFFFFFFF0]  }
0x2d: {  	s15 =	smul.u32 $0x8100, s30;
	s14 =	sshrl.u32 s14, $0x2;
	v0 =	vld [tilespmem:s18+$0x0]  }
0x2e: {  	v1 =	vld [tilespmem:s18+$0xFFFFFFE0];
	s16 =	sor.u32 $0x4000, s14  }
0x2f: {  	s31 =	sshrl.u32 s15, $0x2;
	s15 =	sadd.s32 $0x0, s16  }
0x30: {  	s17 =	simm.s32 $0x4;
	s18 =	sadd.s32 $0x40, s18;
	s14 =	sor.u32 $0x4000, s31;
	[tilespmem:s15+$0x1830 ss:$0x81] =	vst.msk $0xffff, v3  }
.LBB1_3:
0x31: {  	v3 =	vld [tilespmem:s18+$0x10];
	p1 =	sne.s32 s17, $0x1FC;
	[tilespmem:s15+$0x810 ss:$0x81] =	vst.msk $0xffff, v2;
	s19 =	smov.u32 s17;
	s17 =	sadd.s32 $0x4, s17  }
.Ltmp3:
0x32: {  	v2 =	vld [tilespmem:s18+$0xFFFFFFF0];
	[tilespmem:s15+$0x1020 ss:$0x81] =	vst.msk $0xffff, v0;
	(pc) =	sbr.rel @p1 .LBB1_3-.Ltmp3, $4  }
0x33: {  	v0 =	vld [tilespmem:s18+$0x0];
	[tilespmem:s15+$0x0 ss:$0x81] =	vst.msk $0xffff, v1  }
0x34: {  	s15 =	sshra.s32 s19, $0x2;
	v1 =	vld [tilespmem:s18+$0xFFFFFFE0]  }
0x35: {  	s15 =	sadd.s32 s15, s16  }
0x36: {  	s18 =	sadd.s32 $0x40, s18;
	[tilespmem:s15+$0x1830 ss:$0x81] =	vst.msk $0xffff, v3  }
.Ltmp4:
0x37: {  	_ = 	snop;
	(pc) =	sbr.rel .LBB1_4-.Ltmp4, $1  }
0x38: {  	_ =	sdelay $0x3  }
.LBB1_6:
0x39: {  	_ =	sfence.sel $0x180000  }
0x3a: {  	s2 =	simm.s32 $0x1;
	[bflag:$0x0] =	sbarrier.arrive $0xFFFF  }
0x3b: {  	s31 =	simm.s32 $0x2;
	[sflag:s2] =	ssyncpa.u1 $0x1  }
0x3c: {  	[sflag:s31] =	ssyncpa.u1 $0x1  }
0x3d: {  	p0 =	sne.s32 s0, $0x0;
	_ =	strace $0x9000004D  }
0x3e: {  	s0 =	sadd.s32 @!p0 $0x100000, s1;
	[bflag:$0x2] =	sbarrier.arrive $0xFFFF  }
0x3f: {  	[sflag:s0] =	ssyncadd.tile.s32 @!p0 $0x1;
	_ =	shalt  }
.Lfunc_end1:
_tile_overlayer_lowered:
.L_overlay_start_2:
0x40: {  	(tag) =	ssettag $0x2  }
0x41: {  	s0 =	rddreg [dreg:$0x0];
	s2 =	stileid.u32  }
0x42: {  	s1 =	rddreg [dreg:$0x1];
	p0 =	sne.s32 s2, $0x0  }
0x43: {  	s3 =	rddreg [dreg:$0x2];
	[bflag:$0x3] =	sbarrier.arrive $0xFFFF;
	s2 =	simm.s32 @!p0 $0x1C01  }
0x44: {  	[timem:s3], [sflag:s2] =	dma.local @!p0 [hbm:s0], s1  }
0x45: {  	s0 =	simm.s32 @!p0 $0x1  }
0x46: {  	_ =	swait.ge @!p0 [sflag:s0], s1  }
0x47: {  	s1 =	ssub.s32 @!p0 $0x0, s1;
	[sflag:s0] =	ssyncset.done @!p0 $0x0  }
0x48: {  	[sflag:s0] =	ssyncadd.s32 @!p0 s1  }
0x49: {  	[bflag:$0x3] =	sbarrier.arrive $0xFFFF  }
0x4a: {  	_ =	shalt  }

// kernel: sparse-core-data-format-call.cloned.1.call-start
scs
called_computation_lowered:
.L_overlay_start_0:
0x0: {  	s2 =	sld [smem:$0x3FD9]  }
0x1: {  	s3 =	sld [smem:$0x3FFE];
	_ =	sdelay $0x1  }
0x2: {  	s1 =	srdreg.scid  }
0x3: {  	s0 =	sand.u32 $0x1, s1  }
0x4: {  	s18 =	sshll.u32 s0, $0xA;
	s2 =	sadd.s32 s3, s2  }
0x5: {  	s2 =	sadd.s32 s2, s18  }
0x6: {  	[smem:$0x3FC3] =	sst s2  }
0x7: {  	_ = 	snop  }
0x8: {  	(tm) =	ssettm $0x1  }
0x9: {  	s19 =	sld [smem:$0x3FFB];
	_ =	sdelay $0x3  }
0xa: {  	_ =	strace s19  }
0xb: {  	s2 =	sld [smem:$0x3FFC];
	_ =	sdelay $0x3  }
0xc: {  	_ =	strace s2  }
0xd: {  	s2 =	sld [smem:$0x3FFD];
	_ =	sdelay $0x3  }
0xe: {  	_ =	strace s2  }
0xf: {  	_ =	strace $0x8FFFFFFF  }
0x10: {  	s20 =	sld [smem:$0x3FDB];
	_ =	sdelay $0x1  }
0x11: {  	s21 =	simm.s32 $_scs_section_size  }
0x12: {  	s4 =	simm.s32 $_size__tile_overlayer_lowered;
	s5 =	simm.s32 $_tile_overlayer_lowered  }
0x13: {  	s6 =	simm.s32 $0x1BFF;
	s22 =	sshll.u32 s5, $0x1;
	s3 =	sadd.s32 s21, s20  }
0x14: {  	s23 =	simm.s32 $0x0;
	s4 =	sshll.u32 s4, $0x1;
	s5 =	sadd.s32 s22, s3  }
0x15: {  	[timem:s23], [sflag:s6] =	dma.local [hbm:s5], s4  }
0x16: {  	_ =	swait.ge [sflag:s6], s4  }
0x17: {  	s4 =	ssub.s32 $0x0, s4;
	[sflag:s6] =	ssyncset.done $0x0  }
0x18: {  	[sflag:s6] =	ssyncadd.s32 s4;
	_ =	sdelay $0x1  }
0x19: {  	s24 =	simm.s32 $0x1B8B  }
0x1a: {  	_ =	swait.ge [sflag:s24], $0x1  }
0x1b: {  	[sflag:s24] =	ssyncset.done $0x0  }
0x1c: {  	[sflag:s24] =	ssyncadd.s32 $0xFFFFFFFF  }
0x1d: {  	s4 =	sld [smem:$0x0]  }
0x1e: {  	s5 =	sand.u32 $0xFFFFFFFE, s1  }
0x1f: {  	p0 =	sne.s32 s1, s5  }
0x20: {  	s5 =	sshll.u32 @p0 s5, $0xE  }
0x21: {  	s5 =	sadd.s32 @p0 $0x11B8D, s5;
	s6 =	sshll.u32 @p0 s4, $0x11  }
0x22: {  	s5 =	sor.u32 @p0 s6, s5  }
0x23: {  	[sflag:s5] =	ssyncadd.remote.s32 @p0 $0x1;
	_ =	sdelay $0x1  }
0x24: {  	s5 =	simm.s32 @p0 $0x1B8D  }
0x25: {  	_ =	swait.eq @p0 [sflag:s5], $0x1  }
0x26: {  	[sflag:s5] =	ssyncadd.s32 @p0 $0xFFFFFFFF  }
0x27: {  	s6 =	sshll.u32 @!p0 s1, $0xE  }
0x28: {  	s6 =	sor.u32 @!p0 $0x4000, s6;
	s5 =	simm.s32 @!p0 $0x1B8D  }
0x29: {  	s4 =	sshll.u32 @!p0 s4, $0x11;
	s6 =	sadd.s32 @!p0 $0x11B8D, s6;
	_ =	swait.eq @!p0 [sflag:s5], $0x1  }
0x2a: {  	s4 =	sor.u32 @!p0 s4, s6;
	[sflag:s5] =	ssyncadd.s32 @!p0 $0xFFFFFFFF  }
0x2b: {  	s26 =	simm.s32 $0x1B8E;
	s25 =	sld [smem:$0x3FFE];
	[sflag:s4] =	ssyncadd.remote.s32 @!p0 $0x1  }
0x2c: {  	s27 =	simm.s32 $execute0_lowered;
	[smem:$0x3FD2] =	sst s26  }
0x2d: {  	s5 =	sshll.u32 s27, $0x1;
	_ =	strace $0x8000004F;
	[dreg:$0x1] =	wrdreg $0xFFFFFFFF  }
0x2e: {  	s28 =	simm.s32 $_size_execute0_lowered;
	s3 =	sadd.s32 s3, s5;
	[dreg:$0x0] =	wrdreg $0x0  }
0x2f: {  	s5 =	sshll.u32 s28, $0x1;
	[dreg:$0x2] =	wrdreg s3  }
0x30: {  	[dreg:$0x3] =	wrdreg s5  }
0x31: {  	[dreg:$0x4] =	wrdreg $0xC0  }
0x32: {  	_ =	task [dreg:s23], $0x5FFFF  }
0x33: {  	[dreg:$0x1] =	wrdreg $0xFFFFFFFF  }
0x34: {  	[dreg:$0x0] =	wrdreg $0x60  }
0x35: {  	[dreg:$0x2] =	wrdreg s25  }
0x36: {  	[dreg:$0x3] =	wrdreg $0xA  }
0x37: {  	_ =	task.clear_ibuf [dreg:s23], $0x4FFFF;
	_ =	strace $0x9000004F  }
0x38: {  	s29 =	simm.s32 $0xA;
	_ =	strace $0x80000051  }
0x39: {  	_ =	swait.ge [sflag:s29], $0x1  }
0x3a: {  	[sflag:s29] =	ssyncadd.s32 $0xFFFFFFFF  }
0x3b: {  	_ =	strace $0x90000051  }
0x3c: {  	_ =	sfence  }
0x3d: {  	s30 =	sld [smem:$0x0];
	_ =	sdelay $0x2  }
0x3e: {  	s31 =	sshll.u32 s1, $0xD;
	s1 =	sshrl.u32 s1, $0x2  }
0x3f: {  	s4 =	sand.u32 $0x4000, s31;
	s1 =	sadd.s32 s1, s30  }
0x40: {  	s0 =	sor.u32 s4, s0;
	s1 =	sshll.u32 s1, $0x11  }
0x41: {  	s0 =	sor.u32 s1, s0  }
0x42: {  	s0 =	sadd.s32 $0x8F2B, s0  }
0x43: {  	[sflag:s0] =	ssyncadd.remote.s32 $0x1  }
0x44: {  	_ =	sfence.sel $0xFFFF  }
0x45: {  	[dreg:$0x0] =	wrdreg $0xFFFFFFFF;
	(pc) =	sbr.abs _section_cstart, $3  }
0x46: {  	[dreg:$0x1] =	wrdreg $0xFFFFFFFF  }
0x47: {  	_ =	task.clear_ibuf [dreg:s23], $0x2FFFF;
	_ =	strace $0x9FFFFFFF  }
0x48: {  	(tm) =	ssettm $0x7FFFFFFF  }
0x49: {  	_ =	shalt  }
tec
execute0_lowered:
.L_overlay_start_1:
0x0: {  	(tag) =	ssettag $0x1  }
0x1: {  	s0 =	srdreg.scid  }
0x2: {  	s1 =	sshll.u32 s0, $0x4  }
0x3: {  	s0 =	stileid.u32;
	s1 =	sand.u32 $0x10, s1  }
0x4: {  	s1 =	sor.u32 s0, s1  }
0x5: {  	s6 =	rddreg [dreg:$0x0];
	s7 =	simm.s32 $0x2;
	s2 =	sshll.u32 s1, $0x7  }
0x6: {  	s12 =	simm.s32 $0x0;
	s8 =	simm.s32 $0x20000;
	s1 =	ssub.s32 $0x4000, s2  }
0x7: {  	s13 =	simm.s32 $0x0;
	s9 =	simm.s32 $0x0;
	s3 =	sand.u32 $0xF80, s1  }
0x8: {  	s11 =	simm.s32 $0x0;
	p0 =	sne.s32 s3, $0x0;
	s3 =	simm.s32 $0x1  }
.Ltmp0:
0x9: {  	s4 =	sshrl.u32 s1, $0xC;
	s3 =	simm.s32 @!p0 $0x0;
	(pc) =	sbr.rel .LBB1_1-.Ltmp0, $4  }
0xa: {  	s5 =	sadd.s32 $0x5CE400, s6;
	s1 =	rddreg [dreg:$0x1];
	s4 =	sadd.s32 s3, s4  }
0xb: {  	_ =	strace $0x80000050;
	s3 =	simm.s32 $0x1;
	s4 =	smul.u32 $0xD, s4  }
0xc: {  	s6 =	sadd.s32 $0x9CE400, s6;
	s10 =	smov.u32 s2;
	[sflag:s3] =	ssyncpa.u1 $0x0  }
0xd: {  	p0 =	por $0x0, $0x0;
	[sflag:s7] =	ssyncpa.u1 $0x0;
	s7 =	sadd.s32 $0x1, s4  }
.LBB1_4:
0xe: {  	s16 =	sshll.u32 s13, $0x3;
	s17 =	sand.u32 $0x78, s13  }
0xf: {  	s30 =	sand.u32 $0x1F800, s13;
	s12 =	sshll.u32 s12, $0x11;
	s16 =	sand.u32 $0x3C00, s16  }
0x10: {  	[tilespmem:s15+$0x810 ss:$0x81] =	vst.msk $0xffff, v2;
	s31 =	sand.u32 $0x7, s13;
	s16 =	sor.u32 s17, s16;
	s17 =	sadd.s32 s6, s30  }
0x11: {  	[tilespmem:s15+$0x1020 ss:$0x81] =	vst.msk $0xffff, v0;
	s13 =	sshll.u32 s31, $0x12;
	s12 =	sadd.s32 s12, s17;
	s16 =	sshrl.u32 s16, $0x3  }
0x12: {  	[tilespmem:s15+$0x0 ss:$0x81] =	vst.msk $0xffff, v1;
	s13 =	sor.u32 $0x400, s13;
	s12 =	sadd.s32 s16, s12  }
0x13: {  	[hbm4b:s12+s13] =	stream.strided.scatter [tilespmem:s14], [sflag:$0x2], $0x2000, s8, s13, $0x20;
	[tilespmem:$0x8080] =	vst v63  }
.LBB1_5:
0x14: {  	s14 =	sadd.s32 $0x1, s9  }
0x15: {  	s12 =	sadd.s32 $0x1000, s10;
	s16 =	smov.u32 s10;
	p2 =	sgt.s32 s14, $0xC  }
0x16: {  	s16 =	smov.u32 @p2 s12  }
0x17: {  	s14 =	simm.s32 @p2 $0x0;
	p2 =	sgt.s32 s16, $0x3FFF  }
0x18: {  	s16 =	smov.u32 @p2 s2;
	p2 =	sne.s32 s11, s7  }
.Ltmp1:
0x19: {  	p1 =	slt.u32 s11, $0x2;
	(pc) =	sbr.rel @!p2 .LBB1_6-.Ltmp1, $4  }
0x1a: {  	s15 =	simm.s32 @!p1 $0x2  }
0x1b: {  	s13 =	smov.u32 s10;
	p0 =	por !p0, !p0;
	_ =	swait.ge @!p1 [sflag:s15], $0x2000  }
0x1c: {  	s12 =	smov.u32 s9;
	[sflag:s15] =	ssyncset.done @!p1 $0x0;
	s9 =	smov.u32 s14  }
0x1d: {  	s11 =	sadd.s32 $0x1, s11;
	[sflag:s15] =	ssyncadd.s32 @!p1 $0xFFFFE000;
	s10 =	smov.u32 s16  }
.LBB1_1:
0x1e: {  	p1 =	sge.u32 s11, s4  }
0x1f: {  	s31 =	sadd.s32 $0xFFFFFFFF, s11;
	s14 =	sxor.u32 @!p1 $0xFFFFFFFF, s11  }
0x20: {  	s15 =	sshll.u32 @!p1 s10, $0x8;
	s16 =	sshll.u32 @!p1 s9, $0x4;
	s17 =	simm.s32 @!p1 $0x800  }
0x21: {  	s14 =	sshll.u32 @!p1 s14, $0xD;
	s16 =	sand.u32 @!p1 $0xF0, s16;
	s15 =	sadd.s32 @!p1 s5, s15  }
0x22: {  	s14 =	sand.u32 @!p1 $0x2000, s14;
	s15 =	sadd.s32 @!p1 s16, s15;
	s16 =	simm.s32 @!p1 $0x40  }
0x23: {  	[tilespmem:s14], [sflag:$0x1] =	stream.strided.gather @!p1 [hbm4b:s15+s16], $0x2000, s17, s16, $0x38;
	[tilespmem:$0x8080] =	vst v63  }
0x24: {  	p1 =	sge.u32 s31, s4  }
.Ltmp2:
0x25: {  	_ = 	snop;
	(pc) =	sbr.rel @p1 .LBB1_5-.Ltmp2, $1  }
0x26: {  	_ =	sdelay $0x3  }
0x27: {  	s14 =	simm.s32 $0x1  }
0x28: {  	_ =	swait.ge [sflag:s3], $0x2000;
	s14 =	simm.s32 @!p0 $0x0  }
0x29: {  	[sflag:s3] =	ssyncset.done $0x0;
	s15 =	sshll.u32 s14, $0xD  }
0x2a: {  	[sflag:s3] =	ssyncadd.s32 $0xFFFFE000;
	s18 =	sor.u32 $0x20, s15  }
0x2b: {  	s14 =	smul.u32 $0x8100, s14;
	v3 =	vld [tilespmem:s18+$0x10]  }
0x2c: {  	s30 =	sand.u32 $0x1, s11;
	v2 =	vld [tilespmem:s18+$0xFFFFFFF0]  }
0x2d: {  	s15 =	smul.u32 $0x8100, s30;
	s14 =	sshrl.u32 s14, $0x2;
	v0 =	vld [tilespmem:s18+$0x0]  }
0x2e: {  	v1 =	vld [tilespmem:s18+$0xFFFFFFE0];
	s16 =	sor.u32 $0x4000, s14  }
0x2f: {  	s31 =	sshrl.u32 s15, $0x2;
	s15 =	sadd.s32 $0x0, s16  }
0x30: {  	s17 =	simm.s32 $0x4;
	s18 =	sadd.s32 $0x40, s18;
	s14 =	sor.u32 $0x4000, s31;
	[tilespmem:s15+$0x1830 ss:$0x81] =	vst.msk $0xffff, v3  }
.LBB1_3:
0x31: {  	v3 =	vld [tilespmem:s18+$0x10];
	p1 =	sne.s32 s17, $0x1FC;
	[tilespmem:s15+$0x810 ss:$0x81] =	vst.msk $0xffff, v2;
	s19 =	smov.u32 s17;
	s17 =	sadd.s32 $0x4, s17  }
.Ltmp3:
0x32: {  	v2 =	vld [tilespmem:s18+$0xFFFFFFF0];
	[tilespmem:s15+$0x1020 ss:$0x81] =	vst.msk $0xffff, v0;
	(pc) =	sbr.rel @p1 .LBB1_3-.Ltmp3, $4  }
0x33: {  	v0 =	vld [tilespmem:s18+$0x0];
	[tilespmem:s15+$0x0 ss:$0x81] =	vst.msk $0xffff, v1  }
0x34: {  	s15 =	sshra.s32 s19, $0x2;
	v1 =	vld [tilespmem:s18+$0xFFFFFFE0]  }
0x35: {  	s15 =	sadd.s32 s15, s16  }
0x36: {  	s18 =	sadd.s32 $0x40, s18;
	[tilespmem:s15+$0x1830 ss:$0x81] =	vst.msk $0xffff, v3  }
.Ltmp4:
0x37: {  	_ = 	snop;
	(pc) =	sbr.rel .LBB1_4-.Ltmp4, $1  }
0x38: {  	_ =	sdelay $0x3  }
.LBB1_6:
0x39: {  	_ =	sfence.sel $0x180000  }
0x3a: {  	s2 =	simm.s32 $0x1;
	[bflag:$0x0] =	sbarrier.arrive $0xFFFF  }
0x3b: {  	s31 =	simm.s32 $0x2;
	[sflag:s2] =	ssyncpa.u1 $0x1  }
0x3c: {  	[sflag:s31] =	ssyncpa.u1 $0x1  }
0x3d: {  	p0 =	sne.s32 s0, $0x0;
	_ =	strace $0x90000050  }
0x3e: {  	s0 =	sadd.s32 @!p0 $0x100000, s1;
	[bflag:$0x2] =	sbarrier.arrive $0xFFFF  }
0x3f: {  	[sflag:s0] =	ssyncadd.tile.s32 @!p0 $0x1;
	_ =	shalt  }
.Lfunc_end1:
_tile_overlayer_lowered:
.L_overlay_start_2:
0x40: {  	(tag) =	ssettag $0x2  }
0x41: {  	s0 =	rddreg [dreg:$0x0];
	s2 =	stileid.u32  }
0x42: {  	s1 =	rddreg [dreg:$0x1];
	p0 =	sne.s32 s2, $0x0  }
0x43: {  	s3 =	rddreg [dreg:$0x2];
	[bflag:$0x3] =	sbarrier.arrive $0xFFFF;
	s2 =	simm.s32 @!p0 $0x1C01  }
0x44: {  	[timem:s3], [sflag:s2] =	dma.local @!p0 [hbm:s0], s1  }
0x45: {  	s0 =	simm.s32 @!p0 $0x1  }
0x46: {  	_ =	swait.ge @!p0 [sflag:s0], s1  }
0x47: {  	s1 =	ssub.s32 @!p0 $0x0, s1;
	[sflag:s0] =	ssyncset.done @!p0 $0x0  }
0x48: {  	[sflag:s0] =	ssyncadd.s32 @!p0 s1  }
0x49: {  	[bflag:$0x3] =	sbarrier.arrive $0xFFFF  }
0x4a: {  	_ =	shalt  }

</sc_bundles>
